<compile_context>
chip_gen: v7x
topology: tpu7x:2x2x1
jax: 0.10.2.dev20260603
libtpu: 0.0.44.dev20260713+nightly
codegen_flags: <defaults>
</compile_context>

<pallas_src>
import functools

import jax
import jax.numpy as jnp
from jax import lax
from jax.experimental import pallas as pl
from jax.experimental.pallas import tpu as pltpu
from jax.experimental.pallas import tpu_sc as plsc

_NUM_ROWS = 16384 * 50
_DIM = 32
_NW = 32
_PER_W = _NUM_ROWS // _NW
_L = 128
_C = 512
_G = _C // _L
_NCHUNK = _PER_W // _C
_GROWS = _PER_W // _L
_NBR = _DIM // 8

_mesh = plsc.VectorSubcoreMesh(core_axis_name="c", subcore_axis_name="s")


@functools.partial(
    pl.kernel,
    mesh=_mesh,
    out_type=jax.ShapeDtypeStruct((_NUM_ROWS * _DIM,), jnp.float32),
    scratch_types=[
        pltpu.VMEM((_GROWS, _L), jnp.int32),
        pltpu.VMEM((2, _C, _DIM), jnp.float32),
        pltpu.VMEM((2, _G * _DIM * _L), jnp.float32),
        pltpu.SemaphoreType.DMA,
        pltpu.SemaphoreType.DMA,
        pltpu.SemaphoreType.DMA,
        pltpu.SemaphoreType.DMA,
    ],
    compiler_params=pltpu.CompilerParams(
        use_tc_tiling_on_sc=False, needs_layout_passes=False),
)
def _emb_gather(w_hbm, idx_hbm, out_hbm, idx_v, rows_v, tiles_v,
                gsem0, gsem1, ssem0, ssem1):
    gsems = (gsem0, gsem1)
    ssems = (ssem0, ssem1)
    wid = lax.axis_index("s") * 2 + lax.axis_index("c")
    gbase = pl.multiple_of(wid * _GROWS, 8)
    pltpu.sync_copy(idx_hbm.at[pl.ds(gbase, _GROWS)], idx_v)
    lanes = lax.iota(jnp.int32, 16)

    def fire_gathers(k, s):
        for j in range(_G):
            pltpu.async_copy(
                w_hbm.at[idx_v.at[k * _G + j]],
                rows_v.at[s].at[pl.ds(j * _L, _L)],
                gsems[s])

    def drain_rows(s):
        pltpu.make_async_copy(
            w_hbm.at[pl.ds(0, _C)], rows_v.at[s], gsems[s]).wait()

    def drain_tiles(s):
        pltpu.make_async_copy(
            out_hbm.at[pl.ds(0, _G * _DIM * _L)], tiles_v.at[s],
            ssems[s]).wait()

    def transpose_store(k, q, drain_stores):
        drain_rows(q)
        if drain_stores:
            drain_tiles(q)
        tiles = tiles_v.at[q]
        d128 = lanes * _L

        @plsc.parallel_loop(0, _C, 1, unroll=16)
        def tok_body(t):
            g = t // _L
            va = rows_v[q, t, pl.ds(0, 16)]
            vb = rows_v[q, t, pl.ds(16, 16)]
            base = d128 + (t + g * (_DIM * _L - _L))
            plsc.store_scatter(tiles, [base], va)
            plsc.store_scatter(tiles, [base + 16 * _L], vb)

        for g in range(_G):
            gg = wid * (_NCHUNK * _G) + k * _G + g
            p = gg // (16384 // _L)
            tc = lax.rem(gg, 16384 // _L)
            for br in range(_NBR):
                off = pl.multiple_of(
                    (p * _NBR * (16384 // _L) + br * (16384 // _L) + tc)
                    * (8 * _L), 8)
                pltpu.async_copy(
                    tiles.at[pl.ds(g * (_DIM * _L) + br * (8 * _L), 8 * _L)],
                    out_hbm.at[pl.ds(off, 8 * _L)],
                    ssems[q])

    fire_gathers(0, 0)
    fire_gathers(1, 1)
    transpose_store(0, 0, False)
    fire_gathers(2, 0)
    transpose_store(1, 1, False)

    def body(m, carry):
        k = 2 * m
        fire_gathers(k + 1, 1)
        transpose_store(k, 0, True)
        fire_gathers(k + 2, 0)
        transpose_store(k + 1, 1, True)
        return carry

    lax.fori_loop(1, _NCHUNK // 2 - 1, body, 0)
    fire_gathers(_NCHUNK - 1, 1)
    transpose_store(_NCHUNK - 2, 0, True)
    transpose_store(_NCHUNK - 1, 1, True)
    drain_tiles(0)
    drain_tiles(1)


def kernel(token_ids, weight):
    b, p = token_ids.shape
    idx = token_ids.astype(jnp.int32).T.reshape(_NUM_ROWS // _L, _L)
    out = _emb_gather(weight, idx)
    out = out.reshape(p, _NBR, b // _L, 8, _L)
    out = out.transpose(0, 1, 3, 2, 4).reshape(p, _DIM, b).transpose(2, 0, 1)
    return out

# --- scband reference (transcript-rebuilt; emitter-appended) ---
"""Pipeline reference for scband-embedding-41317585388100 (READ-ONLY COPY).

The authoritative reference and input builder live on the scoring server;
editing this copy changes nothing except your own understanding.
"""

import jax, jax.numpy as jnp
import numpy as np

NUM_EMBEDDINGS = 1000000
EMBEDDING_DIM = 32

def setup_inputs(seed: int = 0) -> dict:
    key = jax.random.key(seed)
    k_idx, k_w = jax.random.split(key)
    token_ids = jax.random.randint(k_idx, (16384, 50), 0, NUM_EMBEDDINGS, dtype=jnp.int64 if jax.config.jax_enable_x64 else jnp.int32)
    # trunc_normal_(mean=0, std=1, a=-3, b=3)
    weight = jax.random.truncated_normal(k_w, -3.0, 3.0, (NUM_EMBEDDINGS, EMBEDDING_DIM), dtype=jnp.float32)
    return {"token_ids": token_ids, "weight": weight}

def reference(token_ids, weight):
    # Faithful translation of: return self.weight[token_ids]
    return jnp.take(weight, token_ids, axis=0)

if __name__ == "__main__":
    import jax
    _d = setup_inputs()
    print(jax.jit(kernel)(*tuple(_d.values())))

</pallas_src>

<mosaic_0001>
#map = affine_map<(d0, d1) -> (0, 0)>
#map1 = affine_map<(d0, d1) -> (0)>
module attributes {stable_mosaic.version = 14 : i64} {
  func.func @_emb_gather(%arg0: i32, %arg1: i32, %arg2: memref<1000000x32xf32, #tpu.memory_space<hbm>>, %arg3: memref<6400x128xi32, #tpu.memory_space<hbm>>, %arg4: memref<26214400xf32, #tpu.memory_space<hbm>>, %arg5: memref<200x128xi32, #tpu.memory_space<vmem>>, %arg6: memref<2x512x32xf32, #tpu.memory_space<vmem>>, %arg7: memref<2x16384xf32, #tpu.memory_space<vmem>>, %arg8: memref<!tpu.dma_semaphore, #tpu.memory_space<semaphore_mem>>, %arg9: memref<!tpu.dma_semaphore, #tpu.memory_space<semaphore_mem>>, %arg10: memref<!tpu.dma_semaphore, #tpu.memory_space<semaphore_mem>>, %arg11: memref<!tpu.dma_semaphore, #tpu.memory_space<semaphore_mem>>) attributes {dimension_semantics = [#tpu.dimension_semantics<core_parallel>, #tpu.dimension_semantics<subcore_parallel>], iteration_bounds = array<i64: 2, 16>, scalar_prefetch = 0 : i64, scratch_operands = 7 : i64, tpu.core_type = #tpu.core_type<sc_vector_subcore>, window_params = [{transform_indices = #map}, {transform_indices = #map}, {transform_indices = #map1}]} {
    %mul3A = arith.constant 2 : i32
    %mul3A_0 = arith.muli %arg1, %mul3A : i32
    %add3A = arith.addi %mul3A_0, %arg0 : i32
    %mul3A_1 = arith.constant 200 : i32
    %mul3A_2 = arith.muli %add3A, %mul3A_1 : i32
    %multiple_of3A = tpu.assume_multiple %mul3A_2, 8 : i32
    "tpu.region"() ({
      %run_scoped3A = tpu.sem_alloc : memref<!tpu.dma_semaphore, #tpu.memory_space<semaphore_mem>>
      %dma_start3A_2353 = arith.constant 0 : i32
      %dma_start3A_2354 = tpu.memref_slice %arg3[%multiple_of3A, %dma_start3A_2353] : memref<6400x128xi32, #tpu.memory_space<hbm>> -> memref<200x128xi32, #tpu.memory_space<hbm>>
      %dma_start3A_2355 = arith.constant 0 : i32
      %dma_start3A_2356 = tpu.memref_slice %arg3[%multiple_of3A, %dma_start3A_2355] : memref<6400x128xi32, #tpu.memory_space<hbm>> -> memref<200x128xi32, #tpu.memory_space<hbm>>
      tpu.enqueue_dma source(%dma_start3A_2356 : memref<200x128xi32, #tpu.memory_space<hbm>>) target(%arg5 : memref<200x128xi32, #tpu.memory_space<vmem>>) target_semaphore(%run_scoped3A : memref<!tpu.dma_semaphore, #tpu.memory_space<semaphore_mem>>)
      %dma_wait3A_2357 = arith.constant 0 : i32
      %dma_wait3A_2358 = tpu.memref_slice %arg3[%multiple_of3A, %dma_wait3A_2357] : memref<6400x128xi32, #tpu.memory_space<hbm>> -> memref<200x128xi32, #tpu.memory_space<hbm>>
      %dma_wait3A_2359 = arith.constant 0 : i32
      %dma_wait3A_2360 = tpu.memref_slice %arg3[%multiple_of3A, %dma_wait3A_2359] : memref<6400x128xi32, #tpu.memory_space<hbm>> -> memref<200x128xi32, #tpu.memory_space<hbm>>
      tpu.wait_dma2 semaphore(%run_scoped3A : memref<!tpu.dma_semaphore, #tpu.memory_space<semaphore_mem>>) src(%dma_wait3A_2360 : memref<200x128xi32, #tpu.memory_space<hbm>>) dst(%arg5 : memref<200x128xi32, #tpu.memory_space<vmem>>)
      tpu.yield
    }) : () -> ()
    %iota3A = tpu.iota {dimensions = array<i32: 0>} : vector<16xi32>
    %dma_start3A = arith.constant 0 : i32
    %dma_start3A_3 = arith.constant 0 : i32
    %dma_start3A_4 = arith.constant 0 : i32
    %dma_start3A_5 = arith.constant 0 : i32
    %dma_start3A_6 = tpu.memref_slice %arg6[%dma_start3A_3, %dma_start3A_4, %dma_start3A_5] : memref<2x512x32xf32, #tpu.memory_space<vmem>> -> memref<1x512x32xf32, #tpu.memory_space<vmem>>
    %dma_start3A_7 = tpu.memref_squeeze %dma_start3A_6 : memref<1x512x32xf32, #tpu.memory_space<vmem>> -> memref<512x32xf32, #tpu.memory_space<vmem>>
    %dma_start3A_8 = arith.constant 0 : i32
    %dma_start3A_9 = arith.constant 0 : i32
    %dma_start3A_10 = tpu.memref_slice %dma_start3A_7[%dma_start3A_8, %dma_start3A_9] : memref<512x32xf32, #tpu.memory_space<vmem>> -> memref<128x32xf32, #tpu.memory_space<vmem>>
    %dma_start3A_11 = arith.constant 0 : i32
    %dma_start3A_12 = tpu.memref_slice %arg5[%dma_start3A, %dma_start3A_11] : memref<200x128xi32, #tpu.memory_space<vmem>> -> memref<1x128xi32, #tpu.memory_space<vmem>>
    %dma_start3A_13 = tpu.memref_squeeze %dma_start3A_12 : memref<1x128xi32, #tpu.memory_space<vmem>> -> memref<128xi32, #tpu.memory_space<vmem>>
    %dma_start3A_14 = arith.constant 0 : i32
    %dma_start3A_15 = arith.constant 0 : i32
    %dma_start3A_16 = tpu.memref_slice %arg2[%dma_start3A_14, %dma_start3A_15] : memref<1000000x32xf32, #tpu.memory_space<hbm>> -> memref<1000000x32xf32, #tpu.memory_space<hbm>>
    tpu.enqueue_indirect_dma source(%dma_start3A_16 : memref<1000000x32xf32, #tpu.memory_space<hbm>>) target(%dma_start3A_10 : memref<128x32xf32, #tpu.memory_space<vmem>>) offsets(%dma_start3A_13 : memref<128xi32, #tpu.memory_space<vmem>>) semaphore(%arg8 : memref<!tpu.dma_semaphore, #tpu.memory_space<semaphore_mem>>)
    %dma_start3A_17 = arith.constant 1 : i32
    %dma_start3A_18 = arith.constant 0 : i32
    %dma_start3A_19 = arith.constant 0 : i32
    %dma_start3A_20 = arith.constant 0 : i32
    %dma_start3A_21 = tpu.memref_slice %arg6[%dma_start3A_18, %dma_start3A_19, %dma_start3A_20] : memref<2x512x32xf32, #tpu.memory_space<vmem>> -> memref<1x512x32xf32, #tpu.memory_space<vmem>>
    %dma_start3A_22 = tpu.memref_squeeze %dma_start3A_21 : memref<1x512x32xf32, #tpu.memory_space<vmem>> -> memref<512x32xf32, #tpu.memory_space<vmem>>
    %dma_start3A_23 = arith.constant 128 : i32
    %dma_start3A_24 = arith.constant 0 : i32
    %dma_start3A_25 = tpu.memref_slice %dma_start3A_22[%dma_start3A_23, %dma_start3A_24] : memref<512x32xf32, #tpu.memory_space<vmem>> -> memref<128x32xf32, #tpu.memory_space<vmem>>
    %dma_start3A_26 = arith.constant 0 : i32
    %dma_start3A_27 = tpu.memref_slice %arg5[%dma_start3A_17, %dma_start3A_26] : memref<200x128xi32, #tpu.memory_space<vmem>> -> memref<1x128xi32, #tpu.memory_space<vmem>>
    %dma_start3A_28 = tpu.memref_squeeze %dma_start3A_27 : memref<1x128xi32, #tpu.memory_space<vmem>> -> memref<128xi32, #tpu.memory_space<vmem>>
    %dma_start3A_29 = arith.constant 0 : i32
    %dma_start3A_30 = arith.constant 0 : i32
    %dma_start3A_31 = tpu.memref_slice %arg2[%dma_start3A_29, %dma_start3A_30] : memref<1000000x32xf32, #tpu.memory_space<hbm>> -> memref<1000000x32xf32, #tpu.memory_space<hbm>>
    tpu.enqueue_indirect_dma source(%dma_start3A_31 : memref<1000000x32xf32, #tpu.memory_space<hbm>>) target(%dma_start3A_25 : memref<128x32xf32, #tpu.memory_space<vmem>>) offsets(%dma_start3A_28 : memref<128xi32, #tpu.memory_space<vmem>>) semaphore(%arg8 : memref<!tpu.dma_semaphore, #tpu.memory_space<semaphore_mem>>)
    %dma_start3A_32 = arith.constant 2 : i32
    %dma_start3A_33 = arith.constant 0 : i32
    %dma_start3A_34 = arith.constant 0 : i32
    %dma_start3A_35 = arith.constant 0 : i32
    %dma_start3A_36 = tpu.memref_slice %arg6[%dma_start3A_33, %dma_start3A_34, %dma_start3A_35] : memref<2x512x32xf32, #tpu.memory_space<vmem>> -> memref<1x512x32xf32, #tpu.memory_space<vmem>>
    %dma_start3A_37 = tpu.memref_squeeze %dma_start3A_36 : memref<1x512x32xf32, #tpu.memory_space<vmem>> -> memref<512x32xf32, #tpu.memory_space<vmem>>
    %dma_start3A_38 = arith.constant 256 : i32
    %dma_start3A_39 = arith.constant 0 : i32
    %dma_start3A_40 = tpu.memref_slice %dma_start3A_37[%dma_start3A_38, %dma_start3A_39] : memref<512x32xf32, #tpu.memory_space<vmem>> -> memref<128x32xf32, #tpu.memory_space<vmem>>
    %dma_start3A_41 = arith.constant 0 : i32
    %dma_start3A_42 = tpu.memref_slice %arg5[%dma_start3A_32, %dma_start3A_41] : memref<200x128xi32, #tpu.memory_space<vmem>> -> memref<1x128xi32, #tpu.memory_space<vmem>>
    %dma_start3A_43 = tpu.memref_squeeze %dma_start3A_42 : memref<1x128xi32, #tpu.memory_space<vmem>> -> memref<128xi32, #tpu.memory_space<vmem>>
    %dma_start3A_44 = arith.constant 0 : i32
    %dma_start3A_45 = arith.constant 0 : i32
    %dma_start3A_46 = tpu.memref_slice %arg2[%dma_start3A_44, %dma_start3A_45] : memref<1000000x32xf32, #tpu.memory_space<hbm>> -> memref<1000000x32xf32, #tpu.memory_space<hbm>>
    tpu.enqueue_indirect_dma source(%dma_start3A_46 : memref<1000000x32xf32, #tpu.memory_space<hbm>>) target(%dma_start3A_40 : memref<128x32xf32, #tpu.memory_space<vmem>>) offsets(%dma_start3A_43 : memref<128xi32, #tpu.memory_space<vmem>>) semaphore(%arg8 : memref<!tpu.dma_semaphore, #tpu.memory_space<semaphore_mem>>)
    %dma_start3A_47 = arith.constant 3 : i32
    %dma_start3A_48 = arith.constant 0 : i32
    %dma_start3A_49 = arith.constant 0 : i32
    %dma_start3A_50 = arith.constant 0 : i32
    %dma_start3A_51 = tpu.memref_slice %arg6[%dma_start3A_48, %dma_start3A_49, %dma_start3A_50] : memref<2x512x32xf32, #tpu.memory_space<vmem>> -> memref<1x512x32xf32, #tpu.memory_space<vmem>>
    %dma_start3A_52 = tpu.memref_squeeze %dma_start3A_51 : memref<1x512x32xf32, #tpu.memory_space<vmem>> -> memref<512x32xf32, #tpu.memory_space<vmem>>
    %dma_start3A_53 = arith.constant 384 : i32
    %dma_start3A_54 = arith.constant 0 : i32
    %dma_start3A_55 = tpu.memref_slice %dma_start3A_52[%dma_start3A_53, %dma_start3A_54] : memref<512x32xf32, #tpu.memory_space<vmem>> -> memref<128x32xf32, #tpu.memory_space<vmem>>
    %dma_start3A_56 = arith.constant 0 : i32
    %dma_start3A_57 = tpu.memref_slice %arg5[%dma_start3A_47, %dma_start3A_56] : memref<200x128xi32, #tpu.memory_space<vmem>> -> memref<1x128xi32, #tpu.memory_space<vmem>>
    %dma_start3A_58 = tpu.memref_squeeze %dma_start3A_57 : memref<1x128xi32, #tpu.memory_space<vmem>> -> memref<128xi32, #tpu.memory_space<vmem>>
    %dma_start3A_59 = arith.constant 0 : i32
    %dma_start3A_60 = arith.constant 0 : i32
    %dma_start3A_61 = tpu.memref_slice %arg2[%dma_start3A_59, %dma_start3A_60] : memref<1000000x32xf32, #tpu.memory_space<hbm>> -> memref<1000000x32xf32, #tpu.memory_space<hbm>>
    tpu.enqueue_indirect_dma source(%dma_start3A_61 : memref<1000000x32xf32, #tpu.memory_space<hbm>>) target(%dma_start3A_55 : memref<128x32xf32, #tpu.memory_space<vmem>>) offsets(%dma_start3A_58 : memref<128xi32, #tpu.memory_space<vmem>>) semaphore(%arg8 : memref<!tpu.dma_semaphore, #tpu.memory_space<semaphore_mem>>)
    %dma_start3A_62 = arith.constant 4 : i32
    %dma_start3A_63 = arith.constant 1 : i32
    %dma_start3A_64 = arith.constant 0 : i32
    %dma_start3A_65 = arith.constant 0 : i32
    %dma_start3A_66 = tpu.memref_slice %arg6[%dma_start3A_63, %dma_start3A_64, %dma_start3A_65] : memref<2x512x32xf32, #tpu.memory_space<vmem>> -> memref<1x512x32xf32, #tpu.memory_space<vmem>>
    %dma_start3A_67 = tpu.memref_squeeze %dma_start3A_66 : memref<1x512x32xf32, #tpu.memory_space<vmem>> -> memref<512x32xf32, #tpu.memory_space<vmem>>
    %dma_start3A_68 = arith.constant 0 : i32
    %dma_start3A_69 = arith.constant 0 : i32
    %dma_start3A_70 = tpu.memref_slice %dma_start3A_67[%dma_start3A_68, %dma_start3A_69] : memref<512x32xf32, #tpu.memory_space<vmem>> -> memref<128x32xf32, #tpu.memory_space<vmem>>
    %dma_start3A_71 = arith.constant 0 : i32
    %dma_start3A_72 = tpu.memref_slice %arg5[%dma_start3A_62, %dma_start3A_71] : memref<200x128xi32, #tpu.memory_space<vmem>> -> memref<1x128xi32, #tpu.memory_space<vmem>>
    %dma_start3A_73 = tpu.memref_squeeze %dma_start3A_72 : memref<1x128xi32, #tpu.memory_space<vmem>> -> memref<128xi32, #tpu.memory_space<vmem>>
    %dma_start3A_74 = arith.constant 0 : i32
    %dma_start3A_75 = arith.constant 0 : i32
    %dma_start3A_76 = tpu.memref_slice %arg2[%dma_start3A_74, %dma_start3A_75] : memref<1000000x32xf32, #tpu.memory_space<hbm>> -> memref<1000000x32xf32, #tpu.memory_space<hbm>>
    tpu.enqueue_indirect_dma source(%dma_start3A_76 : memref<1000000x32xf32, #tpu.memory_space<hbm>>) target(%dma_start3A_70 : memref<128x32xf32, #tpu.memory_space<vmem>>) offsets(%dma_start3A_73 : memref<128xi32, #tpu.memory_space<vmem>>) semaphore(%arg9 : memref<!tpu.dma_semaphore, #tpu.memory_space<semaphore_mem>>)
    %dma_start3A_77 = arith.constant 5 : i32
    %dma_start3A_78 = arith.constant 1 : i32
    %dma_start3A_79 = arith.constant 0 : i32
    %dma_start3A_80 = arith.constant 0 : i32
    %dma_start3A_81 = tpu.memref_slice %arg6[%dma_start3A_78, %dma_start3A_79, %dma_start3A_80] : memref<2x512x32xf32, #tpu.memory_space<vmem>> -> memref<1x512x32xf32, #tpu.memory_space<vmem>>
    %dma_start3A_82 = tpu.memref_squeeze %dma_start3A_81 : memref<1x512x32xf32, #tpu.memory_space<vmem>> -> memref<512x32xf32, #tpu.memory_space<vmem>>
    %dma_start3A_83 = arith.constant 128 : i32
    %dma_start3A_84 = arith.constant 0 : i32
    %dma_start3A_85 = tpu.memref_slice %dma_start3A_82[%dma_start3A_83, %dma_start3A_84] : memref<512x32xf32, #tpu.memory_space<vmem>> -> memref<128x32xf32, #tpu.memory_space<vmem>>
    %dma_start3A_86 = arith.constant 0 : i32
    %dma_start3A_87 = tpu.memref_slice %arg5[%dma_start3A_77, %dma_start3A_86] : memref<200x128xi32, #tpu.memory_space<vmem>> -> memref<1x128xi32, #tpu.memory_space<vmem>>
    %dma_start3A_88 = tpu.memref_squeeze %dma_start3A_87 : memref<1x128xi32, #tpu.memory_space<vmem>> -> memref<128xi32, #tpu.memory_space<vmem>>
    %dma_start3A_89 = arith.constant 0 : i32
    %dma_start3A_90 = arith.constant 0 : i32
    %dma_start3A_91 = tpu.memref_slice %arg2[%dma_start3A_89, %dma_start3A_90] : memref<1000000x32xf32, #tpu.memory_space<hbm>> -> memref<1000000x32xf32, #tpu.memory_space<hbm>>
    tpu.enqueue_indirect_dma source(%dma_start3A_91 : memref<1000000x32xf32, #tpu.memory_space<hbm>>) target(%dma_start3A_85 : memref<128x32xf32, #tpu.memory_space<vmem>>) offsets(%dma_start3A_88 : memref<128xi32, #tpu.memory_space<vmem>>) semaphore(%arg9 : memref<!tpu.dma_semaphore, #tpu.memory_space<semaphore_mem>>)
    %dma_start3A_92 = arith.constant 6 : i32
    %dma_start3A_93 = arith.constant 1 : i32
    %dma_start3A_94 = arith.constant 0 : i32
    %dma_start3A_95 = arith.constant 0 : i32
    %dma_start3A_96 = tpu.memref_slice %arg6[%dma_start3A_93, %dma_start3A_94, %dma_start3A_95] : memref<2x512x32xf32, #tpu.memory_space<vmem>> -> memref<1x512x32xf32, #tpu.memory_space<vmem>>
    %dma_start3A_97 = tpu.memref_squeeze %dma_start3A_96 : memref<1x512x32xf32, #tpu.memory_space<vmem>> -> memref<512x32xf32, #tpu.memory_space<vmem>>
    %dma_start3A_98 = arith.constant 256 : i32
    %dma_start3A_99 = arith.constant 0 : i32
    %dma_start3A_100 = tpu.memref_slice %dma_start3A_97[%dma_start3A_98, %dma_start3A_99] : memref<512x32xf32, #tpu.memory_space<vmem>> -> memref<128x32xf32, #tpu.memory_space<vmem>>
    %dma_start3A_101 = arith.constant 0 : i32
    %dma_start3A_102 = tpu.memref_slice %arg5[%dma_start3A_92, %dma_start3A_101] : memref<200x128xi32, #tpu.memory_space<vmem>> -> memref<1x128xi32, #tpu.memory_space<vmem>>
    %dma_start3A_103 = tpu.memref_squeeze %dma_start3A_102 : memref<1x128xi32, #tpu.memory_space<vmem>> -> memref<128xi32, #tpu.memory_space<vmem>>
    %dma_start3A_104 = arith.constant 0 : i32
    %dma_start3A_105 = arith.constant 0 : i32
    %dma_start3A_106 = tpu.memref_slice %arg2[%dma_start3A_104, %dma_start3A_105] : memref<1000000x32xf32, #tpu.memory_space<hbm>> -> memref<1000000x32xf32, #tpu.memory_space<hbm>>
    tpu.enqueue_indirect_dma source(%dma_start3A_106 : memref<1000000x32xf32, #tpu.memory_space<hbm>>) target(%dma_start3A_100 : memref<128x32xf32, #tpu.memory_space<vmem>>) offsets(%dma_start3A_103 : memref<128xi32, #tpu.memory_space<vmem>>) semaphore(%arg9 : memref<!tpu.dma_semaphore, #tpu.memory_space<semaphore_mem>>)
    %dma_start3A_107 = arith.constant 7 : i32
    %dma_start3A_108 = arith.constant 1 : i32
    %dma_start3A_109 = arith.constant 0 : i32
    %dma_start3A_110 = arith.constant 0 : i32
    %dma_start3A_111 = tpu.memref_slice %arg6[%dma_start3A_108, %dma_start3A_109, %dma_start3A_110] : memref<2x512x32xf32, #tpu.memory_space<vmem>> -> memref<1x512x32xf32, #tpu.memory_space<vmem>>
    %dma_start3A_112 = tpu.memref_squeeze %dma_start3A_111 : memref<1x512x32xf32, #tpu.memory_space<vmem>> -> memref<512x32xf32, #tpu.memory_space<vmem>>
    %dma_start3A_113 = arith.constant 384 : i32
    %dma_start3A_114 = arith.constant 0 : i32
    %dma_start3A_115 = tpu.memref_slice %dma_start3A_112[%dma_start3A_113, %dma_start3A_114] : memref<512x32xf32, #tpu.memory_space<vmem>> -> memref<128x32xf32, #tpu.memory_space<vmem>>
    %dma_start3A_116 = arith.constant 0 : i32
    %dma_start3A_117 = tpu.memref_slice %arg5[%dma_start3A_107, %dma_start3A_116] : memref<200x128xi32, #tpu.memory_space<vmem>> -> memref<1x128xi32, #tpu.memory_space<vmem>>
    %dma_start3A_118 = tpu.memref_squeeze %dma_start3A_117 : memref<1x128xi32, #tpu.memory_space<vmem>> -> memref<128xi32, #tpu.memory_space<vmem>>
    %dma_start3A_119 = arith.constant 0 : i32
    %dma_start3A_120 = arith.constant 0 : i32
    %dma_start3A_121 = tpu.memref_slice %arg2[%dma_start3A_119, %dma_start3A_120] : memref<1000000x32xf32, #tpu.memory_space<hbm>> -> memref<1000000x32xf32, #tpu.memory_space<hbm>>
    tpu.enqueue_indirect_dma source(%dma_start3A_121 : memref<1000000x32xf32, #tpu.memory_space<hbm>>) target(%dma_start3A_115 : memref<128x32xf32, #tpu.memory_space<vmem>>) offsets(%dma_start3A_118 : memref<128xi32, #tpu.memory_space<vmem>>) semaphore(%arg9 : memref<!tpu.dma_semaphore, #tpu.memory_space<semaphore_mem>>)
    %dma_wait3A = arith.constant 0 : i32
    %dma_wait3A_122 = arith.constant 0 : i32
    %dma_wait3A_123 = arith.constant 0 : i32
    %dma_wait3A_124 = tpu.memref_slice %arg6[%dma_wait3A, %dma_wait3A_122, %dma_wait3A_123] : memref<2x512x32xf32, #tpu.memory_space<vmem>> -> memref<1x512x32xf32, #tpu.memory_space<vmem>>
    %dma_wait3A_125 = tpu.memref_squeeze %dma_wait3A_124 : memref<1x512x32xf32, #tpu.memory_space<vmem>> -> memref<512x32xf32, #tpu.memory_space<vmem>>
    %dma_wait3A_126 = arith.constant 0 : i32
    %dma_wait3A_127 = arith.constant 0 : i32
    %dma_wait3A_128 = tpu.memref_slice %arg2[%dma_wait3A_126, %dma_wait3A_127] : memref<1000000x32xf32, #tpu.memory_space<hbm>> -> memref<512x32xf32, #tpu.memory_space<hbm>>
    %dma_wait3A_129 = arith.constant 0 : i32
    %dma_wait3A_130 = arith.constant 0 : i32
    %dma_wait3A_131 = tpu.memref_slice %arg6[%dma_wait3A, %dma_wait3A_129, %dma_wait3A_130] : memref<2x512x32xf32, #tpu.memory_space<vmem>> -> memref<1x512x32xf32, #tpu.memory_space<vmem>>
    %dma_wait3A_132 = tpu.memref_squeeze %dma_wait3A_131 : memref<1x512x32xf32, #tpu.memory_space<vmem>> -> memref<512x32xf32, #tpu.memory_space<vmem>>
    %dma_wait3A_133 = arith.constant 0 : i32
    %dma_wait3A_134 = arith.constant 0 : i32
    %dma_wait3A_135 = tpu.memref_slice %arg2[%dma_wait3A_133, %dma_wait3A_134] : memref<1000000x32xf32, #tpu.memory_space<hbm>> -> memref<512x32xf32, #tpu.memory_space<hbm>>
    tpu.wait_dma2 semaphore(%arg8 : memref<!tpu.dma_semaphore, #tpu.memory_space<semaphore_mem>>) src(%dma_wait3A_135 : memref<512x32xf32, #tpu.memory_space<hbm>>) dst(%dma_wait3A_132 : memref<512x32xf32, #tpu.memory_space<vmem>>)
    %mul3A_136 = arith.constant 128 : i32
    %mul3A_137 = vector.broadcast %mul3A_136 : i32 to vector<16xi32>
    %mul3A_138 = arith.muli %iota3A, %mul3A_137 : vector<16xi32>
    %parallel_loop3A = arith.constant 0 : i32
    %parallel_loop3A_139 = arith.constant 512 : i32
    %parallel_loop3A_140 = arith.constant 1 : i32
    %parallel_loop3A_141 = arith.constant 0 : i32
    scf.for %parallel_loop3A_2353 = %parallel_loop3A to %parallel_loop3A_139 step %parallel_loop3A_140  : i32 {
      %parallel_loop3A_2354 = arith.constant 128 : i32
      %parallel_loop3A_2355 = arith.divsi %parallel_loop3A_2353, %parallel_loop3A_2354 : i32
      %parallel_loop3A_2356 = arith.constant 0 : i32
      %parallel_loop3A_2357 = arith.cmpi sgt, %parallel_loop3A_2353, %parallel_loop3A_2356 : i32
      %parallel_loop3A_2358 = arith.extui %parallel_loop3A_2357 : i1 to i32
      %parallel_loop3A_2359 = arith.constant 0 : i32
      %parallel_loop3A_2360 = arith.cmpi slt, %parallel_loop3A_2353, %parallel_loop3A_2359 : i32
      %parallel_loop3A_2361 = arith.extui %parallel_loop3A_2360 : i1 to i32
      %parallel_loop3A_2362 = arith.subi %parallel_loop3A_2358, %parallel_loop3A_2361 : i32
      %parallel_loop3A_2363 = arith.constant 0 : i32
      %parallel_loop3A_2364 = arith.cmpi sgt, %parallel_loop3A_2354, %parallel_loop3A_2363 : i32
      %parallel_loop3A_2365 = arith.extui %parallel_loop3A_2364 : i1 to i32
      %parallel_loop3A_2366 = arith.constant 0 : i32
      %parallel_loop3A_2367 = arith.cmpi slt, %parallel_loop3A_2354, %parallel_loop3A_2366 : i32
      %parallel_loop3A_2368 = arith.extui %parallel_loop3A_2367 : i1 to i32
      %parallel_loop3A_2369 = arith.subi %parallel_loop3A_2365, %parallel_loop3A_2368 : i32
      %parallel_loop3A_2370 = arith.cmpi ne, %parallel_loop3A_2362, %parallel_loop3A_2369 : i32
      %parallel_loop3A_2371 = arith.remsi %parallel_loop3A_2353, %parallel_loop3A_2354 : i32
      %parallel_loop3A_2372 = arith.constant 0 : i32
      %parallel_loop3A_2373 = arith.cmpi ne, %parallel_loop3A_2371, %parallel_loop3A_2372 : i32
      %parallel_loop3A_2374 = arith.andi %parallel_loop3A_2370, %parallel_loop3A_2373 : i1
      %parallel_loop3A_2375 = arith.constant 1 : i32
      %parallel_loop3A_2376 = arith.subi %parallel_loop3A_2355, %parallel_loop3A_2375 : i32
      %parallel_loop3A_2377 = arith.select %parallel_loop3A_2374, %parallel_loop3A_2376, %parallel_loop3A_2355 : i32
      %parallel_loop3A_2378 = arith.constant 0 : i32
      %parallel_loop3A_2379 = arith.index_cast %parallel_loop3A_2378 : i32 to index
      %parallel_loop3A_2380 = arith.index_cast %parallel_loop3A_2353 : i32 to index
      %parallel_loop3A_2381 = arith.constant 0 : index
      %parallel_loop3A_2382 = tpu.vector_load %arg6[%parallel_loop3A_2379, %parallel_loop3A_2380, %parallel_loop3A_2381] {strides = array<i32>} : memref<2x512x32xf32, #tpu.memory_space<vmem>>, vector<16xf32>,
      %parallel_loop3A_2383 = arith.constant 0 : i32
      %parallel_loop3A_2384 = arith.index_cast %parallel_loop3A_2383 : i32 to index
      %parallel_loop3A_2385 = arith.index_cast %parallel_loop3A_2353 : i32 to index
      %parallel_loop3A_2386 = arith.constant 16 : index
      %parallel_loop3A_2387 = tpu.vector_load %arg6[%parallel_loop3A_2384, %parallel_loop3A_2385, %parallel_loop3A_2386] {strides = array<i32>} : memref<2x512x32xf32, #tpu.memory_space<vmem>>, vector<16xf32>,
      %parallel_loop3A_2388 = arith.constant 3968 : i32
      %parallel_loop3A_2389 = arith.muli %parallel_loop3A_2377, %parallel_loop3A_2388 : i32
      %parallel_loop3A_2390 = arith.addi %parallel_loop3A_2353, %parallel_loop3A_2389 : i32
      %parallel_loop3A_2391 = vector.broadcast %parallel_loop3A_2390 : i32 to vector<16xi32>
      %parallel_loop3A_2392 = arith.addi %mul3A_138, %parallel_loop3A_2391 : vector<16xi32>
      %parallel_loop3A_2393 = arith.constant 0 : i32
      %parallel_loop3A_2394 = tpu.memref_slice %arg7[%parallel_loop3A_141, %parallel_loop3A_2393] : memref<2x16384xf32, #tpu.memory_space<vmem>> -> memref<1x16384xf32, #tpu.memory_space<vmem>>
      %parallel_loop3A_2395 = tpu.memref_squeeze %parallel_loop3A_2394 : memref<1x16384xf32, #tpu.memory_space<vmem>> -> memref<16384xf32, #tpu.memory_space<vmem>>
      tpu.vector_store_idx %parallel_loop3A_2395[%parallel_loop3A_2392], %parallel_loop3A_2382 : memref<16384xf32, #tpu.memory_space<vmem>>[vector<16xi32>], vector<16xf32>,
      %parallel_loop3A_2396 = arith.constant 2048 : i32
      %parallel_loop3A_2397 = vector.broadcast %parallel_loop3A_2396 : i32 to vector<16xi32>
      %parallel_loop3A_2398 = arith.addi %parallel_loop3A_2392, %parallel_loop3A_2397 : vector<16xi32>
      %parallel_loop3A_2399 = arith.constant 0 : i32
      %parallel_loop3A_2400 = tpu.memref_slice %arg7[%parallel_loop3A_141, %parallel_loop3A_2399] : memref<2x16384xf32, #tpu.memory_space<vmem>> -> memref<1x16384xf32, #tpu.memory_space<vmem>>
      %parallel_loop3A_2401 = tpu.memref_squeeze %parallel_loop3A_2400 : memref<1x16384xf32, #tpu.memory_space<vmem>> -> memref<16384xf32, #tpu.memory_space<vmem>>
      tpu.vector_store_idx %parallel_loop3A_2401[%parallel_loop3A_2398], %parallel_loop3A_2387 : memref<16384xf32, #tpu.memory_space<vmem>>[vector<16xi32>], vector<16xf32>,
    } {sc.loop_unroll_factor = 16 : i64, sc.parallel_access}
    %mul3A_142 = arith.constant 200 : i32
    %mul3A_143 = arith.muli %add3A, %mul3A_142 : i32
    %add3A_144 = arith.constant 0 : i32
    %add3A_145 = arith.addi %mul3A_143, %add3A_144 : i32
    %add3A_146 = arith.constant 0 : i32
    %add3A_147 = arith.addi %add3A_145, %add3A_146 : i32
    %jit3A = arith.constant 128 : i32
    %div3A = arith.divsi %add3A_147, %jit3A : i32
    %sign3A = arith.constant 0 : i32
    %sign3A_148 = arith.cmpi sgt, %add3A_147, %sign3A : i32
    %sign3A_149 = arith.extui %sign3A_148 : i1 to i32
    %sign3A_150 = arith.constant 0 : i32
    %sign3A_151 = arith.cmpi slt, %add3A_147, %sign3A_150 : i32
    %sign3A_152 = arith.extui %sign3A_151 : i1 to i32
    %sign3A_153 = arith.subi %sign3A_149, %sign3A_152 : i32
    %sign3A_154 = arith.constant 0 : i32
    %sign3A_155 = arith.cmpi sgt, %jit3A, %sign3A_154 : i32
    %sign3A_156 = arith.extui %sign3A_155 : i1 to i32
    %sign3A_157 = arith.constant 0 : i32
    %sign3A_158 = arith.cmpi slt, %jit3A, %sign3A_157 : i32
    %sign3A_159 = arith.extui %sign3A_158 : i1 to i32
    %sign3A_160 = arith.subi %sign3A_156, %sign3A_159 : i32
    %ne3A = arith.cmpi ne, %sign3A_153, %sign3A_160 : i32
    %rem3A = arith.remsi %add3A_147, %jit3A : i32
    %ne3A_161 = arith.constant 0 : i32
    %ne3A_162 = arith.cmpi ne, %rem3A, %ne3A_161 : i32
    %and3A = arith.andi %ne3A, %ne3A_162 : i1
    %sub3A = arith.constant 1 : i32
    %sub3A_163 = arith.subi %div3A, %sub3A : i32
    %select_n3A = arith.select %and3A, %sub3A_163, %div3A : i32
    %rem3A_164 = arith.constant 128 : i32
    %rem3A_165 = arith.remsi %add3A_147, %rem3A_164 : i32
    %mul3A_166 = arith.constant 4 : i32
    %mul3A_167 = arith.muli %select_n3A, %mul3A_166 : i32
    %mul3A_168 = arith.constant 128 : i32
    %mul3A_169 = arith.muli %mul3A_167, %mul3A_168 : i32
    %add3A_170 = arith.constant 0 : i32
    %add3A_171 = arith.addi %mul3A_169, %add3A_170 : i32
    %add3A_172 = arith.addi %add3A_171, %rem3A_165 : i32
    %mul3A_173 = arith.constant 1024 : i32
    %mul3A_174 = arith.muli %add3A_172, %mul3A_173 : i32
    %multiple_of3A_175 = tpu.assume_multiple %mul3A_174, 8 : i32
    %dma_start3A_176 = arith.constant 0 : i32
    %dma_start3A_177 = arith.constant 0 : i32
    %dma_start3A_178 = tpu.memref_slice %arg7[%dma_start3A_176, %dma_start3A_177] : memref<2x16384xf32, #tpu.memory_space<vmem>> -> memref<1x16384xf32, #tpu.memory_space<vmem>>
    %dma_start3A_179 = tpu.memref_squeeze %dma_start3A_178 : memref<1x16384xf32, #tpu.memory_space<vmem>> -> memref<16384xf32, #tpu.memory_space<vmem>>
    %dma_start3A_180 = arith.constant 0 : i32
    %dma_start3A_181 = tpu.memref_slice %dma_start3A_179[%dma_start3A_180] : memref<16384xf32, #tpu.memory_space<vmem>> -> memref<1024xf32, #tpu.memory_space<vmem>>
    %dma_start3A_182 = tpu.memref_slice %arg4[%multiple_of3A_175] : memref<26214400xf32, #tpu.memory_space<hbm>> -> memref<1024xf32, #tpu.memory_space<hbm>>
    %dma_start3A_183 = tpu.memref_slice %arg4[%multiple_of3A_175] : memref<26214400xf32, #tpu.memory_space<hbm>> -> memref<1024xf32, #tpu.memory_space<hbm>>
    %dma_start3A_184 = arith.constant 0 : i32
    %dma_start3A_185 = tpu.memref_slice %arg7[%dma_start3A_176, %dma_start3A_184] : memref<2x16384xf32, #tpu.memory_space<vmem>> -> memref<1x16384xf32, #tpu.memory_space<vmem>>
    %dma_start3A_186 = tpu.memref_squeeze %dma_start3A_185 : memref<1x16384xf32, #tpu.memory_space<vmem>> -> memref<16384xf32, #tpu.memory_space<vmem>>
    %dma_start3A_187 = arith.constant 0 : i32
    %dma_start3A_188 = tpu.memref_slice %dma_start3A_186[%dma_start3A_187] : memref<16384xf32, #tpu.memory_space<vmem>> -> memref<1024xf32, #tpu.memory_space<vmem>>
    tpu.enqueue_dma source(%dma_start3A_188 : memref<1024xf32, #tpu.memory_space<vmem>>) target(%dma_start3A_183 : memref<1024xf32, #tpu.memory_space<hbm>>) target_semaphore(%arg10 : memref<!tpu.dma_semaphore, #tpu.memory_space<semaphore_mem>>)
    %mul3A_189 = arith.constant 4 : i32
    %mul3A_190 = arith.muli %select_n3A, %mul3A_189 : i32
    %mul3A_191 = arith.constant 128 : i32
    %mul3A_192 = arith.muli %mul3A_190, %mul3A_191 : i32
    %add3A_193 = arith.constant 128 : i32
    %add3A_194 = arith.addi %mul3A_192, %add3A_193 : i32
    %add3A_195 = arith.addi %add3A_194, %rem3A_165 : i32
    %mul3A_196 = arith.constant 1024 : i32
    %mul3A_197 = arith.muli %add3A_195, %mul3A_196 : i32
    %multiple_of3A_198 = tpu.assume_multiple %mul3A_197, 8 : i32
    %dma_start3A_199 = arith.constant 0 : i32
    %dma_start3A_200 = arith.constant 0 : i32
    %dma_start3A_201 = tpu.memref_slice %arg7[%dma_start3A_199, %dma_start3A_200] : memref<2x16384xf32, #tpu.memory_space<vmem>> -> memref<1x16384xf32, #tpu.memory_space<vmem>>
    %dma_start3A_202 = tpu.memref_squeeze %dma_start3A_201 : memref<1x16384xf32, #tpu.memory_space<vmem>> -> memref<16384xf32, #tpu.memory_space<vmem>>
    %dma_start3A_203 = arith.constant 1024 : i32
    %dma_start3A_204 = tpu.memref_slice %dma_start3A_202[%dma_start3A_203] : memref<16384xf32, #tpu.memory_space<vmem>> -> memref<1024xf32, #tpu.memory_space<vmem>>
    %dma_start3A_205 = tpu.memref_slice %arg4[%multiple_of3A_198] : memref<26214400xf32, #tpu.memory_space<hbm>> -> memref<1024xf32, #tpu.memory_space<hbm>>
    %dma_start3A_206 = tpu.memref_slice %arg4[%multiple_of3A_198] : memref<26214400xf32, #tpu.memory_space<hbm>> -> memref<1024xf32, #tpu.memory_space<hbm>>
    %dma_start3A_207 = arith.constant 0 : i32
    %dma_start3A_208 = tpu.memref_slice %arg7[%dma_start3A_199, %dma_start3A_207] : memref<2x16384xf32, #tpu.memory_space<vmem>> -> memref<1x16384xf32, #tpu.memory_space<vmem>>
    %dma_start3A_209 = tpu.memref_squeeze %dma_start3A_208 : memref<1x16384xf32, #tpu.memory_space<vmem>> -> memref<16384xf32, #tpu.memory_space<vmem>>
    %dma_start3A_210 = arith.constant 1024 : i32
    %dma_start3A_211 = tpu.memref_slice %dma_start3A_209[%dma_start3A_210] : memref<16384xf32, #tpu.memory_space<vmem>> -> memref<1024xf32, #tpu.memory_space<vmem>>
    tpu.enqueue_dma source(%dma_start3A_211 : memref<1024xf32, #tpu.memory_space<vmem>>) target(%dma_start3A_206 : memref<1024xf32, #tpu.memory_space<hbm>>) target_semaphore(%arg10 : memref<!tpu.dma_semaphore, #tpu.memory_space<semaphore_mem>>)
    %mul3A_212 = arith.constant 4 : i32
    %mul3A_213 = arith.muli %select_n3A, %mul3A_212 : i32
    %mul3A_214 = arith.constant 128 : i32
    %mul3A_215 = arith.muli %mul3A_213, %mul3A_214 : i32
    %add3A_216 = arith.constant 256 : i32
    %add3A_217 = arith.addi %mul3A_215, %add3A_216 : i32
    %add3A_218 = arith.addi %add3A_217, %rem3A_165 : i32
    %mul3A_219 = arith.constant 1024 : i32
    %mul3A_220 = arith.muli %add3A_218, %mul3A_219 : i32
    %multiple_of3A_221 = tpu.assume_multiple %mul3A_220, 8 : i32
    %dma_start3A_222 = arith.constant 0 : i32
    %dma_start3A_223 = arith.constant 0 : i32
    %dma_start3A_224 = tpu.memref_slice %arg7[%dma_start3A_222, %dma_start3A_223] : memref<2x16384xf32, #tpu.memory_space<vmem>> -> memref<1x16384xf32, #tpu.memory_space<vmem>>
    %dma_start3A_225 = tpu.memref_squeeze %dma_start3A_224 : memref<1x16384xf32, #tpu.memory_space<vmem>> -> memref<16384xf32, #tpu.memory_space<vmem>>
    %dma_start3A_226 = arith.constant 2048 : i32
    %dma_start3A_227 = tpu.memref_slice %dma_start3A_225[%dma_start3A_226] : memref<16384xf32, #tpu.memory_space<vmem>> -> memref<1024xf32, #tpu.memory_space<vmem>>
    %dma_start3A_228 = tpu.memref_slice %arg4[%multiple_of3A_221] : memref<26214400xf32, #tpu.memory_space<hbm>> -> memref<1024xf32, #tpu.memory_space<hbm>>
    %dma_start3A_229 = tpu.memref_slice %arg4[%multiple_of3A_221] : memref<26214400xf32, #tpu.memory_space<hbm>> -> memref<1024xf32, #tpu.memory_space<hbm>>
    %dma_start3A_230 = arith.constant 0 : i32
    %dma_start3A_231 = tpu.memref_slice %arg7[%dma_start3A_222, %dma_start3A_230] : memref<2x16384xf32, #tpu.memory_space<vmem>> -> memref<1x16384xf32, #tpu.memory_space<vmem>>
    %dma_start3A_232 = tpu.memref_squeeze %dma_start3A_231 : memref<1x16384xf32, #tpu.memory_space<vmem>> -> memref<16384xf32, #tpu.memory_space<vmem>>
    %dma_start3A_233 = arith.constant 2048 : i32
    %dma_start3A_234 = tpu.memref_slice %dma_start3A_232[%dma_start3A_233] : memref<16384xf32, #tpu.memory_space<vmem>> -> memref<1024xf32, #tpu.memory_space<vmem>>
    tpu.enqueue_dma source(%dma_start3A_234 : memref<1024xf32, #tpu.memory_space<vmem>>) target(%dma_start3A_229 : memref<1024xf32, #tpu.memory_space<hbm>>) target_semaphore(%arg10 : memref<!tpu.dma_semaphore, #tpu.memory_space<semaphore_mem>>)
    %mul3A_235 = arith.constant 4 : i32
    %mul3A_236 = arith.muli %select_n3A, %mul3A_235 : i32
    %mul3A_237 = arith.constant 128 : i32
    %mul3A_238 = arith.muli %mul3A_236, %mul3A_237 : i32
    %add3A_239 = arith.constant 384 : i32
    %add3A_240 = arith.addi %mul3A_238, %add3A_239 : i32
    %add3A_241 = arith.addi %add3A_240, %rem3A_165 : i32
    %mul3A_242 = arith.constant 1024 : i32
    %mul3A_243 = arith.muli %add3A_241, %mul3A_242 : i32
    %multiple_of3A_244 = tpu.assume_multiple %mul3A_243, 8 : i32
    %dma_start3A_245 = arith.constant 0 : i32
    %dma_start3A_246 = arith.constant 0 : i32
    %dma_start3A_247 = tpu.memref_slice %arg7[%dma_start3A_245, %dma_start3A_246] : memref<2x16384xf32, #tpu.memory_space<vmem>> -> memref<1x16384xf32, #tpu.memory_space<vmem>>
    %dma_start3A_248 = tpu.memref_squeeze %dma_start3A_247 : memref<1x16384xf32, #tpu.memory_space<vmem>> -> memref<16384xf32, #tpu.memory_space<vmem>>
    %dma_start3A_249 = arith.constant 3072 : i32
    %dma_start3A_250 = tpu.memref_slice %dma_start3A_248[%dma_start3A_249] : memref<16384xf32, #tpu.memory_space<vmem>> -> memref<1024xf32, #tpu.memory_space<vmem>>
    %dma_start3A_251 = tpu.memref_slice %arg4[%multiple_of3A_244] : memref<26214400xf32, #tpu.memory_space<hbm>> -> memref<1024xf32, #tpu.memory_space<hbm>>
    %dma_start3A_252 = tpu.memref_slice %arg4[%multiple_of3A_244] : memref<26214400xf32, #tpu.memory_space<hbm>> -> memref<1024xf32, #tpu.memory_space<hbm>>
    %dma_start3A_253 = arith.constant 0 : i32
    %dma_start3A_254 = tpu.memref_slice %arg7[%dma_start3A_245, %dma_start3A_253] : memref<2x16384xf32, #tpu.memory_space<vmem>> -> memref<1x16384xf32, #tpu.memory_space<vmem>>
    %dma_start3A_255 = tpu.memref_squeeze %dma_start3A_254 : memref<1x16384xf32, #tpu.memory_space<vmem>> -> memref<16384xf32, #tpu.memory_space<vmem>>
    %dma_start3A_256 = arith.constant 3072 : i32
    %dma_start3A_257 = tpu.memref_slice %dma_start3A_255[%dma_start3A_256] : memref<16384xf32, #tpu.memory_space<vmem>> -> memref<1024xf32, #tpu.memory_space<vmem>>
    tpu.enqueue_dma source(%dma_start3A_257 : memref<1024xf32, #tpu.memory_space<vmem>>) target(%dma_start3A_252 : memref<1024xf32, #tpu.memory_space<hbm>>) target_semaphore(%arg10 : memref<!tpu.dma_semaphore, #tpu.memory_space<semaphore_mem>>)
    %mul3A_258 = arith.constant 200 : i32
    %mul3A_259 = arith.muli %add3A, %mul3A_258 : i32
    %add3A_260 = arith.constant 0 : i32
    %add3A_261 = arith.addi %mul3A_259, %add3A_260 : i32
    %add3A_262 = arith.constant 1 : i32
    %add3A_263 = arith.addi %add3A_261, %add3A_262 : i32
    %jit3A_264 = arith.constant 128 : i32
    %div3A_265 = arith.divsi %add3A_263, %jit3A_264 : i32
    %sign3A_266 = arith.constant 0 : i32
    %sign3A_267 = arith.cmpi sgt, %add3A_263, %sign3A_266 : i32
    %sign3A_268 = arith.extui %sign3A_267 : i1 to i32
    %sign3A_269 = arith.constant 0 : i32
    %sign3A_270 = arith.cmpi slt, %add3A_263, %sign3A_269 : i32
    %sign3A_271 = arith.extui %sign3A_270 : i1 to i32
    %sign3A_272 = arith.subi %sign3A_268, %sign3A_271 : i32
    %sign3A_273 = arith.constant 0 : i32
    %sign3A_274 = arith.cmpi sgt, %jit3A_264, %sign3A_273 : i32
    %sign3A_275 = arith.extui %sign3A_274 : i1 to i32
    %sign3A_276 = arith.constant 0 : i32
    %sign3A_277 = arith.cmpi slt, %jit3A_264, %sign3A_276 : i32
    %sign3A_278 = arith.extui %sign3A_277 : i1 to i32
    %sign3A_279 = arith.subi %sign3A_275, %sign3A_278 : i32
    %ne3A_280 = arith.cmpi ne, %sign3A_272, %sign3A_279 : i32
    %rem3A_281 = arith.remsi %add3A_263, %jit3A_264 : i32
    %ne3A_282 = arith.constant 0 : i32
    %ne3A_283 = arith.cmpi ne, %rem3A_281, %ne3A_282 : i32
    %and3A_284 = arith.andi %ne3A_280, %ne3A_283 : i1
    %sub3A_285 = arith.constant 1 : i32
    %sub3A_286 = arith.subi %div3A_265, %sub3A_285 : i32
    %select_n3A_287 = arith.select %and3A_284, %sub3A_286, %div3A_265 : i32
    %rem3A_288 = arith.constant 128 : i32
    %rem3A_289 = arith.remsi %add3A_263, %rem3A_288 : i32
    %mul3A_290 = arith.constant 4 : i32
    %mul3A_291 = arith.muli %select_n3A_287, %mul3A_290 : i32
    %mul3A_292 = arith.constant 128 : i32
    %mul3A_293 = arith.muli %mul3A_291, %mul3A_292 : i32
    %add3A_294 = arith.constant 0 : i32
    %add3A_295 = arith.addi %mul3A_293, %add3A_294 : i32
    %add3A_296 = arith.addi %add3A_295, %rem3A_289 : i32
    %mul3A_297 = arith.constant 1024 : i32
    %mul3A_298 = arith.muli %add3A_296, %mul3A_297 : i32
    %multiple_of3A_299 = tpu.assume_multiple %mul3A_298, 8 : i32
    %dma_start3A_300 = arith.constant 0 : i32
    %dma_start3A_301 = arith.constant 0 : i32
    %dma_start3A_302 = tpu.memref_slice %arg7[%dma_start3A_300, %dma_start3A_301] : memref<2x16384xf32, #tpu.memory_space<vmem>> -> memref<1x16384xf32, #tpu.memory_space<vmem>>
    %dma_start3A_303 = tpu.memref_squeeze %dma_start3A_302 : memref<1x16384xf32, #tpu.memory_space<vmem>> -> memref<16384xf32, #tpu.memory_space<vmem>>
    %dma_start3A_304 = arith.constant 4096 : i32
    %dma_start3A_305 = tpu.memref_slice %dma_start3A_303[%dma_start3A_304] : memref<16384xf32, #tpu.memory_space<vmem>> -> memref<1024xf32, #tpu.memory_space<vmem>>
    %dma_start3A_306 = tpu.memref_slice %arg4[%multiple_of3A_299] : memref<26214400xf32, #tpu.memory_space<hbm>> -> memref<1024xf32, #tpu.memory_space<hbm>>
    %dma_start3A_307 = tpu.memref_slice %arg4[%multiple_of3A_299] : memref<26214400xf32, #tpu.memory_space<hbm>> -> memref<1024xf32, #tpu.memory_space<hbm>>
    %dma_start3A_308 = arith.constant 0 : i32
    %dma_start3A_309 = tpu.memref_slice %arg7[%dma_start3A_300, %dma_start3A_308] : memref<2x16384xf32, #tpu.memory_space<vmem>> -> memref<1x16384xf32, #tpu.memory_space<vmem>>
    %dma_start3A_310 = tpu.memref_squeeze %dma_start3A_309 : memref<1x16384xf32, #tpu.memory_space<vmem>> -> memref<16384xf32, #tpu.memory_space<vmem>>
    %dma_start3A_311 = arith.constant 4096 : i32
    %dma_start3A_312 = tpu.memref_slice %dma_start3A_310[%dma_start3A_311] : memref<16384xf32, #tpu.memory_space<vmem>> -> memref<1024xf32, #tpu.memory_space<vmem>>
    tpu.enqueue_dma source(%dma_start3A_312 : memref<1024xf32, #tpu.memory_space<vmem>>) target(%dma_start3A_307 : memref<1024xf32, #tpu.memory_space<hbm>>) target_semaphore(%arg10 : memref<!tpu.dma_semaphore, #tpu.memory_space<semaphore_mem>>)
    %mul3A_313 = arith.constant 4 : i32
    %mul3A_314 = arith.muli %select_n3A_287, %mul3A_313 : i32
    %mul3A_315 = arith.constant 128 : i32
    %mul3A_316 = arith.muli %mul3A_314, %mul3A_315 : i32
    %add3A_317 = arith.constant 128 : i32
    %add3A_318 = arith.addi %mul3A_316, %add3A_317 : i32
    %add3A_319 = arith.addi %add3A_318, %rem3A_289 : i32
    %mul3A_320 = arith.constant 1024 : i32
    %mul3A_321 = arith.muli %add3A_319, %mul3A_320 : i32
    %multiple_of3A_322 = tpu.assume_multiple %mul3A_321, 8 : i32
    %dma_start3A_323 = arith.constant 0 : i32
    %dma_start3A_324 = arith.constant 0 : i32
    %dma_start3A_325 = tpu.memref_slice %arg7[%dma_start3A_323, %dma_start3A_324] : memref<2x16384xf32, #tpu.memory_space<vmem>> -> memref<1x16384xf32, #tpu.memory_space<vmem>>
    %dma_start3A_326 = tpu.memref_squeeze %dma_start3A_325 : memref<1x16384xf32, #tpu.memory_space<vmem>> -> memref<16384xf32, #tpu.memory_space<vmem>>
    %dma_start3A_327 = arith.constant 5120 : i32
    %dma_start3A_328 = tpu.memref_slice %dma_start3A_326[%dma_start3A_327] : memref<16384xf32, #tpu.memory_space<vmem>> -> memref<1024xf32, #tpu.memory_space<vmem>>
    %dma_start3A_329 = tpu.memref_slice %arg4[%multiple_of3A_322] : memref<26214400xf32, #tpu.memory_space<hbm>> -> memref<1024xf32, #tpu.memory_space<hbm>>
    %dma_start3A_330 = tpu.memref_slice %arg4[%multiple_of3A_322] : memref<26214400xf32, #tpu.memory_space<hbm>> -> memref<1024xf32, #tpu.memory_space<hbm>>
    %dma_start3A_331 = arith.constant 0 : i32
    %dma_start3A_332 = tpu.memref_slice %arg7[%dma_start3A_323, %dma_start3A_331] : memref<2x16384xf32, #tpu.memory_space<vmem>> -> memref<1x16384xf32, #tpu.memory_space<vmem>>
    %dma_start3A_333 = tpu.memref_squeeze %dma_start3A_332 : memref<1x16384xf32, #tpu.memory_space<vmem>> -> memref<16384xf32, #tpu.memory_space<vmem>>
    %dma_start3A_334 = arith.constant 5120 : i32
    %dma_start3A_335 = tpu.memref_slice %dma_start3A_333[%dma_start3A_334] : memref<16384xf32, #tpu.memory_space<vmem>> -> memref<1024xf32, #tpu.memory_space<vmem>>
    tpu.enqueue_dma source(%dma_start3A_335 : memref<1024xf32, #tpu.memory_space<vmem>>) target(%dma_start3A_330 : memref<1024xf32, #tpu.memory_space<hbm>>) target_semaphore(%arg10 : memref<!tpu.dma_semaphore, #tpu.memory_space<semaphore_mem>>)
    %mul3A_336 = arith.constant 4 : i32
    %mul3A_337 = arith.muli %select_n3A_287, %mul3A_336 : i32
    %mul3A_338 = arith.constant 128 : i32
    %mul3A_339 = arith.muli %mul3A_337, %mul3A_338 : i32
    %add3A_340 = arith.constant 256 : i32
    %add3A_341 = arith.addi %mul3A_339, %add3A_340 : i32
    %add3A_342 = arith.addi %add3A_341, %rem3A_289 : i32
    %mul3A_343 = arith.constant 1024 : i32
    %mul3A_344 = arith.muli %add3A_342, %mul3A_343 : i32
    %multiple_of3A_345 = tpu.assume_multiple %mul3A_344, 8 : i32
    %dma_start3A_346 = arith.constant 0 : i32
    %dma_start3A_347 = arith.constant 0 : i32
    %dma_start3A_348 = tpu.memref_slice %arg7[%dma_start3A_346, %dma_start3A_347] : memref<2x16384xf32, #tpu.memory_space<vmem>> -> memref<1x16384xf32, #tpu.memory_space<vmem>>
    %dma_start3A_349 = tpu.memref_squeeze %dma_start3A_348 : memref<1x16384xf32, #tpu.memory_space<vmem>> -> memref<16384xf32, #tpu.memory_space<vmem>>
    %dma_start3A_350 = arith.constant 6144 : i32
    %dma_start3A_351 = tpu.memref_slice %dma_start3A_349[%dma_start3A_350] : memref<16384xf32, #tpu.memory_space<vmem>> -> memref<1024xf32, #tpu.memory_space<vmem>>
    %dma_start3A_352 = tpu.memref_slice %arg4[%multiple_of3A_345] : memref<26214400xf32, #tpu.memory_space<hbm>> -> memref<1024xf32, #tpu.memory_space<hbm>>
    %dma_start3A_353 = tpu.memref_slice %arg4[%multiple_of3A_345] : memref<26214400xf32, #tpu.memory_space<hbm>> -> memref<1024xf32, #tpu.memory_space<hbm>>
    %dma_start3A_354 = arith.constant 0 : i32
    %dma_start3A_355 = tpu.memref_slice %arg7[%dma_start3A_346, %dma_start3A_354] : memref<2x16384xf32, #tpu.memory_space<vmem>> -> memref<1x16384xf32, #tpu.memory_space<vmem>>
    %dma_start3A_356 = tpu.memref_squeeze %dma_start3A_355 : memref<1x16384xf32, #tpu.memory_space<vmem>> -> memref<16384xf32, #tpu.memory_space<vmem>>
    %dma_start3A_357 = arith.constant 6144 : i32
    %dma_start3A_358 = tpu.memref_slice %dma_start3A_356[%dma_start3A_357] : memref<16384xf32, #tpu.memory_space<vmem>> -> memref<1024xf32, #tpu.memory_space<vmem>>
    tpu.enqueue_dma source(%dma_start3A_358 : memref<1024xf32, #tpu.memory_space<vmem>>) target(%dma_start3A_353 : memref<1024xf32, #tpu.memory_space<hbm>>) target_semaphore(%arg10 : memref<!tpu.dma_semaphore, #tpu.memory_space<semaphore_mem>>)
    %mul3A_359 = arith.constant 4 : i32
    %mul3A_360 = arith.muli %select_n3A_287, %mul3A_359 : i32
    %mul3A_361 = arith.constant 128 : i32
    %mul3A_362 = arith.muli %mul3A_360, %mul3A_361 : i32
    %add3A_363 = arith.constant 384 : i32
    %add3A_364 = arith.addi %mul3A_362, %add3A_363 : i32
    %add3A_365 = arith.addi %add3A_364, %rem3A_289 : i32
    %mul3A_366 = arith.constant 1024 : i32
    %mul3A_367 = arith.muli %add3A_365, %mul3A_366 : i32
    %multiple_of3A_368 = tpu.assume_multiple %mul3A_367, 8 : i32
    %dma_start3A_369 = arith.constant 0 : i32
    %dma_start3A_370 = arith.constant 0 : i32
    %dma_start3A_371 = tpu.memref_slice %arg7[%dma_start3A_369, %dma_start3A_370] : memref<2x16384xf32, #tpu.memory_space<vmem>> -> memref<1x16384xf32, #tpu.memory_space<vmem>>
    %dma_start3A_372 = tpu.memref_squeeze %dma_start3A_371 : memref<1x16384xf32, #tpu.memory_space<vmem>> -> memref<16384xf32, #tpu.memory_space<vmem>>
    %dma_start3A_373 = arith.constant 7168 : i32
    %dma_start3A_374 = tpu.memref_slice %dma_start3A_372[%dma_start3A_373] : memref<16384xf32, #tpu.memory_space<vmem>> -> memref<1024xf32, #tpu.memory_space<vmem>>
    %dma_start3A_375 = tpu.memref_slice %arg4[%multiple_of3A_368] : memref<26214400xf32, #tpu.memory_space<hbm>> -> memref<1024xf32, #tpu.memory_space<hbm>>
    %dma_start3A_376 = tpu.memref_slice %arg4[%multiple_of3A_368] : memref<26214400xf32, #tpu.memory_space<hbm>> -> memref<1024xf32, #tpu.memory_space<hbm>>
    %dma_start3A_377 = arith.constant 0 : i32
    %dma_start3A_378 = tpu.memref_slice %arg7[%dma_start3A_369, %dma_start3A_377] : memref<2x16384xf32, #tpu.memory_space<vmem>> -> memref<1x16384xf32, #tpu.memory_space<vmem>>
    %dma_start3A_379 = tpu.memref_squeeze %dma_start3A_378 : memref<1x16384xf32, #tpu.memory_space<vmem>> -> memref<16384xf32, #tpu.memory_space<vmem>>
    %dma_start3A_380 = arith.constant 7168 : i32
    %dma_start3A_381 = tpu.memref_slice %dma_start3A_379[%dma_start3A_380] : memref<16384xf32, #tpu.memory_space<vmem>> -> memref<1024xf32, #tpu.memory_space<vmem>>
    tpu.enqueue_dma source(%dma_start3A_381 : memref<1024xf32, #tpu.memory_space<vmem>>) target(%dma_start3A_376 : memref<1024xf32, #tpu.memory_space<hbm>>) target_semaphore(%arg10 : memref<!tpu.dma_semaphore, #tpu.memory_space<semaphore_mem>>)
    %mul3A_382 = arith.constant 200 : i32
    %mul3A_383 = arith.muli %add3A, %mul3A_382 : i32
    %add3A_384 = arith.constant 0 : i32
    %add3A_385 = arith.addi %mul3A_383, %add3A_384 : i32
    %add3A_386 = arith.constant 2 : i32
    %add3A_387 = arith.addi %add3A_385, %add3A_386 : i32
    %jit3A_388 = arith.constant 128 : i32
    %div3A_389 = arith.divsi %add3A_387, %jit3A_388 : i32
    %sign3A_390 = arith.constant 0 : i32
    %sign3A_391 = arith.cmpi sgt, %add3A_387, %sign3A_390 : i32
    %sign3A_392 = arith.extui %sign3A_391 : i1 to i32
    %sign3A_393 = arith.constant 0 : i32
    %sign3A_394 = arith.cmpi slt, %add3A_387, %sign3A_393 : i32
    %sign3A_395 = arith.extui %sign3A_394 : i1 to i32
    %sign3A_396 = arith.subi %sign3A_392, %sign3A_395 : i32
    %sign3A_397 = arith.constant 0 : i32
    %sign3A_398 = arith.cmpi sgt, %jit3A_388, %sign3A_397 : i32
    %sign3A_399 = arith.extui %sign3A_398 : i1 to i32
    %sign3A_400 = arith.constant 0 : i32
    %sign3A_401 = arith.cmpi slt, %jit3A_388, %sign3A_400 : i32
    %sign3A_402 = arith.extui %sign3A_401 : i1 to i32
    %sign3A_403 = arith.subi %sign3A_399, %sign3A_402 : i32
    %ne3A_404 = arith.cmpi ne, %sign3A_396, %sign3A_403 : i32
    %rem3A_405 = arith.remsi %add3A_387, %jit3A_388 : i32
    %ne3A_406 = arith.constant 0 : i32
    %ne3A_407 = arith.cmpi ne, %rem3A_405, %ne3A_406 : i32
    %and3A_408 = arith.andi %ne3A_404, %ne3A_407 : i1
    %sub3A_409 = arith.constant 1 : i32
    %sub3A_410 = arith.subi %div3A_389, %sub3A_409 : i32
    %select_n3A_411 = arith.select %and3A_408, %sub3A_410, %div3A_389 : i32
    %rem3A_412 = arith.constant 128 : i32
    %rem3A_413 = arith.remsi %add3A_387, %rem3A_412 : i32
    %mul3A_414 = arith.constant 4 : i32
    %mul3A_415 = arith.muli %select_n3A_411, %mul3A_414 : i32
    %mul3A_416 = arith.constant 128 : i32
    %mul3A_417 = arith.muli %mul3A_415, %mul3A_416 : i32
    %add3A_418 = arith.constant 0 : i32
    %add3A_419 = arith.addi %mul3A_417, %add3A_418 : i32
    %add3A_420 = arith.addi %add3A_419, %rem3A_413 : i32
    %mul3A_421 = arith.constant 1024 : i32
    %mul3A_422 = arith.muli %add3A_420, %mul3A_421 : i32
    %multiple_of3A_423 = tpu.assume_multiple %mul3A_422, 8 : i32
    %dma_start3A_424 = arith.constant 0 : i32
    %dma_start3A_425 = arith.constant 0 : i32
    %dma_start3A_426 = tpu.memref_slice %arg7[%dma_start3A_424, %dma_start3A_425] : memref<2x16384xf32, #tpu.memory_space<vmem>> -> memref<1x16384xf32, #tpu.memory_space<vmem>>
    %dma_start3A_427 = tpu.memref_squeeze %dma_start3A_426 : memref<1x16384xf32, #tpu.memory_space<vmem>> -> memref<16384xf32, #tpu.memory_space<vmem>>
    %dma_start3A_428 = arith.constant 8192 : i32
    %dma_start3A_429 = tpu.memref_slice %dma_start3A_427[%dma_start3A_428] : memref<16384xf32, #tpu.memory_space<vmem>> -> memref<1024xf32, #tpu.memory_space<vmem>>
    %dma_start3A_430 = tpu.memref_slice %arg4[%multiple_of3A_423] : memref<26214400xf32, #tpu.memory_space<hbm>> -> memref<1024xf32, #tpu.memory_space<hbm>>
    %dma_start3A_431 = tpu.memref_slice %arg4[%multiple_of3A_423] : memref<26214400xf32, #tpu.memory_space<hbm>> -> memref<1024xf32, #tpu.memory_space<hbm>>
    %dma_start3A_432 = arith.constant 0 : i32
    %dma_start3A_433 = tpu.memref_slice %arg7[%dma_start3A_424, %dma_start3A_432] : memref<2x16384xf32, #tpu.memory_space<vmem>> -> memref<1x16384xf32, #tpu.memory_space<vmem>>
    %dma_start3A_434 = tpu.memref_squeeze %dma_start3A_433 : memref<1x16384xf32, #tpu.memory_space<vmem>> -> memref<16384xf32, #tpu.memory_space<vmem>>
    %dma_start3A_435 = arith.constant 8192 : i32
    %dma_start3A_436 = tpu.memref_slice %dma_start3A_434[%dma_start3A_435] : memref<16384xf32, #tpu.memory_space<vmem>> -> memref<1024xf32, #tpu.memory_space<vmem>>
    tpu.enqueue_dma source(%dma_start3A_436 : memref<1024xf32, #tpu.memory_space<vmem>>) target(%dma_start3A_431 : memref<1024xf32, #tpu.memory_space<hbm>>) target_semaphore(%arg10 : memref<!tpu.dma_semaphore, #tpu.memory_space<semaphore_mem>>)
    %mul3A_437 = arith.constant 4 : i32
    %mul3A_438 = arith.muli %select_n3A_411, %mul3A_437 : i32
    %mul3A_439 = arith.constant 128 : i32
    %mul3A_440 = arith.muli %mul3A_438, %mul3A_439 : i32
    %add3A_441 = arith.constant 128 : i32
    %add3A_442 = arith.addi %mul3A_440, %add3A_441 : i32
    %add3A_443 = arith.addi %add3A_442, %rem3A_413 : i32
    %mul3A_444 = arith.constant 1024 : i32
    %mul3A_445 = arith.muli %add3A_443, %mul3A_444 : i32
    %multiple_of3A_446 = tpu.assume_multiple %mul3A_445, 8 : i32
    %dma_start3A_447 = arith.constant 0 : i32
    %dma_start3A_448 = arith.constant 0 : i32
    %dma_start3A_449 = tpu.memref_slice %arg7[%dma_start3A_447, %dma_start3A_448] : memref<2x16384xf32, #tpu.memory_space<vmem>> -> memref<1x16384xf32, #tpu.memory_space<vmem>>
    %dma_start3A_450 = tpu.memref_squeeze %dma_start3A_449 : memref<1x16384xf32, #tpu.memory_space<vmem>> -> memref<16384xf32, #tpu.memory_space<vmem>>
    %dma_start3A_451 = arith.constant 9216 : i32
    %dma_start3A_452 = tpu.memref_slice %dma_start3A_450[%dma_start3A_451] : memref<16384xf32, #tpu.memory_space<vmem>> -> memref<1024xf32, #tpu.memory_space<vmem>>
    %dma_start3A_453 = tpu.memref_slice %arg4[%multiple_of3A_446] : memref<26214400xf32, #tpu.memory_space<hbm>> -> memref<1024xf32, #tpu.memory_space<hbm>>
    %dma_start3A_454 = tpu.memref_slice %arg4[%multiple_of3A_446] : memref<26214400xf32, #tpu.memory_space<hbm>> -> memref<1024xf32, #tpu.memory_space<hbm>>
    %dma_start3A_455 = arith.constant 0 : i32
    %dma_start3A_456 = tpu.memref_slice %arg7[%dma_start3A_447, %dma_start3A_455] : memref<2x16384xf32, #tpu.memory_space<vmem>> -> memref<1x16384xf32, #tpu.memory_space<vmem>>
    %dma_start3A_457 = tpu.memref_squeeze %dma_start3A_456 : memref<1x16384xf32, #tpu.memory_space<vmem>> -> memref<16384xf32, #tpu.memory_space<vmem>>
    %dma_start3A_458 = arith.constant 9216 : i32
    %dma_start3A_459 = tpu.memref_slice %dma_start3A_457[%dma_start3A_458] : memref<16384xf32, #tpu.memory_space<vmem>> -> memref<1024xf32, #tpu.memory_space<vmem>>
    tpu.enqueue_dma source(%dma_start3A_459 : memref<1024xf32, #tpu.memory_space<vmem>>) target(%dma_start3A_454 : memref<1024xf32, #tpu.memory_space<hbm>>) target_semaphore(%arg10 : memref<!tpu.dma_semaphore, #tpu.memory_space<semaphore_mem>>)
    %mul3A_460 = arith.constant 4 : i32
    %mul3A_461 = arith.muli %select_n3A_411, %mul3A_460 : i32
    %mul3A_462 = arith.constant 128 : i32
    %mul3A_463 = arith.muli %mul3A_461, %mul3A_462 : i32
    %add3A_464 = arith.constant 256 : i32
    %add3A_465 = arith.addi %mul3A_463, %add3A_464 : i32
    %add3A_466 = arith.addi %add3A_465, %rem3A_413 : i32
    %mul3A_467 = arith.constant 1024 : i32
    %mul3A_468 = arith.muli %add3A_466, %mul3A_467 : i32
    %multiple_of3A_469 = tpu.assume_multiple %mul3A_468, 8 : i32
    %dma_start3A_470 = arith.constant 0 : i32
    %dma_start3A_471 = arith.constant 0 : i32
    %dma_start3A_472 = tpu.memref_slice %arg7[%dma_start3A_470, %dma_start3A_471] : memref<2x16384xf32, #tpu.memory_space<vmem>> -> memref<1x16384xf32, #tpu.memory_space<vmem>>
    %dma_start3A_473 = tpu.memref_squeeze %dma_start3A_472 : memref<1x16384xf32, #tpu.memory_space<vmem>> -> memref<16384xf32, #tpu.memory_space<vmem>>
    %dma_start3A_474 = arith.constant 10240 : i32
    %dma_start3A_475 = tpu.memref_slice %dma_start3A_473[%dma_start3A_474] : memref<16384xf32, #tpu.memory_space<vmem>> -> memref<1024xf32, #tpu.memory_space<vmem>>
    %dma_start3A_476 = tpu.memref_slice %arg4[%multiple_of3A_469] : memref<26214400xf32, #tpu.memory_space<hbm>> -> memref<1024xf32, #tpu.memory_space<hbm>>
    %dma_start3A_477 = tpu.memref_slice %arg4[%multiple_of3A_469] : memref<26214400xf32, #tpu.memory_space<hbm>> -> memref<1024xf32, #tpu.memory_space<hbm>>
    %dma_start3A_478 = arith.constant 0 : i32
    %dma_start3A_479 = tpu.memref_slice %arg7[%dma_start3A_470, %dma_start3A_478] : memref<2x16384xf32, #tpu.memory_space<vmem>> -> memref<1x16384xf32, #tpu.memory_space<vmem>>
    %dma_start3A_480 = tpu.memref_squeeze %dma_start3A_479 : memref<1x16384xf32, #tpu.memory_space<vmem>> -> memref<16384xf32, #tpu.memory_space<vmem>>
    %dma_start3A_481 = arith.constant 10240 : i32
    %dma_start3A_482 = tpu.memref_slice %dma_start3A_480[%dma_start3A_481] : memref<16384xf32, #tpu.memory_space<vmem>> -> memref<1024xf32, #tpu.memory_space<vmem>>
    tpu.enqueue_dma source(%dma_start3A_482 : memref<1024xf32, #tpu.memory_space<vmem>>) target(%dma_start3A_477 : memref<1024xf32, #tpu.memory_space<hbm>>) target_semaphore(%arg10 : memref<!tpu.dma_semaphore, #tpu.memory_space<semaphore_mem>>)
    %mul3A_483 = arith.constant 4 : i32
    %mul3A_484 = arith.muli %select_n3A_411, %mul3A_483 : i32
    %mul3A_485 = arith.constant 128 : i32
    %mul3A_486 = arith.muli %mul3A_484, %mul3A_485 : i32
    %add3A_487 = arith.constant 384 : i32
    %add3A_488 = arith.addi %mul3A_486, %add3A_487 : i32
    %add3A_489 = arith.addi %add3A_488, %rem3A_413 : i32
    %mul3A_490 = arith.constant 1024 : i32
    %mul3A_491 = arith.muli %add3A_489, %mul3A_490 : i32
    %multiple_of3A_492 = tpu.assume_multiple %mul3A_491, 8 : i32
    %dma_start3A_493 = arith.constant 0 : i32
    %dma_start3A_494 = arith.constant 0 : i32
    %dma_start3A_495 = tpu.memref_slice %arg7[%dma_start3A_493, %dma_start3A_494] : memref<2x16384xf32, #tpu.memory_space<vmem>> -> memref<1x16384xf32, #tpu.memory_space<vmem>>
    %dma_start3A_496 = tpu.memref_squeeze %dma_start3A_495 : memref<1x16384xf32, #tpu.memory_space<vmem>> -> memref<16384xf32, #tpu.memory_space<vmem>>
    %dma_start3A_497 = arith.constant 11264 : i32
    %dma_start3A_498 = tpu.memref_slice %dma_start3A_496[%dma_start3A_497] : memref<16384xf32, #tpu.memory_space<vmem>> -> memref<1024xf32, #tpu.memory_space<vmem>>
    %dma_start3A_499 = tpu.memref_slice %arg4[%multiple_of3A_492] : memref<26214400xf32, #tpu.memory_space<hbm>> -> memref<1024xf32, #tpu.memory_space<hbm>>
    %dma_start3A_500 = tpu.memref_slice %arg4[%multiple_of3A_492] : memref<26214400xf32, #tpu.memory_space<hbm>> -> memref<1024xf32, #tpu.memory_space<hbm>>
    %dma_start3A_501 = arith.constant 0 : i32
    %dma_start3A_502 = tpu.memref_slice %arg7[%dma_start3A_493, %dma_start3A_501] : memref<2x16384xf32, #tpu.memory_space<vmem>> -> memref<1x16384xf32, #tpu.memory_space<vmem>>
    %dma_start3A_503 = tpu.memref_squeeze %dma_start3A_502 : memref<1x16384xf32, #tpu.memory_space<vmem>> -> memref<16384xf32, #tpu.memory_space<vmem>>
    %dma_start3A_504 = arith.constant 11264 : i32
    %dma_start3A_505 = tpu.memref_slice %dma_start3A_503[%dma_start3A_504] : memref<16384xf32, #tpu.memory_space<vmem>> -> memref<1024xf32, #tpu.memory_space<vmem>>
    tpu.enqueue_dma source(%dma_start3A_505 : memref<1024xf32, #tpu.memory_space<vmem>>) target(%dma_start3A_500 : memref<1024xf32, #tpu.memory_space<hbm>>) target_semaphore(%arg10 : memref<!tpu.dma_semaphore, #tpu.memory_space<semaphore_mem>>)
    %mul3A_506 = arith.constant 200 : i32
    %mul3A_507 = arith.muli %add3A, %mul3A_506 : i32
    %add3A_508 = arith.constant 0 : i32
    %add3A_509 = arith.addi %mul3A_507, %add3A_508 : i32
    %add3A_510 = arith.constant 3 : i32
    %add3A_511 = arith.addi %add3A_509, %add3A_510 : i32
    %jit3A_512 = arith.constant 128 : i32
    %div3A_513 = arith.divsi %add3A_511, %jit3A_512 : i32
    %sign3A_514 = arith.constant 0 : i32
    %sign3A_515 = arith.cmpi sgt, %add3A_511, %sign3A_514 : i32
    %sign3A_516 = arith.extui %sign3A_515 : i1 to i32
    %sign3A_517 = arith.constant 0 : i32
    %sign3A_518 = arith.cmpi slt, %add3A_511, %sign3A_517 : i32
    %sign3A_519 = arith.extui %sign3A_518 : i1 to i32
    %sign3A_520 = arith.subi %sign3A_516, %sign3A_519 : i32
    %sign3A_521 = arith.constant 0 : i32
    %sign3A_522 = arith.cmpi sgt, %jit3A_512, %sign3A_521 : i32
    %sign3A_523 = arith.extui %sign3A_522 : i1 to i32
    %sign3A_524 = arith.constant 0 : i32
    %sign3A_525 = arith.cmpi slt, %jit3A_512, %sign3A_524 : i32
    %sign3A_526 = arith.extui %sign3A_525 : i1 to i32
    %sign3A_527 = arith.subi %sign3A_523, %sign3A_526 : i32
    %ne3A_528 = arith.cmpi ne, %sign3A_520, %sign3A_527 : i32
    %rem3A_529 = arith.remsi %add3A_511, %jit3A_512 : i32
    %ne3A_530 = arith.constant 0 : i32
    %ne3A_531 = arith.cmpi ne, %rem3A_529, %ne3A_530 : i32
    %and3A_532 = arith.andi %ne3A_528, %ne3A_531 : i1
    %sub3A_533 = arith.constant 1 : i32
    %sub3A_534 = arith.subi %div3A_513, %sub3A_533 : i32
    %select_n3A_535 = arith.select %and3A_532, %sub3A_534, %div3A_513 : i32
    %rem3A_536 = arith.constant 128 : i32
    %rem3A_537 = arith.remsi %add3A_511, %rem3A_536 : i32
    %mul3A_538 = arith.constant 4 : i32
    %mul3A_539 = arith.muli %select_n3A_535, %mul3A_538 : i32
    %mul3A_540 = arith.constant 128 : i32
    %mul3A_541 = arith.muli %mul3A_539, %mul3A_540 : i32
    %add3A_542 = arith.constant 0 : i32
    %add3A_543 = arith.addi %mul3A_541, %add3A_542 : i32
    %add3A_544 = arith.addi %add3A_543, %rem3A_537 : i32
    %mul3A_545 = arith.constant 1024 : i32
    %mul3A_546 = arith.muli %add3A_544, %mul3A_545 : i32
    %multiple_of3A_547 = tpu.assume_multiple %mul3A_546, 8 : i32
    %dma_start3A_548 = arith.constant 0 : i32
    %dma_start3A_549 = arith.constant 0 : i32
    %dma_start3A_550 = tpu.memref_slice %arg7[%dma_start3A_548, %dma_start3A_549] : memref<2x16384xf32, #tpu.memory_space<vmem>> -> memref<1x16384xf32, #tpu.memory_space<vmem>>
    %dma_start3A_551 = tpu.memref_squeeze %dma_start3A_550 : memref<1x16384xf32, #tpu.memory_space<vmem>> -> memref<16384xf32, #tpu.memory_space<vmem>>
    %dma_start3A_552 = arith.constant 12288 : i32
    %dma_start3A_553 = tpu.memref_slice %dma_start3A_551[%dma_start3A_552] : memref<16384xf32, #tpu.memory_space<vmem>> -> memref<1024xf32, #tpu.memory_space<vmem>>
    %dma_start3A_554 = tpu.memref_slice %arg4[%multiple_of3A_547] : memref<26214400xf32, #tpu.memory_space<hbm>> -> memref<1024xf32, #tpu.memory_space<hbm>>
    %dma_start3A_555 = tpu.memref_slice %arg4[%multiple_of3A_547] : memref<26214400xf32, #tpu.memory_space<hbm>> -> memref<1024xf32, #tpu.memory_space<hbm>>
    %dma_start3A_556 = arith.constant 0 : i32
    %dma_start3A_557 = tpu.memref_slice %arg7[%dma_start3A_548, %dma_start3A_556] : memref<2x16384xf32, #tpu.memory_space<vmem>> -> memref<1x16384xf32, #tpu.memory_space<vmem>>
    %dma_start3A_558 = tpu.memref_squeeze %dma_start3A_557 : memref<1x16384xf32, #tpu.memory_space<vmem>> -> memref<16384xf32, #tpu.memory_space<vmem>>
    %dma_start3A_559 = arith.constant 12288 : i32
    %dma_start3A_560 = tpu.memref_slice %dma_start3A_558[%dma_start3A_559] : memref<16384xf32, #tpu.memory_space<vmem>> -> memref<1024xf32, #tpu.memory_space<vmem>>
    tpu.enqueue_dma source(%dma_start3A_560 : memref<1024xf32, #tpu.memory_space<vmem>>) target(%dma_start3A_555 : memref<1024xf32, #tpu.memory_space<hbm>>) target_semaphore(%arg10 : memref<!tpu.dma_semaphore, #tpu.memory_space<semaphore_mem>>)
    %mul3A_561 = arith.constant 4 : i32
    %mul3A_562 = arith.muli %select_n3A_535, %mul3A_561 : i32
    %mul3A_563 = arith.constant 128 : i32
    %mul3A_564 = arith.muli %mul3A_562, %mul3A_563 : i32
    %add3A_565 = arith.constant 128 : i32
    %add3A_566 = arith.addi %mul3A_564, %add3A_565 : i32
    %add3A_567 = arith.addi %add3A_566, %rem3A_537 : i32
    %mul3A_568 = arith.constant 1024 : i32
    %mul3A_569 = arith.muli %add3A_567, %mul3A_568 : i32
    %multiple_of3A_570 = tpu.assume_multiple %mul3A_569, 8 : i32
    %dma_start3A_571 = arith.constant 0 : i32
    %dma_start3A_572 = arith.constant 0 : i32
    %dma_start3A_573 = tpu.memref_slice %arg7[%dma_start3A_571, %dma_start3A_572] : memref<2x16384xf32, #tpu.memory_space<vmem>> -> memref<1x16384xf32, #tpu.memory_space<vmem>>
    %dma_start3A_574 = tpu.memref_squeeze %dma_start3A_573 : memref<1x16384xf32, #tpu.memory_space<vmem>> -> memref<16384xf32, #tpu.memory_space<vmem>>
    %dma_start3A_575 = arith.constant 13312 : i32
    %dma_start3A_576 = tpu.memref_slice %dma_start3A_574[%dma_start3A_575] : memref<16384xf32, #tpu.memory_space<vmem>> -> memref<1024xf32, #tpu.memory_space<vmem>>
    %dma_start3A_577 = tpu.memref_slice %arg4[%multiple_of3A_570] : memref<26214400xf32, #tpu.memory_space<hbm>> -> memref<1024xf32, #tpu.memory_space<hbm>>
    %dma_start3A_578 = tpu.memref_slice %arg4[%multiple_of3A_570] : memref<26214400xf32, #tpu.memory_space<hbm>> -> memref<1024xf32, #tpu.memory_space<hbm>>
    %dma_start3A_579 = arith.constant 0 : i32
    %dma_start3A_580 = tpu.memref_slice %arg7[%dma_start3A_571, %dma_start3A_579] : memref<2x16384xf32, #tpu.memory_space<vmem>> -> memref<1x16384xf32, #tpu.memory_space<vmem>>
    %dma_start3A_581 = tpu.memref_squeeze %dma_start3A_580 : memref<1x16384xf32, #tpu.memory_space<vmem>> -> memref<16384xf32, #tpu.memory_space<vmem>>
    %dma_start3A_582 = arith.constant 13312 : i32
    %dma_start3A_583 = tpu.memref_slice %dma_start3A_581[%dma_start3A_582] : memref<16384xf32, #tpu.memory_space<vmem>> -> memref<1024xf32, #tpu.memory_space<vmem>>
    tpu.enqueue_dma source(%dma_start3A_583 : memref<1024xf32, #tpu.memory_space<vmem>>) target(%dma_start3A_578 : memref<1024xf32, #tpu.memory_space<hbm>>) target_semaphore(%arg10 : memref<!tpu.dma_semaphore, #tpu.memory_space<semaphore_mem>>)
    %mul3A_584 = arith.constant 4 : i32
    %mul3A_585 = arith.muli %select_n3A_535, %mul3A_584 : i32
    %mul3A_586 = arith.constant 128 : i32
    %mul3A_587 = arith.muli %mul3A_585, %mul3A_586 : i32
    %add3A_588 = arith.constant 256 : i32
    %add3A_589 = arith.addi %mul3A_587, %add3A_588 : i32
    %add3A_590 = arith.addi %add3A_589, %rem3A_537 : i32
    %mul3A_591 = arith.constant 1024 : i32
    %mul3A_592 = arith.muli %add3A_590, %mul3A_591 : i32
    %multiple_of3A_593 = tpu.assume_multiple %mul3A_592, 8 : i32
    %dma_start3A_594 = arith.constant 0 : i32
    %dma_start3A_595 = arith.constant 0 : i32
    %dma_start3A_596 = tpu.memref_slice %arg7[%dma_start3A_594, %dma_start3A_595] : memref<2x16384xf32, #tpu.memory_space<vmem>> -> memref<1x16384xf32, #tpu.memory_space<vmem>>
    %dma_start3A_597 = tpu.memref_squeeze %dma_start3A_596 : memref<1x16384xf32, #tpu.memory_space<vmem>> -> memref<16384xf32, #tpu.memory_space<vmem>>
    %dma_start3A_598 = arith.constant 14336 : i32
    %dma_start3A_599 = tpu.memref_slice %dma_start3A_597[%dma_start3A_598] : memref<16384xf32, #tpu.memory_space<vmem>> -> memref<1024xf32, #tpu.memory_space<vmem>>
    %dma_start3A_600 = tpu.memref_slice %arg4[%multiple_of3A_593] : memref<26214400xf32, #tpu.memory_space<hbm>> -> memref<1024xf32, #tpu.memory_space<hbm>>
    %dma_start3A_601 = tpu.memref_slice %arg4[%multiple_of3A_593] : memref<26214400xf32, #tpu.memory_space<hbm>> -> memref<1024xf32, #tpu.memory_space<hbm>>
    %dma_start3A_602 = arith.constant 0 : i32
    %dma_start3A_603 = tpu.memref_slice %arg7[%dma_start3A_594, %dma_start3A_602] : memref<2x16384xf32, #tpu.memory_space<vmem>> -> memref<1x16384xf32, #tpu.memory_space<vmem>>
    %dma_start3A_604 = tpu.memref_squeeze %dma_start3A_603 : memref<1x16384xf32, #tpu.memory_space<vmem>> -> memref<16384xf32, #tpu.memory_space<vmem>>
    %dma_start3A_605 = arith.constant 14336 : i32
    %dma_start3A_606 = tpu.memref_slice %dma_start3A_604[%dma_start3A_605] : memref<16384xf32, #tpu.memory_space<vmem>> -> memref<1024xf32, #tpu.memory_space<vmem>>
    tpu.enqueue_dma source(%dma_start3A_606 : memref<1024xf32, #tpu.memory_space<vmem>>) target(%dma_start3A_601 : memref<1024xf32, #tpu.memory_space<hbm>>) target_semaphore(%arg10 : memref<!tpu.dma_semaphore, #tpu.memory_space<semaphore_mem>>)
    %mul3A_607 = arith.constant 4 : i32
    %mul3A_608 = arith.muli %select_n3A_535, %mul3A_607 : i32
    %mul3A_609 = arith.constant 128 : i32
    %mul3A_610 = arith.muli %mul3A_608, %mul3A_609 : i32
    %add3A_611 = arith.constant 384 : i32
    %add3A_612 = arith.addi %mul3A_610, %add3A_611 : i32
    %add3A_613 = arith.addi %add3A_612, %rem3A_537 : i32
    %mul3A_614 = arith.constant 1024 : i32
    %mul3A_615 = arith.muli %add3A_613, %mul3A_614 : i32
    %multiple_of3A_616 = tpu.assume_multiple %mul3A_615, 8 : i32
    %dma_start3A_617 = arith.constant 0 : i32
    %dma_start3A_618 = arith.constant 0 : i32
    %dma_start3A_619 = tpu.memref_slice %arg7[%dma_start3A_617, %dma_start3A_618] : memref<2x16384xf32, #tpu.memory_space<vmem>> -> memref<1x16384xf32, #tpu.memory_space<vmem>>
    %dma_start3A_620 = tpu.memref_squeeze %dma_start3A_619 : memref<1x16384xf32, #tpu.memory_space<vmem>> -> memref<16384xf32, #tpu.memory_space<vmem>>
    %dma_start3A_621 = arith.constant 15360 : i32
    %dma_start3A_622 = tpu.memref_slice %dma_start3A_620[%dma_start3A_621] : memref<16384xf32, #tpu.memory_space<vmem>> -> memref<1024xf32, #tpu.memory_space<vmem>>
    %dma_start3A_623 = tpu.memref_slice %arg4[%multiple_of3A_616] : memref<26214400xf32, #tpu.memory_space<hbm>> -> memref<1024xf32, #tpu.memory_space<hbm>>
    %dma_start3A_624 = tpu.memref_slice %arg4[%multiple_of3A_616] : memref<26214400xf32, #tpu.memory_space<hbm>> -> memref<1024xf32, #tpu.memory_space<hbm>>
    %dma_start3A_625 = arith.constant 0 : i32
    %dma_start3A_626 = tpu.memref_slice %arg7[%dma_start3A_617, %dma_start3A_625] : memref<2x16384xf32, #tpu.memory_space<vmem>> -> memref<1x16384xf32, #tpu.memory_space<vmem>>
    %dma_start3A_627 = tpu.memref_squeeze %dma_start3A_626 : memref<1x16384xf32, #tpu.memory_space<vmem>> -> memref<16384xf32, #tpu.memory_space<vmem>>
    %dma_start3A_628 = arith.constant 15360 : i32
    %dma_start3A_629 = tpu.memref_slice %dma_start3A_627[%dma_start3A_628] : memref<16384xf32, #tpu.memory_space<vmem>> -> memref<1024xf32, #tpu.memory_space<vmem>>
    tpu.enqueue_dma source(%dma_start3A_629 : memref<1024xf32, #tpu.memory_space<vmem>>) target(%dma_start3A_624 : memref<1024xf32, #tpu.memory_space<hbm>>) target_semaphore(%arg10 : memref<!tpu.dma_semaphore, #tpu.memory_space<semaphore_mem>>)
    %dma_start3A_630 = arith.constant 8 : i32
    %dma_start3A_631 = arith.constant 0 : i32
    %dma_start3A_632 = arith.constant 0 : i32
    %dma_start3A_633 = arith.constant 0 : i32
    %dma_start3A_634 = tpu.memref_slice %arg6[%dma_start3A_631, %dma_start3A_632, %dma_start3A_633] : memref<2x512x32xf32, #tpu.memory_space<vmem>> -> memref<1x512x32xf32, #tpu.memory_space<vmem>>
    %dma_start3A_635 = tpu.memref_squeeze %dma_start3A_634 : memref<1x512x32xf32, #tpu.memory_space<vmem>> -> memref<512x32xf32, #tpu.memory_space<vmem>>
    %dma_start3A_636 = arith.constant 0 : i32
    %dma_start3A_637 = arith.constant 0 : i32
    %dma_start3A_638 = tpu.memref_slice %dma_start3A_635[%dma_start3A_636, %dma_start3A_637] : memref<512x32xf32, #tpu.memory_space<vmem>> -> memref<128x32xf32, #tpu.memory_space<vmem>>
    %dma_start3A_639 = arith.constant 0 : i32
    %dma_start3A_640 = tpu.memref_slice %arg5[%dma_start3A_630, %dma_start3A_639] : memref<200x128xi32, #tpu.memory_space<vmem>> -> memref<1x128xi32, #tpu.memory_space<vmem>>
    %dma_start3A_641 = tpu.memref_squeeze %dma_start3A_640 : memref<1x128xi32, #tpu.memory_space<vmem>> -> memref<128xi32, #tpu.memory_space<vmem>>
    %dma_start3A_642 = arith.constant 0 : i32
    %dma_start3A_643 = arith.constant 0 : i32
    %dma_start3A_644 = tpu.memref_slice %arg2[%dma_start3A_642, %dma_start3A_643] : memref<1000000x32xf32, #tpu.memory_space<hbm>> -> memref<1000000x32xf32, #tpu.memory_space<hbm>>
    tpu.enqueue_indirect_dma source(%dma_start3A_644 : memref<1000000x32xf32, #tpu.memory_space<hbm>>) target(%dma_start3A_638 : memref<128x32xf32, #tpu.memory_space<vmem>>) offsets(%dma_start3A_641 : memref<128xi32, #tpu.memory_space<vmem>>) semaphore(%arg8 : memref<!tpu.dma_semaphore, #tpu.memory_space<semaphore_mem>>)
    %dma_start3A_645 = arith.constant 9 : i32
    %dma_start3A_646 = arith.constant 0 : i32
    %dma_start3A_647 = arith.constant 0 : i32
    %dma_start3A_648 = arith.constant 0 : i32
    %dma_start3A_649 = tpu.memref_slice %arg6[%dma_start3A_646, %dma_start3A_647, %dma_start3A_648] : memref<2x512x32xf32, #tpu.memory_space<vmem>> -> memref<1x512x32xf32, #tpu.memory_space<vmem>>
    %dma_start3A_650 = tpu.memref_squeeze %dma_start3A_649 : memref<1x512x32xf32, #tpu.memory_space<vmem>> -> memref<512x32xf32, #tpu.memory_space<vmem>>
    %dma_start3A_651 = arith.constant 128 : i32
    %dma_start3A_652 = arith.constant 0 : i32
    %dma_start3A_653 = tpu.memref_slice %dma_start3A_650[%dma_start3A_651, %dma_start3A_652] : memref<512x32xf32, #tpu.memory_space<vmem>> -> memref<128x32xf32, #tpu.memory_space<vmem>>
    %dma_start3A_654 = arith.constant 0 : i32
    %dma_start3A_655 = tpu.memref_slice %arg5[%dma_start3A_645, %dma_start3A_654] : memref<200x128xi32, #tpu.memory_space<vmem>> -> memref<1x128xi32, #tpu.memory_space<vmem>>
    %dma_start3A_656 = tpu.memref_squeeze %dma_start3A_655 : memref<1x128xi32, #tpu.memory_space<vmem>> -> memref<128xi32, #tpu.memory_space<vmem>>
    %dma_start3A_657 = arith.constant 0 : i32
    %dma_start3A_658 = arith.constant 0 : i32
    %dma_start3A_659 = tpu.memref_slice %arg2[%dma_start3A_657, %dma_start3A_658] : memref<1000000x32xf32, #tpu.memory_space<hbm>> -> memref<1000000x32xf32, #tpu.memory_space<hbm>>
    tpu.enqueue_indirect_dma source(%dma_start3A_659 : memref<1000000x32xf32, #tpu.memory_space<hbm>>) target(%dma_start3A_653 : memref<128x32xf32, #tpu.memory_space<vmem>>) offsets(%dma_start3A_656 : memref<128xi32, #tpu.memory_space<vmem>>) semaphore(%arg8 : memref<!tpu.dma_semaphore, #tpu.memory_space<semaphore_mem>>)
    %dma_start3A_660 = arith.constant 10 : i32
    %dma_start3A_661 = arith.constant 0 : i32
    %dma_start3A_662 = arith.constant 0 : i32
    %dma_start3A_663 = arith.constant 0 : i32
    %dma_start3A_664 = tpu.memref_slice %arg6[%dma_start3A_661, %dma_start3A_662, %dma_start3A_663] : memref<2x512x32xf32, #tpu.memory_space<vmem>> -> memref<1x512x32xf32, #tpu.memory_space<vmem>>
    %dma_start3A_665 = tpu.memref_squeeze %dma_start3A_664 : memref<1x512x32xf32, #tpu.memory_space<vmem>> -> memref<512x32xf32, #tpu.memory_space<vmem>>
    %dma_start3A_666 = arith.constant 256 : i32
    %dma_start3A_667 = arith.constant 0 : i32
    %dma_start3A_668 = tpu.memref_slice %dma_start3A_665[%dma_start3A_666, %dma_start3A_667] : memref<512x32xf32, #tpu.memory_space<vmem>> -> memref<128x32xf32, #tpu.memory_space<vmem>>
    %dma_start3A_669 = arith.constant 0 : i32
    %dma_start3A_670 = tpu.memref_slice %arg5[%dma_start3A_660, %dma_start3A_669] : memref<200x128xi32, #tpu.memory_space<vmem>> -> memref<1x128xi32, #tpu.memory_space<vmem>>
    %dma_start3A_671 = tpu.memref_squeeze %dma_start3A_670 : memref<1x128xi32, #tpu.memory_space<vmem>> -> memref<128xi32, #tpu.memory_space<vmem>>
    %dma_start3A_672 = arith.constant 0 : i32
    %dma_start3A_673 = arith.constant 0 : i32
    %dma_start3A_674 = tpu.memref_slice %arg2[%dma_start3A_672, %dma_start3A_673] : memref<1000000x32xf32, #tpu.memory_space<hbm>> -> memref<1000000x32xf32, #tpu.memory_space<hbm>>
    tpu.enqueue_indirect_dma source(%dma_start3A_674 : memref<1000000x32xf32, #tpu.memory_space<hbm>>) target(%dma_start3A_668 : memref<128x32xf32, #tpu.memory_space<vmem>>) offsets(%dma_start3A_671 : memref<128xi32, #tpu.memory_space<vmem>>) semaphore(%arg8 : memref<!tpu.dma_semaphore, #tpu.memory_space<semaphore_mem>>)
    %dma_start3A_675 = arith.constant 11 : i32
    %dma_start3A_676 = arith.constant 0 : i32
    %dma_start3A_677 = arith.constant 0 : i32
    %dma_start3A_678 = arith.constant 0 : i32
    %dma_start3A_679 = tpu.memref_slice %arg6[%dma_start3A_676, %dma_start3A_677, %dma_start3A_678] : memref<2x512x32xf32, #tpu.memory_space<vmem>> -> memref<1x512x32xf32, #tpu.memory_space<vmem>>
    %dma_start3A_680 = tpu.memref_squeeze %dma_start3A_679 : memref<1x512x32xf32, #tpu.memory_space<vmem>> -> memref<512x32xf32, #tpu.memory_space<vmem>>
    %dma_start3A_681 = arith.constant 384 : i32
    %dma_start3A_682 = arith.constant 0 : i32
    %dma_start3A_683 = tpu.memref_slice %dma_start3A_680[%dma_start3A_681, %dma_start3A_682] : memref<512x32xf32, #tpu.memory_space<vmem>> -> memref<128x32xf32, #tpu.memory_space<vmem>>
    %dma_start3A_684 = arith.constant 0 : i32
    %dma_start3A_685 = tpu.memref_slice %arg5[%dma_start3A_675, %dma_start3A_684] : memref<200x128xi32, #tpu.memory_space<vmem>> -> memref<1x128xi32, #tpu.memory_space<vmem>>
    %dma_start3A_686 = tpu.memref_squeeze %dma_start3A_685 : memref<1x128xi32, #tpu.memory_space<vmem>> -> memref<128xi32, #tpu.memory_space<vmem>>
    %dma_start3A_687 = arith.constant 0 : i32
    %dma_start3A_688 = arith.constant 0 : i32
    %dma_start3A_689 = tpu.memref_slice %arg2[%dma_start3A_687, %dma_start3A_688] : memref<1000000x32xf32, #tpu.memory_space<hbm>> -> memref<1000000x32xf32, #tpu.memory_space<hbm>>
    tpu.enqueue_indirect_dma source(%dma_start3A_689 : memref<1000000x32xf32, #tpu.memory_space<hbm>>) target(%dma_start3A_683 : memref<128x32xf32, #tpu.memory_space<vmem>>) offsets(%dma_start3A_686 : memref<128xi32, #tpu.memory_space<vmem>>) semaphore(%arg8 : memref<!tpu.dma_semaphore, #tpu.memory_space<semaphore_mem>>)
    %dma_wait3A_690 = arith.constant 1 : i32
    %dma_wait3A_691 = arith.constant 0 : i32
    %dma_wait3A_692 = arith.constant 0 : i32
    %dma_wait3A_693 = tpu.memref_slice %arg6[%dma_wait3A_690, %dma_wait3A_691, %dma_wait3A_692] : memref<2x512x32xf32, #tpu.memory_space<vmem>> -> memref<1x512x32xf32, #tpu.memory_space<vmem>>
    %dma_wait3A_694 = tpu.memref_squeeze %dma_wait3A_693 : memref<1x512x32xf32, #tpu.memory_space<vmem>> -> memref<512x32xf32, #tpu.memory_space<vmem>>
    %dma_wait3A_695 = arith.constant 0 : i32
    %dma_wait3A_696 = arith.constant 0 : i32
    %dma_wait3A_697 = tpu.memref_slice %arg2[%dma_wait3A_695, %dma_wait3A_696] : memref<1000000x32xf32, #tpu.memory_space<hbm>> -> memref<512x32xf32, #tpu.memory_space<hbm>>
    %dma_wait3A_698 = arith.constant 0 : i32
    %dma_wait3A_699 = arith.constant 0 : i32
    %dma_wait3A_700 = tpu.memref_slice %arg6[%dma_wait3A_690, %dma_wait3A_698, %dma_wait3A_699] : memref<2x512x32xf32, #tpu.memory_space<vmem>> -> memref<1x512x32xf32, #tpu.memory_space<vmem>>
    %dma_wait3A_701 = tpu.memref_squeeze %dma_wait3A_700 : memref<1x512x32xf32, #tpu.memory_space<vmem>> -> memref<512x32xf32, #tpu.memory_space<vmem>>
    %dma_wait3A_702 = arith.constant 0 : i32
    %dma_wait3A_703 = arith.constant 0 : i32
    %dma_wait3A_704 = tpu.memref_slice %arg2[%dma_wait3A_702, %dma_wait3A_703] : memref<1000000x32xf32, #tpu.memory_space<hbm>> -> memref<512x32xf32, #tpu.memory_space<hbm>>
    tpu.wait_dma2 semaphore(%arg9 : memref<!tpu.dma_semaphore, #tpu.memory_space<semaphore_mem>>) src(%dma_wait3A_704 : memref<512x32xf32, #tpu.memory_space<hbm>>) dst(%dma_wait3A_701 : memref<512x32xf32, #tpu.memory_space<vmem>>)
    %mul3A_705 = arith.constant 128 : i32
    %mul3A_706 = vector.broadcast %mul3A_705 : i32 to vector<16xi32>
    %mul3A_707 = arith.muli %iota3A, %mul3A_706 : vector<16xi32>
    %parallel_loop3A_708 = arith.constant 0 : i32
    %parallel_loop3A_709 = arith.constant 512 : i32
    %parallel_loop3A_710 = arith.constant 1 : i32
    %parallel_loop3A_711 = arith.constant 1 : i32
    scf.for %parallel_loop3A_2353 = %parallel_loop3A_708 to %parallel_loop3A_709 step %parallel_loop3A_710  : i32 {
      %parallel_loop3A_2354 = arith.constant 128 : i32
      %parallel_loop3A_2355 = arith.divsi %parallel_loop3A_2353, %parallel_loop3A_2354 : i32
      %parallel_loop3A_2356 = arith.constant 0 : i32
      %parallel_loop3A_2357 = arith.cmpi sgt, %parallel_loop3A_2353, %parallel_loop3A_2356 : i32
      %parallel_loop3A_2358 = arith.extui %parallel_loop3A_2357 : i1 to i32
      %parallel_loop3A_2359 = arith.constant 0 : i32
      %parallel_loop3A_2360 = arith.cmpi slt, %parallel_loop3A_2353, %parallel_loop3A_2359 : i32
      %parallel_loop3A_2361 = arith.extui %parallel_loop3A_2360 : i1 to i32
      %parallel_loop3A_2362 = arith.subi %parallel_loop3A_2358, %parallel_loop3A_2361 : i32
      %parallel_loop3A_2363 = arith.constant 0 : i32
      %parallel_loop3A_2364 = arith.cmpi sgt, %parallel_loop3A_2354, %parallel_loop3A_2363 : i32
      %parallel_loop3A_2365 = arith.extui %parallel_loop3A_2364 : i1 to i32
      %parallel_loop3A_2366 = arith.constant 0 : i32
      %parallel_loop3A_2367 = arith.cmpi slt, %parallel_loop3A_2354, %parallel_loop3A_2366 : i32
      %parallel_loop3A_2368 = arith.extui %parallel_loop3A_2367 : i1 to i32
      %parallel_loop3A_2369 = arith.subi %parallel_loop3A_2365, %parallel_loop3A_2368 : i32
      %parallel_loop3A_2370 = arith.cmpi ne, %parallel_loop3A_2362, %parallel_loop3A_2369 : i32
      %parallel_loop3A_2371 = arith.remsi %parallel_loop3A_2353, %parallel_loop3A_2354 : i32
      %parallel_loop3A_2372 = arith.constant 0 : i32
      %parallel_loop3A_2373 = arith.cmpi ne, %parallel_loop3A_2371, %parallel_loop3A_2372 : i32
      %parallel_loop3A_2374 = arith.andi %parallel_loop3A_2370, %parallel_loop3A_2373 : i1
      %parallel_loop3A_2375 = arith.constant 1 : i32
      %parallel_loop3A_2376 = arith.subi %parallel_loop3A_2355, %parallel_loop3A_2375 : i32
      %parallel_loop3A_2377 = arith.select %parallel_loop3A_2374, %parallel_loop3A_2376, %parallel_loop3A_2355 : i32
      %parallel_loop3A_2378 = arith.constant 1 : i32
      %parallel_loop3A_2379 = arith.index_cast %parallel_loop3A_2378 : i32 to index
      %parallel_loop3A_2380 = arith.index_cast %parallel_loop3A_2353 : i32 to index
      %parallel_loop3A_2381 = arith.constant 0 : index
      %parallel_loop3A_2382 = tpu.vector_load %arg6[%parallel_loop3A_2379, %parallel_loop3A_2380, %parallel_loop3A_2381] {strides = array<i32>} : memref<2x512x32xf32, #tpu.memory_space<vmem>>, vector<16xf32>,
      %parallel_loop3A_2383 = arith.constant 1 : i32
      %parallel_loop3A_2384 = arith.index_cast %parallel_loop3A_2383 : i32 to index
      %parallel_loop3A_2385 = arith.index_cast %parallel_loop3A_2353 : i32 to index
      %parallel_loop3A_2386 = arith.constant 16 : index
      %parallel_loop3A_2387 = tpu.vector_load %arg6[%parallel_loop3A_2384, %parallel_loop3A_2385, %parallel_loop3A_2386] {strides = array<i32>} : memref<2x512x32xf32, #tpu.memory_space<vmem>>, vector<16xf32>,
      %parallel_loop3A_2388 = arith.constant 3968 : i32
      %parallel_loop3A_2389 = arith.muli %parallel_loop3A_2377, %parallel_loop3A_2388 : i32
      %parallel_loop3A_2390 = arith.addi %parallel_loop3A_2353, %parallel_loop3A_2389 : i32
      %parallel_loop3A_2391 = vector.broadcast %parallel_loop3A_2390 : i32 to vector<16xi32>
      %parallel_loop3A_2392 = arith.addi %mul3A_707, %parallel_loop3A_2391 : vector<16xi32>
      %parallel_loop3A_2393 = arith.constant 0 : i32
      %parallel_loop3A_2394 = tpu.memref_slice %arg7[%parallel_loop3A_711, %parallel_loop3A_2393] : memref<2x16384xf32, #tpu.memory_space<vmem>> -> memref<1x16384xf32, #tpu.memory_space<vmem>>
      %parallel_loop3A_2395 = tpu.memref_squeeze %parallel_loop3A_2394 : memref<1x16384xf32, #tpu.memory_space<vmem>> -> memref<16384xf32, #tpu.memory_space<vmem>>
      tpu.vector_store_idx %parallel_loop3A_2395[%parallel_loop3A_2392], %parallel_loop3A_2382 : memref<16384xf32, #tpu.memory_space<vmem>>[vector<16xi32>], vector<16xf32>,
      %parallel_loop3A_2396 = arith.constant 2048 : i32
      %parallel_loop3A_2397 = vector.broadcast %parallel_loop3A_2396 : i32 to vector<16xi32>
      %parallel_loop3A_2398 = arith.addi %parallel_loop3A_2392, %parallel_loop3A_2397 : vector<16xi32>
      %parallel_loop3A_2399 = arith.constant 0 : i32
      %parallel_loop3A_2400 = tpu.memref_slice %arg7[%parallel_loop3A_711, %parallel_loop3A_2399] : memref<2x16384xf32, #tpu.memory_space<vmem>> -> memref<1x16384xf32, #tpu.memory_space<vmem>>
      %parallel_loop3A_2401 = tpu.memref_squeeze %parallel_loop3A_2400 : memref<1x16384xf32, #tpu.memory_space<vmem>> -> memref<16384xf32, #tpu.memory_space<vmem>>
      tpu.vector_store_idx %parallel_loop3A_2401[%parallel_loop3A_2398], %parallel_loop3A_2387 : memref<16384xf32, #tpu.memory_space<vmem>>[vector<16xi32>], vector<16xf32>,
    } {sc.loop_unroll_factor = 16 : i64, sc.parallel_access}
    %mul3A_712 = arith.constant 200 : i32
    %mul3A_713 = arith.muli %add3A, %mul3A_712 : i32
    %add3A_714 = arith.constant 4 : i32
    %add3A_715 = arith.addi %mul3A_713, %add3A_714 : i32
    %add3A_716 = arith.constant 0 : i32
    %add3A_717 = arith.addi %add3A_715, %add3A_716 : i32
    %jit3A_718 = arith.constant 128 : i32
    %div3A_719 = arith.divsi %add3A_717, %jit3A_718 : i32
    %sign3A_720 = arith.constant 0 : i32
    %sign3A_721 = arith.cmpi sgt, %add3A_717, %sign3A_720 : i32
    %sign3A_722 = arith.extui %sign3A_721 : i1 to i32
    %sign3A_723 = arith.constant 0 : i32
    %sign3A_724 = arith.cmpi slt, %add3A_717, %sign3A_723 : i32
    %sign3A_725 = arith.extui %sign3A_724 : i1 to i32
    %sign3A_726 = arith.subi %sign3A_722, %sign3A_725 : i32
    %sign3A_727 = arith.constant 0 : i32
    %sign3A_728 = arith.cmpi sgt, %jit3A_718, %sign3A_727 : i32
    %sign3A_729 = arith.extui %sign3A_728 : i1 to i32
    %sign3A_730 = arith.constant 0 : i32
    %sign3A_731 = arith.cmpi slt, %jit3A_718, %sign3A_730 : i32
    %sign3A_732 = arith.extui %sign3A_731 : i1 to i32
    %sign3A_733 = arith.subi %sign3A_729, %sign3A_732 : i32
    %ne3A_734 = arith.cmpi ne, %sign3A_726, %sign3A_733 : i32
    %rem3A_735 = arith.remsi %add3A_717, %jit3A_718 : i32
    %ne3A_736 = arith.constant 0 : i32
    %ne3A_737 = arith.cmpi ne, %rem3A_735, %ne3A_736 : i32
    %and3A_738 = arith.andi %ne3A_734, %ne3A_737 : i1
    %sub3A_739 = arith.constant 1 : i32
    %sub3A_740 = arith.subi %div3A_719, %sub3A_739 : i32
    %select_n3A_741 = arith.select %and3A_738, %sub3A_740, %div3A_719 : i32
    %rem3A_742 = arith.constant 128 : i32
    %rem3A_743 = arith.remsi %add3A_717, %rem3A_742 : i32
    %mul3A_744 = arith.constant 4 : i32
    %mul3A_745 = arith.muli %select_n3A_741, %mul3A_744 : i32
    %mul3A_746 = arith.constant 128 : i32
    %mul3A_747 = arith.muli %mul3A_745, %mul3A_746 : i32
    %add3A_748 = arith.constant 0 : i32
    %add3A_749 = arith.addi %mul3A_747, %add3A_748 : i32
    %add3A_750 = arith.addi %add3A_749, %rem3A_743 : i32
    %mul3A_751 = arith.constant 1024 : i32
    %mul3A_752 = arith.muli %add3A_750, %mul3A_751 : i32
    %multiple_of3A_753 = tpu.assume_multiple %mul3A_752, 8 : i32
    %dma_start3A_754 = arith.constant 1 : i32
    %dma_start3A_755 = arith.constant 0 : i32
    %dma_start3A_756 = tpu.memref_slice %arg7[%dma_start3A_754, %dma_start3A_755] : memref<2x16384xf32, #tpu.memory_space<vmem>> -> memref<1x16384xf32, #tpu.memory_space<vmem>>
    %dma_start3A_757 = tpu.memref_squeeze %dma_start3A_756 : memref<1x16384xf32, #tpu.memory_space<vmem>> -> memref<16384xf32, #tpu.memory_space<vmem>>
    %dma_start3A_758 = arith.constant 0 : i32
    %dma_start3A_759 = tpu.memref_slice %dma_start3A_757[%dma_start3A_758] : memref<16384xf32, #tpu.memory_space<vmem>> -> memref<1024xf32, #tpu.memory_space<vmem>>
    %dma_start3A_760 = tpu.memref_slice %arg4[%multiple_of3A_753] : memref<26214400xf32, #tpu.memory_space<hbm>> -> memref<1024xf32, #tpu.memory_space<hbm>>
    %dma_start3A_761 = tpu.memref_slice %arg4[%multiple_of3A_753] : memref<26214400xf32, #tpu.memory_space<hbm>> -> memref<1024xf32, #tpu.memory_space<hbm>>
    %dma_start3A_762 = arith.constant 0 : i32
    %dma_start3A_763 = tpu.memref_slice %arg7[%dma_start3A_754, %dma_start3A_762] : memref<2x16384xf32, #tpu.memory_space<vmem>> -> memref<1x16384xf32, #tpu.memory_space<vmem>>
    %dma_start3A_764 = tpu.memref_squeeze %dma_start3A_763 : memref<1x16384xf32, #tpu.memory_space<vmem>> -> memref<16384xf32, #tpu.memory_space<vmem>>
    %dma_start3A_765 = arith.constant 0 : i32
    %dma_start3A_766 = tpu.memref_slice %dma_start3A_764[%dma_start3A_765] : memref<16384xf32, #tpu.memory_space<vmem>> -> memref<1024xf32, #tpu.memory_space<vmem>>
    tpu.enqueue_dma source(%dma_start3A_766 : memref<1024xf32, #tpu.memory_space<vmem>>) target(%dma_start3A_761 : memref<1024xf32, #tpu.memory_space<hbm>>) target_semaphore(%arg11 : memref<!tpu.dma_semaphore, #tpu.memory_space<semaphore_mem>>)
    %mul3A_767 = arith.constant 4 : i32
    %mul3A_768 = arith.muli %select_n3A_741, %mul3A_767 : i32
    %mul3A_769 = arith.constant 128 : i32
    %mul3A_770 = arith.muli %mul3A_768, %mul3A_769 : i32
    %add3A_771 = arith.constant 128 : i32
    %add3A_772 = arith.addi %mul3A_770, %add3A_771 : i32
    %add3A_773 = arith.addi %add3A_772, %rem3A_743 : i32
    %mul3A_774 = arith.constant 1024 : i32
    %mul3A_775 = arith.muli %add3A_773, %mul3A_774 : i32
    %multiple_of3A_776 = tpu.assume_multiple %mul3A_775, 8 : i32
    %dma_start3A_777 = arith.constant 1 : i32
    %dma_start3A_778 = arith.constant 0 : i32
    %dma_start3A_779 = tpu.memref_slice %arg7[%dma_start3A_777, %dma_start3A_778] : memref<2x16384xf32, #tpu.memory_space<vmem>> -> memref<1x16384xf32, #tpu.memory_space<vmem>>
    %dma_start3A_780 = tpu.memref_squeeze %dma_start3A_779 : memref<1x16384xf32, #tpu.memory_space<vmem>> -> memref<16384xf32, #tpu.memory_space<vmem>>
    %dma_start3A_781 = arith.constant 1024 : i32
    %dma_start3A_782 = tpu.memref_slice %dma_start3A_780[%dma_start3A_781] : memref<16384xf32, #tpu.memory_space<vmem>> -> memref<1024xf32, #tpu.memory_space<vmem>>
    %dma_start3A_783 = tpu.memref_slice %arg4[%multiple_of3A_776] : memref<26214400xf32, #tpu.memory_space<hbm>> -> memref<1024xf32, #tpu.memory_space<hbm>>
    %dma_start3A_784 = tpu.memref_slice %arg4[%multiple_of3A_776] : memref<26214400xf32, #tpu.memory_space<hbm>> -> memref<1024xf32, #tpu.memory_space<hbm>>
    %dma_start3A_785 = arith.constant 0 : i32
    %dma_start3A_786 = tpu.memref_slice %arg7[%dma_start3A_777, %dma_start3A_785] : memref<2x16384xf32, #tpu.memory_space<vmem>> -> memref<1x16384xf32, #tpu.memory_space<vmem>>
    %dma_start3A_787 = tpu.memref_squeeze %dma_start3A_786 : memref<1x16384xf32, #tpu.memory_space<vmem>> -> memref<16384xf32, #tpu.memory_space<vmem>>
    %dma_start3A_788 = arith.constant 1024 : i32
    %dma_start3A_789 = tpu.memref_slice %dma_start3A_787[%dma_start3A_788] : memref<16384xf32, #tpu.memory_space<vmem>> -> memref<1024xf32, #tpu.memory_space<vmem>>
    tpu.enqueue_dma source(%dma_start3A_789 : memref<1024xf32, #tpu.memory_space<vmem>>) target(%dma_start3A_784 : memref<1024xf32, #tpu.memory_space<hbm>>) target_semaphore(%arg11 : memref<!tpu.dma_semaphore, #tpu.memory_space<semaphore_mem>>)
    %mul3A_790 = arith.constant 4 : i32
    %mul3A_791 = arith.muli %select_n3A_741, %mul3A_790 : i32
    %mul3A_792 = arith.constant 128 : i32
    %mul3A_793 = arith.muli %mul3A_791, %mul3A_792 : i32
    %add3A_794 = arith.constant 256 : i32
    %add3A_795 = arith.addi %mul3A_793, %add3A_794 : i32
    %add3A_796 = arith.addi %add3A_795, %rem3A_743 : i32
    %mul3A_797 = arith.constant 1024 : i32
    %mul3A_798 = arith.muli %add3A_796, %mul3A_797 : i32
    %multiple_of3A_799 = tpu.assume_multiple %mul3A_798, 8 : i32
    %dma_start3A_800 = arith.constant 1 : i32
    %dma_start3A_801 = arith.constant 0 : i32
    %dma_start3A_802 = tpu.memref_slice %arg7[%dma_start3A_800, %dma_start3A_801] : memref<2x16384xf32, #tpu.memory_space<vmem>> -> memref<1x16384xf32, #tpu.memory_space<vmem>>
    %dma_start3A_803 = tpu.memref_squeeze %dma_start3A_802 : memref<1x16384xf32, #tpu.memory_space<vmem>> -> memref<16384xf32, #tpu.memory_space<vmem>>
    %dma_start3A_804 = arith.constant 2048 : i32
    %dma_start3A_805 = tpu.memref_slice %dma_start3A_803[%dma_start3A_804] : memref<16384xf32, #tpu.memory_space<vmem>> -> memref<1024xf32, #tpu.memory_space<vmem>>
    %dma_start3A_806 = tpu.memref_slice %arg4[%multiple_of3A_799] : memref<26214400xf32, #tpu.memory_space<hbm>> -> memref<1024xf32, #tpu.memory_space<hbm>>
    %dma_start3A_807 = tpu.memref_slice %arg4[%multiple_of3A_799] : memref<26214400xf32, #tpu.memory_space<hbm>> -> memref<1024xf32, #tpu.memory_space<hbm>>
    %dma_start3A_808 = arith.constant 0 : i32
    %dma_start3A_809 = tpu.memref_slice %arg7[%dma_start3A_800, %dma_start3A_808] : memref<2x16384xf32, #tpu.memory_space<vmem>> -> memref<1x16384xf32, #tpu.memory_space<vmem>>
    %dma_start3A_810 = tpu.memref_squeeze %dma_start3A_809 : memref<1x16384xf32, #tpu.memory_space<vmem>> -> memref<16384xf32, #tpu.memory_space<vmem>>
    %dma_start3A_811 = arith.constant 2048 : i32
    %dma_start3A_812 = tpu.memref_slice %dma_start3A_810[%dma_start3A_811] : memref<16384xf32, #tpu.memory_space<vmem>> -> memref<1024xf32, #tpu.memory_space<vmem>>
    tpu.enqueue_dma source(%dma_start3A_812 : memref<1024xf32, #tpu.memory_space<vmem>>) target(%dma_start3A_807 : memref<1024xf32, #tpu.memory_space<hbm>>) target_semaphore(%arg11 : memref<!tpu.dma_semaphore, #tpu.memory_space<semaphore_mem>>)
    %mul3A_813 = arith.constant 4 : i32
    %mul3A_814 = arith.muli %select_n3A_741, %mul3A_813 : i32
    %mul3A_815 = arith.constant 128 : i32
    %mul3A_816 = arith.muli %mul3A_814, %mul3A_815 : i32
    %add3A_817 = arith.constant 384 : i32
    %add3A_818 = arith.addi %mul3A_816, %add3A_817 : i32
    %add3A_819 = arith.addi %add3A_818, %rem3A_743 : i32
    %mul3A_820 = arith.constant 1024 : i32
    %mul3A_821 = arith.muli %add3A_819, %mul3A_820 : i32
    %multiple_of3A_822 = tpu.assume_multiple %mul3A_821, 8 : i32
    %dma_start3A_823 = arith.constant 1 : i32
    %dma_start3A_824 = arith.constant 0 : i32
    %dma_start3A_825 = tpu.memref_slice %arg7[%dma_start3A_823, %dma_start3A_824] : memref<2x16384xf32, #tpu.memory_space<vmem>> -> memref<1x16384xf32, #tpu.memory_space<vmem>>
    %dma_start3A_826 = tpu.memref_squeeze %dma_start3A_825 : memref<1x16384xf32, #tpu.memory_space<vmem>> -> memref<16384xf32, #tpu.memory_space<vmem>>
    %dma_start3A_827 = arith.constant 3072 : i32
    %dma_start3A_828 = tpu.memref_slice %dma_start3A_826[%dma_start3A_827] : memref<16384xf32, #tpu.memory_space<vmem>> -> memref<1024xf32, #tpu.memory_space<vmem>>
    %dma_start3A_829 = tpu.memref_slice %arg4[%multiple_of3A_822] : memref<26214400xf32, #tpu.memory_space<hbm>> -> memref<1024xf32, #tpu.memory_space<hbm>>
    %dma_start3A_830 = tpu.memref_slice %arg4[%multiple_of3A_822] : memref<26214400xf32, #tpu.memory_space<hbm>> -> memref<1024xf32, #tpu.memory_space<hbm>>
    %dma_start3A_831 = arith.constant 0 : i32
    %dma_start3A_832 = tpu.memref_slice %arg7[%dma_start3A_823, %dma_start3A_831] : memref<2x16384xf32, #tpu.memory_space<vmem>> -> memref<1x16384xf32, #tpu.memory_space<vmem>>
    %dma_start3A_833 = tpu.memref_squeeze %dma_start3A_832 : memref<1x16384xf32, #tpu.memory_space<vmem>> -> memref<16384xf32, #tpu.memory_space<vmem>>
    %dma_start3A_834 = arith.constant 3072 : i32
    %dma_start3A_835 = tpu.memref_slice %dma_start3A_833[%dma_start3A_834] : memref<16384xf32, #tpu.memory_space<vmem>> -> memref<1024xf32, #tpu.memory_space<vmem>>
    tpu.enqueue_dma source(%dma_start3A_835 : memref<1024xf32, #tpu.memory_space<vmem>>) target(%dma_start3A_830 : memref<1024xf32, #tpu.memory_space<hbm>>) target_semaphore(%arg11 : memref<!tpu.dma_semaphore, #tpu.memory_space<semaphore_mem>>)
    %mul3A_836 = arith.constant 200 : i32
    %mul3A_837 = arith.muli %add3A, %mul3A_836 : i32
    %add3A_838 = arith.constant 4 : i32
    %add3A_839 = arith.addi %mul3A_837, %add3A_838 : i32
    %add3A_840 = arith.constant 1 : i32
    %add3A_841 = arith.addi %add3A_839, %add3A_840 : i32
    %jit3A_842 = arith.constant 128 : i32
    %div3A_843 = arith.divsi %add3A_841, %jit3A_842 : i32
    %sign3A_844 = arith.constant 0 : i32
    %sign3A_845 = arith.cmpi sgt, %add3A_841, %sign3A_844 : i32
    %sign3A_846 = arith.extui %sign3A_845 : i1 to i32
    %sign3A_847 = arith.constant 0 : i32
    %sign3A_848 = arith.cmpi slt, %add3A_841, %sign3A_847 : i32
    %sign3A_849 = arith.extui %sign3A_848 : i1 to i32
    %sign3A_850 = arith.subi %sign3A_846, %sign3A_849 : i32
    %sign3A_851 = arith.constant 0 : i32
    %sign3A_852 = arith.cmpi sgt, %jit3A_842, %sign3A_851 : i32
    %sign3A_853 = arith.extui %sign3A_852 : i1 to i32
    %sign3A_854 = arith.constant 0 : i32
    %sign3A_855 = arith.cmpi slt, %jit3A_842, %sign3A_854 : i32
    %sign3A_856 = arith.extui %sign3A_855 : i1 to i32
    %sign3A_857 = arith.subi %sign3A_853, %sign3A_856 : i32
    %ne3A_858 = arith.cmpi ne, %sign3A_850, %sign3A_857 : i32
    %rem3A_859 = arith.remsi %add3A_841, %jit3A_842 : i32
    %ne3A_860 = arith.constant 0 : i32
    %ne3A_861 = arith.cmpi ne, %rem3A_859, %ne3A_860 : i32
    %and3A_862 = arith.andi %ne3A_858, %ne3A_861 : i1
    %sub3A_863 = arith.constant 1 : i32
    %sub3A_864 = arith.subi %div3A_843, %sub3A_863 : i32
    %select_n3A_865 = arith.select %and3A_862, %sub3A_864, %div3A_843 : i32
    %rem3A_866 = arith.constant 128 : i32
    %rem3A_867 = arith.remsi %add3A_841, %rem3A_866 : i32
    %mul3A_868 = arith.constant 4 : i32
    %mul3A_869 = arith.muli %select_n3A_865, %mul3A_868 : i32
    %mul3A_870 = arith.constant 128 : i32
    %mul3A_871 = arith.muli %mul3A_869, %mul3A_870 : i32
    %add3A_872 = arith.constant 0 : i32
    %add3A_873 = arith.addi %mul3A_871, %add3A_872 : i32
    %add3A_874 = arith.addi %add3A_873, %rem3A_867 : i32
    %mul3A_875 = arith.constant 1024 : i32
    %mul3A_876 = arith.muli %add3A_874, %mul3A_875 : i32
    %multiple_of3A_877 = tpu.assume_multiple %mul3A_876, 8 : i32
    %dma_start3A_878 = arith.constant 1 : i32
    %dma_start3A_879 = arith.constant 0 : i32
    %dma_start3A_880 = tpu.memref_slice %arg7[%dma_start3A_878, %dma_start3A_879] : memref<2x16384xf32, #tpu.memory_space<vmem>> -> memref<1x16384xf32, #tpu.memory_space<vmem>>
    %dma_start3A_881 = tpu.memref_squeeze %dma_start3A_880 : memref<1x16384xf32, #tpu.memory_space<vmem>> -> memref<16384xf32, #tpu.memory_space<vmem>>
    %dma_start3A_882 = arith.constant 4096 : i32
    %dma_start3A_883 = tpu.memref_slice %dma_start3A_881[%dma_start3A_882] : memref<16384xf32, #tpu.memory_space<vmem>> -> memref<1024xf32, #tpu.memory_space<vmem>>
    %dma_start3A_884 = tpu.memref_slice %arg4[%multiple_of3A_877] : memref<26214400xf32, #tpu.memory_space<hbm>> -> memref<1024xf32, #tpu.memory_space<hbm>>
    %dma_start3A_885 = tpu.memref_slice %arg4[%multiple_of3A_877] : memref<26214400xf32, #tpu.memory_space<hbm>> -> memref<1024xf32, #tpu.memory_space<hbm>>
    %dma_start3A_886 = arith.constant 0 : i32
    %dma_start3A_887 = tpu.memref_slice %arg7[%dma_start3A_878, %dma_start3A_886] : memref<2x16384xf32, #tpu.memory_space<vmem>> -> memref<1x16384xf32, #tpu.memory_space<vmem>>
    %dma_start3A_888 = tpu.memref_squeeze %dma_start3A_887 : memref<1x16384xf32, #tpu.memory_space<vmem>> -> memref<16384xf32, #tpu.memory_space<vmem>>
    %dma_start3A_889 = arith.constant 4096 : i32
    %dma_start3A_890 = tpu.memref_slice %dma_start3A_888[%dma_start3A_889] : memref<16384xf32, #tpu.memory_space<vmem>> -> memref<1024xf32, #tpu.memory_space<vmem>>
    tpu.enqueue_dma source(%dma_start3A_890 : memref<1024xf32, #tpu.memory_space<vmem>>) target(%dma_start3A_885 : memref<1024xf32, #tpu.memory_space<hbm>>) target_semaphore(%arg11 : memref<!tpu.dma_semaphore, #tpu.memory_space<semaphore_mem>>)
    %mul3A_891 = arith.constant 4 : i32
    %mul3A_892 = arith.muli %select_n3A_865, %mul3A_891 : i32
    %mul3A_893 = arith.constant 128 : i32
    %mul3A_894 = arith.muli %mul3A_892, %mul3A_893 : i32
    %add3A_895 = arith.constant 128 : i32
    %add3A_896 = arith.addi %mul3A_894, %add3A_895 : i32
    %add3A_897 = arith.addi %add3A_896, %rem3A_867 : i32
    %mul3A_898 = arith.constant 1024 : i32
    %mul3A_899 = arith.muli %add3A_897, %mul3A_898 : i32
    %multiple_of3A_900 = tpu.assume_multiple %mul3A_899, 8 : i32
    %dma_start3A_901 = arith.constant 1 : i32
    %dma_start3A_902 = arith.constant 0 : i32
    %dma_start3A_903 = tpu.memref_slice %arg7[%dma_start3A_901, %dma_start3A_902] : memref<2x16384xf32, #tpu.memory_space<vmem>> -> memref<1x16384xf32, #tpu.memory_space<vmem>>
    %dma_start3A_904 = tpu.memref_squeeze %dma_start3A_903 : memref<1x16384xf32, #tpu.memory_space<vmem>> -> memref<16384xf32, #tpu.memory_space<vmem>>
    %dma_start3A_905 = arith.constant 5120 : i32
    %dma_start3A_906 = tpu.memref_slice %dma_start3A_904[%dma_start3A_905] : memref<16384xf32, #tpu.memory_space<vmem>> -> memref<1024xf32, #tpu.memory_space<vmem>>
    %dma_start3A_907 = tpu.memref_slice %arg4[%multiple_of3A_900] : memref<26214400xf32, #tpu.memory_space<hbm>> -> memref<1024xf32, #tpu.memory_space<hbm>>
    %dma_start3A_908 = tpu.memref_slice %arg4[%multiple_of3A_900] : memref<26214400xf32, #tpu.memory_space<hbm>> -> memref<1024xf32, #tpu.memory_space<hbm>>
    %dma_start3A_909 = arith.constant 0 : i32
    %dma_start3A_910 = tpu.memref_slice %arg7[%dma_start3A_901, %dma_start3A_909] : memref<2x16384xf32, #tpu.memory_space<vmem>> -> memref<1x16384xf32, #tpu.memory_space<vmem>>
    %dma_start3A_911 = tpu.memref_squeeze %dma_start3A_910 : memref<1x16384xf32, #tpu.memory_space<vmem>> -> memref<16384xf32, #tpu.memory_space<vmem>>
    %dma_start3A_912 = arith.constant 5120 : i32
    %dma_start3A_913 = tpu.memref_slice %dma_start3A_911[%dma_start3A_912] : memref<16384xf32, #tpu.memory_space<vmem>> -> memref<1024xf32, #tpu.memory_space<vmem>>
    tpu.enqueue_dma source(%dma_start3A_913 : memref<1024xf32, #tpu.memory_space<vmem>>) target(%dma_start3A_908 : memref<1024xf32, #tpu.memory_space<hbm>>) target_semaphore(%arg11 : memref<!tpu.dma_semaphore, #tpu.memory_space<semaphore_mem>>)
    %mul3A_914 = arith.constant 4 : i32
    %mul3A_915 = arith.muli %select_n3A_865, %mul3A_914 : i32
    %mul3A_916 = arith.constant 128 : i32
    %mul3A_917 = arith.muli %mul3A_915, %mul3A_916 : i32
    %add3A_918 = arith.constant 256 : i32
    %add3A_919 = arith.addi %mul3A_917, %add3A_918 : i32
    %add3A_920 = arith.addi %add3A_919, %rem3A_867 : i32
    %mul3A_921 = arith.constant 1024 : i32
    %mul3A_922 = arith.muli %add3A_920, %mul3A_921 : i32
    %multiple_of3A_923 = tpu.assume_multiple %mul3A_922, 8 : i32
    %dma_start3A_924 = arith.constant 1 : i32
    %dma_start3A_925 = arith.constant 0 : i32
    %dma_start3A_926 = tpu.memref_slice %arg7[%dma_start3A_924, %dma_start3A_925] : memref<2x16384xf32, #tpu.memory_space<vmem>> -> memref<1x16384xf32, #tpu.memory_space<vmem>>
    %dma_start3A_927 = tpu.memref_squeeze %dma_start3A_926 : memref<1x16384xf32, #tpu.memory_space<vmem>> -> memref<16384xf32, #tpu.memory_space<vmem>>
    %dma_start3A_928 = arith.constant 6144 : i32
    %dma_start3A_929 = tpu.memref_slice %dma_start3A_927[%dma_start3A_928] : memref<16384xf32, #tpu.memory_space<vmem>> -> memref<1024xf32, #tpu.memory_space<vmem>>
    %dma_start3A_930 = tpu.memref_slice %arg4[%multiple_of3A_923] : memref<26214400xf32, #tpu.memory_space<hbm>> -> memref<1024xf32, #tpu.memory_space<hbm>>
    %dma_start3A_931 = tpu.memref_slice %arg4[%multiple_of3A_923] : memref<26214400xf32, #tpu.memory_space<hbm>> -> memref<1024xf32, #tpu.memory_space<hbm>>
    %dma_start3A_932 = arith.constant 0 : i32
    %dma_start3A_933 = tpu.memref_slice %arg7[%dma_start3A_924, %dma_start3A_932] : memref<2x16384xf32, #tpu.memory_space<vmem>> -> memref<1x16384xf32, #tpu.memory_space<vmem>>
    %dma_start3A_934 = tpu.memref_squeeze %dma_start3A_933 : memref<1x16384xf32, #tpu.memory_space<vmem>> -> memref<16384xf32, #tpu.memory_space<vmem>>
    %dma_start3A_935 = arith.constant 6144 : i32
    %dma_start3A_936 = tpu.memref_slice %dma_start3A_934[%dma_start3A_935] : memref<16384xf32, #tpu.memory_space<vmem>> -> memref<1024xf32, #tpu.memory_space<vmem>>
    tpu.enqueue_dma source(%dma_start3A_936 : memref<1024xf32, #tpu.memory_space<vmem>>) target(%dma_start3A_931 : memref<1024xf32, #tpu.memory_space<hbm>>) target_semaphore(%arg11 : memref<!tpu.dma_semaphore, #tpu.memory_space<semaphore_mem>>)
    %mul3A_937 = arith.constant 4 : i32
    %mul3A_938 = arith.muli %select_n3A_865, %mul3A_937 : i32
    %mul3A_939 = arith.constant 128 : i32
    %mul3A_940 = arith.muli %mul3A_938, %mul3A_939 : i32
    %add3A_941 = arith.constant 384 : i32
    %add3A_942 = arith.addi %mul3A_940, %add3A_941 : i32
    %add3A_943 = arith.addi %add3A_942, %rem3A_867 : i32
    %mul3A_944 = arith.constant 1024 : i32
    %mul3A_945 = arith.muli %add3A_943, %mul3A_944 : i32
    %multiple_of3A_946 = tpu.assume_multiple %mul3A_945, 8 : i32
    %dma_start3A_947 = arith.constant 1 : i32
    %dma_start3A_948 = arith.constant 0 : i32
    %dma_start3A_949 = tpu.memref_slice %arg7[%dma_start3A_947, %dma_start3A_948] : memref<2x16384xf32, #tpu.memory_space<vmem>> -> memref<1x16384xf32, #tpu.memory_space<vmem>>
    %dma_start3A_950 = tpu.memref_squeeze %dma_start3A_949 : memref<1x16384xf32, #tpu.memory_space<vmem>> -> memref<16384xf32, #tpu.memory_space<vmem>>
    %dma_start3A_951 = arith.constant 7168 : i32
    %dma_start3A_952 = tpu.memref_slice %dma_start3A_950[%dma_start3A_951] : memref<16384xf32, #tpu.memory_space<vmem>> -> memref<1024xf32, #tpu.memory_space<vmem>>
    %dma_start3A_953 = tpu.memref_slice %arg4[%multiple_of3A_946] : memref<26214400xf32, #tpu.memory_space<hbm>> -> memref<1024xf32, #tpu.memory_space<hbm>>
    %dma_start3A_954 = tpu.memref_slice %arg4[%multiple_of3A_946] : memref<26214400xf32, #tpu.memory_space<hbm>> -> memref<1024xf32, #tpu.memory_space<hbm>>
    %dma_start3A_955 = arith.constant 0 : i32
    %dma_start3A_956 = tpu.memref_slice %arg7[%dma_start3A_947, %dma_start3A_955] : memref<2x16384xf32, #tpu.memory_space<vmem>> -> memref<1x16384xf32, #tpu.memory_space<vmem>>
    %dma_start3A_957 = tpu.memref_squeeze %dma_start3A_956 : memref<1x16384xf32, #tpu.memory_space<vmem>> -> memref<16384xf32, #tpu.memory_space<vmem>>
    %dma_start3A_958 = arith.constant 7168 : i32
    %dma_start3A_959 = tpu.memref_slice %dma_start3A_957[%dma_start3A_958] : memref<16384xf32, #tpu.memory_space<vmem>> -> memref<1024xf32, #tpu.memory_space<vmem>>
    tpu.enqueue_dma source(%dma_start3A_959 : memref<1024xf32, #tpu.memory_space<vmem>>) target(%dma_start3A_954 : memref<1024xf32, #tpu.memory_space<hbm>>) target_semaphore(%arg11 : memref<!tpu.dma_semaphore, #tpu.memory_space<semaphore_mem>>)
    %mul3A_960 = arith.constant 200 : i32
    %mul3A_961 = arith.muli %add3A, %mul3A_960 : i32
    %add3A_962 = arith.constant 4 : i32
    %add3A_963 = arith.addi %mul3A_961, %add3A_962 : i32
    %add3A_964 = arith.constant 2 : i32
    %add3A_965 = arith.addi %add3A_963, %add3A_964 : i32
    %jit3A_966 = arith.constant 128 : i32
    %div3A_967 = arith.divsi %add3A_965, %jit3A_966 : i32
    %sign3A_968 = arith.constant 0 : i32
    %sign3A_969 = arith.cmpi sgt, %add3A_965, %sign3A_968 : i32
    %sign3A_970 = arith.extui %sign3A_969 : i1 to i32
    %sign3A_971 = arith.constant 0 : i32
    %sign3A_972 = arith.cmpi slt, %add3A_965, %sign3A_971 : i32
    %sign3A_973 = arith.extui %sign3A_972 : i1 to i32
    %sign3A_974 = arith.subi %sign3A_970, %sign3A_973 : i32
    %sign3A_975 = arith.constant 0 : i32
    %sign3A_976 = arith.cmpi sgt, %jit3A_966, %sign3A_975 : i32
    %sign3A_977 = arith.extui %sign3A_976 : i1 to i32
    %sign3A_978 = arith.constant 0 : i32
    %sign3A_979 = arith.cmpi slt, %jit3A_966, %sign3A_978 : i32
    %sign3A_980 = arith.extui %sign3A_979 : i1 to i32
    %sign3A_981 = arith.subi %sign3A_977, %sign3A_980 : i32
    %ne3A_982 = arith.cmpi ne, %sign3A_974, %sign3A_981 : i32
    %rem3A_983 = arith.remsi %add3A_965, %jit3A_966 : i32
    %ne3A_984 = arith.constant 0 : i32
    %ne3A_985 = arith.cmpi ne, %rem3A_983, %ne3A_984 : i32
    %and3A_986 = arith.andi %ne3A_982, %ne3A_985 : i1
    %sub3A_987 = arith.constant 1 : i32
    %sub3A_988 = arith.subi %div3A_967, %sub3A_987 : i32
    %select_n3A_989 = arith.select %and3A_986, %sub3A_988, %div3A_967 : i32
    %rem3A_990 = arith.constant 128 : i32
    %rem3A_991 = arith.remsi %add3A_965, %rem3A_990 : i32
    %mul3A_992 = arith.constant 4 : i32
    %mul3A_993 = arith.muli %select_n3A_989, %mul3A_992 : i32
    %mul3A_994 = arith.constant 128 : i32
    %mul3A_995 = arith.muli %mul3A_993, %mul3A_994 : i32
    %add3A_996 = arith.constant 0 : i32
    %add3A_997 = arith.addi %mul3A_995, %add3A_996 : i32
    %add3A_998 = arith.addi %add3A_997, %rem3A_991 : i32
    %mul3A_999 = arith.constant 1024 : i32
    %mul3A_1000 = arith.muli %add3A_998, %mul3A_999 : i32
    %multiple_of3A_1001 = tpu.assume_multiple %mul3A_1000, 8 : i32
    %dma_start3A_1002 = arith.constant 1 : i32
    %dma_start3A_1003 = arith.constant 0 : i32
    %dma_start3A_1004 = tpu.memref_slice %arg7[%dma_start3A_1002, %dma_start3A_1003] : memref<2x16384xf32, #tpu.memory_space<vmem>> -> memref<1x16384xf32, #tpu.memory_space<vmem>>
    %dma_start3A_1005 = tpu.memref_squeeze %dma_start3A_1004 : memref<1x16384xf32, #tpu.memory_space<vmem>> -> memref<16384xf32, #tpu.memory_space<vmem>>
    %dma_start3A_1006 = arith.constant 8192 : i32
    %dma_start3A_1007 = tpu.memref_slice %dma_start3A_1005[%dma_start3A_1006] : memref<16384xf32, #tpu.memory_space<vmem>> -> memref<1024xf32, #tpu.memory_space<vmem>>
    %dma_start3A_1008 = tpu.memref_slice %arg4[%multiple_of3A_1001] : memref<26214400xf32, #tpu.memory_space<hbm>> -> memref<1024xf32, #tpu.memory_space<hbm>>
    %dma_start3A_1009 = tpu.memref_slice %arg4[%multiple_of3A_1001] : memref<26214400xf32, #tpu.memory_space<hbm>> -> memref<1024xf32, #tpu.memory_space<hbm>>
    %dma_start3A_1010 = arith.constant 0 : i32
    %dma_start3A_1011 = tpu.memref_slice %arg7[%dma_start3A_1002, %dma_start3A_1010] : memref<2x16384xf32, #tpu.memory_space<vmem>> -> memref<1x16384xf32, #tpu.memory_space<vmem>>
    %dma_start3A_1012 = tpu.memref_squeeze %dma_start3A_1011 : memref<1x16384xf32, #tpu.memory_space<vmem>> -> memref<16384xf32, #tpu.memory_space<vmem>>
    %dma_start3A_1013 = arith.constant 8192 : i32
    %dma_start3A_1014 = tpu.memref_slice %dma_start3A_1012[%dma_start3A_1013] : memref<16384xf32, #tpu.memory_space<vmem>> -> memref<1024xf32, #tpu.memory_space<vmem>>
    tpu.enqueue_dma source(%dma_start3A_1014 : memref<1024xf32, #tpu.memory_space<vmem>>) target(%dma_start3A_1009 : memref<1024xf32, #tpu.memory_space<hbm>>) target_semaphore(%arg11 : memref<!tpu.dma_semaphore, #tpu.memory_space<semaphore_mem>>)
    %mul3A_1015 = arith.constant 4 : i32
    %mul3A_1016 = arith.muli %select_n3A_989, %mul3A_1015 : i32
    %mul3A_1017 = arith.constant 128 : i32
    %mul3A_1018 = arith.muli %mul3A_1016, %mul3A_1017 : i32
    %add3A_1019 = arith.constant 128 : i32
    %add3A_1020 = arith.addi %mul3A_1018, %add3A_1019 : i32
    %add3A_1021 = arith.addi %add3A_1020, %rem3A_991 : i32
    %mul3A_1022 = arith.constant 1024 : i32
    %mul3A_1023 = arith.muli %add3A_1021, %mul3A_1022 : i32
    %multiple_of3A_1024 = tpu.assume_multiple %mul3A_1023, 8 : i32
    %dma_start3A_1025 = arith.constant 1 : i32
    %dma_start3A_1026 = arith.constant 0 : i32
    %dma_start3A_1027 = tpu.memref_slice %arg7[%dma_start3A_1025, %dma_start3A_1026] : memref<2x16384xf32, #tpu.memory_space<vmem>> -> memref<1x16384xf32, #tpu.memory_space<vmem>>
    %dma_start3A_1028 = tpu.memref_squeeze %dma_start3A_1027 : memref<1x16384xf32, #tpu.memory_space<vmem>> -> memref<16384xf32, #tpu.memory_space<vmem>>
    %dma_start3A_1029 = arith.constant 9216 : i32
    %dma_start3A_1030 = tpu.memref_slice %dma_start3A_1028[%dma_start3A_1029] : memref<16384xf32, #tpu.memory_space<vmem>> -> memref<1024xf32, #tpu.memory_space<vmem>>
    %dma_start3A_1031 = tpu.memref_slice %arg4[%multiple_of3A_1024] : memref<26214400xf32, #tpu.memory_space<hbm>> -> memref<1024xf32, #tpu.memory_space<hbm>>
    %dma_start3A_1032 = tpu.memref_slice %arg4[%multiple_of3A_1024] : memref<26214400xf32, #tpu.memory_space<hbm>> -> memref<1024xf32, #tpu.memory_space<hbm>>
    %dma_start3A_1033 = arith.constant 0 : i32
    %dma_start3A_1034 = tpu.memref_slice %arg7[%dma_start3A_1025, %dma_start3A_1033] : memref<2x16384xf32, #tpu.memory_space<vmem>> -> memref<1x16384xf32, #tpu.memory_space<vmem>>
    %dma_start3A_1035 = tpu.memref_squeeze %dma_start3A_1034 : memref<1x16384xf32, #tpu.memory_space<vmem>> -> memref<16384xf32, #tpu.memory_space<vmem>>
    %dma_start3A_1036 = arith.constant 9216 : i32
    %dma_start3A_1037 = tpu.memref_slice %dma_start3A_1035[%dma_start3A_1036] : memref<16384xf32, #tpu.memory_space<vmem>> -> memref<1024xf32, #tpu.memory_space<vmem>>
    tpu.enqueue_dma source(%dma_start3A_1037 : memref<1024xf32, #tpu.memory_space<vmem>>) target(%dma_start3A_1032 : memref<1024xf32, #tpu.memory_space<hbm>>) target_semaphore(%arg11 : memref<!tpu.dma_semaphore, #tpu.memory_space<semaphore_mem>>)
    %mul3A_1038 = arith.constant 4 : i32
    %mul3A_1039 = arith.muli %select_n3A_989, %mul3A_1038 : i32
    %mul3A_1040 = arith.constant 128 : i32
    %mul3A_1041 = arith.muli %mul3A_1039, %mul3A_1040 : i32
    %add3A_1042 = arith.constant 256 : i32
    %add3A_1043 = arith.addi %mul3A_1041, %add3A_1042 : i32
    %add3A_1044 = arith.addi %add3A_1043, %rem3A_991 : i32
    %mul3A_1045 = arith.constant 1024 : i32
    %mul3A_1046 = arith.muli %add3A_1044, %mul3A_1045 : i32
    %multiple_of3A_1047 = tpu.assume_multiple %mul3A_1046, 8 : i32
    %dma_start3A_1048 = arith.constant 1 : i32
    %dma_start3A_1049 = arith.constant 0 : i32
    %dma_start3A_1050 = tpu.memref_slice %arg7[%dma_start3A_1048, %dma_start3A_1049] : memref<2x16384xf32, #tpu.memory_space<vmem>> -> memref<1x16384xf32, #tpu.memory_space<vmem>>
    %dma_start3A_1051 = tpu.memref_squeeze %dma_start3A_1050 : memref<1x16384xf32, #tpu.memory_space<vmem>> -> memref<16384xf32, #tpu.memory_space<vmem>>
    %dma_start3A_1052 = arith.constant 10240 : i32
    %dma_start3A_1053 = tpu.memref_slice %dma_start3A_1051[%dma_start3A_1052] : memref<16384xf32, #tpu.memory_space<vmem>> -> memref<1024xf32, #tpu.memory_space<vmem>>
    %dma_start3A_1054 = tpu.memref_slice %arg4[%multiple_of3A_1047] : memref<26214400xf32, #tpu.memory_space<hbm>> -> memref<1024xf32, #tpu.memory_space<hbm>>
    %dma_start3A_1055 = tpu.memref_slice %arg4[%multiple_of3A_1047] : memref<26214400xf32, #tpu.memory_space<hbm>> -> memref<1024xf32, #tpu.memory_space<hbm>>
    %dma_start3A_1056 = arith.constant 0 : i32
    %dma_start3A_1057 = tpu.memref_slice %arg7[%dma_start3A_1048, %dma_start3A_1056] : memref<2x16384xf32, #tpu.memory_space<vmem>> -> memref<1x16384xf32, #tpu.memory_space<vmem>>
    %dma_start3A_1058 = tpu.memref_squeeze %dma_start3A_1057 : memref<1x16384xf32, #tpu.memory_space<vmem>> -> memref<16384xf32, #tpu.memory_space<vmem>>
    %dma_start3A_1059 = arith.constant 10240 : i32
    %dma_start3A_1060 = tpu.memref_slice %dma_start3A_1058[%dma_start3A_1059] : memref<16384xf32, #tpu.memory_space<vmem>> -> memref<1024xf32, #tpu.memory_space<vmem>>
    tpu.enqueue_dma source(%dma_start3A_1060 : memref<1024xf32, #tpu.memory_space<vmem>>) target(%dma_start3A_1055 : memref<1024xf32, #tpu.memory_space<hbm>>) target_semaphore(%arg11 : memref<!tpu.dma_semaphore, #tpu.memory_space<semaphore_mem>>)
    %mul3A_1061 = arith.constant 4 : i32
    %mul3A_1062 = arith.muli %select_n3A_989, %mul3A_1061 : i32
    %mul3A_1063 = arith.constant 128 : i32
    %mul3A_1064 = arith.muli %mul3A_1062, %mul3A_1063 : i32
    %add3A_1065 = arith.constant 384 : i32
    %add3A_1066 = arith.addi %mul3A_1064, %add3A_1065 : i32
    %add3A_1067 = arith.addi %add3A_1066, %rem3A_991 : i32
    %mul3A_1068 = arith.constant 1024 : i32
    %mul3A_1069 = arith.muli %add3A_1067, %mul3A_1068 : i32
    %multiple_of3A_1070 = tpu.assume_multiple %mul3A_1069, 8 : i32
    %dma_start3A_1071 = arith.constant 1 : i32
    %dma_start3A_1072 = arith.constant 0 : i32
    %dma_start3A_1073 = tpu.memref_slice %arg7[%dma_start3A_1071, %dma_start3A_1072] : memref<2x16384xf32, #tpu.memory_space<vmem>> -> memref<1x16384xf32, #tpu.memory_space<vmem>>
    %dma_start3A_1074 = tpu.memref_squeeze %dma_start3A_1073 : memref<1x16384xf32, #tpu.memory_space<vmem>> -> memref<16384xf32, #tpu.memory_space<vmem>>
    %dma_start3A_1075 = arith.constant 11264 : i32
    %dma_start3A_1076 = tpu.memref_slice %dma_start3A_1074[%dma_start3A_1075] : memref<16384xf32, #tpu.memory_space<vmem>> -> memref<1024xf32, #tpu.memory_space<vmem>>
    %dma_start3A_1077 = tpu.memref_slice %arg4[%multiple_of3A_1070] : memref<26214400xf32, #tpu.memory_space<hbm>> -> memref<1024xf32, #tpu.memory_space<hbm>>
    %dma_start3A_1078 = tpu.memref_slice %arg4[%multiple_of3A_1070] : memref<26214400xf32, #tpu.memory_space<hbm>> -> memref<1024xf32, #tpu.memory_space<hbm>>
    %dma_start3A_1079 = arith.constant 0 : i32
    %dma_start3A_1080 = tpu.memref_slice %arg7[%dma_start3A_1071, %dma_start3A_1079] : memref<2x16384xf32, #tpu.memory_space<vmem>> -> memref<1x16384xf32, #tpu.memory_space<vmem>>
    %dma_start3A_1081 = tpu.memref_squeeze %dma_start3A_1080 : memref<1x16384xf32, #tpu.memory_space<vmem>> -> memref<16384xf32, #tpu.memory_space<vmem>>
    %dma_start3A_1082 = arith.constant 11264 : i32
    %dma_start3A_1083 = tpu.memref_slice %dma_start3A_1081[%dma_start3A_1082] : memref<16384xf32, #tpu.memory_space<vmem>> -> memref<1024xf32, #tpu.memory_space<vmem>>
    tpu.enqueue_dma source(%dma_start3A_1083 : memref<1024xf32, #tpu.memory_space<vmem>>) target(%dma_start3A_1078 : memref<1024xf32, #tpu.memory_space<hbm>>) target_semaphore(%arg11 : memref<!tpu.dma_semaphore, #tpu.memory_space<semaphore_mem>>)
    %mul3A_1084 = arith.constant 200 : i32
    %mul3A_1085 = arith.muli %add3A, %mul3A_1084 : i32
    %add3A_1086 = arith.constant 4 : i32
    %add3A_1087 = arith.addi %mul3A_1085, %add3A_1086 : i32
    %add3A_1088 = arith.constant 3 : i32
    %add3A_1089 = arith.addi %add3A_1087, %add3A_1088 : i32
    %jit3A_1090 = arith.constant 128 : i32
    %div3A_1091 = arith.divsi %add3A_1089, %jit3A_1090 : i32
    %sign3A_1092 = arith.constant 0 : i32
    %sign3A_1093 = arith.cmpi sgt, %add3A_1089, %sign3A_1092 : i32
    %sign3A_1094 = arith.extui %sign3A_1093 : i1 to i32
    %sign3A_1095 = arith.constant 0 : i32
    %sign3A_1096 = arith.cmpi slt, %add3A_1089, %sign3A_1095 : i32
    %sign3A_1097 = arith.extui %sign3A_1096 : i1 to i32
    %sign3A_1098 = arith.subi %sign3A_1094, %sign3A_1097 : i32
    %sign3A_1099 = arith.constant 0 : i32
    %sign3A_1100 = arith.cmpi sgt, %jit3A_1090, %sign3A_1099 : i32
    %sign3A_1101 = arith.extui %sign3A_1100 : i1 to i32
    %sign3A_1102 = arith.constant 0 : i32
    %sign3A_1103 = arith.cmpi slt, %jit3A_1090, %sign3A_1102 : i32
    %sign3A_1104 = arith.extui %sign3A_1103 : i1 to i32
    %sign3A_1105 = arith.subi %sign3A_1101, %sign3A_1104 : i32
    %ne3A_1106 = arith.cmpi ne, %sign3A_1098, %sign3A_1105 : i32
    %rem3A_1107 = arith.remsi %add3A_1089, %jit3A_1090 : i32
    %ne3A_1108 = arith.constant 0 : i32
    %ne3A_1109 = arith.cmpi ne, %rem3A_1107, %ne3A_1108 : i32
    %and3A_1110 = arith.andi %ne3A_1106, %ne3A_1109 : i1
    %sub3A_1111 = arith.constant 1 : i32
    %sub3A_1112 = arith.subi %div3A_1091, %sub3A_1111 : i32
    %select_n3A_1113 = arith.select %and3A_1110, %sub3A_1112, %div3A_1091 : i32
    %rem3A_1114 = arith.constant 128 : i32
    %rem3A_1115 = arith.remsi %add3A_1089, %rem3A_1114 : i32
    %mul3A_1116 = arith.constant 4 : i32
    %mul3A_1117 = arith.muli %select_n3A_1113, %mul3A_1116 : i32
    %mul3A_1118 = arith.constant 128 : i32
    %mul3A_1119 = arith.muli %mul3A_1117, %mul3A_1118 : i32
    %add3A_1120 = arith.constant 0 : i32
    %add3A_1121 = arith.addi %mul3A_1119, %add3A_1120 : i32
    %add3A_1122 = arith.addi %add3A_1121, %rem3A_1115 : i32
    %mul3A_1123 = arith.constant 1024 : i32
    %mul3A_1124 = arith.muli %add3A_1122, %mul3A_1123 : i32
    %multiple_of3A_1125 = tpu.assume_multiple %mul3A_1124, 8 : i32
    %dma_start3A_1126 = arith.constant 1 : i32
    %dma_start3A_1127 = arith.constant 0 : i32
    %dma_start3A_1128 = tpu.memref_slice %arg7[%dma_start3A_1126, %dma_start3A_1127] : memref<2x16384xf32, #tpu.memory_space<vmem>> -> memref<1x16384xf32, #tpu.memory_space<vmem>>
    %dma_start3A_1129 = tpu.memref_squeeze %dma_start3A_1128 : memref<1x16384xf32, #tpu.memory_space<vmem>> -> memref<16384xf32, #tpu.memory_space<vmem>>
    %dma_start3A_1130 = arith.constant 12288 : i32
    %dma_start3A_1131 = tpu.memref_slice %dma_start3A_1129[%dma_start3A_1130] : memref<16384xf32, #tpu.memory_space<vmem>> -> memref<1024xf32, #tpu.memory_space<vmem>>
    %dma_start3A_1132 = tpu.memref_slice %arg4[%multiple_of3A_1125] : memref<26214400xf32, #tpu.memory_space<hbm>> -> memref<1024xf32, #tpu.memory_space<hbm>>
    %dma_start3A_1133 = tpu.memref_slice %arg4[%multiple_of3A_1125] : memref<26214400xf32, #tpu.memory_space<hbm>> -> memref<1024xf32, #tpu.memory_space<hbm>>
    %dma_start3A_1134 = arith.constant 0 : i32
    %dma_start3A_1135 = tpu.memref_slice %arg7[%dma_start3A_1126, %dma_start3A_1134] : memref<2x16384xf32, #tpu.memory_space<vmem>> -> memref<1x16384xf32, #tpu.memory_space<vmem>>
    %dma_start3A_1136 = tpu.memref_squeeze %dma_start3A_1135 : memref<1x16384xf32, #tpu.memory_space<vmem>> -> memref<16384xf32, #tpu.memory_space<vmem>>
    %dma_start3A_1137 = arith.constant 12288 : i32
    %dma_start3A_1138 = tpu.memref_slice %dma_start3A_1136[%dma_start3A_1137] : memref<16384xf32, #tpu.memory_space<vmem>> -> memref<1024xf32, #tpu.memory_space<vmem>>
    tpu.enqueue_dma source(%dma_start3A_1138 : memref<1024xf32, #tpu.memory_space<vmem>>) target(%dma_start3A_1133 : memref<1024xf32, #tpu.memory_space<hbm>>) target_semaphore(%arg11 : memref<!tpu.dma_semaphore, #tpu.memory_space<semaphore_mem>>)
    %mul3A_1139 = arith.constant 4 : i32
    %mul3A_1140 = arith.muli %select_n3A_1113, %mul3A_1139 : i32
    %mul3A_1141 = arith.constant 128 : i32
    %mul3A_1142 = arith.muli %mul3A_1140, %mul3A_1141 : i32
    %add3A_1143 = arith.constant 128 : i32
    %add3A_1144 = arith.addi %mul3A_1142, %add3A_1143 : i32
    %add3A_1145 = arith.addi %add3A_1144, %rem3A_1115 : i32
    %mul3A_1146 = arith.constant 1024 : i32
    %mul3A_1147 = arith.muli %add3A_1145, %mul3A_1146 : i32
    %multiple_of3A_1148 = tpu.assume_multiple %mul3A_1147, 8 : i32
    %dma_start3A_1149 = arith.constant 1 : i32
    %dma_start3A_1150 = arith.constant 0 : i32
    %dma_start3A_1151 = tpu.memref_slice %arg7[%dma_start3A_1149, %dma_start3A_1150] : memref<2x16384xf32, #tpu.memory_space<vmem>> -> memref<1x16384xf32, #tpu.memory_space<vmem>>
    %dma_start3A_1152 = tpu.memref_squeeze %dma_start3A_1151 : memref<1x16384xf32, #tpu.memory_space<vmem>> -> memref<16384xf32, #tpu.memory_space<vmem>>
    %dma_start3A_1153 = arith.constant 13312 : i32
    %dma_start3A_1154 = tpu.memref_slice %dma_start3A_1152[%dma_start3A_1153] : memref<16384xf32, #tpu.memory_space<vmem>> -> memref<1024xf32, #tpu.memory_space<vmem>>
    %dma_start3A_1155 = tpu.memref_slice %arg4[%multiple_of3A_1148] : memref<26214400xf32, #tpu.memory_space<hbm>> -> memref<1024xf32, #tpu.memory_space<hbm>>
    %dma_start3A_1156 = tpu.memref_slice %arg4[%multiple_of3A_1148] : memref<26214400xf32, #tpu.memory_space<hbm>> -> memref<1024xf32, #tpu.memory_space<hbm>>
    %dma_start3A_1157 = arith.constant 0 : i32
    %dma_start3A_1158 = tpu.memref_slice %arg7[%dma_start3A_1149, %dma_start3A_1157] : memref<2x16384xf32, #tpu.memory_space<vmem>> -> memref<1x16384xf32, #tpu.memory_space<vmem>>
    %dma_start3A_1159 = tpu.memref_squeeze %dma_start3A_1158 : memref<1x16384xf32, #tpu.memory_space<vmem>> -> memref<16384xf32, #tpu.memory_space<vmem>>
    %dma_start3A_1160 = arith.constant 13312 : i32
    %dma_start3A_1161 = tpu.memref_slice %dma_start3A_1159[%dma_start3A_1160] : memref<16384xf32, #tpu.memory_space<vmem>> -> memref<1024xf32, #tpu.memory_space<vmem>>
    tpu.enqueue_dma source(%dma_start3A_1161 : memref<1024xf32, #tpu.memory_space<vmem>>) target(%dma_start3A_1156 : memref<1024xf32, #tpu.memory_space<hbm>>) target_semaphore(%arg11 : memref<!tpu.dma_semaphore, #tpu.memory_space<semaphore_mem>>)
    %mul3A_1162 = arith.constant 4 : i32
    %mul3A_1163 = arith.muli %select_n3A_1113, %mul3A_1162 : i32
    %mul3A_1164 = arith.constant 128 : i32
    %mul3A_1165 = arith.muli %mul3A_1163, %mul3A_1164 : i32
    %add3A_1166 = arith.constant 256 : i32
    %add3A_1167 = arith.addi %mul3A_1165, %add3A_1166 : i32
    %add3A_1168 = arith.addi %add3A_1167, %rem3A_1115 : i32
    %mul3A_1169 = arith.constant 1024 : i32
    %mul3A_1170 = arith.muli %add3A_1168, %mul3A_1169 : i32
    %multiple_of3A_1171 = tpu.assume_multiple %mul3A_1170, 8 : i32
    %dma_start3A_1172 = arith.constant 1 : i32
    %dma_start3A_1173 = arith.constant 0 : i32
    %dma_start3A_1174 = tpu.memref_slice %arg7[%dma_start3A_1172, %dma_start3A_1173] : memref<2x16384xf32, #tpu.memory_space<vmem>> -> memref<1x16384xf32, #tpu.memory_space<vmem>>
    %dma_start3A_1175 = tpu.memref_squeeze %dma_start3A_1174 : memref<1x16384xf32, #tpu.memory_space<vmem>> -> memref<16384xf32, #tpu.memory_space<vmem>>
    %dma_start3A_1176 = arith.constant 14336 : i32
    %dma_start3A_1177 = tpu.memref_slice %dma_start3A_1175[%dma_start3A_1176] : memref<16384xf32, #tpu.memory_space<vmem>> -> memref<1024xf32, #tpu.memory_space<vmem>>
    %dma_start3A_1178 = tpu.memref_slice %arg4[%multiple_of3A_1171] : memref<26214400xf32, #tpu.memory_space<hbm>> -> memref<1024xf32, #tpu.memory_space<hbm>>
    %dma_start3A_1179 = tpu.memref_slice %arg4[%multiple_of3A_1171] : memref<26214400xf32, #tpu.memory_space<hbm>> -> memref<1024xf32, #tpu.memory_space<hbm>>
    %dma_start3A_1180 = arith.constant 0 : i32
    %dma_start3A_1181 = tpu.memref_slice %arg7[%dma_start3A_1172, %dma_start3A_1180] : memref<2x16384xf32, #tpu.memory_space<vmem>> -> memref<1x16384xf32, #tpu.memory_space<vmem>>
    %dma_start3A_1182 = tpu.memref_squeeze %dma_start3A_1181 : memref<1x16384xf32, #tpu.memory_space<vmem>> -> memref<16384xf32, #tpu.memory_space<vmem>>
    %dma_start3A_1183 = arith.constant 14336 : i32
    %dma_start3A_1184 = tpu.memref_slice %dma_start3A_1182[%dma_start3A_1183] : memref<16384xf32, #tpu.memory_space<vmem>> -> memref<1024xf32, #tpu.memory_space<vmem>>
    tpu.enqueue_dma source(%dma_start3A_1184 : memref<1024xf32, #tpu.memory_space<vmem>>) target(%dma_start3A_1179 : memref<1024xf32, #tpu.memory_space<hbm>>) target_semaphore(%arg11 : memref<!tpu.dma_semaphore, #tpu.memory_space<semaphore_mem>>)
    %mul3A_1185 = arith.constant 4 : i32
    %mul3A_1186 = arith.muli %select_n3A_1113, %mul3A_1185 : i32
    %mul3A_1187 = arith.constant 128 : i32
    %mul3A_1188 = arith.muli %mul3A_1186, %mul3A_1187 : i32
    %add3A_1189 = arith.constant 384 : i32
    %add3A_1190 = arith.addi %mul3A_1188, %add3A_1189 : i32
    %add3A_1191 = arith.addi %add3A_1190, %rem3A_1115 : i32
    %mul3A_1192 = arith.constant 1024 : i32
    %mul3A_1193 = arith.muli %add3A_1191, %mul3A_1192 : i32
    %multiple_of3A_1194 = tpu.assume_multiple %mul3A_1193, 8 : i32
    %dma_start3A_1195 = arith.constant 1 : i32
    %dma_start3A_1196 = arith.constant 0 : i32
    %dma_start3A_1197 = tpu.memref_slice %arg7[%dma_start3A_1195, %dma_start3A_1196] : memref<2x16384xf32, #tpu.memory_space<vmem>> -> memref<1x16384xf32, #tpu.memory_space<vmem>>
    %dma_start3A_1198 = tpu.memref_squeeze %dma_start3A_1197 : memref<1x16384xf32, #tpu.memory_space<vmem>> -> memref<16384xf32, #tpu.memory_space<vmem>>
    %dma_start3A_1199 = arith.constant 15360 : i32
    %dma_start3A_1200 = tpu.memref_slice %dma_start3A_1198[%dma_start3A_1199] : memref<16384xf32, #tpu.memory_space<vmem>> -> memref<1024xf32, #tpu.memory_space<vmem>>
    %dma_start3A_1201 = tpu.memref_slice %arg4[%multiple_of3A_1194] : memref<26214400xf32, #tpu.memory_space<hbm>> -> memref<1024xf32, #tpu.memory_space<hbm>>
    %dma_start3A_1202 = tpu.memref_slice %arg4[%multiple_of3A_1194] : memref<26214400xf32, #tpu.memory_space<hbm>> -> memref<1024xf32, #tpu.memory_space<hbm>>
    %dma_start3A_1203 = arith.constant 0 : i32
    %dma_start3A_1204 = tpu.memref_slice %arg7[%dma_start3A_1195, %dma_start3A_1203] : memref<2x16384xf32, #tpu.memory_space<vmem>> -> memref<1x16384xf32, #tpu.memory_space<vmem>>
    %dma_start3A_1205 = tpu.memref_squeeze %dma_start3A_1204 : memref<1x16384xf32, #tpu.memory_space<vmem>> -> memref<16384xf32, #tpu.memory_space<vmem>>
    %dma_start3A_1206 = arith.constant 15360 : i32
    %dma_start3A_1207 = tpu.memref_slice %dma_start3A_1205[%dma_start3A_1206] : memref<16384xf32, #tpu.memory_space<vmem>> -> memref<1024xf32, #tpu.memory_space<vmem>>
    tpu.enqueue_dma source(%dma_start3A_1207 : memref<1024xf32, #tpu.memory_space<vmem>>) target(%dma_start3A_1202 : memref<1024xf32, #tpu.memory_space<hbm>>) target_semaphore(%arg11 : memref<!tpu.dma_semaphore, #tpu.memory_space<semaphore_mem>>)
    %scan3A = arith.constant 0 : i32
    %scan3A_1208 = arith.constant 1 : i32
    %scan3A_1209 = arith.constant 23 : i32
    %scan3A_1210 = arith.addi %scan3A_1208, %scan3A_1209 : i32
    %scan3A_1211 = arith.constant 1 : i32
    scf.for %scan3A_2353 = %scan3A_1208 to %scan3A_1210 step %scan3A_1211  : i32 {
      %mul3A_2354 = arith.constant 2 : i32
      %mul3A_2355 = arith.muli %mul3A_2354, %scan3A_2353 : i32
      %add3A_2356 = arith.constant 1 : i32
      %add3A_2357 = arith.addi %mul3A_2355, %add3A_2356 : i32
      %mul3A_2358 = arith.constant 4 : i32
      %mul3A_2359 = arith.muli %add3A_2357, %mul3A_2358 : i32
      %add3A_2360 = arith.constant 0 : i32
      %add3A_2361 = arith.addi %mul3A_2359, %add3A_2360 : i32
      %dma_start3A_2362 = arith.constant 1 : i32
      %dma_start3A_2363 = arith.constant 0 : i32
      %dma_start3A_2364 = arith.constant 0 : i32
      %dma_start3A_2365 = tpu.memref_slice %arg6[%dma_start3A_2362, %dma_start3A_2363, %dma_start3A_2364] : memref<2x512x32xf32, #tpu.memory_space<vmem>> -> memref<1x512x32xf32, #tpu.memory_space<vmem>>
      %dma_start3A_2366 = tpu.memref_squeeze %dma_start3A_2365 : memref<1x512x32xf32, #tpu.memory_space<vmem>> -> memref<512x32xf32, #tpu.memory_space<vmem>>
      %dma_start3A_2367 = arith.constant 0 : i32
      %dma_start3A_2368 = arith.constant 0 : i32
      %dma_start3A_2369 = tpu.memref_slice %dma_start3A_2366[%dma_start3A_2367, %dma_start3A_2368] : memref<512x32xf32, #tpu.memory_space<vmem>> -> memref<128x32xf32, #tpu.memory_space<vmem>>
      %dma_start3A_2370 = arith.constant 0 : i32
      %dma_start3A_2371 = tpu.memref_slice %arg5[%add3A_2361, %dma_start3A_2370] : memref<200x128xi32, #tpu.memory_space<vmem>> -> memref<1x128xi32, #tpu.memory_space<vmem>>
      %dma_start3A_2372 = tpu.memref_squeeze %dma_start3A_2371 : memref<1x128xi32, #tpu.memory_space<vmem>> -> memref<128xi32, #tpu.memory_space<vmem>>
      %dma_start3A_2373 = arith.constant 0 : i32
      %dma_start3A_2374 = arith.constant 0 : i32
      %dma_start3A_2375 = tpu.memref_slice %arg2[%dma_start3A_2373, %dma_start3A_2374] : memref<1000000x32xf32, #tpu.memory_space<hbm>> -> memref<1000000x32xf32, #tpu.memory_space<hbm>>
      tpu.enqueue_indirect_dma source(%dma_start3A_2375 : memref<1000000x32xf32, #tpu.memory_space<hbm>>) target(%dma_start3A_2369 : memref<128x32xf32, #tpu.memory_space<vmem>>) offsets(%dma_start3A_2372 : memref<128xi32, #tpu.memory_space<vmem>>) semaphore(%arg9 : memref<!tpu.dma_semaphore, #tpu.memory_space<semaphore_mem>>)
      %mul3A_2376 = arith.constant 4 : i32
      %mul3A_2377 = arith.muli %add3A_2357, %mul3A_2376 : i32
      %add3A_2378 = arith.constant 1 : i32
      %add3A_2379 = arith.addi %mul3A_2377, %add3A_2378 : i32
      %dma_start3A_2380 = arith.constant 1 : i32
      %dma_start3A_2381 = arith.constant 0 : i32
      %dma_start3A_2382 = arith.constant 0 : i32
      %dma_start3A_2383 = tpu.memref_slice %arg6[%dma_start3A_2380, %dma_start3A_2381, %dma_start3A_2382] : memref<2x512x32xf32, #tpu.memory_space<vmem>> -> memref<1x512x32xf32, #tpu.memory_space<vmem>>
      %dma_start3A_2384 = tpu.memref_squeeze %dma_start3A_2383 : memref<1x512x32xf32, #tpu.memory_space<vmem>> -> memref<512x32xf32, #tpu.memory_space<vmem>>
      %dma_start3A_2385 = arith.constant 128 : i32
      %dma_start3A_2386 = arith.constant 0 : i32
      %dma_start3A_2387 = tpu.memref_slice %dma_start3A_2384[%dma_start3A_2385, %dma_start3A_2386] : memref<512x32xf32, #tpu.memory_space<vmem>> -> memref<128x32xf32, #tpu.memory_space<vmem>>
      %dma_start3A_2388 = arith.constant 0 : i32
      %dma_start3A_2389 = tpu.memref_slice %arg5[%add3A_2379, %dma_start3A_2388] : memref<200x128xi32, #tpu.memory_space<vmem>> -> memref<1x128xi32, #tpu.memory_space<vmem>>
      %dma_start3A_2390 = tpu.memref_squeeze %dma_start3A_2389 : memref<1x128xi32, #tpu.memory_space<vmem>> -> memref<128xi32, #tpu.memory_space<vmem>>
      %dma_start3A_2391 = arith.constant 0 : i32
      %dma_start3A_2392 = arith.constant 0 : i32
      %dma_start3A_2393 = tpu.memref_slice %arg2[%dma_start3A_2391, %dma_start3A_2392] : memref<1000000x32xf32, #tpu.memory_space<hbm>> -> memref<1000000x32xf32, #tpu.memory_space<hbm>>
      tpu.enqueue_indirect_dma source(%dma_start3A_2393 : memref<1000000x32xf32, #tpu.memory_space<hbm>>) target(%dma_start3A_2387 : memref<128x32xf32, #tpu.memory_space<vmem>>) offsets(%dma_start3A_2390 : memref<128xi32, #tpu.memory_space<vmem>>) semaphore(%arg9 : memref<!tpu.dma_semaphore, #tpu.memory_space<semaphore_mem>>)
      %mul3A_2394 = arith.constant 4 : i32
      %mul3A_2395 = arith.muli %add3A_2357, %mul3A_2394 : i32
      %add3A_2396 = arith.constant 2 : i32
      %add3A_2397 = arith.addi %mul3A_2395, %add3A_2396 : i32
      %dma_start3A_2398 = arith.constant 1 : i32
      %dma_start3A_2399 = arith.constant 0 : i32
      %dma_start3A_2400 = arith.constant 0 : i32
      %dma_start3A_2401 = tpu.memref_slice %arg6[%dma_start3A_2398, %dma_start3A_2399, %dma_start3A_2400] : memref<2x512x32xf32, #tpu.memory_space<vmem>> -> memref<1x512x32xf32, #tpu.memory_space<vmem>>
      %dma_start3A_2402 = tpu.memref_squeeze %dma_start3A_2401 : memref<1x512x32xf32, #tpu.memory_space<vmem>> -> memref<512x32xf32, #tpu.memory_space<vmem>>
      %dma_start3A_2403 = arith.constant 256 : i32
      %dma_start3A_2404 = arith.constant 0 : i32
      %dma_start3A_2405 = tpu.memref_slice %dma_start3A_2402[%dma_start3A_2403, %dma_start3A_2404] : memref<512x32xf32, #tpu.memory_space<vmem>> -> memref<128x32xf32, #tpu.memory_space<vmem>>
      %dma_start3A_2406 = arith.constant 0 : i32
      %dma_start3A_2407 = tpu.memref_slice %arg5[%add3A_2397, %dma_start3A_2406] : memref<200x128xi32, #tpu.memory_space<vmem>> -> memref<1x128xi32, #tpu.memory_space<vmem>>
      %dma_start3A_2408 = tpu.memref_squeeze %dma_start3A_2407 : memref<1x128xi32, #tpu.memory_space<vmem>> -> memref<128xi32, #tpu.memory_space<vmem>>
      %dma_start3A_2409 = arith.constant 0 : i32
      %dma_start3A_2410 = arith.constant 0 : i32
      %dma_start3A_2411 = tpu.memref_slice %arg2[%dma_start3A_2409, %dma_start3A_2410] : memref<1000000x32xf32, #tpu.memory_space<hbm>> -> memref<1000000x32xf32, #tpu.memory_space<hbm>>
      tpu.enqueue_indirect_dma source(%dma_start3A_2411 : memref<1000000x32xf32, #tpu.memory_space<hbm>>) target(%dma_start3A_2405 : memref<128x32xf32, #tpu.memory_space<vmem>>) offsets(%dma_start3A_2408 : memref<128xi32, #tpu.memory_space<vmem>>) semaphore(%arg9 : memref<!tpu.dma_semaphore, #tpu.memory_space<semaphore_mem>>)
      %mul3A_2412 = arith.constant 4 : i32
      %mul3A_2413 = arith.muli %add3A_2357, %mul3A_2412 : i32
      %add3A_2414 = arith.constant 3 : i32
      %add3A_2415 = arith.addi %mul3A_2413, %add3A_2414 : i32
      %dma_start3A_2416 = arith.constant 1 : i32
      %dma_start3A_2417 = arith.constant 0 : i32
      %dma_start3A_2418 = arith.constant 0 : i32
      %dma_start3A_2419 = tpu.memref_slice %arg6[%dma_start3A_2416, %dma_start3A_2417, %dma_start3A_2418] : memref<2x512x32xf32, #tpu.memory_space<vmem>> -> memref<1x512x32xf32, #tpu.memory_space<vmem>>
      %dma_start3A_2420 = tpu.memref_squeeze %dma_start3A_2419 : memref<1x512x32xf32, #tpu.memory_space<vmem>> -> memref<512x32xf32, #tpu.memory_space<vmem>>
      %dma_start3A_2421 = arith.constant 384 : i32
      %dma_start3A_2422 = arith.constant 0 : i32
      %dma_start3A_2423 = tpu.memref_slice %dma_start3A_2420[%dma_start3A_2421, %dma_start3A_2422] : memref<512x32xf32, #tpu.memory_space<vmem>> -> memref<128x32xf32, #tpu.memory_space<vmem>>
      %dma_start3A_2424 = arith.constant 0 : i32
      %dma_start3A_2425 = tpu.memref_slice %arg5[%add3A_2415, %dma_start3A_2424] : memref<200x128xi32, #tpu.memory_space<vmem>> -> memref<1x128xi32, #tpu.memory_space<vmem>>
      %dma_start3A_2426 = tpu.memref_squeeze %dma_start3A_2425 : memref<1x128xi32, #tpu.memory_space<vmem>> -> memref<128xi32, #tpu.memory_space<vmem>>
      %dma_start3A_2427 = arith.constant 0 : i32
      %dma_start3A_2428 = arith.constant 0 : i32
      %dma_start3A_2429 = tpu.memref_slice %arg2[%dma_start3A_2427, %dma_start3A_2428] : memref<1000000x32xf32, #tpu.memory_space<hbm>> -> memref<1000000x32xf32, #tpu.memory_space<hbm>>
      tpu.enqueue_indirect_dma source(%dma_start3A_2429 : memref<1000000x32xf32, #tpu.memory_space<hbm>>) target(%dma_start3A_2423 : memref<128x32xf32, #tpu.memory_space<vmem>>) offsets(%dma_start3A_2426 : memref<128xi32, #tpu.memory_space<vmem>>) semaphore(%arg9 : memref<!tpu.dma_semaphore, #tpu.memory_space<semaphore_mem>>)
      %dma_wait3A_2430 = arith.constant 0 : i32
      %dma_wait3A_2431 = arith.constant 0 : i32
      %dma_wait3A_2432 = arith.constant 0 : i32
      %dma_wait3A_2433 = tpu.memref_slice %arg6[%dma_wait3A_2430, %dma_wait3A_2431, %dma_wait3A_2432] : memref<2x512x32xf32, #tpu.memory_space<vmem>> -> memref<1x512x32xf32, #tpu.memory_space<vmem>>
      %dma_wait3A_2434 = tpu.memref_squeeze %dma_wait3A_2433 : memref<1x512x32xf32, #tpu.memory_space<vmem>> -> memref<512x32xf32, #tpu.memory_space<vmem>>
      %dma_wait3A_2435 = arith.constant 0 : i32
      %dma_wait3A_2436 = arith.constant 0 : i32
      %dma_wait3A_2437 = tpu.memref_slice %arg2[%dma_wait3A_2435, %dma_wait3A_2436] : memref<1000000x32xf32, #tpu.memory_space<hbm>> -> memref<512x32xf32, #tpu.memory_space<hbm>>
      %dma_wait3A_2438 = arith.constant 0 : i32
      %dma_wait3A_2439 = arith.constant 0 : i32
      %dma_wait3A_2440 = tpu.memref_slice %arg6[%dma_wait3A_2430, %dma_wait3A_2438, %dma_wait3A_2439] : memref<2x512x32xf32, #tpu.memory_space<vmem>> -> memref<1x512x32xf32, #tpu.memory_space<vmem>>
      %dma_wait3A_2441 = tpu.memref_squeeze %dma_wait3A_2440 : memref<1x512x32xf32, #tpu.memory_space<vmem>> -> memref<512x32xf32, #tpu.memory_space<vmem>>
      %dma_wait3A_2442 = arith.constant 0 : i32
      %dma_wait3A_2443 = arith.constant 0 : i32
      %dma_wait3A_2444 = tpu.memref_slice %arg2[%dma_wait3A_2442, %dma_wait3A_2443] : memref<1000000x32xf32, #tpu.memory_space<hbm>> -> memref<512x32xf32, #tpu.memory_space<hbm>>
      tpu.wait_dma2 semaphore(%arg8 : memref<!tpu.dma_semaphore, #tpu.memory_space<semaphore_mem>>) src(%dma_wait3A_2444 : memref<512x32xf32, #tpu.memory_space<hbm>>) dst(%dma_wait3A_2441 : memref<512x32xf32, #tpu.memory_space<vmem>>)
      %dma_wait3A_2445 = arith.constant 0 : i32
      %dma_wait3A_2446 = arith.constant 0 : i32
      %dma_wait3A_2447 = tpu.memref_slice %arg7[%dma_wait3A_2445, %dma_wait3A_2446] : memref<2x16384xf32, #tpu.memory_space<vmem>> -> memref<1x16384xf32, #tpu.memory_space<vmem>>
      %dma_wait3A_2448 = tpu.memref_squeeze %dma_wait3A_2447 : memref<1x16384xf32, #tpu.memory_space<vmem>> -> memref<16384xf32, #tpu.memory_space<vmem>>
      %dma_wait3A_2449 = arith.constant 0 : i32
      %dma_wait3A_2450 = tpu.memref_slice %arg4[%dma_wait3A_2449] : memref<26214400xf32, #tpu.memory_space<hbm>> -> memref<16384xf32, #tpu.memory_space<hbm>>
      %dma_wait3A_2451 = arith.constant 0 : i32
      %dma_wait3A_2452 = tpu.memref_slice %arg7[%dma_wait3A_2445, %dma_wait3A_2451] : memref<2x16384xf32, #tpu.memory_space<vmem>> -> memref<1x16384xf32, #tpu.memory_space<vmem>>
      %dma_wait3A_2453 = tpu.memref_squeeze %dma_wait3A_2452 : memref<1x16384xf32, #tpu.memory_space<vmem>> -> memref<16384xf32, #tpu.memory_space<vmem>>
      %dma_wait3A_2454 = arith.constant 0 : i32
      %dma_wait3A_2455 = tpu.memref_slice %arg4[%dma_wait3A_2454] : memref<26214400xf32, #tpu.memory_space<hbm>> -> memref<16384xf32, #tpu.memory_space<hbm>>
      tpu.wait_dma2 semaphore(%arg10 : memref<!tpu.dma_semaphore, #tpu.memory_space<semaphore_mem>>) src(%dma_wait3A_2455 : memref<16384xf32, #tpu.memory_space<hbm>>) dst(%dma_wait3A_2453 : memref<16384xf32, #tpu.memory_space<vmem>>)
      %mul3A_2456 = arith.constant 128 : i32
      %mul3A_2457 = vector.broadcast %mul3A_2456 : i32 to vector<16xi32>
      %mul3A_2458 = arith.muli %iota3A, %mul3A_2457 : vector<16xi32>
      %parallel_loop3A_2459 = arith.constant 0 : i32
      %parallel_loop3A_2460 = arith.constant 512 : i32
      %parallel_loop3A_2461 = arith.constant 1 : i32
      %parallel_loop3A_2462 = arith.constant 0 : i32
      scf.for %parallel_loop3A_3572 = %parallel_loop3A_2459 to %parallel_loop3A_2460 step %parallel_loop3A_2461  : i32 {
        %parallel_loop3A_3573 = arith.constant 128 : i32
        %parallel_loop3A_3574 = arith.divsi %parallel_loop3A_3572, %parallel_loop3A_3573 : i32
        %parallel_loop3A_3575 = arith.constant 0 : i32
        %parallel_loop3A_3576 = arith.cmpi sgt, %parallel_loop3A_3572, %parallel_loop3A_3575 : i32
        %parallel_loop3A_3577 = arith.extui %parallel_loop3A_3576 : i1 to i32
        %parallel_loop3A_3578 = arith.constant 0 : i32
        %parallel_loop3A_3579 = arith.cmpi slt, %parallel_loop3A_3572, %parallel_loop3A_3578 : i32
        %parallel_loop3A_3580 = arith.extui %parallel_loop3A_3579 : i1 to i32
        %parallel_loop3A_3581 = arith.subi %parallel_loop3A_3577, %parallel_loop3A_3580 : i32
        %parallel_loop3A_3582 = arith.constant 0 : i32
        %parallel_loop3A_3583 = arith.cmpi sgt, %parallel_loop3A_3573, %parallel_loop3A_3582 : i32
        %parallel_loop3A_3584 = arith.extui %parallel_loop3A_3583 : i1 to i32
        %parallel_loop3A_3585 = arith.constant 0 : i32
        %parallel_loop3A_3586 = arith.cmpi slt, %parallel_loop3A_3573, %parallel_loop3A_3585 : i32
        %parallel_loop3A_3587 = arith.extui %parallel_loop3A_3586 : i1 to i32
        %parallel_loop3A_3588 = arith.subi %parallel_loop3A_3584, %parallel_loop3A_3587 : i32
        %parallel_loop3A_3589 = arith.cmpi ne, %parallel_loop3A_3581, %parallel_loop3A_3588 : i32
        %parallel_loop3A_3590 = arith.remsi %parallel_loop3A_3572, %parallel_loop3A_3573 : i32
        %parallel_loop3A_3591 = arith.constant 0 : i32
        %parallel_loop3A_3592 = arith.cmpi ne, %parallel_loop3A_3590, %parallel_loop3A_3591 : i32
        %parallel_loop3A_3593 = arith.andi %parallel_loop3A_3589, %parallel_loop3A_3592 : i1
        %parallel_loop3A_3594 = arith.constant 1 : i32
        %parallel_loop3A_3595 = arith.subi %parallel_loop3A_3574, %parallel_loop3A_3594 : i32
        %parallel_loop3A_3596 = arith.select %parallel_loop3A_3593, %parallel_loop3A_3595, %parallel_loop3A_3574 : i32
        %parallel_loop3A_3597 = arith.constant 0 : i32
        %parallel_loop3A_3598 = arith.index_cast %parallel_loop3A_3597 : i32 to index
        %parallel_loop3A_3599 = arith.index_cast %parallel_loop3A_3572 : i32 to index
        %parallel_loop3A_3600 = arith.constant 0 : index
        %parallel_loop3A_3601 = tpu.vector_load %arg6[%parallel_loop3A_3598, %parallel_loop3A_3599, %parallel_loop3A_3600] {strides = array<i32>} : memref<2x512x32xf32, #tpu.memory_space<vmem>>, vector<16xf32>,
        %parallel_loop3A_3602 = arith.constant 0 : i32
        %parallel_loop3A_3603 = arith.index_cast %parallel_loop3A_3602 : i32 to index
        %parallel_loop3A_3604 = arith.index_cast %parallel_loop3A_3572 : i32 to index
        %parallel_loop3A_3605 = arith.constant 16 : index
        %parallel_loop3A_3606 = tpu.vector_load %arg6[%parallel_loop3A_3603, %parallel_loop3A_3604, %parallel_loop3A_3605] {strides = array<i32>} : memref<2x512x32xf32, #tpu.memory_space<vmem>>, vector<16xf32>,
        %parallel_loop3A_3607 = arith.constant 3968 : i32
        %parallel_loop3A_3608 = arith.muli %parallel_loop3A_3596, %parallel_loop3A_3607 : i32
        %parallel_loop3A_3609 = arith.addi %parallel_loop3A_3572, %parallel_loop3A_3608 : i32
        %parallel_loop3A_3610 = vector.broadcast %parallel_loop3A_3609 : i32 to vector<16xi32>
        %parallel_loop3A_3611 = arith.addi %mul3A_2458, %parallel_loop3A_3610 : vector<16xi32>
        %parallel_loop3A_3612 = arith.constant 0 : i32
        %parallel_loop3A_3613 = tpu.memref_slice %arg7[%parallel_loop3A_2462, %parallel_loop3A_3612] : memref<2x16384xf32, #tpu.memory_space<vmem>> -> memref<1x16384xf32, #tpu.memory_space<vmem>>
        %parallel_loop3A_3614 = tpu.memref_squeeze %parallel_loop3A_3613 : memref<1x16384xf32, #tpu.memory_space<vmem>> -> memref<16384xf32, #tpu.memory_space<vmem>>
        tpu.vector_store_idx %parallel_loop3A_3614[%parallel_loop3A_3611], %parallel_loop3A_3601 : memref<16384xf32, #tpu.memory_space<vmem>>[vector<16xi32>], vector<16xf32>,
        %parallel_loop3A_3615 = arith.constant 2048 : i32
        %parallel_loop3A_3616 = vector.broadcast %parallel_loop3A_3615 : i32 to vector<16xi32>
        %parallel_loop3A_3617 = arith.addi %parallel_loop3A_3611, %parallel_loop3A_3616 : vector<16xi32>
        %parallel_loop3A_3618 = arith.constant 0 : i32
        %parallel_loop3A_3619 = tpu.memref_slice %arg7[%parallel_loop3A_2462, %parallel_loop3A_3618] : memref<2x16384xf32, #tpu.memory_space<vmem>> -> memref<1x16384xf32, #tpu.memory_space<vmem>>
        %parallel_loop3A_3620 = tpu.memref_squeeze %parallel_loop3A_3619 : memref<1x16384xf32, #tpu.memory_space<vmem>> -> memref<16384xf32, #tpu.memory_space<vmem>>
        tpu.vector_store_idx %parallel_loop3A_3620[%parallel_loop3A_3617], %parallel_loop3A_3606 : memref<16384xf32, #tpu.memory_space<vmem>>[vector<16xi32>], vector<16xf32>,
      } {sc.loop_unroll_factor = 16 : i64, sc.parallel_access}
      %mul3A_2463 = arith.constant 200 : i32
      %mul3A_2464 = arith.muli %add3A, %mul3A_2463 : i32
      %mul3A_2465 = arith.constant 4 : i32
      %mul3A_2466 = arith.muli %mul3A_2355, %mul3A_2465 : i32
      %add3A_2467 = arith.addi %mul3A_2464, %mul3A_2466 : i32
      %add3A_2468 = arith.constant 0 : i32
      %add3A_2469 = arith.addi %add3A_2467, %add3A_2468 : i32
      %jit3A_2470 = arith.constant 128 : i32
      %div3A_2471 = arith.divsi %add3A_2469, %jit3A_2470 : i32
      %sign3A_2472 = arith.constant 0 : i32
      %sign3A_2473 = arith.cmpi sgt, %add3A_2469, %sign3A_2472 : i32
      %sign3A_2474 = arith.extui %sign3A_2473 : i1 to i32
      %sign3A_2475 = arith.constant 0 : i32
      %sign3A_2476 = arith.cmpi slt, %add3A_2469, %sign3A_2475 : i32
      %sign3A_2477 = arith.extui %sign3A_2476 : i1 to i32
      %sign3A_2478 = arith.subi %sign3A_2474, %sign3A_2477 : i32
      %sign3A_2479 = arith.constant 0 : i32
      %sign3A_2480 = arith.cmpi sgt, %jit3A_2470, %sign3A_2479 : i32
      %sign3A_2481 = arith.extui %sign3A_2480 : i1 to i32
      %sign3A_2482 = arith.constant 0 : i32
      %sign3A_2483 = arith.cmpi slt, %jit3A_2470, %sign3A_2482 : i32
      %sign3A_2484 = arith.extui %sign3A_2483 : i1 to i32
      %sign3A_2485 = arith.subi %sign3A_2481, %sign3A_2484 : i32
      %ne3A_2486 = arith.cmpi ne, %sign3A_2478, %sign3A_2485 : i32
      %rem3A_2487 = arith.remsi %add3A_2469, %jit3A_2470 : i32
      %ne3A_2488 = arith.constant 0 : i32
      %ne3A_2489 = arith.cmpi ne, %rem3A_2487, %ne3A_2488 : i32
      %and3A_2490 = arith.andi %ne3A_2486, %ne3A_2489 : i1
      %sub3A_2491 = arith.constant 1 : i32
      %sub3A_2492 = arith.subi %div3A_2471, %sub3A_2491 : i32
      %select_n3A_2493 = arith.select %and3A_2490, %sub3A_2492, %div3A_2471 : i32
      %rem3A_2494 = arith.constant 128 : i32
      %rem3A_2495 = arith.remsi %add3A_2469, %rem3A_2494 : i32
      %mul3A_2496 = arith.constant 4 : i32
      %mul3A_2497 = arith.muli %select_n3A_2493, %mul3A_2496 : i32
      %mul3A_2498 = arith.constant 128 : i32
      %mul3A_2499 = arith.muli %mul3A_2497, %mul3A_2498 : i32
      %add3A_2500 = arith.constant 0 : i32
      %add3A_2501 = arith.addi %mul3A_2499, %add3A_2500 : i32
      %add3A_2502 = arith.addi %add3A_2501, %rem3A_2495 : i32
      %mul3A_2503 = arith.constant 1024 : i32
      %mul3A_2504 = arith.muli %add3A_2502, %mul3A_2503 : i32
      %multiple_of3A_2505 = tpu.assume_multiple %mul3A_2504, 8 : i32
      %dma_start3A_2506 = arith.constant 0 : i32
      %dma_start3A_2507 = arith.constant 0 : i32
      %dma_start3A_2508 = tpu.memref_slice %arg7[%dma_start3A_2506, %dma_start3A_2507] : memref<2x16384xf32, #tpu.memory_space<vmem>> -> memref<1x16384xf32, #tpu.memory_space<vmem>>
      %dma_start3A_2509 = tpu.memref_squeeze %dma_start3A_2508 : memref<1x16384xf32, #tpu.memory_space<vmem>> -> memref<16384xf32, #tpu.memory_space<vmem>>
      %dma_start3A_2510 = arith.constant 0 : i32
      %dma_start3A_2511 = tpu.memref_slice %dma_start3A_2509[%dma_start3A_2510] : memref<16384xf32, #tpu.memory_space<vmem>> -> memref<1024xf32, #tpu.memory_space<vmem>>
      %dma_start3A_2512 = tpu.memref_slice %arg4[%multiple_of3A_2505] : memref<26214400xf32, #tpu.memory_space<hbm>> -> memref<1024xf32, #tpu.memory_space<hbm>>
      %dma_start3A_2513 = tpu.memref_slice %arg4[%multiple_of3A_2505] : memref<26214400xf32, #tpu.memory_space<hbm>> -> memref<1024xf32, #tpu.memory_space<hbm>>
      %dma_start3A_2514 = arith.constant 0 : i32
      %dma_start3A_2515 = tpu.memref_slice %arg7[%dma_start3A_2506, %dma_start3A_2514] : memref<2x16384xf32, #tpu.memory_space<vmem>> -> memref<1x16384xf32, #tpu.memory_space<vmem>>
      %dma_start3A_2516 = tpu.memref_squeeze %dma_start3A_2515 : memref<1x16384xf32, #tpu.memory_space<vmem>> -> memref<16384xf32, #tpu.memory_space<vmem>>
      %dma_start3A_2517 = arith.constant 0 : i32
      %dma_start3A_2518 = tpu.memref_slice %dma_start3A_2516[%dma_start3A_2517] : memref<16384xf32, #tpu.memory_space<vmem>> -> memref<1024xf32, #tpu.memory_space<vmem>>
      tpu.enqueue_dma source(%dma_start3A_2518 : memref<1024xf32, #tpu.memory_space<vmem>>) target(%dma_start3A_2513 : memref<1024xf32, #tpu.memory_space<hbm>>) target_semaphore(%arg10 : memref<!tpu.dma_semaphore, #tpu.memory_space<semaphore_mem>>)
      %mul3A_2519 = arith.constant 4 : i32
      %mul3A_2520 = arith.muli %select_n3A_2493, %mul3A_2519 : i32
      %mul3A_2521 = arith.constant 128 : i32
      %mul3A_2522 = arith.muli %mul3A_2520, %mul3A_2521 : i32
      %add3A_2523 = arith.constant 128 : i32
      %add3A_2524 = arith.addi %mul3A_2522, %add3A_2523 : i32
      %add3A_2525 = arith.addi %add3A_2524, %rem3A_2495 : i32
      %mul3A_2526 = arith.constant 1024 : i32
      %mul3A_2527 = arith.muli %add3A_2525, %mul3A_2526 : i32
      %multiple_of3A_2528 = tpu.assume_multiple %mul3A_2527, 8 : i32
      %dma_start3A_2529 = arith.constant 0 : i32
      %dma_start3A_2530 = arith.constant 0 : i32
      %dma_start3A_2531 = tpu.memref_slice %arg7[%dma_start3A_2529, %dma_start3A_2530] : memref<2x16384xf32, #tpu.memory_space<vmem>> -> memref<1x16384xf32, #tpu.memory_space<vmem>>
      %dma_start3A_2532 = tpu.memref_squeeze %dma_start3A_2531 : memref<1x16384xf32, #tpu.memory_space<vmem>> -> memref<16384xf32, #tpu.memory_space<vmem>>
      %dma_start3A_2533 = arith.constant 1024 : i32
      %dma_start3A_2534 = tpu.memref_slice %dma_start3A_2532[%dma_start3A_2533] : memref<16384xf32, #tpu.memory_space<vmem>> -> memref<1024xf32, #tpu.memory_space<vmem>>
      %dma_start3A_2535 = tpu.memref_slice %arg4[%multiple_of3A_2528] : memref<26214400xf32, #tpu.memory_space<hbm>> -> memref<1024xf32, #tpu.memory_space<hbm>>
      %dma_start3A_2536 = tpu.memref_slice %arg4[%multiple_of3A_2528] : memref<26214400xf32, #tpu.memory_space<hbm>> -> memref<1024xf32, #tpu.memory_space<hbm>>
      %dma_start3A_2537 = arith.constant 0 : i32
      %dma_start3A_2538 = tpu.memref_slice %arg7[%dma_start3A_2529, %dma_start3A_2537] : memref<2x16384xf32, #tpu.memory_space<vmem>> -> memref<1x16384xf32, #tpu.memory_space<vmem>>
      %dma_start3A_2539 = tpu.memref_squeeze %dma_start3A_2538 : memref<1x16384xf32, #tpu.memory_space<vmem>> -> memref<16384xf32, #tpu.memory_space<vmem>>
      %dma_start3A_2540 = arith.constant 1024 : i32
      %dma_start3A_2541 = tpu.memref_slice %dma_start3A_2539[%dma_start3A_2540] : memref<16384xf32, #tpu.memory_space<vmem>> -> memref<1024xf32, #tpu.memory_space<vmem>>
      tpu.enqueue_dma source(%dma_start3A_2541 : memref<1024xf32, #tpu.memory_space<vmem>>) target(%dma_start3A_2536 : memref<1024xf32, #tpu.memory_space<hbm>>) target_semaphore(%arg10 : memref<!tpu.dma_semaphore, #tpu.memory_space<semaphore_mem>>)
      %mul3A_2542 = arith.constant 4 : i32
      %mul3A_2543 = arith.muli %select_n3A_2493, %mul3A_2542 : i32
      %mul3A_2544 = arith.constant 128 : i32
      %mul3A_2545 = arith.muli %mul3A_2543, %mul3A_2544 : i32
      %add3A_2546 = arith.constant 256 : i32
      %add3A_2547 = arith.addi %mul3A_2545, %add3A_2546 : i32
      %add3A_2548 = arith.addi %add3A_2547, %rem3A_2495 : i32
      %mul3A_2549 = arith.constant 1024 : i32
      %mul3A_2550 = arith.muli %add3A_2548, %mul3A_2549 : i32
      %multiple_of3A_2551 = tpu.assume_multiple %mul3A_2550, 8 : i32
      %dma_start3A_2552 = arith.constant 0 : i32
      %dma_start3A_2553 = arith.constant 0 : i32
      %dma_start3A_2554 = tpu.memref_slice %arg7[%dma_start3A_2552, %dma_start3A_2553] : memref<2x16384xf32, #tpu.memory_space<vmem>> -> memref<1x16384xf32, #tpu.memory_space<vmem>>
      %dma_start3A_2555 = tpu.memref_squeeze %dma_start3A_2554 : memref<1x16384xf32, #tpu.memory_space<vmem>> -> memref<16384xf32, #tpu.memory_space<vmem>>
      %dma_start3A_2556 = arith.constant 2048 : i32
      %dma_start3A_2557 = tpu.memref_slice %dma_start3A_2555[%dma_start3A_2556] : memref<16384xf32, #tpu.memory_space<vmem>> -> memref<1024xf32, #tpu.memory_space<vmem>>
      %dma_start3A_2558 = tpu.memref_slice %arg4[%multiple_of3A_2551] : memref<26214400xf32, #tpu.memory_space<hbm>> -> memref<1024xf32, #tpu.memory_space<hbm>>
      %dma_start3A_2559 = tpu.memref_slice %arg4[%multiple_of3A_2551] : memref<26214400xf32, #tpu.memory_space<hbm>> -> memref<1024xf32, #tpu.memory_space<hbm>>
      %dma_start3A_2560 = arith.constant 0 : i32
      %dma_start3A_2561 = tpu.memref_slice %arg7[%dma_start3A_2552, %dma_start3A_2560] : memref<2x16384xf32, #tpu.memory_space<vmem>> -> memref<1x16384xf32, #tpu.memory_space<vmem>>
      %dma_start3A_2562 = tpu.memref_squeeze %dma_start3A_2561 : memref<1x16384xf32, #tpu.memory_space<vmem>> -> memref<16384xf32, #tpu.memory_space<vmem>>
      %dma_start3A_2563 = arith.constant 2048 : i32
      %dma_start3A_2564 = tpu.memref_slice %dma_start3A_2562[%dma_start3A_2563] : memref<16384xf32, #tpu.memory_space<vmem>> -> memref<1024xf32, #tpu.memory_space<vmem>>
      tpu.enqueue_dma source(%dma_start3A_2564 : memref<1024xf32, #tpu.memory_space<vmem>>) target(%dma_start3A_2559 : memref<1024xf32, #tpu.memory_space<hbm>>) target_semaphore(%arg10 : memref<!tpu.dma_semaphore, #tpu.memory_space<semaphore_mem>>)
      %mul3A_2565 = arith.constant 4 : i32
      %mul3A_2566 = arith.muli %select_n3A_2493, %mul3A_2565 : i32
      %mul3A_2567 = arith.constant 128 : i32
      %mul3A_2568 = arith.muli %mul3A_2566, %mul3A_2567 : i32
      %add3A_2569 = arith.constant 384 : i32
      %add3A_2570 = arith.addi %mul3A_2568, %add3A_2569 : i32
      %add3A_2571 = arith.addi %add3A_2570, %rem3A_2495 : i32
      %mul3A_2572 = arith.constant 1024 : i32
      %mul3A_2573 = arith.muli %add3A_2571, %mul3A_2572 : i32
      %multiple_of3A_2574 = tpu.assume_multiple %mul3A_2573, 8 : i32
      %dma_start3A_2575 = arith.constant 0 : i32
      %dma_start3A_2576 = arith.constant 0 : i32
      %dma_start3A_2577 = tpu.memref_slice %arg7[%dma_start3A_2575, %dma_start3A_2576] : memref<2x16384xf32, #tpu.memory_space<vmem>> -> memref<1x16384xf32, #tpu.memory_space<vmem>>
      %dma_start3A_2578 = tpu.memref_squeeze %dma_start3A_2577 : memref<1x16384xf32, #tpu.memory_space<vmem>> -> memref<16384xf32, #tpu.memory_space<vmem>>
      %dma_start3A_2579 = arith.constant 3072 : i32
      %dma_start3A_2580 = tpu.memref_slice %dma_start3A_2578[%dma_start3A_2579] : memref<16384xf32, #tpu.memory_space<vmem>> -> memref<1024xf32, #tpu.memory_space<vmem>>
      %dma_start3A_2581 = tpu.memref_slice %arg4[%multiple_of3A_2574] : memref<26214400xf32, #tpu.memory_space<hbm>> -> memref<1024xf32, #tpu.memory_space<hbm>>
      %dma_start3A_2582 = tpu.memref_slice %arg4[%multiple_of3A_2574] : memref<26214400xf32, #tpu.memory_space<hbm>> -> memref<1024xf32, #tpu.memory_space<hbm>>
      %dma_start3A_2583 = arith.constant 0 : i32
      %dma_start3A_2584 = tpu.memref_slice %arg7[%dma_start3A_2575, %dma_start3A_2583] : memref<2x16384xf32, #tpu.memory_space<vmem>> -> memref<1x16384xf32, #tpu.memory_space<vmem>>
      %dma_start3A_2585 = tpu.memref_squeeze %dma_start3A_2584 : memref<1x16384xf32, #tpu.memory_space<vmem>> -> memref<16384xf32, #tpu.memory_space<vmem>>
      %dma_start3A_2586 = arith.constant 3072 : i32
      %dma_start3A_2587 = tpu.memref_slice %dma_start3A_2585[%dma_start3A_2586] : memref<16384xf32, #tpu.memory_space<vmem>> -> memref<1024xf32, #tpu.memory_space<vmem>>
      tpu.enqueue_dma source(%dma_start3A_2587 : memref<1024xf32, #tpu.memory_space<vmem>>) target(%dma_start3A_2582 : memref<1024xf32, #tpu.memory_space<hbm>>) target_semaphore(%arg10 : memref<!tpu.dma_semaphore, #tpu.memory_space<semaphore_mem>>)
      %mul3A_2588 = arith.constant 200 : i32
      %mul3A_2589 = arith.muli %add3A, %mul3A_2588 : i32
      %mul3A_2590 = arith.constant 4 : i32
      %mul3A_2591 = arith.muli %mul3A_2355, %mul3A_2590 : i32
      %add3A_2592 = arith.addi %mul3A_2589, %mul3A_2591 : i32
      %add3A_2593 = arith.constant 1 : i32
      %add3A_2594 = arith.addi %add3A_2592, %add3A_2593 : i32
      %jit3A_2595 = arith.constant 128 : i32
      %div3A_2596 = arith.divsi %add3A_2594, %jit3A_2595 : i32
      %sign3A_2597 = arith.constant 0 : i32
      %sign3A_2598 = arith.cmpi sgt, %add3A_2594, %sign3A_2597 : i32
      %sign3A_2599 = arith.extui %sign3A_2598 : i1 to i32
      %sign3A_2600 = arith.constant 0 : i32
      %sign3A_2601 = arith.cmpi slt, %add3A_2594, %sign3A_2600 : i32
      %sign3A_2602 = arith.extui %sign3A_2601 : i1 to i32
      %sign3A_2603 = arith.subi %sign3A_2599, %sign3A_2602 : i32
      %sign3A_2604 = arith.constant 0 : i32
      %sign3A_2605 = arith.cmpi sgt, %jit3A_2595, %sign3A_2604 : i32
      %sign3A_2606 = arith.extui %sign3A_2605 : i1 to i32
      %sign3A_2607 = arith.constant 0 : i32
      %sign3A_2608 = arith.cmpi slt, %jit3A_2595, %sign3A_2607 : i32
      %sign3A_2609 = arith.extui %sign3A_2608 : i1 to i32
      %sign3A_2610 = arith.subi %sign3A_2606, %sign3A_2609 : i32
      %ne3A_2611 = arith.cmpi ne, %sign3A_2603, %sign3A_2610 : i32
      %rem3A_2612 = arith.remsi %add3A_2594, %jit3A_2595 : i32
      %ne3A_2613 = arith.constant 0 : i32
      %ne3A_2614 = arith.cmpi ne, %rem3A_2612, %ne3A_2613 : i32
      %and3A_2615 = arith.andi %ne3A_2611, %ne3A_2614 : i1
      %sub3A_2616 = arith.constant 1 : i32
      %sub3A_2617 = arith.subi %div3A_2596, %sub3A_2616 : i32
      %select_n3A_2618 = arith.select %and3A_2615, %sub3A_2617, %div3A_2596 : i32
      %rem3A_2619 = arith.constant 128 : i32
      %rem3A_2620 = arith.remsi %add3A_2594, %rem3A_2619 : i32
      %mul3A_2621 = arith.constant 4 : i32
      %mul3A_2622 = arith.muli %select_n3A_2618, %mul3A_2621 : i32
      %mul3A_2623 = arith.constant 128 : i32
      %mul3A_2624 = arith.muli %mul3A_2622, %mul3A_2623 : i32
      %add3A_2625 = arith.constant 0 : i32
      %add3A_2626 = arith.addi %mul3A_2624, %add3A_2625 : i32
      %add3A_2627 = arith.addi %add3A_2626, %rem3A_2620 : i32
      %mul3A_2628 = arith.constant 1024 : i32
      %mul3A_2629 = arith.muli %add3A_2627, %mul3A_2628 : i32
      %multiple_of3A_2630 = tpu.assume_multiple %mul3A_2629, 8 : i32
      %dma_start3A_2631 = arith.constant 0 : i32
      %dma_start3A_2632 = arith.constant 0 : i32
      %dma_start3A_2633 = tpu.memref_slice %arg7[%dma_start3A_2631, %dma_start3A_2632] : memref<2x16384xf32, #tpu.memory_space<vmem>> -> memref<1x16384xf32, #tpu.memory_space<vmem>>
      %dma_start3A_2634 = tpu.memref_squeeze %dma_start3A_2633 : memref<1x16384xf32, #tpu.memory_space<vmem>> -> memref<16384xf32, #tpu.memory_space<vmem>>
      %dma_start3A_2635 = arith.constant 4096 : i32
      %dma_start3A_2636 = tpu.memref_slice %dma_start3A_2634[%dma_start3A_2635] : memref<16384xf32, #tpu.memory_space<vmem>> -> memref<1024xf32, #tpu.memory_space<vmem>>
      %dma_start3A_2637 = tpu.memref_slice %arg4[%multiple_of3A_2630] : memref<26214400xf32, #tpu.memory_space<hbm>> -> memref<1024xf32, #tpu.memory_space<hbm>>
      %dma_start3A_2638 = tpu.memref_slice %arg4[%multiple_of3A_2630] : memref<26214400xf32, #tpu.memory_space<hbm>> -> memref<1024xf32, #tpu.memory_space<hbm>>
      %dma_start3A_2639 = arith.constant 0 : i32
      %dma_start3A_2640 = tpu.memref_slice %arg7[%dma_start3A_2631, %dma_start3A_2639] : memref<2x16384xf32, #tpu.memory_space<vmem>> -> memref<1x16384xf32, #tpu.memory_space<vmem>>
      %dma_start3A_2641 = tpu.memref_squeeze %dma_start3A_2640 : memref<1x16384xf32, #tpu.memory_space<vmem>> -> memref<16384xf32, #tpu.memory_space<vmem>>
      %dma_start3A_2642 = arith.constant 4096 : i32
      %dma_start3A_2643 = tpu.memref_slice %dma_start3A_2641[%dma_start3A_2642] : memref<16384xf32, #tpu.memory_space<vmem>> -> memref<1024xf32, #tpu.memory_space<vmem>>
      tpu.enqueue_dma source(%dma_start3A_2643 : memref<1024xf32, #tpu.memory_space<vmem>>) target(%dma_start3A_2638 : memref<1024xf32, #tpu.memory_space<hbm>>) target_semaphore(%arg10 : memref<!tpu.dma_semaphore, #tpu.memory_space<semaphore_mem>>)
      %mul3A_2644 = arith.constant 4 : i32
      %mul3A_2645 = arith.muli %select_n3A_2618, %mul3A_2644 : i32
      %mul3A_2646 = arith.constant 128 : i32
      %mul3A_2647 = arith.muli %mul3A_2645, %mul3A_2646 : i32
      %add3A_2648 = arith.constant 128 : i32
      %add3A_2649 = arith.addi %mul3A_2647, %add3A_2648 : i32
      %add3A_2650 = arith.addi %add3A_2649, %rem3A_2620 : i32
      %mul3A_2651 = arith.constant 1024 : i32
      %mul3A_2652 = arith.muli %add3A_2650, %mul3A_2651 : i32
      %multiple_of3A_2653 = tpu.assume_multiple %mul3A_2652, 8 : i32
      %dma_start3A_2654 = arith.constant 0 : i32
      %dma_start3A_2655 = arith.constant 0 : i32
      %dma_start3A_2656 = tpu.memref_slice %arg7[%dma_start3A_2654, %dma_start3A_2655] : memref<2x16384xf32, #tpu.memory_space<vmem>> -> memref<1x16384xf32, #tpu.memory_space<vmem>>
      %dma_start3A_2657 = tpu.memref_squeeze %dma_start3A_2656 : memref<1x16384xf32, #tpu.memory_space<vmem>> -> memref<16384xf32, #tpu.memory_space<vmem>>
      %dma_start3A_2658 = arith.constant 5120 : i32
      %dma_start3A_2659 = tpu.memref_slice %dma_start3A_2657[%dma_start3A_2658] : memref<16384xf32, #tpu.memory_space<vmem>> -> memref<1024xf32, #tpu.memory_space<vmem>>
      %dma_start3A_2660 = tpu.memref_slice %arg4[%multiple_of3A_2653] : memref<26214400xf32, #tpu.memory_space<hbm>> -> memref<1024xf32, #tpu.memory_space<hbm>>
      %dma_start3A_2661 = tpu.memref_slice %arg4[%multiple_of3A_2653] : memref<26214400xf32, #tpu.memory_space<hbm>> -> memref<1024xf32, #tpu.memory_space<hbm>>
      %dma_start3A_2662 = arith.constant 0 : i32
      %dma_start3A_2663 = tpu.memref_slice %arg7[%dma_start3A_2654, %dma_start3A_2662] : memref<2x16384xf32, #tpu.memory_space<vmem>> -> memref<1x16384xf32, #tpu.memory_space<vmem>>
      %dma_start3A_2664 = tpu.memref_squeeze %dma_start3A_2663 : memref<1x16384xf32, #tpu.memory_space<vmem>> -> memref<16384xf32, #tpu.memory_space<vmem>>
      %dma_start3A_2665 = arith.constant 5120 : i32
      %dma_start3A_2666 = tpu.memref_slice %dma_start3A_2664[%dma_start3A_2665] : memref<16384xf32, #tpu.memory_space<vmem>> -> memref<1024xf32, #tpu.memory_space<vmem>>
      tpu.enqueue_dma source(%dma_start3A_2666 : memref<1024xf32, #tpu.memory_space<vmem>>) target(%dma_start3A_2661 : memref<1024xf32, #tpu.memory_space<hbm>>) target_semaphore(%arg10 : memref<!tpu.dma_semaphore, #tpu.memory_space<semaphore_mem>>)
      %mul3A_2667 = arith.constant 4 : i32
      %mul3A_2668 = arith.muli %select_n3A_2618, %mul3A_2667 : i32
      %mul3A_2669 = arith.constant 128 : i32
      %mul3A_2670 = arith.muli %mul3A_2668, %mul3A_2669 : i32
      %add3A_2671 = arith.constant 256 : i32
      %add3A_2672 = arith.addi %mul3A_2670, %add3A_2671 : i32
      %add3A_2673 = arith.addi %add3A_2672, %rem3A_2620 : i32
      %mul3A_2674 = arith.constant 1024 : i32
      %mul3A_2675 = arith.muli %add3A_2673, %mul3A_2674 : i32
      %multiple_of3A_2676 = tpu.assume_multiple %mul3A_2675, 8 : i32
      %dma_start3A_2677 = arith.constant 0 : i32
      %dma_start3A_2678 = arith.constant 0 : i32
      %dma_start3A_2679 = tpu.memref_slice %arg7[%dma_start3A_2677, %dma_start3A_2678] : memref<2x16384xf32, #tpu.memory_space<vmem>> -> memref<1x16384xf32, #tpu.memory_space<vmem>>
      %dma_start3A_2680 = tpu.memref_squeeze %dma_start3A_2679 : memref<1x16384xf32, #tpu.memory_space<vmem>> -> memref<16384xf32, #tpu.memory_space<vmem>>
      %dma_start3A_2681 = arith.constant 6144 : i32
      %dma_start3A_2682 = tpu.memref_slice %dma_start3A_2680[%dma_start3A_2681] : memref<16384xf32, #tpu.memory_space<vmem>> -> memref<1024xf32, #tpu.memory_space<vmem>>
      %dma_start3A_2683 = tpu.memref_slice %arg4[%multiple_of3A_2676] : memref<26214400xf32, #tpu.memory_space<hbm>> -> memref<1024xf32, #tpu.memory_space<hbm>>
      %dma_start3A_2684 = tpu.memref_slice %arg4[%multiple_of3A_2676] : memref<26214400xf32, #tpu.memory_space<hbm>> -> memref<1024xf32, #tpu.memory_space<hbm>>
      %dma_start3A_2685 = arith.constant 0 : i32
      %dma_start3A_2686 = tpu.memref_slice %arg7[%dma_start3A_2677, %dma_start3A_2685] : memref<2x16384xf32, #tpu.memory_space<vmem>> -> memref<1x16384xf32, #tpu.memory_space<vmem>>
      %dma_start3A_2687 = tpu.memref_squeeze %dma_start3A_2686 : memref<1x16384xf32, #tpu.memory_space<vmem>> -> memref<16384xf32, #tpu.memory_space<vmem>>
      %dma_start3A_2688 = arith.constant 6144 : i32
      %dma_start3A_2689 = tpu.memref_slice %dma_start3A_2687[%dma_start3A_2688] : memref<16384xf32, #tpu.memory_space<vmem>> -> memref<1024xf32, #tpu.memory_space<vmem>>
      tpu.enqueue_dma source(%dma_start3A_2689 : memref<1024xf32, #tpu.memory_space<vmem>>) target(%dma_start3A_2684 : memref<1024xf32, #tpu.memory_space<hbm>>) target_semaphore(%arg10 : memref<!tpu.dma_semaphore, #tpu.memory_space<semaphore_mem>>)
      %mul3A_2690 = arith.constant 4 : i32
      %mul3A_2691 = arith.muli %select_n3A_2618, %mul3A_2690 : i32
      %mul3A_2692 = arith.constant 128 : i32
      %mul3A_2693 = arith.muli %mul3A_2691, %mul3A_2692 : i32
      %add3A_2694 = arith.constant 384 : i32
      %add3A_2695 = arith.addi %mul3A_2693, %add3A_2694 : i32
      %add3A_2696 = arith.addi %add3A_2695, %rem3A_2620 : i32
      %mul3A_2697 = arith.constant 1024 : i32
      %mul3A_2698 = arith.muli %add3A_2696, %mul3A_2697 : i32
      %multiple_of3A_2699 = tpu.assume_multiple %mul3A_2698, 8 : i32
      %dma_start3A_2700 = arith.constant 0 : i32
      %dma_start3A_2701 = arith.constant 0 : i32
      %dma_start3A_2702 = tpu.memref_slice %arg7[%dma_start3A_2700, %dma_start3A_2701] : memref<2x16384xf32, #tpu.memory_space<vmem>> -> memref<1x16384xf32, #tpu.memory_space<vmem>>
      %dma_start3A_2703 = tpu.memref_squeeze %dma_start3A_2702 : memref<1x16384xf32, #tpu.memory_space<vmem>> -> memref<16384xf32, #tpu.memory_space<vmem>>
      %dma_start3A_2704 = arith.constant 7168 : i32
      %dma_start3A_2705 = tpu.memref_slice %dma_start3A_2703[%dma_start3A_2704] : memref<16384xf32, #tpu.memory_space<vmem>> -> memref<1024xf32, #tpu.memory_space<vmem>>
      %dma_start3A_2706 = tpu.memref_slice %arg4[%multiple_of3A_2699] : memref<26214400xf32, #tpu.memory_space<hbm>> -> memref<1024xf32, #tpu.memory_space<hbm>>
      %dma_start3A_2707 = tpu.memref_slice %arg4[%multiple_of3A_2699] : memref<26214400xf32, #tpu.memory_space<hbm>> -> memref<1024xf32, #tpu.memory_space<hbm>>
      %dma_start3A_2708 = arith.constant 0 : i32
      %dma_start3A_2709 = tpu.memref_slice %arg7[%dma_start3A_2700, %dma_start3A_2708] : memref<2x16384xf32, #tpu.memory_space<vmem>> -> memref<1x16384xf32, #tpu.memory_space<vmem>>
      %dma_start3A_2710 = tpu.memref_squeeze %dma_start3A_2709 : memref<1x16384xf32, #tpu.memory_space<vmem>> -> memref<16384xf32, #tpu.memory_space<vmem>>
      %dma_start3A_2711 = arith.constant 7168 : i32
      %dma_start3A_2712 = tpu.memref_slice %dma_start3A_2710[%dma_start3A_2711] : memref<16384xf32, #tpu.memory_space<vmem>> -> memref<1024xf32, #tpu.memory_space<vmem>>
      tpu.enqueue_dma source(%dma_start3A_2712 : memref<1024xf32, #tpu.memory_space<vmem>>) target(%dma_start3A_2707 : memref<1024xf32, #tpu.memory_space<hbm>>) target_semaphore(%arg10 : memref<!tpu.dma_semaphore, #tpu.memory_space<semaphore_mem>>)
      %mul3A_2713 = arith.constant 200 : i32
      %mul3A_2714 = arith.muli %add3A, %mul3A_2713 : i32
      %mul3A_2715 = arith.constant 4 : i32
      %mul3A_2716 = arith.muli %mul3A_2355, %mul3A_2715 : i32
      %add3A_2717 = arith.addi %mul3A_2714, %mul3A_2716 : i32
      %add3A_2718 = arith.constant 2 : i32
      %add3A_2719 = arith.addi %add3A_2717, %add3A_2718 : i32
      %jit3A_2720 = arith.constant 128 : i32
      %div3A_2721 = arith.divsi %add3A_2719, %jit3A_2720 : i32
      %sign3A_2722 = arith.constant 0 : i32
      %sign3A_2723 = arith.cmpi sgt, %add3A_2719, %sign3A_2722 : i32
      %sign3A_2724 = arith.extui %sign3A_2723 : i1 to i32
      %sign3A_2725 = arith.constant 0 : i32
      %sign3A_2726 = arith.cmpi slt, %add3A_2719, %sign3A_2725 : i32
      %sign3A_2727 = arith.extui %sign3A_2726 : i1 to i32
      %sign3A_2728 = arith.subi %sign3A_2724, %sign3A_2727 : i32
      %sign3A_2729 = arith.constant 0 : i32
      %sign3A_2730 = arith.cmpi sgt, %jit3A_2720, %sign3A_2729 : i32
      %sign3A_2731 = arith.extui %sign3A_2730 : i1 to i32
      %sign3A_2732 = arith.constant 0 : i32
      %sign3A_2733 = arith.cmpi slt, %jit3A_2720, %sign3A_2732 : i32
      %sign3A_2734 = arith.extui %sign3A_2733 : i1 to i32
      %sign3A_2735 = arith.subi %sign3A_2731, %sign3A_2734 : i32
      %ne3A_2736 = arith.cmpi ne, %sign3A_2728, %sign3A_2735 : i32
      %rem3A_2737 = arith.remsi %add3A_2719, %jit3A_2720 : i32
      %ne3A_2738 = arith.constant 0 : i32
      %ne3A_2739 = arith.cmpi ne, %rem3A_2737, %ne3A_2738 : i32
      %and3A_2740 = arith.andi %ne3A_2736, %ne3A_2739 : i1
      %sub3A_2741 = arith.constant 1 : i32
      %sub3A_2742 = arith.subi %div3A_2721, %sub3A_2741 : i32
      %select_n3A_2743 = arith.select %and3A_2740, %sub3A_2742, %div3A_2721 : i32
      %rem3A_2744 = arith.constant 128 : i32
      %rem3A_2745 = arith.remsi %add3A_2719, %rem3A_2744 : i32
      %mul3A_2746 = arith.constant 4 : i32
      %mul3A_2747 = arith.muli %select_n3A_2743, %mul3A_2746 : i32
      %mul3A_2748 = arith.constant 128 : i32
      %mul3A_2749 = arith.muli %mul3A_2747, %mul3A_2748 : i32
      %add3A_2750 = arith.constant 0 : i32
      %add3A_2751 = arith.addi %mul3A_2749, %add3A_2750 : i32
      %add3A_2752 = arith.addi %add3A_2751, %rem3A_2745 : i32
      %mul3A_2753 = arith.constant 1024 : i32
      %mul3A_2754 = arith.muli %add3A_2752, %mul3A_2753 : i32
      %multiple_of3A_2755 = tpu.assume_multiple %mul3A_2754, 8 : i32
      %dma_start3A_2756 = arith.constant 0 : i32
      %dma_start3A_2757 = arith.constant 0 : i32
      %dma_start3A_2758 = tpu.memref_slice %arg7[%dma_start3A_2756, %dma_start3A_2757] : memref<2x16384xf32, #tpu.memory_space<vmem>> -> memref<1x16384xf32, #tpu.memory_space<vmem>>
      %dma_start3A_2759 = tpu.memref_squeeze %dma_start3A_2758 : memref<1x16384xf32, #tpu.memory_space<vmem>> -> memref<16384xf32, #tpu.memory_space<vmem>>
      %dma_start3A_2760 = arith.constant 8192 : i32
      %dma_start3A_2761 = tpu.memref_slice %dma_start3A_2759[%dma_start3A_2760] : memref<16384xf32, #tpu.memory_space<vmem>> -> memref<1024xf32, #tpu.memory_space<vmem>>
      %dma_start3A_2762 = tpu.memref_slice %arg4[%multiple_of3A_2755] : memref<26214400xf32, #tpu.memory_space<hbm>> -> memref<1024xf32, #tpu.memory_space<hbm>>
      %dma_start3A_2763 = tpu.memref_slice %arg4[%multiple_of3A_2755] : memref<26214400xf32, #tpu.memory_space<hbm>> -> memref<1024xf32, #tpu.memory_space<hbm>>
      %dma_start3A_2764 = arith.constant 0 : i32
      %dma_start3A_2765 = tpu.memref_slice %arg7[%dma_start3A_2756, %dma_start3A_2764] : memref<2x16384xf32, #tpu.memory_space<vmem>> -> memref<1x16384xf32, #tpu.memory_space<vmem>>
      %dma_start3A_2766 = tpu.memref_squeeze %dma_start3A_2765 : memref<1x16384xf32, #tpu.memory_space<vmem>> -> memref<16384xf32, #tpu.memory_space<vmem>>
      %dma_start3A_2767 = arith.constant 8192 : i32
      %dma_start3A_2768 = tpu.memref_slice %dma_start3A_2766[%dma_start3A_2767] : memref<16384xf32, #tpu.memory_space<vmem>> -> memref<1024xf32, #tpu.memory_space<vmem>>
      tpu.enqueue_dma source(%dma_start3A_2768 : memref<1024xf32, #tpu.memory_space<vmem>>) target(%dma_start3A_2763 : memref<1024xf32, #tpu.memory_space<hbm>>) target_semaphore(%arg10 : memref<!tpu.dma_semaphore, #tpu.memory_space<semaphore_mem>>)
      %mul3A_2769 = arith.constant 4 : i32
      %mul3A_2770 = arith.muli %select_n3A_2743, %mul3A_2769 : i32
      %mul3A_2771 = arith.constant 128 : i32
      %mul3A_2772 = arith.muli %mul3A_2770, %mul3A_2771 : i32
      %add3A_2773 = arith.constant 128 : i32
      %add3A_2774 = arith.addi %mul3A_2772, %add3A_2773 : i32
      %add3A_2775 = arith.addi %add3A_2774, %rem3A_2745 : i32
      %mul3A_2776 = arith.constant 1024 : i32
      %mul3A_2777 = arith.muli %add3A_2775, %mul3A_2776 : i32
      %multiple_of3A_2778 = tpu.assume_multiple %mul3A_2777, 8 : i32
      %dma_start3A_2779 = arith.constant 0 : i32
      %dma_start3A_2780 = arith.constant 0 : i32
      %dma_start3A_2781 = tpu.memref_slice %arg7[%dma_start3A_2779, %dma_start3A_2780] : memref<2x16384xf32, #tpu.memory_space<vmem>> -> memref<1x16384xf32, #tpu.memory_space<vmem>>
      %dma_start3A_2782 = tpu.memref_squeeze %dma_start3A_2781 : memref<1x16384xf32, #tpu.memory_space<vmem>> -> memref<16384xf32, #tpu.memory_space<vmem>>
      %dma_start3A_2783 = arith.constant 9216 : i32
      %dma_start3A_2784 = tpu.memref_slice %dma_start3A_2782[%dma_start3A_2783] : memref<16384xf32, #tpu.memory_space<vmem>> -> memref<1024xf32, #tpu.memory_space<vmem>>
      %dma_start3A_2785 = tpu.memref_slice %arg4[%multiple_of3A_2778] : memref<26214400xf32, #tpu.memory_space<hbm>> -> memref<1024xf32, #tpu.memory_space<hbm>>
      %dma_start3A_2786 = tpu.memref_slice %arg4[%multiple_of3A_2778] : memref<26214400xf32, #tpu.memory_space<hbm>> -> memref<1024xf32, #tpu.memory_space<hbm>>
      %dma_start3A_2787 = arith.constant 0 : i32
      %dma_start3A_2788 = tpu.memref_slice %arg7[%dma_start3A_2779, %dma_start3A_2787] : memref<2x16384xf32, #tpu.memory_space<vmem>> -> memref<1x16384xf32, #tpu.memory_space<vmem>>
      %dma_start3A_2789 = tpu.memref_squeeze %dma_start3A_2788 : memref<1x16384xf32, #tpu.memory_space<vmem>> -> memref<16384xf32, #tpu.memory_space<vmem>>
      %dma_start3A_2790 = arith.constant 9216 : i32
      %dma_start3A_2791 = tpu.memref_slice %dma_start3A_2789[%dma_start3A_2790] : memref<16384xf32, #tpu.memory_space<vmem>> -> memref<1024xf32, #tpu.memory_space<vmem>>
      tpu.enqueue_dma source(%dma_start3A_2791 : memref<1024xf32, #tpu.memory_space<vmem>>) target(%dma_start3A_2786 : memref<1024xf32, #tpu.memory_space<hbm>>) target_semaphore(%arg10 : memref<!tpu.dma_semaphore, #tpu.memory_space<semaphore_mem>>)
      %mul3A_2792 = arith.constant 4 : i32
      %mul3A_2793 = arith.muli %select_n3A_2743, %mul3A_2792 : i32
      %mul3A_2794 = arith.constant 128 : i32
      %mul3A_2795 = arith.muli %mul3A_2793, %mul3A_2794 : i32
      %add3A_2796 = arith.constant 256 : i32
      %add3A_2797 = arith.addi %mul3A_2795, %add3A_2796 : i32
      %add3A_2798 = arith.addi %add3A_2797, %rem3A_2745 : i32
      %mul3A_2799 = arith.constant 1024 : i32
      %mul3A_2800 = arith.muli %add3A_2798, %mul3A_2799 : i32
      %multiple_of3A_2801 = tpu.assume_multiple %mul3A_2800, 8 : i32
      %dma_start3A_2802 = arith.constant 0 : i32
      %dma_start3A_2803 = arith.constant 0 : i32
      %dma_start3A_2804 = tpu.memref_slice %arg7[%dma_start3A_2802, %dma_start3A_2803] : memref<2x16384xf32, #tpu.memory_space<vmem>> -> memref<1x16384xf32, #tpu.memory_space<vmem>>
      %dma_start3A_2805 = tpu.memref_squeeze %dma_start3A_2804 : memref<1x16384xf32, #tpu.memory_space<vmem>> -> memref<16384xf32, #tpu.memory_space<vmem>>
      %dma_start3A_2806 = arith.constant 10240 : i32
      %dma_start3A_2807 = tpu.memref_slice %dma_start3A_2805[%dma_start3A_2806] : memref<16384xf32, #tpu.memory_space<vmem>> -> memref<1024xf32, #tpu.memory_space<vmem>>
      %dma_start3A_2808 = tpu.memref_slice %arg4[%multiple_of3A_2801] : memref<26214400xf32, #tpu.memory_space<hbm>> -> memref<1024xf32, #tpu.memory_space<hbm>>
      %dma_start3A_2809 = tpu.memref_slice %arg4[%multiple_of3A_2801] : memref<26214400xf32, #tpu.memory_space<hbm>> -> memref<1024xf32, #tpu.memory_space<hbm>>
      %dma_start3A_2810 = arith.constant 0 : i32
      %dma_start3A_2811 = tpu.memref_slice %arg7[%dma_start3A_2802, %dma_start3A_2810] : memref<2x16384xf32, #tpu.memory_space<vmem>> -> memref<1x16384xf32, #tpu.memory_space<vmem>>
      %dma_start3A_2812 = tpu.memref_squeeze %dma_start3A_2811 : memref<1x16384xf32, #tpu.memory_space<vmem>> -> memref<16384xf32, #tpu.memory_space<vmem>>
      %dma_start3A_2813 = arith.constant 10240 : i32
      %dma_start3A_2814 = tpu.memref_slice %dma_start3A_2812[%dma_start3A_2813] : memref<16384xf32, #tpu.memory_space<vmem>> -> memref<1024xf32, #tpu.memory_space<vmem>>
      tpu.enqueue_dma source(%dma_start3A_2814 : memref<1024xf32, #tpu.memory_space<vmem>>) target(%dma_start3A_2809 : memref<1024xf32, #tpu.memory_space<hbm>>) target_semaphore(%arg10 : memref<!tpu.dma_semaphore, #tpu.memory_space<semaphore_mem>>)
      %mul3A_2815 = arith.constant 4 : i32
      %mul3A_2816 = arith.muli %select_n3A_2743, %mul3A_2815 : i32
      %mul3A_2817 = arith.constant 128 : i32
      %mul3A_2818 = arith.muli %mul3A_2816, %mul3A_2817 : i32
      %add3A_2819 = arith.constant 384 : i32
      %add3A_2820 = arith.addi %mul3A_2818, %add3A_2819 : i32
      %add3A_2821 = arith.addi %add3A_2820, %rem3A_2745 : i32
      %mul3A_2822 = arith.constant 1024 : i32
      %mul3A_2823 = arith.muli %add3A_2821, %mul3A_2822 : i32
      %multiple_of3A_2824 = tpu.assume_multiple %mul3A_2823, 8 : i32
      %dma_start3A_2825 = arith.constant 0 : i32
      %dma_start3A_2826 = arith.constant 0 : i32
      %dma_start3A_2827 = tpu.memref_slice %arg7[%dma_start3A_2825, %dma_start3A_2826] : memref<2x16384xf32, #tpu.memory_space<vmem>> -> memref<1x16384xf32, #tpu.memory_space<vmem>>
      %dma_start3A_2828 = tpu.memref_squeeze %dma_start3A_2827 : memref<1x16384xf32, #tpu.memory_space<vmem>> -> memref<16384xf32, #tpu.memory_space<vmem>>
      %dma_start3A_2829 = arith.constant 11264 : i32
      %dma_start3A_2830 = tpu.memref_slice %dma_start3A_2828[%dma_start3A_2829] : memref<16384xf32, #tpu.memory_space<vmem>> -> memref<1024xf32, #tpu.memory_space<vmem>>
      %dma_start3A_2831 = tpu.memref_slice %arg4[%multiple_of3A_2824] : memref<26214400xf32, #tpu.memory_space<hbm>> -> memref<1024xf32, #tpu.memory_space<hbm>>
      %dma_start3A_2832 = tpu.memref_slice %arg4[%multiple_of3A_2824] : memref<26214400xf32, #tpu.memory_space<hbm>> -> memref<1024xf32, #tpu.memory_space<hbm>>
      %dma_start3A_2833 = arith.constant 0 : i32
      %dma_start3A_2834 = tpu.memref_slice %arg7[%dma_start3A_2825, %dma_start3A_2833] : memref<2x16384xf32, #tpu.memory_space<vmem>> -> memref<1x16384xf32, #tpu.memory_space<vmem>>
      %dma_start3A_2835 = tpu.memref_squeeze %dma_start3A_2834 : memref<1x16384xf32, #tpu.memory_space<vmem>> -> memref<16384xf32, #tpu.memory_space<vmem>>
      %dma_start3A_2836 = arith.constant 11264 : i32
      %dma_start3A_2837 = tpu.memref_slice %dma_start3A_2835[%dma_start3A_2836] : memref<16384xf32, #tpu.memory_space<vmem>> -> memref<1024xf32, #tpu.memory_space<vmem>>
      tpu.enqueue_dma source(%dma_start3A_2837 : memref<1024xf32, #tpu.memory_space<vmem>>) target(%dma_start3A_2832 : memref<1024xf32, #tpu.memory_space<hbm>>) target_semaphore(%arg10 : memref<!tpu.dma_semaphore, #tpu.memory_space<semaphore_mem>>)
      %mul3A_2838 = arith.constant 200 : i32
      %mul3A_2839 = arith.muli %add3A, %mul3A_2838 : i32
      %mul3A_2840 = arith.constant 4 : i32
      %mul3A_2841 = arith.muli %mul3A_2355, %mul3A_2840 : i32
      %add3A_2842 = arith.addi %mul3A_2839, %mul3A_2841 : i32
      %add3A_2843 = arith.constant 3 : i32
      %add3A_2844 = arith.addi %add3A_2842, %add3A_2843 : i32
      %jit3A_2845 = arith.constant 128 : i32
      %div3A_2846 = arith.divsi %add3A_2844, %jit3A_2845 : i32
      %sign3A_2847 = arith.constant 0 : i32
      %sign3A_2848 = arith.cmpi sgt, %add3A_2844, %sign3A_2847 : i32
      %sign3A_2849 = arith.extui %sign3A_2848 : i1 to i32
      %sign3A_2850 = arith.constant 0 : i32
      %sign3A_2851 = arith.cmpi slt, %add3A_2844, %sign3A_2850 : i32
      %sign3A_2852 = arith.extui %sign3A_2851 : i1 to i32
      %sign3A_2853 = arith.subi %sign3A_2849, %sign3A_2852 : i32
      %sign3A_2854 = arith.constant 0 : i32
      %sign3A_2855 = arith.cmpi sgt, %jit3A_2845, %sign3A_2854 : i32
      %sign3A_2856 = arith.extui %sign3A_2855 : i1 to i32
      %sign3A_2857 = arith.constant 0 : i32
      %sign3A_2858 = arith.cmpi slt, %jit3A_2845, %sign3A_2857 : i32
      %sign3A_2859 = arith.extui %sign3A_2858 : i1 to i32
      %sign3A_2860 = arith.subi %sign3A_2856, %sign3A_2859 : i32
      %ne3A_2861 = arith.cmpi ne, %sign3A_2853, %sign3A_2860 : i32
      %rem3A_2862 = arith.remsi %add3A_2844, %jit3A_2845 : i32
      %ne3A_2863 = arith.constant 0 : i32
      %ne3A_2864 = arith.cmpi ne, %rem3A_2862, %ne3A_2863 : i32
      %and3A_2865 = arith.andi %ne3A_2861, %ne3A_2864 : i1
      %sub3A_2866 = arith.constant 1 : i32
      %sub3A_2867 = arith.subi %div3A_2846, %sub3A_2866 : i32
      %select_n3A_2868 = arith.select %and3A_2865, %sub3A_2867, %div3A_2846 : i32
      %rem3A_2869 = arith.constant 128 : i32
      %rem3A_2870 = arith.remsi %add3A_2844, %rem3A_2869 : i32
      %mul3A_2871 = arith.constant 4 : i32
      %mul3A_2872 = arith.muli %select_n3A_2868, %mul3A_2871 : i32
      %mul3A_2873 = arith.constant 128 : i32
      %mul3A_2874 = arith.muli %mul3A_2872, %mul3A_2873 : i32
      %add3A_2875 = arith.constant 0 : i32
      %add3A_2876 = arith.addi %mul3A_2874, %add3A_2875 : i32
      %add3A_2877 = arith.addi %add3A_2876, %rem3A_2870 : i32
      %mul3A_2878 = arith.constant 1024 : i32
      %mul3A_2879 = arith.muli %add3A_2877, %mul3A_2878 : i32
      %multiple_of3A_2880 = tpu.assume_multiple %mul3A_2879, 8 : i32
      %dma_start3A_2881 = arith.constant 0 : i32
      %dma_start3A_2882 = arith.constant 0 : i32
      %dma_start3A_2883 = tpu.memref_slice %arg7[%dma_start3A_2881, %dma_start3A_2882] : memref<2x16384xf32, #tpu.memory_space<vmem>> -> memref<1x16384xf32, #tpu.memory_space<vmem>>
      %dma_start3A_2884 = tpu.memref_squeeze %dma_start3A_2883 : memref<1x16384xf32, #tpu.memory_space<vmem>> -> memref<16384xf32, #tpu.memory_space<vmem>>
      %dma_start3A_2885 = arith.constant 12288 : i32
      %dma_start3A_2886 = tpu.memref_slice %dma_start3A_2884[%dma_start3A_2885] : memref<16384xf32, #tpu.memory_space<vmem>> -> memref<1024xf32, #tpu.memory_space<vmem>>
      %dma_start3A_2887 = tpu.memref_slice %arg4[%multiple_of3A_2880] : memref<26214400xf32, #tpu.memory_space<hbm>> -> memref<1024xf32, #tpu.memory_space<hbm>>
      %dma_start3A_2888 = tpu.memref_slice %arg4[%multiple_of3A_2880] : memref<26214400xf32, #tpu.memory_space<hbm>> -> memref<1024xf32, #tpu.memory_space<hbm>>
      %dma_start3A_2889 = arith.constant 0 : i32
      %dma_start3A_2890 = tpu.memref_slice %arg7[%dma_start3A_2881, %dma_start3A_2889] : memref<2x16384xf32, #tpu.memory_space<vmem>> -> memref<1x16384xf32, #tpu.memory_space<vmem>>
      %dma_start3A_2891 = tpu.memref_squeeze %dma_start3A_2890 : memref<1x16384xf32, #tpu.memory_space<vmem>> -> memref<16384xf32, #tpu.memory_space<vmem>>
      %dma_start3A_2892 = arith.constant 12288 : i32
      %dma_start3A_2893 = tpu.memref_slice %dma_start3A_2891[%dma_start3A_2892] : memref<16384xf32, #tpu.memory_space<vmem>> -> memref<1024xf32, #tpu.memory_space<vmem>>
      tpu.enqueue_dma source(%dma_start3A_2893 : memref<1024xf32, #tpu.memory_space<vmem>>) target(%dma_start3A_2888 : memref<1024xf32, #tpu.memory_space<hbm>>) target_semaphore(%arg10 : memref<!tpu.dma_semaphore, #tpu.memory_space<semaphore_mem>>)
      %mul3A_2894 = arith.constant 4 : i32
      %mul3A_2895 = arith.muli %select_n3A_2868, %mul3A_2894 : i32
      %mul3A_2896 = arith.constant 128 : i32
      %mul3A_2897 = arith.muli %mul3A_2895, %mul3A_2896 : i32
      %add3A_2898 = arith.constant 128 : i32
      %add3A_2899 = arith.addi %mul3A_2897, %add3A_2898 : i32
      %add3A_2900 = arith.addi %add3A_2899, %rem3A_2870 : i32
      %mul3A_2901 = arith.constant 1024 : i32
      %mul3A_2902 = arith.muli %add3A_2900, %mul3A_2901 : i32
      %multiple_of3A_2903 = tpu.assume_multiple %mul3A_2902, 8 : i32
      %dma_start3A_2904 = arith.constant 0 : i32
      %dma_start3A_2905 = arith.constant 0 : i32
      %dma_start3A_2906 = tpu.memref_slice %arg7[%dma_start3A_2904, %dma_start3A_2905] : memref<2x16384xf32, #tpu.memory_space<vmem>> -> memref<1x16384xf32, #tpu.memory_space<vmem>>
      %dma_start3A_2907 = tpu.memref_squeeze %dma_start3A_2906 : memref<1x16384xf32, #tpu.memory_space<vmem>> -> memref<16384xf32, #tpu.memory_space<vmem>>
      %dma_start3A_2908 = arith.constant 13312 : i32
      %dma_start3A_2909 = tpu.memref_slice %dma_start3A_2907[%dma_start3A_2908] : memref<16384xf32, #tpu.memory_space<vmem>> -> memref<1024xf32, #tpu.memory_space<vmem>>
      %dma_start3A_2910 = tpu.memref_slice %arg4[%multiple_of3A_2903] : memref<26214400xf32, #tpu.memory_space<hbm>> -> memref<1024xf32, #tpu.memory_space<hbm>>
      %dma_start3A_2911 = tpu.memref_slice %arg4[%multiple_of3A_2903] : memref<26214400xf32, #tpu.memory_space<hbm>> -> memref<1024xf32, #tpu.memory_space<hbm>>
      %dma_start3A_2912 = arith.constant 0 : i32
      %dma_start3A_2913 = tpu.memref_slice %arg7[%dma_start3A_2904, %dma_start3A_2912] : memref<2x16384xf32, #tpu.memory_space<vmem>> -> memref<1x16384xf32, #tpu.memory_space<vmem>>
      %dma_start3A_2914 = tpu.memref_squeeze %dma_start3A_2913 : memref<1x16384xf32, #tpu.memory_space<vmem>> -> memref<16384xf32, #tpu.memory_space<vmem>>
      %dma_start3A_2915 = arith.constant 13312 : i32
      %dma_start3A_2916 = tpu.memref_slice %dma_start3A_2914[%dma_start3A_2915] : memref<16384xf32, #tpu.memory_space<vmem>> -> memref<1024xf32, #tpu.memory_space<vmem>>
      tpu.enqueue_dma source(%dma_start3A_2916 : memref<1024xf32, #tpu.memory_space<vmem>>) target(%dma_start3A_2911 : memref<1024xf32, #tpu.memory_space<hbm>>) target_semaphore(%arg10 : memref<!tpu.dma_semaphore, #tpu.memory_space<semaphore_mem>>)
      %mul3A_2917 = arith.constant 4 : i32
      %mul3A_2918 = arith.muli %select_n3A_2868, %mul3A_2917 : i32
      %mul3A_2919 = arith.constant 128 : i32
      %mul3A_2920 = arith.muli %mul3A_2918, %mul3A_2919 : i32
      %add3A_2921 = arith.constant 256 : i32
      %add3A_2922 = arith.addi %mul3A_2920, %add3A_2921 : i32
      %add3A_2923 = arith.addi %add3A_2922, %rem3A_2870 : i32
      %mul3A_2924 = arith.constant 1024 : i32
      %mul3A_2925 = arith.muli %add3A_2923, %mul3A_2924 : i32
      %multiple_of3A_2926 = tpu.assume_multiple %mul3A_2925, 8 : i32
      %dma_start3A_2927 = arith.constant 0 : i32
      %dma_start3A_2928 = arith.constant 0 : i32
      %dma_start3A_2929 = tpu.memref_slice %arg7[%dma_start3A_2927, %dma_start3A_2928] : memref<2x16384xf32, #tpu.memory_space<vmem>> -> memref<1x16384xf32, #tpu.memory_space<vmem>>
      %dma_start3A_2930 = tpu.memref_squeeze %dma_start3A_2929 : memref<1x16384xf32, #tpu.memory_space<vmem>> -> memref<16384xf32, #tpu.memory_space<vmem>>
      %dma_start3A_2931 = arith.constant 14336 : i32
      %dma_start3A_2932 = tpu.memref_slice %dma_start3A_2930[%dma_start3A_2931] : memref<16384xf32, #tpu.memory_space<vmem>> -> memref<1024xf32, #tpu.memory_space<vmem>>
      %dma_start3A_2933 = tpu.memref_slice %arg4[%multiple_of3A_2926] : memref<26214400xf32, #tpu.memory_space<hbm>> -> memref<1024xf32, #tpu.memory_space<hbm>>
      %dma_start3A_2934 = tpu.memref_slice %arg4[%multiple_of3A_2926] : memref<26214400xf32, #tpu.memory_space<hbm>> -> memref<1024xf32, #tpu.memory_space<hbm>>
      %dma_start3A_2935 = arith.constant 0 : i32
      %dma_start3A_2936 = tpu.memref_slice %arg7[%dma_start3A_2927, %dma_start3A_2935] : memref<2x16384xf32, #tpu.memory_space<vmem>> -> memref<1x16384xf32, #tpu.memory_space<vmem>>
      %dma_start3A_2937 = tpu.memref_squeeze %dma_start3A_2936 : memref<1x16384xf32, #tpu.memory_space<vmem>> -> memref<16384xf32, #tpu.memory_space<vmem>>
      %dma_start3A_2938 = arith.constant 14336 : i32
      %dma_start3A_2939 = tpu.memref_slice %dma_start3A_2937[%dma_start3A_2938] : memref<16384xf32, #tpu.memory_space<vmem>> -> memref<1024xf32, #tpu.memory_space<vmem>>
      tpu.enqueue_dma source(%dma_start3A_2939 : memref<1024xf32, #tpu.memory_space<vmem>>) target(%dma_start3A_2934 : memref<1024xf32, #tpu.memory_space<hbm>>) target_semaphore(%arg10 : memref<!tpu.dma_semaphore, #tpu.memory_space<semaphore_mem>>)
      %mul3A_2940 = arith.constant 4 : i32
      %mul3A_2941 = arith.muli %select_n3A_2868, %mul3A_2940 : i32
      %mul3A_2942 = arith.constant 128 : i32
      %mul3A_2943 = arith.muli %mul3A_2941, %mul3A_2942 : i32
      %add3A_2944 = arith.constant 384 : i32
      %add3A_2945 = arith.addi %mul3A_2943, %add3A_2944 : i32
      %add3A_2946 = arith.addi %add3A_2945, %rem3A_2870 : i32
      %mul3A_2947 = arith.constant 1024 : i32
      %mul3A_2948 = arith.muli %add3A_2946, %mul3A_2947 : i32
      %multiple_of3A_2949 = tpu.assume_multiple %mul3A_2948, 8 : i32
      %dma_start3A_2950 = arith.constant 0 : i32
      %dma_start3A_2951 = arith.constant 0 : i32
      %dma_start3A_2952 = tpu.memref_slice %arg7[%dma_start3A_2950, %dma_start3A_2951] : memref<2x16384xf32, #tpu.memory_space<vmem>> -> memref<1x16384xf32, #tpu.memory_space<vmem>>
      %dma_start3A_2953 = tpu.memref_squeeze %dma_start3A_2952 : memref<1x16384xf32, #tpu.memory_space<vmem>> -> memref<16384xf32, #tpu.memory_space<vmem>>
      %dma_start3A_2954 = arith.constant 15360 : i32
      %dma_start3A_2955 = tpu.memref_slice %dma_start3A_2953[%dma_start3A_2954] : memref<16384xf32, #tpu.memory_space<vmem>> -> memref<1024xf32, #tpu.memory_space<vmem>>
      %dma_start3A_2956 = tpu.memref_slice %arg4[%multiple_of3A_2949] : memref<26214400xf32, #tpu.memory_space<hbm>> -> memref<1024xf32, #tpu.memory_space<hbm>>
      %dma_start3A_2957 = tpu.memref_slice %arg4[%multiple_of3A_2949] : memref<26214400xf32, #tpu.memory_space<hbm>> -> memref<1024xf32, #tpu.memory_space<hbm>>
      %dma_start3A_2958 = arith.constant 0 : i32
      %dma_start3A_2959 = tpu.memref_slice %arg7[%dma_start3A_2950, %dma_start3A_2958] : memref<2x16384xf32, #tpu.memory_space<vmem>> -> memref<1x16384xf32, #tpu.memory_space<vmem>>
      %dma_start3A_2960 = tpu.memref_squeeze %dma_start3A_2959 : memref<1x16384xf32, #tpu.memory_space<vmem>> -> memref<16384xf32, #tpu.memory_space<vmem>>
      %dma_start3A_2961 = arith.constant 15360 : i32
      %dma_start3A_2962 = tpu.memref_slice %dma_start3A_2960[%dma_start3A_2961] : memref<16384xf32, #tpu.memory_space<vmem>> -> memref<1024xf32, #tpu.memory_space<vmem>>
      tpu.enqueue_dma source(%dma_start3A_2962 : memref<1024xf32, #tpu.memory_space<vmem>>) target(%dma_start3A_2957 : memref<1024xf32, #tpu.memory_space<hbm>>) target_semaphore(%arg10 : memref<!tpu.dma_semaphore, #tpu.memory_space<semaphore_mem>>)
      %add3A_2963 = arith.constant 2 : i32
      %add3A_2964 = arith.addi %mul3A_2355, %add3A_2963 : i32
      %mul3A_2965 = arith.constant 4 : i32
      %mul3A_2966 = arith.muli %add3A_2964, %mul3A_2965 : i32
      %add3A_2967 = arith.constant 0 : i32
      %add3A_2968 = arith.addi %mul3A_2966, %add3A_2967 : i32
      %dma_start3A_2969 = arith.constant 0 : i32
      %dma_start3A_2970 = arith.constant 0 : i32
      %dma_start3A_2971 = arith.constant 0 : i32
      %dma_start3A_2972 = tpu.memref_slice %arg6[%dma_start3A_2969, %dma_start3A_2970, %dma_start3A_2971] : memref<2x512x32xf32, #tpu.memory_space<vmem>> -> memref<1x512x32xf32, #tpu.memory_space<vmem>>
      %dma_start3A_2973 = tpu.memref_squeeze %dma_start3A_2972 : memref<1x512x32xf32, #tpu.memory_space<vmem>> -> memref<512x32xf32, #tpu.memory_space<vmem>>
      %dma_start3A_2974 = arith.constant 0 : i32
      %dma_start3A_2975 = arith.constant 0 : i32
      %dma_start3A_2976 = tpu.memref_slice %dma_start3A_2973[%dma_start3A_2974, %dma_start3A_2975] : memref<512x32xf32, #tpu.memory_space<vmem>> -> memref<128x32xf32, #tpu.memory_space<vmem>>
      %dma_start3A_2977 = arith.constant 0 : i32
      %dma_start3A_2978 = tpu.memref_slice %arg5[%add3A_2968, %dma_start3A_2977] : memref<200x128xi32, #tpu.memory_space<vmem>> -> memref<1x128xi32, #tpu.memory_space<vmem>>
      %dma_start3A_2979 = tpu.memref_squeeze %dma_start3A_2978 : memref<1x128xi32, #tpu.memory_space<vmem>> -> memref<128xi32, #tpu.memory_space<vmem>>
      %dma_start3A_2980 = arith.constant 0 : i32
      %dma_start3A_2981 = arith.constant 0 : i32
      %dma_start3A_2982 = tpu.memref_slice %arg2[%dma_start3A_2980, %dma_start3A_2981] : memref<1000000x32xf32, #tpu.memory_space<hbm>> -> memref<1000000x32xf32, #tpu.memory_space<hbm>>
      tpu.enqueue_indirect_dma source(%dma_start3A_2982 : memref<1000000x32xf32, #tpu.memory_space<hbm>>) target(%dma_start3A_2976 : memref<128x32xf32, #tpu.memory_space<vmem>>) offsets(%dma_start3A_2979 : memref<128xi32, #tpu.memory_space<vmem>>) semaphore(%arg8 : memref<!tpu.dma_semaphore, #tpu.memory_space<semaphore_mem>>)
      %mul3A_2983 = arith.constant 4 : i32
      %mul3A_2984 = arith.muli %add3A_2964, %mul3A_2983 : i32
      %add3A_2985 = arith.constant 1 : i32
      %add3A_2986 = arith.addi %mul3A_2984, %add3A_2985 : i32
      %dma_start3A_2987 = arith.constant 0 : i32
      %dma_start3A_2988 = arith.constant 0 : i32
      %dma_start3A_2989 = arith.constant 0 : i32
      %dma_start3A_2990 = tpu.memref_slice %arg6[%dma_start3A_2987, %dma_start3A_2988, %dma_start3A_2989] : memref<2x512x32xf32, #tpu.memory_space<vmem>> -> memref<1x512x32xf32, #tpu.memory_space<vmem>>
      %dma_start3A_2991 = tpu.memref_squeeze %dma_start3A_2990 : memref<1x512x32xf32, #tpu.memory_space<vmem>> -> memref<512x32xf32, #tpu.memory_space<vmem>>
      %dma_start3A_2992 = arith.constant 128 : i32
      %dma_start3A_2993 = arith.constant 0 : i32
      %dma_start3A_2994 = tpu.memref_slice %dma_start3A_2991[%dma_start3A_2992, %dma_start3A_2993] : memref<512x32xf32, #tpu.memory_space<vmem>> -> memref<128x32xf32, #tpu.memory_space<vmem>>
      %dma_start3A_2995 = arith.constant 0 : i32
      %dma_start3A_2996 = tpu.memref_slice %arg5[%add3A_2986, %dma_start3A_2995] : memref<200x128xi32, #tpu.memory_space<vmem>> -> memref<1x128xi32, #tpu.memory_space<vmem>>
      %dma_start3A_2997 = tpu.memref_squeeze %dma_start3A_2996 : memref<1x128xi32, #tpu.memory_space<vmem>> -> memref<128xi32, #tpu.memory_space<vmem>>
      %dma_start3A_2998 = arith.constant 0 : i32
      %dma_start3A_2999 = arith.constant 0 : i32
      %dma_start3A_3000 = tpu.memref_slice %arg2[%dma_start3A_2998, %dma_start3A_2999] : memref<1000000x32xf32, #tpu.memory_space<hbm>> -> memref<1000000x32xf32, #tpu.memory_space<hbm>>
      tpu.enqueue_indirect_dma source(%dma_start3A_3000 : memref<1000000x32xf32, #tpu.memory_space<hbm>>) target(%dma_start3A_2994 : memref<128x32xf32, #tpu.memory_space<vmem>>) offsets(%dma_start3A_2997 : memref<128xi32, #tpu.memory_space<vmem>>) semaphore(%arg8 : memref<!tpu.dma_semaphore, #tpu.memory_space<semaphore_mem>>)
      %mul3A_3001 = arith.constant 4 : i32
      %mul3A_3002 = arith.muli %add3A_2964, %mul3A_3001 : i32
      %add3A_3003 = arith.constant 2 : i32
      %add3A_3004 = arith.addi %mul3A_3002, %add3A_3003 : i32
      %dma_start3A_3005 = arith.constant 0 : i32
      %dma_start3A_3006 = arith.constant 0 : i32
      %dma_start3A_3007 = arith.constant 0 : i32
      %dma_start3A_3008 = tpu.memref_slice %arg6[%dma_start3A_3005, %dma_start3A_3006, %dma_start3A_3007] : memref<2x512x32xf32, #tpu.memory_space<vmem>> -> memref<1x512x32xf32, #tpu.memory_space<vmem>>
      %dma_start3A_3009 = tpu.memref_squeeze %dma_start3A_3008 : memref<1x512x32xf32, #tpu.memory_space<vmem>> -> memref<512x32xf32, #tpu.memory_space<vmem>>
      %dma_start3A_3010 = arith.constant 256 : i32
      %dma_start3A_3011 = arith.constant 0 : i32
      %dma_start3A_3012 = tpu.memref_slice %dma_start3A_3009[%dma_start3A_3010, %dma_start3A_3011] : memref<512x32xf32, #tpu.memory_space<vmem>> -> memref<128x32xf32, #tpu.memory_space<vmem>>
      %dma_start3A_3013 = arith.constant 0 : i32
      %dma_start3A_3014 = tpu.memref_slice %arg5[%add3A_3004, %dma_start3A_3013] : memref<200x128xi32, #tpu.memory_space<vmem>> -> memref<1x128xi32, #tpu.memory_space<vmem>>
      %dma_start3A_3015 = tpu.memref_squeeze %dma_start3A_3014 : memref<1x128xi32, #tpu.memory_space<vmem>> -> memref<128xi32, #tpu.memory_space<vmem>>
      %dma_start3A_3016 = arith.constant 0 : i32
      %dma_start3A_3017 = arith.constant 0 : i32
      %dma_start3A_3018 = tpu.memref_slice %arg2[%dma_start3A_3016, %dma_start3A_3017] : memref<1000000x32xf32, #tpu.memory_space<hbm>> -> memref<1000000x32xf32, #tpu.memory_space<hbm>>
      tpu.enqueue_indirect_dma source(%dma_start3A_3018 : memref<1000000x32xf32, #tpu.memory_space<hbm>>) target(%dma_start3A_3012 : memref<128x32xf32, #tpu.memory_space<vmem>>) offsets(%dma_start3A_3015 : memref<128xi32, #tpu.memory_space<vmem>>) semaphore(%arg8 : memref<!tpu.dma_semaphore, #tpu.memory_space<semaphore_mem>>)
      %mul3A_3019 = arith.constant 4 : i32
      %mul3A_3020 = arith.muli %add3A_2964, %mul3A_3019 : i32
      %add3A_3021 = arith.constant 3 : i32
      %add3A_3022 = arith.addi %mul3A_3020, %add3A_3021 : i32
      %dma_start3A_3023 = arith.constant 0 : i32
      %dma_start3A_3024 = arith.constant 0 : i32
      %dma_start3A_3025 = arith.constant 0 : i32
      %dma_start3A_3026 = tpu.memref_slice %arg6[%dma_start3A_3023, %dma_start3A_3024, %dma_start3A_3025] : memref<2x512x32xf32, #tpu.memory_space<vmem>> -> memref<1x512x32xf32, #tpu.memory_space<vmem>>
      %dma_start3A_3027 = tpu.memref_squeeze %dma_start3A_3026 : memref<1x512x32xf32, #tpu.memory_space<vmem>> -> memref<512x32xf32, #tpu.memory_space<vmem>>
      %dma_start3A_3028 = arith.constant 384 : i32
      %dma_start3A_3029 = arith.constant 0 : i32
      %dma_start3A_3030 = tpu.memref_slice %dma_start3A_3027[%dma_start3A_3028, %dma_start3A_3029] : memref<512x32xf32, #tpu.memory_space<vmem>> -> memref<128x32xf32, #tpu.memory_space<vmem>>
      %dma_start3A_3031 = arith.constant 0 : i32
      %dma_start3A_3032 = tpu.memref_slice %arg5[%add3A_3022, %dma_start3A_3031] : memref<200x128xi32, #tpu.memory_space<vmem>> -> memref<1x128xi32, #tpu.memory_space<vmem>>
      %dma_start3A_3033 = tpu.memref_squeeze %dma_start3A_3032 : memref<1x128xi32, #tpu.memory_space<vmem>> -> memref<128xi32, #tpu.memory_space<vmem>>
      %dma_start3A_3034 = arith.constant 0 : i32
      %dma_start3A_3035 = arith.constant 0 : i32
      %dma_start3A_3036 = tpu.memref_slice %arg2[%dma_start3A_3034, %dma_start3A_3035] : memref<1000000x32xf32, #tpu.memory_space<hbm>> -> memref<1000000x32xf32, #tpu.memory_space<hbm>>
      tpu.enqueue_indirect_dma source(%dma_start3A_3036 : memref<1000000x32xf32, #tpu.memory_space<hbm>>) target(%dma_start3A_3030 : memref<128x32xf32, #tpu.memory_space<vmem>>) offsets(%dma_start3A_3033 : memref<128xi32, #tpu.memory_space<vmem>>) semaphore(%arg8 : memref<!tpu.dma_semaphore, #tpu.memory_space<semaphore_mem>>)
      %add3A_3037 = arith.constant 1 : i32
      %add3A_3038 = arith.addi %mul3A_2355, %add3A_3037 : i32
      %dma_wait3A_3039 = arith.constant 1 : i32
      %dma_wait3A_3040 = arith.constant 0 : i32
      %dma_wait3A_3041 = arith.constant 0 : i32
      %dma_wait3A_3042 = tpu.memref_slice %arg6[%dma_wait3A_3039, %dma_wait3A_3040, %dma_wait3A_3041] : memref<2x512x32xf32, #tpu.memory_space<vmem>> -> memref<1x512x32xf32, #tpu.memory_space<vmem>>
      %dma_wait3A_3043 = tpu.memref_squeeze %dma_wait3A_3042 : memref<1x512x32xf32, #tpu.memory_space<vmem>> -> memref<512x32xf32, #tpu.memory_space<vmem>>
      %dma_wait3A_3044 = arith.constant 0 : i32
      %dma_wait3A_3045 = arith.constant 0 : i32
      %dma_wait3A_3046 = tpu.memref_slice %arg2[%dma_wait3A_3044, %dma_wait3A_3045] : memref<1000000x32xf32, #tpu.memory_space<hbm>> -> memref<512x32xf32, #tpu.memory_space<hbm>>
      %dma_wait3A_3047 = arith.constant 0 : i32
      %dma_wait3A_3048 = arith.constant 0 : i32
      %dma_wait3A_3049 = tpu.memref_slice %arg6[%dma_wait3A_3039, %dma_wait3A_3047, %dma_wait3A_3048] : memref<2x512x32xf32, #tpu.memory_space<vmem>> -> memref<1x512x32xf32, #tpu.memory_space<vmem>>
      %dma_wait3A_3050 = tpu.memref_squeeze %dma_wait3A_3049 : memref<1x512x32xf32, #tpu.memory_space<vmem>> -> memref<512x32xf32, #tpu.memory_space<vmem>>
      %dma_wait3A_3051 = arith.constant 0 : i32
      %dma_wait3A_3052 = arith.constant 0 : i32
      %dma_wait3A_3053 = tpu.memref_slice %arg2[%dma_wait3A_3051, %dma_wait3A_3052] : memref<1000000x32xf32, #tpu.memory_space<hbm>> -> memref<512x32xf32, #tpu.memory_space<hbm>>
      tpu.wait_dma2 semaphore(%arg9 : memref<!tpu.dma_semaphore, #tpu.memory_space<semaphore_mem>>) src(%dma_wait3A_3053 : memref<512x32xf32, #tpu.memory_space<hbm>>) dst(%dma_wait3A_3050 : memref<512x32xf32, #tpu.memory_space<vmem>>)
      %dma_wait3A_3054 = arith.constant 1 : i32
      %dma_wait3A_3055 = arith.constant 0 : i32
      %dma_wait3A_3056 = tpu.memref_slice %arg7[%dma_wait3A_3054, %dma_wait3A_3055] : memref<2x16384xf32, #tpu.memory_space<vmem>> -> memref<1x16384xf32, #tpu.memory_space<vmem>>
      %dma_wait3A_3057 = tpu.memref_squeeze %dma_wait3A_3056 : memref<1x16384xf32, #tpu.memory_space<vmem>> -> memref<16384xf32, #tpu.memory_space<vmem>>
      %dma_wait3A_3058 = arith.constant 0 : i32
      %dma_wait3A_3059 = tpu.memref_slice %arg4[%dma_wait3A_3058] : memref<26214400xf32, #tpu.memory_space<hbm>> -> memref<16384xf32, #tpu.memory_space<hbm>>
      %dma_wait3A_3060 = arith.constant 0 : i32
      %dma_wait3A_3061 = tpu.memref_slice %arg7[%dma_wait3A_3054, %dma_wait3A_3060] : memref<2x16384xf32, #tpu.memory_space<vmem>> -> memref<1x16384xf32, #tpu.memory_space<vmem>>
      %dma_wait3A_3062 = tpu.memref_squeeze %dma_wait3A_3061 : memref<1x16384xf32, #tpu.memory_space<vmem>> -> memref<16384xf32, #tpu.memory_space<vmem>>
      %dma_wait3A_3063 = arith.constant 0 : i32
      %dma_wait3A_3064 = tpu.memref_slice %arg4[%dma_wait3A_3063] : memref<26214400xf32, #tpu.memory_space<hbm>> -> memref<16384xf32, #tpu.memory_space<hbm>>
      tpu.wait_dma2 semaphore(%arg11 : memref<!tpu.dma_semaphore, #tpu.memory_space<semaphore_mem>>) src(%dma_wait3A_3064 : memref<16384xf32, #tpu.memory_space<hbm>>) dst(%dma_wait3A_3062 : memref<16384xf32, #tpu.memory_space<vmem>>)
      %mul3A_3065 = arith.constant 128 : i32
      %mul3A_3066 = vector.broadcast %mul3A_3065 : i32 to vector<16xi32>
      %mul3A_3067 = arith.muli %iota3A, %mul3A_3066 : vector<16xi32>
      %parallel_loop3A_3068 = arith.constant 0 : i32
      %parallel_loop3A_3069 = arith.constant 512 : i32
      %parallel_loop3A_3070 = arith.constant 1 : i32
      %parallel_loop3A_3071 = arith.constant 1 : i32
      scf.for %parallel_loop3A_3572 = %parallel_loop3A_3068 to %parallel_loop3A_3069 step %parallel_loop3A_3070  : i32 {
        %parallel_loop3A_3573 = arith.constant 128 : i32
        %parallel_loop3A_3574 = arith.divsi %parallel_loop3A_3572, %parallel_loop3A_3573 : i32
        %parallel_loop3A_3575 = arith.constant 0 : i32
        %parallel_loop3A_3576 = arith.cmpi sgt, %parallel_loop3A_3572, %parallel_loop3A_3575 : i32
        %parallel_loop3A_3577 = arith.extui %parallel_loop3A_3576 : i1 to i32
        %parallel_loop3A_3578 = arith.constant 0 : i32
        %parallel_loop3A_3579 = arith.cmpi slt, %parallel_loop3A_3572, %parallel_loop3A_3578 : i32
        %parallel_loop3A_3580 = arith.extui %parallel_loop3A_3579 : i1 to i32
        %parallel_loop3A_3581 = arith.subi %parallel_loop3A_3577, %parallel_loop3A_3580 : i32
        %parallel_loop3A_3582 = arith.constant 0 : i32
        %parallel_loop3A_3583 = arith.cmpi sgt, %parallel_loop3A_3573, %parallel_loop3A_3582 : i32
        %parallel_loop3A_3584 = arith.extui %parallel_loop3A_3583 : i1 to i32
        %parallel_loop3A_3585 = arith.constant 0 : i32
        %parallel_loop3A_3586 = arith.cmpi slt, %parallel_loop3A_3573, %parallel_loop3A_3585 : i32
        %parallel_loop3A_3587 = arith.extui %parallel_loop3A_3586 : i1 to i32
        %parallel_loop3A_3588 = arith.subi %parallel_loop3A_3584, %parallel_loop3A_3587 : i32
        %parallel_loop3A_3589 = arith.cmpi ne, %parallel_loop3A_3581, %parallel_loop3A_3588 : i32
        %parallel_loop3A_3590 = arith.remsi %parallel_loop3A_3572, %parallel_loop3A_3573 : i32
        %parallel_loop3A_3591 = arith.constant 0 : i32
        %parallel_loop3A_3592 = arith.cmpi ne, %parallel_loop3A_3590, %parallel_loop3A_3591 : i32
        %parallel_loop3A_3593 = arith.andi %parallel_loop3A_3589, %parallel_loop3A_3592 : i1
        %parallel_loop3A_3594 = arith.constant 1 : i32
        %parallel_loop3A_3595 = arith.subi %parallel_loop3A_3574, %parallel_loop3A_3594 : i32
        %parallel_loop3A_3596 = arith.select %parallel_loop3A_3593, %parallel_loop3A_3595, %parallel_loop3A_3574 : i32
        %parallel_loop3A_3597 = arith.constant 1 : i32
        %parallel_loop3A_3598 = arith.index_cast %parallel_loop3A_3597 : i32 to index
        %parallel_loop3A_3599 = arith.index_cast %parallel_loop3A_3572 : i32 to index
        %parallel_loop3A_3600 = arith.constant 0 : index
        %parallel_loop3A_3601 = tpu.vector_load %arg6[%parallel_loop3A_3598, %parallel_loop3A_3599, %parallel_loop3A_3600] {strides = array<i32>} : memref<2x512x32xf32, #tpu.memory_space<vmem>>, vector<16xf32>,
        %parallel_loop3A_3602 = arith.constant 1 : i32
        %parallel_loop3A_3603 = arith.index_cast %parallel_loop3A_3602 : i32 to index
        %parallel_loop3A_3604 = arith.index_cast %parallel_loop3A_3572 : i32 to index
        %parallel_loop3A_3605 = arith.constant 16 : index
        %parallel_loop3A_3606 = tpu.vector_load %arg6[%parallel_loop3A_3603, %parallel_loop3A_3604, %parallel_loop3A_3605] {strides = array<i32>} : memref<2x512x32xf32, #tpu.memory_space<vmem>>, vector<16xf32>,
        %parallel_loop3A_3607 = arith.constant 3968 : i32
        %parallel_loop3A_3608 = arith.muli %parallel_loop3A_3596, %parallel_loop3A_3607 : i32
        %parallel_loop3A_3609 = arith.addi %parallel_loop3A_3572, %parallel_loop3A_3608 : i32
        %parallel_loop3A_3610 = vector.broadcast %parallel_loop3A_3609 : i32 to vector<16xi32>
        %parallel_loop3A_3611 = arith.addi %mul3A_3067, %parallel_loop3A_3610 : vector<16xi32>
        %parallel_loop3A_3612 = arith.constant 0 : i32
        %parallel_loop3A_3613 = tpu.memref_slice %arg7[%parallel_loop3A_3071, %parallel_loop3A_3612] : memref<2x16384xf32, #tpu.memory_space<vmem>> -> memref<1x16384xf32, #tpu.memory_space<vmem>>
        %parallel_loop3A_3614 = tpu.memref_squeeze %parallel_loop3A_3613 : memref<1x16384xf32, #tpu.memory_space<vmem>> -> memref<16384xf32, #tpu.memory_space<vmem>>
        tpu.vector_store_idx %parallel_loop3A_3614[%parallel_loop3A_3611], %parallel_loop3A_3601 : memref<16384xf32, #tpu.memory_space<vmem>>[vector<16xi32>], vector<16xf32>,
        %parallel_loop3A_3615 = arith.constant 2048 : i32
        %parallel_loop3A_3616 = vector.broadcast %parallel_loop3A_3615 : i32 to vector<16xi32>
        %parallel_loop3A_3617 = arith.addi %parallel_loop3A_3611, %parallel_loop3A_3616 : vector<16xi32>
        %parallel_loop3A_3618 = arith.constant 0 : i32
        %parallel_loop3A_3619 = tpu.memref_slice %arg7[%parallel_loop3A_3071, %parallel_loop3A_3618] : memref<2x16384xf32, #tpu.memory_space<vmem>> -> memref<1x16384xf32, #tpu.memory_space<vmem>>
        %parallel_loop3A_3620 = tpu.memref_squeeze %parallel_loop3A_3619 : memref<1x16384xf32, #tpu.memory_space<vmem>> -> memref<16384xf32, #tpu.memory_space<vmem>>
        tpu.vector_store_idx %parallel_loop3A_3620[%parallel_loop3A_3617], %parallel_loop3A_3606 : memref<16384xf32, #tpu.memory_space<vmem>>[vector<16xi32>], vector<16xf32>,
      } {sc.loop_unroll_factor = 16 : i64, sc.parallel_access}
      %mul3A_3072 = arith.constant 200 : i32
      %mul3A_3073 = arith.muli %add3A, %mul3A_3072 : i32
      %mul3A_3074 = arith.constant 4 : i32
      %mul3A_3075 = arith.muli %add3A_3038, %mul3A_3074 : i32
      %add3A_3076 = arith.addi %mul3A_3073, %mul3A_3075 : i32
      %add3A_3077 = arith.constant 0 : i32
      %add3A_3078 = arith.addi %add3A_3076, %add3A_3077 : i32
      %jit3A_3079 = arith.constant 128 : i32
      %div3A_3080 = arith.divsi %add3A_3078, %jit3A_3079 : i32
      %sign3A_3081 = arith.constant 0 : i32
      %sign3A_3082 = arith.cmpi sgt, %add3A_3078, %sign3A_3081 : i32
      %sign3A_3083 = arith.extui %sign3A_3082 : i1 to i32
      %sign3A_3084 = arith.constant 0 : i32
      %sign3A_3085 = arith.cmpi slt, %add3A_3078, %sign3A_3084 : i32
      %sign3A_3086 = arith.extui %sign3A_3085 : i1 to i32
      %sign3A_3087 = arith.subi %sign3A_3083, %sign3A_3086 : i32
      %sign3A_3088 = arith.constant 0 : i32
      %sign3A_3089 = arith.cmpi sgt, %jit3A_3079, %sign3A_3088 : i32
      %sign3A_3090 = arith.extui %sign3A_3089 : i1 to i32
      %sign3A_3091 = arith.constant 0 : i32
      %sign3A_3092 = arith.cmpi slt, %jit3A_3079, %sign3A_3091 : i32
      %sign3A_3093 = arith.extui %sign3A_3092 : i1 to i32
      %sign3A_3094 = arith.subi %sign3A_3090, %sign3A_3093 : i32
      %ne3A_3095 = arith.cmpi ne, %sign3A_3087, %sign3A_3094 : i32
      %rem3A_3096 = arith.remsi %add3A_3078, %jit3A_3079 : i32
      %ne3A_3097 = arith.constant 0 : i32
      %ne3A_3098 = arith.cmpi ne, %rem3A_3096, %ne3A_3097 : i32
      %and3A_3099 = arith.andi %ne3A_3095, %ne3A_3098 : i1
      %sub3A_3100 = arith.constant 1 : i32
      %sub3A_3101 = arith.subi %div3A_3080, %sub3A_3100 : i32
      %select_n3A_3102 = arith.select %and3A_3099, %sub3A_3101, %div3A_3080 : i32
      %rem3A_3103 = arith.constant 128 : i32
      %rem3A_3104 = arith.remsi %add3A_3078, %rem3A_3103 : i32
      %mul3A_3105 = arith.constant 4 : i32
      %mul3A_3106 = arith.muli %select_n3A_3102, %mul3A_3105 : i32
      %mul3A_3107 = arith.constant 128 : i32
      %mul3A_3108 = arith.muli %mul3A_3106, %mul3A_3107 : i32
      %add3A_3109 = arith.constant 0 : i32
      %add3A_3110 = arith.addi %mul3A_3108, %add3A_3109 : i32
      %add3A_3111 = arith.addi %add3A_3110, %rem3A_3104 : i32
      %mul3A_3112 = arith.constant 1024 : i32
      %mul3A_3113 = arith.muli %add3A_3111, %mul3A_3112 : i32
      %multiple_of3A_3114 = tpu.assume_multiple %mul3A_3113, 8 : i32
      %dma_start3A_3115 = arith.constant 1 : i32
      %dma_start3A_3116 = arith.constant 0 : i32
      %dma_start3A_3117 = tpu.memref_slice %arg7[%dma_start3A_3115, %dma_start3A_3116] : memref<2x16384xf32, #tpu.memory_space<vmem>> -> memref<1x16384xf32, #tpu.memory_space<vmem>>
      %dma_start3A_3118 = tpu.memref_squeeze %dma_start3A_3117 : memref<1x16384xf32, #tpu.memory_space<vmem>> -> memref<16384xf32, #tpu.memory_space<vmem>>
      %dma_start3A_3119 = arith.constant 0 : i32
      %dma_start3A_3120 = tpu.memref_slice %dma_start3A_3118[%dma_start3A_3119] : memref<16384xf32, #tpu.memory_space<vmem>> -> memref<1024xf32, #tpu.memory_space<vmem>>
      %dma_start3A_3121 = tpu.memref_slice %arg4[%multiple_of3A_3114] : memref<26214400xf32, #tpu.memory_space<hbm>> -> memref<1024xf32, #tpu.memory_space<hbm>>
      %dma_start3A_3122 = tpu.memref_slice %arg4[%multiple_of3A_3114] : memref<26214400xf32, #tpu.memory_space<hbm>> -> memref<1024xf32, #tpu.memory_space<hbm>>
      %dma_start3A_3123 = arith.constant 0 : i32
      %dma_start3A_3124 = tpu.memref_slice %arg7[%dma_start3A_3115, %dma_start3A_3123] : memref<2x16384xf32, #tpu.memory_space<vmem>> -> memref<1x16384xf32, #tpu.memory_space<vmem>>
      %dma_start3A_3125 = tpu.memref_squeeze %dma_start3A_3124 : memref<1x16384xf32, #tpu.memory_space<vmem>> -> memref<16384xf32, #tpu.memory_space<vmem>>
      %dma_start3A_3126 = arith.constant 0 : i32
      %dma_start3A_3127 = tpu.memref_slice %dma_start3A_3125[%dma_start3A_3126] : memref<16384xf32, #tpu.memory_space<vmem>> -> memref<1024xf32, #tpu.memory_space<vmem>>
      tpu.enqueue_dma source(%dma_start3A_3127 : memref<1024xf32, #tpu.memory_space<vmem>>) target(%dma_start3A_3122 : memref<1024xf32, #tpu.memory_space<hbm>>) target_semaphore(%arg11 : memref<!tpu.dma_semaphore, #tpu.memory_space<semaphore_mem>>)
      %mul3A_3128 = arith.constant 4 : i32
      %mul3A_3129 = arith.muli %select_n3A_3102, %mul3A_3128 : i32
      %mul3A_3130 = arith.constant 128 : i32
      %mul3A_3131 = arith.muli %mul3A_3129, %mul3A_3130 : i32
      %add3A_3132 = arith.constant 128 : i32
      %add3A_3133 = arith.addi %mul3A_3131, %add3A_3132 : i32
      %add3A_3134 = arith.addi %add3A_3133, %rem3A_3104 : i32
      %mul3A_3135 = arith.constant 1024 : i32
      %mul3A_3136 = arith.muli %add3A_3134, %mul3A_3135 : i32
      %multiple_of3A_3137 = tpu.assume_multiple %mul3A_3136, 8 : i32
      %dma_start3A_3138 = arith.constant 1 : i32
      %dma_start3A_3139 = arith.constant 0 : i32
      %dma_start3A_3140 = tpu.memref_slice %arg7[%dma_start3A_3138, %dma_start3A_3139] : memref<2x16384xf32, #tpu.memory_space<vmem>> -> memref<1x16384xf32, #tpu.memory_space<vmem>>
      %dma_start3A_3141 = tpu.memref_squeeze %dma_start3A_3140 : memref<1x16384xf32, #tpu.memory_space<vmem>> -> memref<16384xf32, #tpu.memory_space<vmem>>
      %dma_start3A_3142 = arith.constant 1024 : i32
      %dma_start3A_3143 = tpu.memref_slice %dma_start3A_3141[%dma_start3A_3142] : memref<16384xf32, #tpu.memory_space<vmem>> -> memref<1024xf32, #tpu.memory_space<vmem>>
      %dma_start3A_3144 = tpu.memref_slice %arg4[%multiple_of3A_3137] : memref<26214400xf32, #tpu.memory_space<hbm>> -> memref<1024xf32, #tpu.memory_space<hbm>>
      %dma_start3A_3145 = tpu.memref_slice %arg4[%multiple_of3A_3137] : memref<26214400xf32, #tpu.memory_space<hbm>> -> memref<1024xf32, #tpu.memory_space<hbm>>
      %dma_start3A_3146 = arith.constant 0 : i32
      %dma_start3A_3147 = tpu.memref_slice %arg7[%dma_start3A_3138, %dma_start3A_3146] : memref<2x16384xf32, #tpu.memory_space<vmem>> -> memref<1x16384xf32, #tpu.memory_space<vmem>>
      %dma_start3A_3148 = tpu.memref_squeeze %dma_start3A_3147 : memref<1x16384xf32, #tpu.memory_space<vmem>> -> memref<16384xf32, #tpu.memory_space<vmem>>
      %dma_start3A_3149 = arith.constant 1024 : i32
      %dma_start3A_3150 = tpu.memref_slice %dma_start3A_3148[%dma_start3A_3149] : memref<16384xf32, #tpu.memory_space<vmem>> -> memref<1024xf32, #tpu.memory_space<vmem>>
      tpu.enqueue_dma source(%dma_start3A_3150 : memref<1024xf32, #tpu.memory_space<vmem>>) target(%dma_start3A_3145 : memref<1024xf32, #tpu.memory_space<hbm>>) target_semaphore(%arg11 : memref<!tpu.dma_semaphore, #tpu.memory_space<semaphore_mem>>)
      %mul3A_3151 = arith.constant 4 : i32
      %mul3A_3152 = arith.muli %select_n3A_3102, %mul3A_3151 : i32
      %mul3A_3153 = arith.constant 128 : i32
      %mul3A_3154 = arith.muli %mul3A_3152, %mul3A_3153 : i32
      %add3A_3155 = arith.constant 256 : i32
      %add3A_3156 = arith.addi %mul3A_3154, %add3A_3155 : i32
      %add3A_3157 = arith.addi %add3A_3156, %rem3A_3104 : i32
      %mul3A_3158 = arith.constant 1024 : i32
      %mul3A_3159 = arith.muli %add3A_3157, %mul3A_3158 : i32
      %multiple_of3A_3160 = tpu.assume_multiple %mul3A_3159, 8 : i32
      %dma_start3A_3161 = arith.constant 1 : i32
      %dma_start3A_3162 = arith.constant 0 : i32
      %dma_start3A_3163 = tpu.memref_slice %arg7[%dma_start3A_3161, %dma_start3A_3162] : memref<2x16384xf32, #tpu.memory_space<vmem>> -> memref<1x16384xf32, #tpu.memory_space<vmem>>
      %dma_start3A_3164 = tpu.memref_squeeze %dma_start3A_3163 : memref<1x16384xf32, #tpu.memory_space<vmem>> -> memref<16384xf32, #tpu.memory_space<vmem>>
      %dma_start3A_3165 = arith.constant 2048 : i32
      %dma_start3A_3166 = tpu.memref_slice %dma_start3A_3164[%dma_start3A_3165] : memref<16384xf32, #tpu.memory_space<vmem>> -> memref<1024xf32, #tpu.memory_space<vmem>>
      %dma_start3A_3167 = tpu.memref_slice %arg4[%multiple_of3A_3160] : memref<26214400xf32, #tpu.memory_space<hbm>> -> memref<1024xf32, #tpu.memory_space<hbm>>
      %dma_start3A_3168 = tpu.memref_slice %arg4[%multiple_of3A_3160] : memref<26214400xf32, #tpu.memory_space<hbm>> -> memref<1024xf32, #tpu.memory_space<hbm>>
      %dma_start3A_3169 = arith.constant 0 : i32
      %dma_start3A_3170 = tpu.memref_slice %arg7[%dma_start3A_3161, %dma_start3A_3169] : memref<2x16384xf32, #tpu.memory_space<vmem>> -> memref<1x16384xf32, #tpu.memory_space<vmem>>
      %dma_start3A_3171 = tpu.memref_squeeze %dma_start3A_3170 : memref<1x16384xf32, #tpu.memory_space<vmem>> -> memref<16384xf32, #tpu.memory_space<vmem>>
      %dma_start3A_3172 = arith.constant 2048 : i32
      %dma_start3A_3173 = tpu.memref_slice %dma_start3A_3171[%dma_start3A_3172] : memref<16384xf32, #tpu.memory_space<vmem>> -> memref<1024xf32, #tpu.memory_space<vmem>>
      tpu.enqueue_dma source(%dma_start3A_3173 : memref<1024xf32, #tpu.memory_space<vmem>>) target(%dma_start3A_3168 : memref<1024xf32, #tpu.memory_space<hbm>>) target_semaphore(%arg11 : memref<!tpu.dma_semaphore, #tpu.memory_space<semaphore_mem>>)
      %mul3A_3174 = arith.constant 4 : i32
      %mul3A_3175 = arith.muli %select_n3A_3102, %mul3A_3174 : i32
      %mul3A_3176 = arith.constant 128 : i32
      %mul3A_3177 = arith.muli %mul3A_3175, %mul3A_3176 : i32
      %add3A_3178 = arith.constant 384 : i32
      %add3A_3179 = arith.addi %mul3A_3177, %add3A_3178 : i32
      %add3A_3180 = arith.addi %add3A_3179, %rem3A_3104 : i32
      %mul3A_3181 = arith.constant 1024 : i32
      %mul3A_3182 = arith.muli %add3A_3180, %mul3A_3181 : i32
      %multiple_of3A_3183 = tpu.assume_multiple %mul3A_3182, 8 : i32
      %dma_start3A_3184 = arith.constant 1 : i32
      %dma_start3A_3185 = arith.constant 0 : i32
      %dma_start3A_3186 = tpu.memref_slice %arg7[%dma_start3A_3184, %dma_start3A_3185] : memref<2x16384xf32, #tpu.memory_space<vmem>> -> memref<1x16384xf32, #tpu.memory_space<vmem>>
      %dma_start3A_3187 = tpu.memref_squeeze %dma_start3A_3186 : memref<1x16384xf32, #tpu.memory_space<vmem>> -> memref<16384xf32, #tpu.memory_space<vmem>>
      %dma_start3A_3188 = arith.constant 3072 : i32
      %dma_start3A_3189 = tpu.memref_slice %dma_start3A_3187[%dma_start3A_3188] : memref<16384xf32, #tpu.memory_space<vmem>> -> memref<1024xf32, #tpu.memory_space<vmem>>
      %dma_start3A_3190 = tpu.memref_slice %arg4[%multiple_of3A_3183] : memref<26214400xf32, #tpu.memory_space<hbm>> -> memref<1024xf32, #tpu.memory_space<hbm>>
      %dma_start3A_3191 = tpu.memref_slice %arg4[%multiple_of3A_3183] : memref<26214400xf32, #tpu.memory_space<hbm>> -> memref<1024xf32, #tpu.memory_space<hbm>>
      %dma_start3A_3192 = arith.constant 0 : i32
      %dma_start3A_3193 = tpu.memref_slice %arg7[%dma_start3A_3184, %dma_start3A_3192] : memref<2x16384xf32, #tpu.memory_space<vmem>> -> memref<1x16384xf32, #tpu.memory_space<vmem>>
      %dma_start3A_3194 = tpu.memref_squeeze %dma_start3A_3193 : memref<1x16384xf32, #tpu.memory_space<vmem>> -> memref<16384xf32, #tpu.memory_space<vmem>>
      %dma_start3A_3195 = arith.constant 3072 : i32
      %dma_start3A_3196 = tpu.memref_slice %dma_start3A_3194[%dma_start3A_3195] : memref<16384xf32, #tpu.memory_space<vmem>> -> memref<1024xf32, #tpu.memory_space<vmem>>
      tpu.enqueue_dma source(%dma_start3A_3196 : memref<1024xf32, #tpu.memory_space<vmem>>) target(%dma_start3A_3191 : memref<1024xf32, #tpu.memory_space<hbm>>) target_semaphore(%arg11 : memref<!tpu.dma_semaphore, #tpu.memory_space<semaphore_mem>>)
      %mul3A_3197 = arith.constant 200 : i32
      %mul3A_3198 = arith.muli %add3A, %mul3A_3197 : i32
      %mul3A_3199 = arith.constant 4 : i32
      %mul3A_3200 = arith.muli %add3A_3038, %mul3A_3199 : i32
      %add3A_3201 = arith.addi %mul3A_3198, %mul3A_3200 : i32
      %add3A_3202 = arith.constant 1 : i32
      %add3A_3203 = arith.addi %add3A_3201, %add3A_3202 : i32
      %jit3A_3204 = arith.constant 128 : i32
      %div3A_3205 = arith.divsi %add3A_3203, %jit3A_3204 : i32
      %sign3A_3206 = arith.constant 0 : i32
      %sign3A_3207 = arith.cmpi sgt, %add3A_3203, %sign3A_3206 : i32
      %sign3A_3208 = arith.extui %sign3A_3207 : i1 to i32
      %sign3A_3209 = arith.constant 0 : i32
      %sign3A_3210 = arith.cmpi slt, %add3A_3203, %sign3A_3209 : i32
      %sign3A_3211 = arith.extui %sign3A_3210 : i1 to i32
      %sign3A_3212 = arith.subi %sign3A_3208, %sign3A_3211 : i32
      %sign3A_3213 = arith.constant 0 : i32
      %sign3A_3214 = arith.cmpi sgt, %jit3A_3204, %sign3A_3213 : i32
      %sign3A_3215 = arith.extui %sign3A_3214 : i1 to i32
      %sign3A_3216 = arith.constant 0 : i32
      %sign3A_3217 = arith.cmpi slt, %jit3A_3204, %sign3A_3216 : i32
      %sign3A_3218 = arith.extui %sign3A_3217 : i1 to i32
      %sign3A_3219 = arith.subi %sign3A_3215, %sign3A_3218 : i32
      %ne3A_3220 = arith.cmpi ne, %sign3A_3212, %sign3A_3219 : i32
      %rem3A_3221 = arith.remsi %add3A_3203, %jit3A_3204 : i32
      %ne3A_3222 = arith.constant 0 : i32
      %ne3A_3223 = arith.cmpi ne, %rem3A_3221, %ne3A_3222 : i32
      %and3A_3224 = arith.andi %ne3A_3220, %ne3A_3223 : i1
      %sub3A_3225 = arith.constant 1 : i32
      %sub3A_3226 = arith.subi %div3A_3205, %sub3A_3225 : i32
      %select_n3A_3227 = arith.select %and3A_3224, %sub3A_3226, %div3A_3205 : i32
      %rem3A_3228 = arith.constant 128 : i32
      %rem3A_3229 = arith.remsi %add3A_3203, %rem3A_3228 : i32
      %mul3A_3230 = arith.constant 4 : i32
      %mul3A_3231 = arith.muli %select_n3A_3227, %mul3A_3230 : i32
      %mul3A_3232 = arith.constant 128 : i32
      %mul3A_3233 = arith.muli %mul3A_3231, %mul3A_3232 : i32
      %add3A_3234 = arith.constant 0 : i32
      %add3A_3235 = arith.addi %mul3A_3233, %add3A_3234 : i32
      %add3A_3236 = arith.addi %add3A_3235, %rem3A_3229 : i32
      %mul3A_3237 = arith.constant 1024 : i32
      %mul3A_3238 = arith.muli %add3A_3236, %mul3A_3237 : i32
      %multiple_of3A_3239 = tpu.assume_multiple %mul3A_3238, 8 : i32
      %dma_start3A_3240 = arith.constant 1 : i32
      %dma_start3A_3241 = arith.constant 0 : i32
      %dma_start3A_3242 = tpu.memref_slice %arg7[%dma_start3A_3240, %dma_start3A_3241] : memref<2x16384xf32, #tpu.memory_space<vmem>> -> memref<1x16384xf32, #tpu.memory_space<vmem>>
      %dma_start3A_3243 = tpu.memref_squeeze %dma_start3A_3242 : memref<1x16384xf32, #tpu.memory_space<vmem>> -> memref<16384xf32, #tpu.memory_space<vmem>>
      %dma_start3A_3244 = arith.constant 4096 : i32
      %dma_start3A_3245 = tpu.memref_slice %dma_start3A_3243[%dma_start3A_3244] : memref<16384xf32, #tpu.memory_space<vmem>> -> memref<1024xf32, #tpu.memory_space<vmem>>
      %dma_start3A_3246 = tpu.memref_slice %arg4[%multiple_of3A_3239] : memref<26214400xf32, #tpu.memory_space<hbm>> -> memref<1024xf32, #tpu.memory_space<hbm>>
      %dma_start3A_3247 = tpu.memref_slice %arg4[%multiple_of3A_3239] : memref<26214400xf32, #tpu.memory_space<hbm>> -> memref<1024xf32, #tpu.memory_space<hbm>>
      %dma_start3A_3248 = arith.constant 0 : i32
      %dma_start3A_3249 = tpu.memref_slice %arg7[%dma_start3A_3240, %dma_start3A_3248] : memref<2x16384xf32, #tpu.memory_space<vmem>> -> memref<1x16384xf32, #tpu.memory_space<vmem>>
      %dma_start3A_3250 = tpu.memref_squeeze %dma_start3A_3249 : memref<1x16384xf32, #tpu.memory_space<vmem>> -> memref<16384xf32, #tpu.memory_space<vmem>>
      %dma_start3A_3251 = arith.constant 4096 : i32
      %dma_start3A_3252 = tpu.memref_slice %dma_start3A_3250[%dma_start3A_3251] : memref<16384xf32, #tpu.memory_space<vmem>> -> memref<1024xf32, #tpu.memory_space<vmem>>
      tpu.enqueue_dma source(%dma_start3A_3252 : memref<1024xf32, #tpu.memory_space<vmem>>) target(%dma_start3A_3247 : memref<1024xf32, #tpu.memory_space<hbm>>) target_semaphore(%arg11 : memref<!tpu.dma_semaphore, #tpu.memory_space<semaphore_mem>>)
      %mul3A_3253 = arith.constant 4 : i32
      %mul3A_3254 = arith.muli %select_n3A_3227, %mul3A_3253 : i32
      %mul3A_3255 = arith.constant 128 : i32
      %mul3A_3256 = arith.muli %mul3A_3254, %mul3A_3255 : i32
      %add3A_3257 = arith.constant 128 : i32
      %add3A_3258 = arith.addi %mul3A_3256, %add3A_3257 : i32
      %add3A_3259 = arith.addi %add3A_3258, %rem3A_3229 : i32
      %mul3A_3260 = arith.constant 1024 : i32
      %mul3A_3261 = arith.muli %add3A_3259, %mul3A_3260 : i32
      %multiple_of3A_3262 = tpu.assume_multiple %mul3A_3261, 8 : i32
      %dma_start3A_3263 = arith.constant 1 : i32
      %dma_start3A_3264 = arith.constant 0 : i32
      %dma_start3A_3265 = tpu.memref_slice %arg7[%dma_start3A_3263, %dma_start3A_3264] : memref<2x16384xf32, #tpu.memory_space<vmem>> -> memref<1x16384xf32, #tpu.memory_space<vmem>>
      %dma_start3A_3266 = tpu.memref_squeeze %dma_start3A_3265 : memref<1x16384xf32, #tpu.memory_space<vmem>> -> memref<16384xf32, #tpu.memory_space<vmem>>
      %dma_start3A_3267 = arith.constant 5120 : i32
      %dma_start3A_3268 = tpu.memref_slice %dma_start3A_3266[%dma_start3A_3267] : memref<16384xf32, #tpu.memory_space<vmem>> -> memref<1024xf32, #tpu.memory_space<vmem>>
      %dma_start3A_3269 = tpu.memref_slice %arg4[%multiple_of3A_3262] : memref<26214400xf32, #tpu.memory_space<hbm>> -> memref<1024xf32, #tpu.memory_space<hbm>>
      %dma_start3A_3270 = tpu.memref_slice %arg4[%multiple_of3A_3262] : memref<26214400xf32, #tpu.memory_space<hbm>> -> memref<1024xf32, #tpu.memory_space<hbm>>
      %dma_start3A_3271 = arith.constant 0 : i32
      %dma_start3A_3272 = tpu.memref_slice %arg7[%dma_start3A_3263, %dma_start3A_3271] : memref<2x16384xf32, #tpu.memory_space<vmem>> -> memref<1x16384xf32, #tpu.memory_space<vmem>>
      %dma_start3A_3273 = tpu.memref_squeeze %dma_start3A_3272 : memref<1x16384xf32, #tpu.memory_space<vmem>> -> memref<16384xf32, #tpu.memory_space<vmem>>
      %dma_start3A_3274 = arith.constant 5120 : i32
      %dma_start3A_3275 = tpu.memref_slice %dma_start3A_3273[%dma_start3A_3274] : memref<16384xf32, #tpu.memory_space<vmem>> -> memref<1024xf32, #tpu.memory_space<vmem>>
      tpu.enqueue_dma source(%dma_start3A_3275 : memref<1024xf32, #tpu.memory_space<vmem>>) target(%dma_start3A_3270 : memref<1024xf32, #tpu.memory_space<hbm>>) target_semaphore(%arg11 : memref<!tpu.dma_semaphore, #tpu.memory_space<semaphore_mem>>)
      %mul3A_3276 = arith.constant 4 : i32
      %mul3A_3277 = arith.muli %select_n3A_3227, %mul3A_3276 : i32
      %mul3A_3278 = arith.constant 128 : i32
      %mul3A_3279 = arith.muli %mul3A_3277, %mul3A_3278 : i32
      %add3A_3280 = arith.constant 256 : i32
      %add3A_3281 = arith.addi %mul3A_3279, %add3A_3280 : i32
      %add3A_3282 = arith.addi %add3A_3281, %rem3A_3229 : i32
      %mul3A_3283 = arith.constant 1024 : i32
      %mul3A_3284 = arith.muli %add3A_3282, %mul3A_3283 : i32
      %multiple_of3A_3285 = tpu.assume_multiple %mul3A_3284, 8 : i32
      %dma_start3A_3286 = arith.constant 1 : i32
      %dma_start3A_3287 = arith.constant 0 : i32
      %dma_start3A_3288 = tpu.memref_slice %arg7[%dma_start3A_3286, %dma_start3A_3287] : memref<2x16384xf32, #tpu.memory_space<vmem>> -> memref<1x16384xf32, #tpu.memory_space<vmem>>
      %dma_start3A_3289 = tpu.memref_squeeze %dma_start3A_3288 : memref<1x16384xf32, #tpu.memory_space<vmem>> -> memref<16384xf32, #tpu.memory_space<vmem>>
      %dma_start3A_3290 = arith.constant 6144 : i32
      %dma_start3A_3291 = tpu.memref_slice %dma_start3A_3289[%dma_start3A_3290] : memref<16384xf32, #tpu.memory_space<vmem>> -> memref<1024xf32, #tpu.memory_space<vmem>>
      %dma_start3A_3292 = tpu.memref_slice %arg4[%multiple_of3A_3285] : memref<26214400xf32, #tpu.memory_space<hbm>> -> memref<1024xf32, #tpu.memory_space<hbm>>
      %dma_start3A_3293 = tpu.memref_slice %arg4[%multiple_of3A_3285] : memref<26214400xf32, #tpu.memory_space<hbm>> -> memref<1024xf32, #tpu.memory_space<hbm>>
      %dma_start3A_3294 = arith.constant 0 : i32
      %dma_start3A_3295 = tpu.memref_slice %arg7[%dma_start3A_3286, %dma_start3A_3294] : memref<2x16384xf32, #tpu.memory_space<vmem>> -> memref<1x16384xf32, #tpu.memory_space<vmem>>
      %dma_start3A_3296 = tpu.memref_squeeze %dma_start3A_3295 : memref<1x16384xf32, #tpu.memory_space<vmem>> -> memref<16384xf32, #tpu.memory_space<vmem>>
      %dma_start3A_3297 = arith.constant 6144 : i32
      %dma_start3A_3298 = tpu.memref_slice %dma_start3A_3296[%dma_start3A_3297] : memref<16384xf32, #tpu.memory_space<vmem>> -> memref<1024xf32, #tpu.memory_space<vmem>>
      tpu.enqueue_dma source(%dma_start3A_3298 : memref<1024xf32, #tpu.memory_space<vmem>>) target(%dma_start3A_3293 : memref<1024xf32, #tpu.memory_space<hbm>>) target_semaphore(%arg11 : memref<!tpu.dma_semaphore, #tpu.memory_space<semaphore_mem>>)
      %mul3A_3299 = arith.constant 4 : i32
      %mul3A_3300 = arith.muli %select_n3A_3227, %mul3A_3299 : i32
      %mul3A_3301 = arith.constant 128 : i32
      %mul3A_3302 = arith.muli %mul3A_3300, %mul3A_3301 : i32
      %add3A_3303 = arith.constant 384 : i32
      %add3A_3304 = arith.addi %mul3A_3302, %add3A_3303 : i32
      %add3A_3305 = arith.addi %add3A_3304, %rem3A_3229 : i32
      %mul3A_3306 = arith.constant 1024 : i32
      %mul3A_3307 = arith.muli %add3A_3305, %mul3A_3306 : i32
      %multiple_of3A_3308 = tpu.assume_multiple %mul3A_3307, 8 : i32
      %dma_start3A_3309 = arith.constant 1 : i32
      %dma_start3A_3310 = arith.constant 0 : i32
      %dma_start3A_3311 = tpu.memref_slice %arg7[%dma_start3A_3309, %dma_start3A_3310] : memref<2x16384xf32, #tpu.memory_space<vmem>> -> memref<1x16384xf32, #tpu.memory_space<vmem>>
      %dma_start3A_3312 = tpu.memref_squeeze %dma_start3A_3311 : memref<1x16384xf32, #tpu.memory_space<vmem>> -> memref<16384xf32, #tpu.memory_space<vmem>>
      %dma_start3A_3313 = arith.constant 7168 : i32
      %dma_start3A_3314 = tpu.memref_slice %dma_start3A_3312[%dma_start3A_3313] : memref<16384xf32, #tpu.memory_space<vmem>> -> memref<1024xf32, #tpu.memory_space<vmem>>
      %dma_start3A_3315 = tpu.memref_slice %arg4[%multiple_of3A_3308] : memref<26214400xf32, #tpu.memory_space<hbm>> -> memref<1024xf32, #tpu.memory_space<hbm>>
      %dma_start3A_3316 = tpu.memref_slice %arg4[%multiple_of3A_3308] : memref<26214400xf32, #tpu.memory_space<hbm>> -> memref<1024xf32, #tpu.memory_space<hbm>>
      %dma_start3A_3317 = arith.constant 0 : i32
      %dma_start3A_3318 = tpu.memref_slice %arg7[%dma_start3A_3309, %dma_start3A_3317] : memref<2x16384xf32, #tpu.memory_space<vmem>> -> memref<1x16384xf32, #tpu.memory_space<vmem>>
      %dma_start3A_3319 = tpu.memref_squeeze %dma_start3A_3318 : memref<1x16384xf32, #tpu.memory_space<vmem>> -> memref<16384xf32, #tpu.memory_space<vmem>>
      %dma_start3A_3320 = arith.constant 7168 : i32
      %dma_start3A_3321 = tpu.memref_slice %dma_start3A_3319[%dma_start3A_3320] : memref<16384xf32, #tpu.memory_space<vmem>> -> memref<1024xf32, #tpu.memory_space<vmem>>
      tpu.enqueue_dma source(%dma_start3A_3321 : memref<1024xf32, #tpu.memory_space<vmem>>) target(%dma_start3A_3316 : memref<1024xf32, #tpu.memory_space<hbm>>) target_semaphore(%arg11 : memref<!tpu.dma_semaphore, #tpu.memory_space<semaphore_mem>>)
      %mul3A_3322 = arith.constant 200 : i32
      %mul3A_3323 = arith.muli %add3A, %mul3A_3322 : i32
      %mul3A_3324 = arith.constant 4 : i32
      %mul3A_3325 = arith.muli %add3A_3038, %mul3A_3324 : i32
      %add3A_3326 = arith.addi %mul3A_3323, %mul3A_3325 : i32
      %add3A_3327 = arith.constant 2 : i32
      %add3A_3328 = arith.addi %add3A_3326, %add3A_3327 : i32
      %jit3A_3329 = arith.constant 128 : i32
      %div3A_3330 = arith.divsi %add3A_3328, %jit3A_3329 : i32
      %sign3A_3331 = arith.constant 0 : i32
      %sign3A_3332 = arith.cmpi sgt, %add3A_3328, %sign3A_3331 : i32
      %sign3A_3333 = arith.extui %sign3A_3332 : i1 to i32
      %sign3A_3334 = arith.constant 0 : i32
      %sign3A_3335 = arith.cmpi slt, %add3A_3328, %sign3A_3334 : i32
      %sign3A_3336 = arith.extui %sign3A_3335 : i1 to i32
      %sign3A_3337 = arith.subi %sign3A_3333, %sign3A_3336 : i32
      %sign3A_3338 = arith.constant 0 : i32
      %sign3A_3339 = arith.cmpi sgt, %jit3A_3329, %sign3A_3338 : i32
      %sign3A_3340 = arith.extui %sign3A_3339 : i1 to i32
      %sign3A_3341 = arith.constant 0 : i32
      %sign3A_3342 = arith.cmpi slt, %jit3A_3329, %sign3A_3341 : i32
      %sign3A_3343 = arith.extui %sign3A_3342 : i1 to i32
      %sign3A_3344 = arith.subi %sign3A_3340, %sign3A_3343 : i32
      %ne3A_3345 = arith.cmpi ne, %sign3A_3337, %sign3A_3344 : i32
      %rem3A_3346 = arith.remsi %add3A_3328, %jit3A_3329 : i32
      %ne3A_3347 = arith.constant 0 : i32
      %ne3A_3348 = arith.cmpi ne, %rem3A_3346, %ne3A_3347 : i32
      %and3A_3349 = arith.andi %ne3A_3345, %ne3A_3348 : i1
      %sub3A_3350 = arith.constant 1 : i32
      %sub3A_3351 = arith.subi %div3A_3330, %sub3A_3350 : i32
      %select_n3A_3352 = arith.select %and3A_3349, %sub3A_3351, %div3A_3330 : i32
      %rem3A_3353 = arith.constant 128 : i32
      %rem3A_3354 = arith.remsi %add3A_3328, %rem3A_3353 : i32
      %mul3A_3355 = arith.constant 4 : i32
      %mul3A_3356 = arith.muli %select_n3A_3352, %mul3A_3355 : i32
      %mul3A_3357 = arith.constant 128 : i32
      %mul3A_3358 = arith.muli %mul3A_3356, %mul3A_3357 : i32
      %add3A_3359 = arith.constant 0 : i32
      %add3A_3360 = arith.addi %mul3A_3358, %add3A_3359 : i32
      %add3A_3361 = arith.addi %add3A_3360, %rem3A_3354 : i32
      %mul3A_3362 = arith.constant 1024 : i32
      %mul3A_3363 = arith.muli %add3A_3361, %mul3A_3362 : i32
      %multiple_of3A_3364 = tpu.assume_multiple %mul3A_3363, 8 : i32
      %dma_start3A_3365 = arith.constant 1 : i32
      %dma_start3A_3366 = arith.constant 0 : i32
      %dma_start3A_3367 = tpu.memref_slice %arg7[%dma_start3A_3365, %dma_start3A_3366] : memref<2x16384xf32, #tpu.memory_space<vmem>> -> memref<1x16384xf32, #tpu.memory_space<vmem>>
      %dma_start3A_3368 = tpu.memref_squeeze %dma_start3A_3367 : memref<1x16384xf32, #tpu.memory_space<vmem>> -> memref<16384xf32, #tpu.memory_space<vmem>>
      %dma_start3A_3369 = arith.constant 8192 : i32
      %dma_start3A_3370 = tpu.memref_slice %dma_start3A_3368[%dma_start3A_3369] : memref<16384xf32, #tpu.memory_space<vmem>> -> memref<1024xf32, #tpu.memory_space<vmem>>
      %dma_start3A_3371 = tpu.memref_slice %arg4[%multiple_of3A_3364] : memref<26214400xf32, #tpu.memory_space<hbm>> -> memref<1024xf32, #tpu.memory_space<hbm>>
      %dma_start3A_3372 = tpu.memref_slice %arg4[%multiple_of3A_3364] : memref<26214400xf32, #tpu.memory_space<hbm>> -> memref<1024xf32, #tpu.memory_space<hbm>>
      %dma_start3A_3373 = arith.constant 0 : i32
      %dma_start3A_3374 = tpu.memref_slice %arg7[%dma_start3A_3365, %dma_start3A_3373] : memref<2x16384xf32, #tpu.memory_space<vmem>> -> memref<1x16384xf32, #tpu.memory_space<vmem>>
      %dma_start3A_3375 = tpu.memref_squeeze %dma_start3A_3374 : memref<1x16384xf32, #tpu.memory_space<vmem>> -> memref<16384xf32, #tpu.memory_space<vmem>>
      %dma_start3A_3376 = arith.constant 8192 : i32
      %dma_start3A_3377 = tpu.memref_slice %dma_start3A_3375[%dma_start3A_3376] : memref<16384xf32, #tpu.memory_space<vmem>> -> memref<1024xf32, #tpu.memory_space<vmem>>
      tpu.enqueue_dma source(%dma_start3A_3377 : memref<1024xf32, #tpu.memory_space<vmem>>) target(%dma_start3A_3372 : memref<1024xf32, #tpu.memory_space<hbm>>) target_semaphore(%arg11 : memref<!tpu.dma_semaphore, #tpu.memory_space<semaphore_mem>>)
      %mul3A_3378 = arith.constant 4 : i32
      %mul3A_3379 = arith.muli %select_n3A_3352, %mul3A_3378 : i32
      %mul3A_3380 = arith.constant 128 : i32
      %mul3A_3381 = arith.muli %mul3A_3379, %mul3A_3380 : i32
      %add3A_3382 = arith.constant 128 : i32
      %add3A_3383 = arith.addi %mul3A_3381, %add3A_3382 : i32
      %add3A_3384 = arith.addi %add3A_3383, %rem3A_3354 : i32
      %mul3A_3385 = arith.constant 1024 : i32
      %mul3A_3386 = arith.muli %add3A_3384, %mul3A_3385 : i32
      %multiple_of3A_3387 = tpu.assume_multiple %mul3A_3386, 8 : i32
      %dma_start3A_3388 = arith.constant 1 : i32
      %dma_start3A_3389 = arith.constant 0 : i32
      %dma_start3A_3390 = tpu.memref_slice %arg7[%dma_start3A_3388, %dma_start3A_3389] : memref<2x16384xf32, #tpu.memory_space<vmem>> -> memref<1x16384xf32, #tpu.memory_space<vmem>>
      %dma_start3A_3391 = tpu.memref_squeeze %dma_start3A_3390 : memref<1x16384xf32, #tpu.memory_space<vmem>> -> memref<16384xf32, #tpu.memory_space<vmem>>
      %dma_start3A_3392 = arith.constant 9216 : i32
      %dma_start3A_3393 = tpu.memref_slice %dma_start3A_3391[%dma_start3A_3392] : memref<16384xf32, #tpu.memory_space<vmem>> -> memref<1024xf32, #tpu.memory_space<vmem>>
      %dma_start3A_3394 = tpu.memref_slice %arg4[%multiple_of3A_3387] : memref<26214400xf32, #tpu.memory_space<hbm>> -> memref<1024xf32, #tpu.memory_space<hbm>>
      %dma_start3A_3395 = tpu.memref_slice %arg4[%multiple_of3A_3387] : memref<26214400xf32, #tpu.memory_space<hbm>> -> memref<1024xf32, #tpu.memory_space<hbm>>
      %dma_start3A_3396 = arith.constant 0 : i32
      %dma_start3A_3397 = tpu.memref_slice %arg7[%dma_start3A_3388, %dma_start3A_3396] : memref<2x16384xf32, #tpu.memory_space<vmem>> -> memref<1x16384xf32, #tpu.memory_space<vmem>>
      %dma_start3A_3398 = tpu.memref_squeeze %dma_start3A_3397 : memref<1x16384xf32, #tpu.memory_space<vmem>> -> memref<16384xf32, #tpu.memory_space<vmem>>
      %dma_start3A_3399 = arith.constant 9216 : i32
      %dma_start3A_3400 = tpu.memref_slice %dma_start3A_3398[%dma_start3A_3399] : memref<16384xf32, #tpu.memory_space<vmem>> -> memref<1024xf32, #tpu.memory_space<vmem>>
      tpu.enqueue_dma source(%dma_start3A_3400 : memref<1024xf32, #tpu.memory_space<vmem>>) target(%dma_start3A_3395 : memref<1024xf32, #tpu.memory_space<hbm>>) target_semaphore(%arg11 : memref<!tpu.dma_semaphore, #tpu.memory_space<semaphore_mem>>)
      %mul3A_3401 = arith.constant 4 : i32
      %mul3A_3402 = arith.muli %select_n3A_3352, %mul3A_3401 : i32
      %mul3A_3403 = arith.constant 128 : i32
      %mul3A_3404 = arith.muli %mul3A_3402, %mul3A_3403 : i32
      %add3A_3405 = arith.constant 256 : i32
      %add3A_3406 = arith.addi %mul3A_3404, %add3A_3405 : i32
      %add3A_3407 = arith.addi %add3A_3406, %rem3A_3354 : i32
      %mul3A_3408 = arith.constant 1024 : i32
      %mul3A_3409 = arith.muli %add3A_3407, %mul3A_3408 : i32
      %multiple_of3A_3410 = tpu.assume_multiple %mul3A_3409, 8 : i32
      %dma_start3A_3411 = arith.constant 1 : i32
      %dma_start3A_3412 = arith.constant 0 : i32
      %dma_start3A_3413 = tpu.memref_slice %arg7[%dma_start3A_3411, %dma_start3A_3412] : memref<2x16384xf32, #tpu.memory_space<vmem>> -> memref<1x16384xf32, #tpu.memory_space<vmem>>
      %dma_start3A_3414 = tpu.memref_squeeze %dma_start3A_3413 : memref<1x16384xf32, #tpu.memory_space<vmem>> -> memref<16384xf32, #tpu.memory_space<vmem>>
      %dma_start3A_3415 = arith.constant 10240 : i32
      %dma_start3A_3416 = tpu.memref_slice %dma_start3A_3414[%dma_start3A_3415] : memref<16384xf32, #tpu.memory_space<vmem>> -> memref<1024xf32, #tpu.memory_space<vmem>>
      %dma_start3A_3417 = tpu.memref_slice %arg4[%multiple_of3A_3410] : memref<26214400xf32, #tpu.memory_space<hbm>> -> memref<1024xf32, #tpu.memory_space<hbm>>
      %dma_start3A_3418 = tpu.memref_slice %arg4[%multiple_of3A_3410] : memref<26214400xf32, #tpu.memory_space<hbm>> -> memref<1024xf32, #tpu.memory_space<hbm>>
      %dma_start3A_3419 = arith.constant 0 : i32
      %dma_start3A_3420 = tpu.memref_slice %arg7[%dma_start3A_3411, %dma_start3A_3419] : memref<2x16384xf32, #tpu.memory_space<vmem>> -> memref<1x16384xf32, #tpu.memory_space<vmem>>
      %dma_start3A_3421 = tpu.memref_squeeze %dma_start3A_3420 : memref<1x16384xf32, #tpu.memory_space<vmem>> -> memref<16384xf32, #tpu.memory_space<vmem>>
      %dma_start3A_3422 = arith.constant 10240 : i32
      %dma_start3A_3423 = tpu.memref_slice %dma_start3A_3421[%dma_start3A_3422] : memref<16384xf32, #tpu.memory_space<vmem>> -> memref<1024xf32, #tpu.memory_space<vmem>>
      tpu.enqueue_dma source(%dma_start3A_3423 : memref<1024xf32, #tpu.memory_space<vmem>>) target(%dma_start3A_3418 : memref<1024xf32, #tpu.memory_space<hbm>>) target_semaphore(%arg11 : memref<!tpu.dma_semaphore, #tpu.memory_space<semaphore_mem>>)
      %mul3A_3424 = arith.constant 4 : i32
      %mul3A_3425 = arith.muli %select_n3A_3352, %mul3A_3424 : i32
      %mul3A_3426 = arith.constant 128 : i32
      %mul3A_3427 = arith.muli %mul3A_3425, %mul3A_3426 : i32
      %add3A_3428 = arith.constant 384 : i32
      %add3A_3429 = arith.addi %mul3A_3427, %add3A_3428 : i32
      %add3A_3430 = arith.addi %add3A_3429, %rem3A_3354 : i32
      %mul3A_3431 = arith.constant 1024 : i32
      %mul3A_3432 = arith.muli %add3A_3430, %mul3A_3431 : i32
      %multiple_of3A_3433 = tpu.assume_multiple %mul3A_3432, 8 : i32
      %dma_start3A_3434 = arith.constant 1 : i32
      %dma_start3A_3435 = arith.constant 0 : i32
      %dma_start3A_3436 = tpu.memref_slice %arg7[%dma_start3A_3434, %dma_start3A_3435] : memref<2x16384xf32, #tpu.memory_space<vmem>> -> memref<1x16384xf32, #tpu.memory_space<vmem>>
      %dma_start3A_3437 = tpu.memref_squeeze %dma_start3A_3436 : memref<1x16384xf32, #tpu.memory_space<vmem>> -> memref<16384xf32, #tpu.memory_space<vmem>>
      %dma_start3A_3438 = arith.constant 11264 : i32
      %dma_start3A_3439 = tpu.memref_slice %dma_start3A_3437[%dma_start3A_3438] : memref<16384xf32, #tpu.memory_space<vmem>> -> memref<1024xf32, #tpu.memory_space<vmem>>
      %dma_start3A_3440 = tpu.memref_slice %arg4[%multiple_of3A_3433] : memref<26214400xf32, #tpu.memory_space<hbm>> -> memref<1024xf32, #tpu.memory_space<hbm>>
      %dma_start3A_3441 = tpu.memref_slice %arg4[%multiple_of3A_3433] : memref<26214400xf32, #tpu.memory_space<hbm>> -> memref<1024xf32, #tpu.memory_space<hbm>>
      %dma_start3A_3442 = arith.constant 0 : i32
      %dma_start3A_3443 = tpu.memref_slice %arg7[%dma_start3A_3434, %dma_start3A_3442] : memref<2x16384xf32, #tpu.memory_space<vmem>> -> memref<1x16384xf32, #tpu.memory_space<vmem>>
      %dma_start3A_3444 = tpu.memref_squeeze %dma_start3A_3443 : memref<1x16384xf32, #tpu.memory_space<vmem>> -> memref<16384xf32, #tpu.memory_space<vmem>>
      %dma_start3A_3445 = arith.constant 11264 : i32
      %dma_start3A_3446 = tpu.memref_slice %dma_start3A_3444[%dma_start3A_3445] : memref<16384xf32, #tpu.memory_space<vmem>> -> memref<1024xf32, #tpu.memory_space<vmem>>
      tpu.enqueue_dma source(%dma_start3A_3446 : memref<1024xf32, #tpu.memory_space<vmem>>) target(%dma_start3A_3441 : memref<1024xf32, #tpu.memory_space<hbm>>) target_semaphore(%arg11 : memref<!tpu.dma_semaphore, #tpu.memory_space<semaphore_mem>>)
      %mul3A_3447 = arith.constant 200 : i32
      %mul3A_3448 = arith.muli %add3A, %mul3A_3447 : i32
      %mul3A_3449 = arith.constant 4 : i32
      %mul3A_3450 = arith.muli %add3A_3038, %mul3A_3449 : i32
      %add3A_3451 = arith.addi %mul3A_3448, %mul3A_3450 : i32
      %add3A_3452 = arith.constant 3 : i32
      %add3A_3453 = arith.addi %add3A_3451, %add3A_3452 : i32
      %jit3A_3454 = arith.constant 128 : i32
      %div3A_3455 = arith.divsi %add3A_3453, %jit3A_3454 : i32
      %sign3A_3456 = arith.constant 0 : i32
      %sign3A_3457 = arith.cmpi sgt, %add3A_3453, %sign3A_3456 : i32
      %sign3A_3458 = arith.extui %sign3A_3457 : i1 to i32
      %sign3A_3459 = arith.constant 0 : i32
      %sign3A_3460 = arith.cmpi slt, %add3A_3453, %sign3A_3459 : i32
      %sign3A_3461 = arith.extui %sign3A_3460 : i1 to i32
      %sign3A_3462 = arith.subi %sign3A_3458, %sign3A_3461 : i32
      %sign3A_3463 = arith.constant 0 : i32
      %sign3A_3464 = arith.cmpi sgt, %jit3A_3454, %sign3A_3463 : i32
      %sign3A_3465 = arith.extui %sign3A_3464 : i1 to i32
      %sign3A_3466 = arith.constant 0 : i32
      %sign3A_3467 = arith.cmpi slt, %jit3A_3454, %sign3A_3466 : i32
      %sign3A_3468 = arith.extui %sign3A_3467 : i1 to i32
      %sign3A_3469 = arith.subi %sign3A_3465, %sign3A_3468 : i32
      %ne3A_3470 = arith.cmpi ne, %sign3A_3462, %sign3A_3469 : i32
      %rem3A_3471 = arith.remsi %add3A_3453, %jit3A_3454 : i32
      %ne3A_3472 = arith.constant 0 : i32
      %ne3A_3473 = arith.cmpi ne, %rem3A_3471, %ne3A_3472 : i32
      %and3A_3474 = arith.andi %ne3A_3470, %ne3A_3473 : i1
      %sub3A_3475 = arith.constant 1 : i32
      %sub3A_3476 = arith.subi %div3A_3455, %sub3A_3475 : i32
      %select_n3A_3477 = arith.select %and3A_3474, %sub3A_3476, %div3A_3455 : i32
      %rem3A_3478 = arith.constant 128 : i32
      %rem3A_3479 = arith.remsi %add3A_3453, %rem3A_3478 : i32
      %mul3A_3480 = arith.constant 4 : i32
      %mul3A_3481 = arith.muli %select_n3A_3477, %mul3A_3480 : i32
      %mul3A_3482 = arith.constant 128 : i32
      %mul3A_3483 = arith.muli %mul3A_3481, %mul3A_3482 : i32
      %add3A_3484 = arith.constant 0 : i32
      %add3A_3485 = arith.addi %mul3A_3483, %add3A_3484 : i32
      %add3A_3486 = arith.addi %add3A_3485, %rem3A_3479 : i32
      %mul3A_3487 = arith.constant 1024 : i32
      %mul3A_3488 = arith.muli %add3A_3486, %mul3A_3487 : i32
      %multiple_of3A_3489 = tpu.assume_multiple %mul3A_3488, 8 : i32
      %dma_start3A_3490 = arith.constant 1 : i32
      %dma_start3A_3491 = arith.constant 0 : i32
      %dma_start3A_3492 = tpu.memref_slice %arg7[%dma_start3A_3490, %dma_start3A_3491] : memref<2x16384xf32, #tpu.memory_space<vmem>> -> memref<1x16384xf32, #tpu.memory_space<vmem>>
      %dma_start3A_3493 = tpu.memref_squeeze %dma_start3A_3492 : memref<1x16384xf32, #tpu.memory_space<vmem>> -> memref<16384xf32, #tpu.memory_space<vmem>>
      %dma_start3A_3494 = arith.constant 12288 : i32
      %dma_start3A_3495 = tpu.memref_slice %dma_start3A_3493[%dma_start3A_3494] : memref<16384xf32, #tpu.memory_space<vmem>> -> memref<1024xf32, #tpu.memory_space<vmem>>
      %dma_start3A_3496 = tpu.memref_slice %arg4[%multiple_of3A_3489] : memref<26214400xf32, #tpu.memory_space<hbm>> -> memref<1024xf32, #tpu.memory_space<hbm>>
      %dma_start3A_3497 = tpu.memref_slice %arg4[%multiple_of3A_3489] : memref<26214400xf32, #tpu.memory_space<hbm>> -> memref<1024xf32, #tpu.memory_space<hbm>>
      %dma_start3A_3498 = arith.constant 0 : i32
      %dma_start3A_3499 = tpu.memref_slice %arg7[%dma_start3A_3490, %dma_start3A_3498] : memref<2x16384xf32, #tpu.memory_space<vmem>> -> memref<1x16384xf32, #tpu.memory_space<vmem>>
      %dma_start3A_3500 = tpu.memref_squeeze %dma_start3A_3499 : memref<1x16384xf32, #tpu.memory_space<vmem>> -> memref<16384xf32, #tpu.memory_space<vmem>>
      %dma_start3A_3501 = arith.constant 12288 : i32
      %dma_start3A_3502 = tpu.memref_slice %dma_start3A_3500[%dma_start3A_3501] : memref<16384xf32, #tpu.memory_space<vmem>> -> memref<1024xf32, #tpu.memory_space<vmem>>
      tpu.enqueue_dma source(%dma_start3A_3502 : memref<1024xf32, #tpu.memory_space<vmem>>) target(%dma_start3A_3497 : memref<1024xf32, #tpu.memory_space<hbm>>) target_semaphore(%arg11 : memref<!tpu.dma_semaphore, #tpu.memory_space<semaphore_mem>>)
      %mul3A_3503 = arith.constant 4 : i32
      %mul3A_3504 = arith.muli %select_n3A_3477, %mul3A_3503 : i32
      %mul3A_3505 = arith.constant 128 : i32
      %mul3A_3506 = arith.muli %mul3A_3504, %mul3A_3505 : i32
      %add3A_3507 = arith.constant 128 : i32
      %add3A_3508 = arith.addi %mul3A_3506, %add3A_3507 : i32
      %add3A_3509 = arith.addi %add3A_3508, %rem3A_3479 : i32
      %mul3A_3510 = arith.constant 1024 : i32
      %mul3A_3511 = arith.muli %add3A_3509, %mul3A_3510 : i32
      %multiple_of3A_3512 = tpu.assume_multiple %mul3A_3511, 8 : i32
      %dma_start3A_3513 = arith.constant 1 : i32
      %dma_start3A_3514 = arith.constant 0 : i32
      %dma_start3A_3515 = tpu.memref_slice %arg7[%dma_start3A_3513, %dma_start3A_3514] : memref<2x16384xf32, #tpu.memory_space<vmem>> -> memref<1x16384xf32, #tpu.memory_space<vmem>>
      %dma_start3A_3516 = tpu.memref_squeeze %dma_start3A_3515 : memref<1x16384xf32, #tpu.memory_space<vmem>> -> memref<16384xf32, #tpu.memory_space<vmem>>
      %dma_start3A_3517 = arith.constant 13312 : i32
      %dma_start3A_3518 = tpu.memref_slice %dma_start3A_3516[%dma_start3A_3517] : memref<16384xf32, #tpu.memory_space<vmem>> -> memref<1024xf32, #tpu.memory_space<vmem>>
      %dma_start3A_3519 = tpu.memref_slice %arg4[%multiple_of3A_3512] : memref<26214400xf32, #tpu.memory_space<hbm>> -> memref<1024xf32, #tpu.memory_space<hbm>>
      %dma_start3A_3520 = tpu.memref_slice %arg4[%multiple_of3A_3512] : memref<26214400xf32, #tpu.memory_space<hbm>> -> memref<1024xf32, #tpu.memory_space<hbm>>
      %dma_start3A_3521 = arith.constant 0 : i32
      %dma_start3A_3522 = tpu.memref_slice %arg7[%dma_start3A_3513, %dma_start3A_3521] : memref<2x16384xf32, #tpu.memory_space<vmem>> -> memref<1x16384xf32, #tpu.memory_space<vmem>>
      %dma_start3A_3523 = tpu.memref_squeeze %dma_start3A_3522 : memref<1x16384xf32, #tpu.memory_space<vmem>> -> memref<16384xf32, #tpu.memory_space<vmem>>
      %dma_start3A_3524 = arith.constant 13312 : i32
      %dma_start3A_3525 = tpu.memref_slice %dma_start3A_3523[%dma_start3A_3524] : memref<16384xf32, #tpu.memory_space<vmem>> -> memref<1024xf32, #tpu.memory_space<vmem>>
      tpu.enqueue_dma source(%dma_start3A_3525 : memref<1024xf32, #tpu.memory_space<vmem>>) target(%dma_start3A_3520 : memref<1024xf32, #tpu.memory_space<hbm>>) target_semaphore(%arg11 : memref<!tpu.dma_semaphore, #tpu.memory_space<semaphore_mem>>)
      %mul3A_3526 = arith.constant 4 : i32
      %mul3A_3527 = arith.muli %select_n3A_3477, %mul3A_3526 : i32
      %mul3A_3528 = arith.constant 128 : i32
      %mul3A_3529 = arith.muli %mul3A_3527, %mul3A_3528 : i32
      %add3A_3530 = arith.constant 256 : i32
      %add3A_3531 = arith.addi %mul3A_3529, %add3A_3530 : i32
      %add3A_3532 = arith.addi %add3A_3531, %rem3A_3479 : i32
      %mul3A_3533 = arith.constant 1024 : i32
      %mul3A_3534 = arith.muli %add3A_3532, %mul3A_3533 : i32
      %multiple_of3A_3535 = tpu.assume_multiple %mul3A_3534, 8 : i32
      %dma_start3A_3536 = arith.constant 1 : i32
      %dma_start3A_3537 = arith.constant 0 : i32
      %dma_start3A_3538 = tpu.memref_slice %arg7[%dma_start3A_3536, %dma_start3A_3537] : memref<2x16384xf32, #tpu.memory_space<vmem>> -> memref<1x16384xf32, #tpu.memory_space<vmem>>
      %dma_start3A_3539 = tpu.memref_squeeze %dma_start3A_3538 : memref<1x16384xf32, #tpu.memory_space<vmem>> -> memref<16384xf32, #tpu.memory_space<vmem>>
      %dma_start3A_3540 = arith.constant 14336 : i32
      %dma_start3A_3541 = tpu.memref_slice %dma_start3A_3539[%dma_start3A_3540] : memref<16384xf32, #tpu.memory_space<vmem>> -> memref<1024xf32, #tpu.memory_space<vmem>>
      %dma_start3A_3542 = tpu.memref_slice %arg4[%multiple_of3A_3535] : memref<26214400xf32, #tpu.memory_space<hbm>> -> memref<1024xf32, #tpu.memory_space<hbm>>
      %dma_start3A_3543 = tpu.memref_slice %arg4[%multiple_of3A_3535] : memref<26214400xf32, #tpu.memory_space<hbm>> -> memref<1024xf32, #tpu.memory_space<hbm>>
      %dma_start3A_3544 = arith.constant 0 : i32
      %dma_start3A_3545 = tpu.memref_slice %arg7[%dma_start3A_3536, %dma_start3A_3544] : memref<2x16384xf32, #tpu.memory_space<vmem>> -> memref<1x16384xf32, #tpu.memory_space<vmem>>
      %dma_start3A_3546 = tpu.memref_squeeze %dma_start3A_3545 : memref<1x16384xf32, #tpu.memory_space<vmem>> -> memref<16384xf32, #tpu.memory_space<vmem>>
      %dma_start3A_3547 = arith.constant 14336 : i32
      %dma_start3A_3548 = tpu.memref_slice %dma_start3A_3546[%dma_start3A_3547] : memref<16384xf32, #tpu.memory_space<vmem>> -> memref<1024xf32, #tpu.memory_space<vmem>>
      tpu.enqueue_dma source(%dma_start3A_3548 : memref<1024xf32, #tpu.memory_space<vmem>>) target(%dma_start3A_3543 : memref<1024xf32, #tpu.memory_space<hbm>>) target_semaphore(%arg11 : memref<!tpu.dma_semaphore, #tpu.memory_space<semaphore_mem>>)
      %mul3A_3549 = arith.constant 4 : i32
      %mul3A_3550 = arith.muli %select_n3A_3477, %mul3A_3549 : i32
      %mul3A_3551 = arith.constant 128 : i32
      %mul3A_3552 = arith.muli %mul3A_3550, %mul3A_3551 : i32
      %add3A_3553 = arith.constant 384 : i32
      %add3A_3554 = arith.addi %mul3A_3552, %add3A_3553 : i32
      %add3A_3555 = arith.addi %add3A_3554, %rem3A_3479 : i32
      %mul3A_3556 = arith.constant 1024 : i32
      %mul3A_3557 = arith.muli %add3A_3555, %mul3A_3556 : i32
      %multiple_of3A_3558 = tpu.assume_multiple %mul3A_3557, 8 : i32
      %dma_start3A_3559 = arith.constant 1 : i32
      %dma_start3A_3560 = arith.constant 0 : i32
      %dma_start3A_3561 = tpu.memref_slice %arg7[%dma_start3A_3559, %dma_start3A_3560] : memref<2x16384xf32, #tpu.memory_space<vmem>> -> memref<1x16384xf32, #tpu.memory_space<vmem>>
      %dma_start3A_3562 = tpu.memref_squeeze %dma_start3A_3561 : memref<1x16384xf32, #tpu.memory_space<vmem>> -> memref<16384xf32, #tpu.memory_space<vmem>>
      %dma_start3A_3563 = arith.constant 15360 : i32
      %dma_start3A_3564 = tpu.memref_slice %dma_start3A_3562[%dma_start3A_3563] : memref<16384xf32, #tpu.memory_space<vmem>> -> memref<1024xf32, #tpu.memory_space<vmem>>
      %dma_start3A_3565 = tpu.memref_slice %arg4[%multiple_of3A_3558] : memref<26214400xf32, #tpu.memory_space<hbm>> -> memref<1024xf32, #tpu.memory_space<hbm>>
      %dma_start3A_3566 = tpu.memref_slice %arg4[%multiple_of3A_3558] : memref<26214400xf32, #tpu.memory_space<hbm>> -> memref<1024xf32, #tpu.memory_space<hbm>>
      %dma_start3A_3567 = arith.constant 0 : i32
      %dma_start3A_3568 = tpu.memref_slice %arg7[%dma_start3A_3559, %dma_start3A_3567] : memref<2x16384xf32, #tpu.memory_space<vmem>> -> memref<1x16384xf32, #tpu.memory_space<vmem>>
      %dma_start3A_3569 = tpu.memref_squeeze %dma_start3A_3568 : memref<1x16384xf32, #tpu.memory_space<vmem>> -> memref<16384xf32, #tpu.memory_space<vmem>>
      %dma_start3A_3570 = arith.constant 15360 : i32
      %dma_start3A_3571 = tpu.memref_slice %dma_start3A_3569[%dma_start3A_3570] : memref<16384xf32, #tpu.memory_space<vmem>> -> memref<1024xf32, #tpu.memory_space<vmem>>
      tpu.enqueue_dma source(%dma_start3A_3571 : memref<1024xf32, #tpu.memory_space<vmem>>) target(%dma_start3A_3566 : memref<1024xf32, #tpu.memory_space<hbm>>) target_semaphore(%arg11 : memref<!tpu.dma_semaphore, #tpu.memory_space<semaphore_mem>>)
    }
    %scan3A_1212 = arith.constant 23 : i32
    %dma_start3A_1213 = arith.constant 196 : i32
    %dma_start3A_1214 = arith.constant 1 : i32
    %dma_start3A_1215 = arith.constant 0 : i32
    %dma_start3A_1216 = arith.constant 0 : i32
    %dma_start3A_1217 = tpu.memref_slice %arg6[%dma_start3A_1214, %dma_start3A_1215, %dma_start3A_1216] : memref<2x512x32xf32, #tpu.memory_space<vmem>> -> memref<1x512x32xf32, #tpu.memory_space<vmem>>
    %dma_start3A_1218 = tpu.memref_squeeze %dma_start3A_1217 : memref<1x512x32xf32, #tpu.memory_space<vmem>> -> memref<512x32xf32, #tpu.memory_space<vmem>>
    %dma_start3A_1219 = arith.constant 0 : i32
    %dma_start3A_1220 = arith.constant 0 : i32
    %dma_start3A_1221 = tpu.memref_slice %dma_start3A_1218[%dma_start3A_1219, %dma_start3A_1220] : memref<512x32xf32, #tpu.memory_space<vmem>> -> memref<128x32xf32, #tpu.memory_space<vmem>>
    %dma_start3A_1222 = arith.constant 0 : i32
    %dma_start3A_1223 = tpu.memref_slice %arg5[%dma_start3A_1213, %dma_start3A_1222] : memref<200x128xi32, #tpu.memory_space<vmem>> -> memref<1x128xi32, #tpu.memory_space<vmem>>
    %dma_start3A_1224 = tpu.memref_squeeze %dma_start3A_1223 : memref<1x128xi32, #tpu.memory_space<vmem>> -> memref<128xi32, #tpu.memory_space<vmem>>
    %dma_start3A_1225 = arith.constant 0 : i32
    %dma_start3A_1226 = arith.constant 0 : i32
    %dma_start3A_1227 = tpu.memref_slice %arg2[%dma_start3A_1225, %dma_start3A_1226] : memref<1000000x32xf32, #tpu.memory_space<hbm>> -> memref<1000000x32xf32, #tpu.memory_space<hbm>>
    tpu.enqueue_indirect_dma source(%dma_start3A_1227 : memref<1000000x32xf32, #tpu.memory_space<hbm>>) target(%dma_start3A_1221 : memref<128x32xf32, #tpu.memory_space<vmem>>) offsets(%dma_start3A_1224 : memref<128xi32, #tpu.memory_space<vmem>>) semaphore(%arg9 : memref<!tpu.dma_semaphore, #tpu.memory_space<semaphore_mem>>)
    %dma_start3A_1228 = arith.constant 197 : i32
    %dma_start3A_1229 = arith.constant 1 : i32
    %dma_start3A_1230 = arith.constant 0 : i32
    %dma_start3A_1231 = arith.constant 0 : i32
    %dma_start3A_1232 = tpu.memref_slice %arg6[%dma_start3A_1229, %dma_start3A_1230, %dma_start3A_1231] : memref<2x512x32xf32, #tpu.memory_space<vmem>> -> memref<1x512x32xf32, #tpu.memory_space<vmem>>
    %dma_start3A_1233 = tpu.memref_squeeze %dma_start3A_1232 : memref<1x512x32xf32, #tpu.memory_space<vmem>> -> memref<512x32xf32, #tpu.memory_space<vmem>>
    %dma_start3A_1234 = arith.constant 128 : i32
    %dma_start3A_1235 = arith.constant 0 : i32
    %dma_start3A_1236 = tpu.memref_slice %dma_start3A_1233[%dma_start3A_1234, %dma_start3A_1235] : memref<512x32xf32, #tpu.memory_space<vmem>> -> memref<128x32xf32, #tpu.memory_space<vmem>>
    %dma_start3A_1237 = arith.constant 0 : i32
    %dma_start3A_1238 = tpu.memref_slice %arg5[%dma_start3A_1228, %dma_start3A_1237] : memref<200x128xi32, #tpu.memory_space<vmem>> -> memref<1x128xi32, #tpu.memory_space<vmem>>
    %dma_start3A_1239 = tpu.memref_squeeze %dma_start3A_1238 : memref<1x128xi32, #tpu.memory_space<vmem>> -> memref<128xi32, #tpu.memory_space<vmem>>
    %dma_start3A_1240 = arith.constant 0 : i32
    %dma_start3A_1241 = arith.constant 0 : i32
    %dma_start3A_1242 = tpu.memref_slice %arg2[%dma_start3A_1240, %dma_start3A_1241] : memref<1000000x32xf32, #tpu.memory_space<hbm>> -> memref<1000000x32xf32, #tpu.memory_space<hbm>>
    tpu.enqueue_indirect_dma source(%dma_start3A_1242 : memref<1000000x32xf32, #tpu.memory_space<hbm>>) target(%dma_start3A_1236 : memref<128x32xf32, #tpu.memory_space<vmem>>) offsets(%dma_start3A_1239 : memref<128xi32, #tpu.memory_space<vmem>>) semaphore(%arg9 : memref<!tpu.dma_semaphore, #tpu.memory_space<semaphore_mem>>)
    %dma_start3A_1243 = arith.constant 198 : i32
    %dma_start3A_1244 = arith.constant 1 : i32
    %dma_start3A_1245 = arith.constant 0 : i32
    %dma_start3A_1246 = arith.constant 0 : i32
    %dma_start3A_1247 = tpu.memref_slice %arg6[%dma_start3A_1244, %dma_start3A_1245, %dma_start3A_1246] : memref<2x512x32xf32, #tpu.memory_space<vmem>> -> memref<1x512x32xf32, #tpu.memory_space<vmem>>
    %dma_start3A_1248 = tpu.memref_squeeze %dma_start3A_1247 : memref<1x512x32xf32, #tpu.memory_space<vmem>> -> memref<512x32xf32, #tpu.memory_space<vmem>>
    %dma_start3A_1249 = arith.constant 256 : i32
    %dma_start3A_1250 = arith.constant 0 : i32
    %dma_start3A_1251 = tpu.memref_slice %dma_start3A_1248[%dma_start3A_1249, %dma_start3A_1250] : memref<512x32xf32, #tpu.memory_space<vmem>> -> memref<128x32xf32, #tpu.memory_space<vmem>>
    %dma_start3A_1252 = arith.constant 0 : i32
    %dma_start3A_1253 = tpu.memref_slice %arg5[%dma_start3A_1243, %dma_start3A_1252] : memref<200x128xi32, #tpu.memory_space<vmem>> -> memref<1x128xi32, #tpu.memory_space<vmem>>
    %dma_start3A_1254 = tpu.memref_squeeze %dma_start3A_1253 : memref<1x128xi32, #tpu.memory_space<vmem>> -> memref<128xi32, #tpu.memory_space<vmem>>
    %dma_start3A_1255 = arith.constant 0 : i32
    %dma_start3A_1256 = arith.constant 0 : i32
    %dma_start3A_1257 = tpu.memref_slice %arg2[%dma_start3A_1255, %dma_start3A_1256] : memref<1000000x32xf32, #tpu.memory_space<hbm>> -> memref<1000000x32xf32, #tpu.memory_space<hbm>>
    tpu.enqueue_indirect_dma source(%dma_start3A_1257 : memref<1000000x32xf32, #tpu.memory_space<hbm>>) target(%dma_start3A_1251 : memref<128x32xf32, #tpu.memory_space<vmem>>) offsets(%dma_start3A_1254 : memref<128xi32, #tpu.memory_space<vmem>>) semaphore(%arg9 : memref<!tpu.dma_semaphore, #tpu.memory_space<semaphore_mem>>)
    %dma_start3A_1258 = arith.constant 199 : i32
    %dma_start3A_1259 = arith.constant 1 : i32
    %dma_start3A_1260 = arith.constant 0 : i32
    %dma_start3A_1261 = arith.constant 0 : i32
    %dma_start3A_1262 = tpu.memref_slice %arg6[%dma_start3A_1259, %dma_start3A_1260, %dma_start3A_1261] : memref<2x512x32xf32, #tpu.memory_space<vmem>> -> memref<1x512x32xf32, #tpu.memory_space<vmem>>
    %dma_start3A_1263 = tpu.memref_squeeze %dma_start3A_1262 : memref<1x512x32xf32, #tpu.memory_space<vmem>> -> memref<512x32xf32, #tpu.memory_space<vmem>>
    %dma_start3A_1264 = arith.constant 384 : i32
    %dma_start3A_1265 = arith.constant 0 : i32
    %dma_start3A_1266 = tpu.memref_slice %dma_start3A_1263[%dma_start3A_1264, %dma_start3A_1265] : memref<512x32xf32, #tpu.memory_space<vmem>> -> memref<128x32xf32, #tpu.memory_space<vmem>>
    %dma_start3A_1267 = arith.constant 0 : i32
    %dma_start3A_1268 = tpu.memref_slice %arg5[%dma_start3A_1258, %dma_start3A_1267] : memref<200x128xi32, #tpu.memory_space<vmem>> -> memref<1x128xi32, #tpu.memory_space<vmem>>
    %dma_start3A_1269 = tpu.memref_squeeze %dma_start3A_1268 : memref<1x128xi32, #tpu.memory_space<vmem>> -> memref<128xi32, #tpu.memory_space<vmem>>
    %dma_start3A_1270 = arith.constant 0 : i32
    %dma_start3A_1271 = arith.constant 0 : i32
    %dma_start3A_1272 = tpu.memref_slice %arg2[%dma_start3A_1270, %dma_start3A_1271] : memref<1000000x32xf32, #tpu.memory_space<hbm>> -> memref<1000000x32xf32, #tpu.memory_space<hbm>>
    tpu.enqueue_indirect_dma source(%dma_start3A_1272 : memref<1000000x32xf32, #tpu.memory_space<hbm>>) target(%dma_start3A_1266 : memref<128x32xf32, #tpu.memory_space<vmem>>) offsets(%dma_start3A_1269 : memref<128xi32, #tpu.memory_space<vmem>>) semaphore(%arg9 : memref<!tpu.dma_semaphore, #tpu.memory_space<semaphore_mem>>)
    %dma_wait3A_1273 = arith.constant 0 : i32
    %dma_wait3A_1274 = arith.constant 0 : i32
    %dma_wait3A_1275 = arith.constant 0 : i32
    %dma_wait3A_1276 = tpu.memref_slice %arg6[%dma_wait3A_1273, %dma_wait3A_1274, %dma_wait3A_1275] : memref<2x512x32xf32, #tpu.memory_space<vmem>> -> memref<1x512x32xf32, #tpu.memory_space<vmem>>
    %dma_wait3A_1277 = tpu.memref_squeeze %dma_wait3A_1276 : memref<1x512x32xf32, #tpu.memory_space<vmem>> -> memref<512x32xf32, #tpu.memory_space<vmem>>
    %dma_wait3A_1278 = arith.constant 0 : i32
    %dma_wait3A_1279 = arith.constant 0 : i32
    %dma_wait3A_1280 = tpu.memref_slice %arg2[%dma_wait3A_1278, %dma_wait3A_1279] : memref<1000000x32xf32, #tpu.memory_space<hbm>> -> memref<512x32xf32, #tpu.memory_space<hbm>>
    %dma_wait3A_1281 = arith.constant 0 : i32
    %dma_wait3A_1282 = arith.constant 0 : i32
    %dma_wait3A_1283 = tpu.memref_slice %arg6[%dma_wait3A_1273, %dma_wait3A_1281, %dma_wait3A_1282] : memref<2x512x32xf32, #tpu.memory_space<vmem>> -> memref<1x512x32xf32, #tpu.memory_space<vmem>>
    %dma_wait3A_1284 = tpu.memref_squeeze %dma_wait3A_1283 : memref<1x512x32xf32, #tpu.memory_space<vmem>> -> memref<512x32xf32, #tpu.memory_space<vmem>>
    %dma_wait3A_1285 = arith.constant 0 : i32
    %dma_wait3A_1286 = arith.constant 0 : i32
    %dma_wait3A_1287 = tpu.memref_slice %arg2[%dma_wait3A_1285, %dma_wait3A_1286] : memref<1000000x32xf32, #tpu.memory_space<hbm>> -> memref<512x32xf32, #tpu.memory_space<hbm>>
    tpu.wait_dma2 semaphore(%arg8 : memref<!tpu.dma_semaphore, #tpu.memory_space<semaphore_mem>>) src(%dma_wait3A_1287 : memref<512x32xf32, #tpu.memory_space<hbm>>) dst(%dma_wait3A_1284 : memref<512x32xf32, #tpu.memory_space<vmem>>)
    %dma_wait3A_1288 = arith.constant 0 : i32
    %dma_wait3A_1289 = arith.constant 0 : i32
    %dma_wait3A_1290 = tpu.memref_slice %arg7[%dma_wait3A_1288, %dma_wait3A_1289] : memref<2x16384xf32, #tpu.memory_space<vmem>> -> memref<1x16384xf32, #tpu.memory_space<vmem>>
    %dma_wait3A_1291 = tpu.memref_squeeze %dma_wait3A_1290 : memref<1x16384xf32, #tpu.memory_space<vmem>> -> memref<16384xf32, #tpu.memory_space<vmem>>
    %dma_wait3A_1292 = arith.constant 0 : i32
    %dma_wait3A_1293 = tpu.memref_slice %arg4[%dma_wait3A_1292] : memref<26214400xf32, #tpu.memory_space<hbm>> -> memref<16384xf32, #tpu.memory_space<hbm>>
    %dma_wait3A_1294 = arith.constant 0 : i32
    %dma_wait3A_1295 = tpu.memref_slice %arg7[%dma_wait3A_1288, %dma_wait3A_1294] : memref<2x16384xf32, #tpu.memory_space<vmem>> -> memref<1x16384xf32, #tpu.memory_space<vmem>>
    %dma_wait3A_1296 = tpu.memref_squeeze %dma_wait3A_1295 : memref<1x16384xf32, #tpu.memory_space<vmem>> -> memref<16384xf32, #tpu.memory_space<vmem>>
    %dma_wait3A_1297 = arith.constant 0 : i32
    %dma_wait3A_1298 = tpu.memref_slice %arg4[%dma_wait3A_1297] : memref<26214400xf32, #tpu.memory_space<hbm>> -> memref<16384xf32, #tpu.memory_space<hbm>>
    tpu.wait_dma2 semaphore(%arg10 : memref<!tpu.dma_semaphore, #tpu.memory_space<semaphore_mem>>) src(%dma_wait3A_1298 : memref<16384xf32, #tpu.memory_space<hbm>>) dst(%dma_wait3A_1296 : memref<16384xf32, #tpu.memory_space<vmem>>)
    %mul3A_1299 = arith.constant 128 : i32
    %mul3A_1300 = vector.broadcast %mul3A_1299 : i32 to vector<16xi32>
    %mul3A_1301 = arith.muli %iota3A, %mul3A_1300 : vector<16xi32>
    %parallel_loop3A_1302 = arith.constant 0 : i32
    %parallel_loop3A_1303 = arith.constant 512 : i32
    %parallel_loop3A_1304 = arith.constant 1 : i32
    %parallel_loop3A_1305 = arith.constant 0 : i32
    scf.for %parallel_loop3A_2353 = %parallel_loop3A_1302 to %parallel_loop3A_1303 step %parallel_loop3A_1304  : i32 {
      %parallel_loop3A_2354 = arith.constant 128 : i32
      %parallel_loop3A_2355 = arith.divsi %parallel_loop3A_2353, %parallel_loop3A_2354 : i32
      %parallel_loop3A_2356 = arith.constant 0 : i32
      %parallel_loop3A_2357 = arith.cmpi sgt, %parallel_loop3A_2353, %parallel_loop3A_2356 : i32
      %parallel_loop3A_2358 = arith.extui %parallel_loop3A_2357 : i1 to i32
      %parallel_loop3A_2359 = arith.constant 0 : i32
      %parallel_loop3A_2360 = arith.cmpi slt, %parallel_loop3A_2353, %parallel_loop3A_2359 : i32
      %parallel_loop3A_2361 = arith.extui %parallel_loop3A_2360 : i1 to i32
      %parallel_loop3A_2362 = arith.subi %parallel_loop3A_2358, %parallel_loop3A_2361 : i32
      %parallel_loop3A_2363 = arith.constant 0 : i32
      %parallel_loop3A_2364 = arith.cmpi sgt, %parallel_loop3A_2354, %parallel_loop3A_2363 : i32
      %parallel_loop3A_2365 = arith.extui %parallel_loop3A_2364 : i1 to i32
      %parallel_loop3A_2366 = arith.constant 0 : i32
      %parallel_loop3A_2367 = arith.cmpi slt, %parallel_loop3A_2354, %parallel_loop3A_2366 : i32
      %parallel_loop3A_2368 = arith.extui %parallel_loop3A_2367 : i1 to i32
      %parallel_loop3A_2369 = arith.subi %parallel_loop3A_2365, %parallel_loop3A_2368 : i32
      %parallel_loop3A_2370 = arith.cmpi ne, %parallel_loop3A_2362, %parallel_loop3A_2369 : i32
      %parallel_loop3A_2371 = arith.remsi %parallel_loop3A_2353, %parallel_loop3A_2354 : i32
      %parallel_loop3A_2372 = arith.constant 0 : i32
      %parallel_loop3A_2373 = arith.cmpi ne, %parallel_loop3A_2371, %parallel_loop3A_2372 : i32
      %parallel_loop3A_2374 = arith.andi %parallel_loop3A_2370, %parallel_loop3A_2373 : i1
      %parallel_loop3A_2375 = arith.constant 1 : i32
      %parallel_loop3A_2376 = arith.subi %parallel_loop3A_2355, %parallel_loop3A_2375 : i32
      %parallel_loop3A_2377 = arith.select %parallel_loop3A_2374, %parallel_loop3A_2376, %parallel_loop3A_2355 : i32
      %parallel_loop3A_2378 = arith.constant 0 : i32
      %parallel_loop3A_2379 = arith.index_cast %parallel_loop3A_2378 : i32 to index
      %parallel_loop3A_2380 = arith.index_cast %parallel_loop3A_2353 : i32 to index
      %parallel_loop3A_2381 = arith.constant 0 : index
      %parallel_loop3A_2382 = tpu.vector_load %arg6[%parallel_loop3A_2379, %parallel_loop3A_2380, %parallel_loop3A_2381] {strides = array<i32>} : memref<2x512x32xf32, #tpu.memory_space<vmem>>, vector<16xf32>,
      %parallel_loop3A_2383 = arith.constant 0 : i32
      %parallel_loop3A_2384 = arith.index_cast %parallel_loop3A_2383 : i32 to index
      %parallel_loop3A_2385 = arith.index_cast %parallel_loop3A_2353 : i32 to index
      %parallel_loop3A_2386 = arith.constant 16 : index
      %parallel_loop3A_2387 = tpu.vector_load %arg6[%parallel_loop3A_2384, %parallel_loop3A_2385, %parallel_loop3A_2386] {strides = array<i32>} : memref<2x512x32xf32, #tpu.memory_space<vmem>>, vector<16xf32>,
      %parallel_loop3A_2388 = arith.constant 3968 : i32
      %parallel_loop3A_2389 = arith.muli %parallel_loop3A_2377, %parallel_loop3A_2388 : i32
      %parallel_loop3A_2390 = arith.addi %parallel_loop3A_2353, %parallel_loop3A_2389 : i32
      %parallel_loop3A_2391 = vector.broadcast %parallel_loop3A_2390 : i32 to vector<16xi32>
      %parallel_loop3A_2392 = arith.addi %mul3A_1301, %parallel_loop3A_2391 : vector<16xi32>
      %parallel_loop3A_2393 = arith.constant 0 : i32
      %parallel_loop3A_2394 = tpu.memref_slice %arg7[%parallel_loop3A_1305, %parallel_loop3A_2393] : memref<2x16384xf32, #tpu.memory_space<vmem>> -> memref<1x16384xf32, #tpu.memory_space<vmem>>
      %parallel_loop3A_2395 = tpu.memref_squeeze %parallel_loop3A_2394 : memref<1x16384xf32, #tpu.memory_space<vmem>> -> memref<16384xf32, #tpu.memory_space<vmem>>
      tpu.vector_store_idx %parallel_loop3A_2395[%parallel_loop3A_2392], %parallel_loop3A_2382 : memref<16384xf32, #tpu.memory_space<vmem>>[vector<16xi32>], vector<16xf32>,
      %parallel_loop3A_2396 = arith.constant 2048 : i32
      %parallel_loop3A_2397 = vector.broadcast %parallel_loop3A_2396 : i32 to vector<16xi32>
      %parallel_loop3A_2398 = arith.addi %parallel_loop3A_2392, %parallel_loop3A_2397 : vector<16xi32>
      %parallel_loop3A_2399 = arith.constant 0 : i32
      %parallel_loop3A_2400 = tpu.memref_slice %arg7[%parallel_loop3A_1305, %parallel_loop3A_2399] : memref<2x16384xf32, #tpu.memory_space<vmem>> -> memref<1x16384xf32, #tpu.memory_space<vmem>>
      %parallel_loop3A_2401 = tpu.memref_squeeze %parallel_loop3A_2400 : memref<1x16384xf32, #tpu.memory_space<vmem>> -> memref<16384xf32, #tpu.memory_space<vmem>>
      tpu.vector_store_idx %parallel_loop3A_2401[%parallel_loop3A_2398], %parallel_loop3A_2387 : memref<16384xf32, #tpu.memory_space<vmem>>[vector<16xi32>], vector<16xf32>,
    } {sc.loop_unroll_factor = 16 : i64, sc.parallel_access}
    %mul3A_1306 = arith.constant 200 : i32
    %mul3A_1307 = arith.muli %add3A, %mul3A_1306 : i32
    %add3A_1308 = arith.constant 192 : i32
    %add3A_1309 = arith.addi %mul3A_1307, %add3A_1308 : i32
    %add3A_1310 = arith.constant 0 : i32
    %add3A_1311 = arith.addi %add3A_1309, %add3A_1310 : i32
    %jit3A_1312 = arith.constant 128 : i32
    %div3A_1313 = arith.divsi %add3A_1311, %jit3A_1312 : i32
    %sign3A_1314 = arith.constant 0 : i32
    %sign3A_1315 = arith.cmpi sgt, %add3A_1311, %sign3A_1314 : i32
    %sign3A_1316 = arith.extui %sign3A_1315 : i1 to i32
    %sign3A_1317 = arith.constant 0 : i32
    %sign3A_1318 = arith.cmpi slt, %add3A_1311, %sign3A_1317 : i32
    %sign3A_1319 = arith.extui %sign3A_1318 : i1 to i32
    %sign3A_1320 = arith.subi %sign3A_1316, %sign3A_1319 : i32
    %sign3A_1321 = arith.constant 0 : i32
    %sign3A_1322 = arith.cmpi sgt, %jit3A_1312, %sign3A_1321 : i32
    %sign3A_1323 = arith.extui %sign3A_1322 : i1 to i32
    %sign3A_1324 = arith.constant 0 : i32
    %sign3A_1325 = arith.cmpi slt, %jit3A_1312, %sign3A_1324 : i32
    %sign3A_1326 = arith.extui %sign3A_1325 : i1 to i32
    %sign3A_1327 = arith.subi %sign3A_1323, %sign3A_1326 : i32
    %ne3A_1328 = arith.cmpi ne, %sign3A_1320, %sign3A_1327 : i32
    %rem3A_1329 = arith.remsi %add3A_1311, %jit3A_1312 : i32
    %ne3A_1330 = arith.constant 0 : i32
    %ne3A_1331 = arith.cmpi ne, %rem3A_1329, %ne3A_1330 : i32
    %and3A_1332 = arith.andi %ne3A_1328, %ne3A_1331 : i1
    %sub3A_1333 = arith.constant 1 : i32
    %sub3A_1334 = arith.subi %div3A_1313, %sub3A_1333 : i32
    %select_n3A_1335 = arith.select %and3A_1332, %sub3A_1334, %div3A_1313 : i32
    %rem3A_1336 = arith.constant 128 : i32
    %rem3A_1337 = arith.remsi %add3A_1311, %rem3A_1336 : i32
    %mul3A_1338 = arith.constant 4 : i32
    %mul3A_1339 = arith.muli %select_n3A_1335, %mul3A_1338 : i32
    %mul3A_1340 = arith.constant 128 : i32
    %mul3A_1341 = arith.muli %mul3A_1339, %mul3A_1340 : i32
    %add3A_1342 = arith.constant 0 : i32
    %add3A_1343 = arith.addi %mul3A_1341, %add3A_1342 : i32
    %add3A_1344 = arith.addi %add3A_1343, %rem3A_1337 : i32
    %mul3A_1345 = arith.constant 1024 : i32
    %mul3A_1346 = arith.muli %add3A_1344, %mul3A_1345 : i32
    %multiple_of3A_1347 = tpu.assume_multiple %mul3A_1346, 8 : i32
    %dma_start3A_1348 = arith.constant 0 : i32
    %dma_start3A_1349 = arith.constant 0 : i32
    %dma_start3A_1350 = tpu.memref_slice %arg7[%dma_start3A_1348, %dma_start3A_1349] : memref<2x16384xf32, #tpu.memory_space<vmem>> -> memref<1x16384xf32, #tpu.memory_space<vmem>>
    %dma_start3A_1351 = tpu.memref_squeeze %dma_start3A_1350 : memref<1x16384xf32, #tpu.memory_space<vmem>> -> memref<16384xf32, #tpu.memory_space<vmem>>
    %dma_start3A_1352 = arith.constant 0 : i32
    %dma_start3A_1353 = tpu.memref_slice %dma_start3A_1351[%dma_start3A_1352] : memref<16384xf32, #tpu.memory_space<vmem>> -> memref<1024xf32, #tpu.memory_space<vmem>>
    %dma_start3A_1354 = tpu.memref_slice %arg4[%multiple_of3A_1347] : memref<26214400xf32, #tpu.memory_space<hbm>> -> memref<1024xf32, #tpu.memory_space<hbm>>
    %dma_start3A_1355 = tpu.memref_slice %arg4[%multiple_of3A_1347] : memref<26214400xf32, #tpu.memory_space<hbm>> -> memref<1024xf32, #tpu.memory_space<hbm>>
    %dma_start3A_1356 = arith.constant 0 : i32
    %dma_start3A_1357 = tpu.memref_slice %arg7[%dma_start3A_1348, %dma_start3A_1356] : memref<2x16384xf32, #tpu.memory_space<vmem>> -> memref<1x16384xf32, #tpu.memory_space<vmem>>
    %dma_start3A_1358 = tpu.memref_squeeze %dma_start3A_1357 : memref<1x16384xf32, #tpu.memory_space<vmem>> -> memref<16384xf32, #tpu.memory_space<vmem>>
    %dma_start3A_1359 = arith.constant 0 : i32
    %dma_start3A_1360 = tpu.memref_slice %dma_start3A_1358[%dma_start3A_1359] : memref<16384xf32, #tpu.memory_space<vmem>> -> memref<1024xf32, #tpu.memory_space<vmem>>
    tpu.enqueue_dma source(%dma_start3A_1360 : memref<1024xf32, #tpu.memory_space<vmem>>) target(%dma_start3A_1355 : memref<1024xf32, #tpu.memory_space<hbm>>) target_semaphore(%arg10 : memref<!tpu.dma_semaphore, #tpu.memory_space<semaphore_mem>>)
    %mul3A_1361 = arith.constant 4 : i32
    %mul3A_1362 = arith.muli %select_n3A_1335, %mul3A_1361 : i32
    %mul3A_1363 = arith.constant 128 : i32
    %mul3A_1364 = arith.muli %mul3A_1362, %mul3A_1363 : i32
    %add3A_1365 = arith.constant 128 : i32
    %add3A_1366 = arith.addi %mul3A_1364, %add3A_1365 : i32
    %add3A_1367 = arith.addi %add3A_1366, %rem3A_1337 : i32
    %mul3A_1368 = arith.constant 1024 : i32
    %mul3A_1369 = arith.muli %add3A_1367, %mul3A_1368 : i32
    %multiple_of3A_1370 = tpu.assume_multiple %mul3A_1369, 8 : i32
    %dma_start3A_1371 = arith.constant 0 : i32
    %dma_start3A_1372 = arith.constant 0 : i32
    %dma_start3A_1373 = tpu.memref_slice %arg7[%dma_start3A_1371, %dma_start3A_1372] : memref<2x16384xf32, #tpu.memory_space<vmem>> -> memref<1x16384xf32, #tpu.memory_space<vmem>>
    %dma_start3A_1374 = tpu.memref_squeeze %dma_start3A_1373 : memref<1x16384xf32, #tpu.memory_space<vmem>> -> memref<16384xf32, #tpu.memory_space<vmem>>
    %dma_start3A_1375 = arith.constant 1024 : i32
    %dma_start3A_1376 = tpu.memref_slice %dma_start3A_1374[%dma_start3A_1375] : memref<16384xf32, #tpu.memory_space<vmem>> -> memref<1024xf32, #tpu.memory_space<vmem>>
    %dma_start3A_1377 = tpu.memref_slice %arg4[%multiple_of3A_1370] : memref<26214400xf32, #tpu.memory_space<hbm>> -> memref<1024xf32, #tpu.memory_space<hbm>>
    %dma_start3A_1378 = tpu.memref_slice %arg4[%multiple_of3A_1370] : memref<26214400xf32, #tpu.memory_space<hbm>> -> memref<1024xf32, #tpu.memory_space<hbm>>
    %dma_start3A_1379 = arith.constant 0 : i32
    %dma_start3A_1380 = tpu.memref_slice %arg7[%dma_start3A_1371, %dma_start3A_1379] : memref<2x16384xf32, #tpu.memory_space<vmem>> -> memref<1x16384xf32, #tpu.memory_space<vmem>>
    %dma_start3A_1381 = tpu.memref_squeeze %dma_start3A_1380 : memref<1x16384xf32, #tpu.memory_space<vmem>> -> memref<16384xf32, #tpu.memory_space<vmem>>
    %dma_start3A_1382 = arith.constant 1024 : i32
    %dma_start3A_1383 = tpu.memref_slice %dma_start3A_1381[%dma_start3A_1382] : memref<16384xf32, #tpu.memory_space<vmem>> -> memref<1024xf32, #tpu.memory_space<vmem>>
    tpu.enqueue_dma source(%dma_start3A_1383 : memref<1024xf32, #tpu.memory_space<vmem>>) target(%dma_start3A_1378 : memref<1024xf32, #tpu.memory_space<hbm>>) target_semaphore(%arg10 : memref<!tpu.dma_semaphore, #tpu.memory_space<semaphore_mem>>)
    %mul3A_1384 = arith.constant 4 : i32
    %mul3A_1385 = arith.muli %select_n3A_1335, %mul3A_1384 : i32
    %mul3A_1386 = arith.constant 128 : i32
    %mul3A_1387 = arith.muli %mul3A_1385, %mul3A_1386 : i32
    %add3A_1388 = arith.constant 256 : i32
    %add3A_1389 = arith.addi %mul3A_1387, %add3A_1388 : i32
    %add3A_1390 = arith.addi %add3A_1389, %rem3A_1337 : i32
    %mul3A_1391 = arith.constant 1024 : i32
    %mul3A_1392 = arith.muli %add3A_1390, %mul3A_1391 : i32
    %multiple_of3A_1393 = tpu.assume_multiple %mul3A_1392, 8 : i32
    %dma_start3A_1394 = arith.constant 0 : i32
    %dma_start3A_1395 = arith.constant 0 : i32
    %dma_start3A_1396 = tpu.memref_slice %arg7[%dma_start3A_1394, %dma_start3A_1395] : memref<2x16384xf32, #tpu.memory_space<vmem>> -> memref<1x16384xf32, #tpu.memory_space<vmem>>
    %dma_start3A_1397 = tpu.memref_squeeze %dma_start3A_1396 : memref<1x16384xf32, #tpu.memory_space<vmem>> -> memref<16384xf32, #tpu.memory_space<vmem>>
    %dma_start3A_1398 = arith.constant 2048 : i32
    %dma_start3A_1399 = tpu.memref_slice %dma_start3A_1397[%dma_start3A_1398] : memref<16384xf32, #tpu.memory_space<vmem>> -> memref<1024xf32, #tpu.memory_space<vmem>>
    %dma_start3A_1400 = tpu.memref_slice %arg4[%multiple_of3A_1393] : memref<26214400xf32, #tpu.memory_space<hbm>> -> memref<1024xf32, #tpu.memory_space<hbm>>
    %dma_start3A_1401 = tpu.memref_slice %arg4[%multiple_of3A_1393] : memref<26214400xf32, #tpu.memory_space<hbm>> -> memref<1024xf32, #tpu.memory_space<hbm>>
    %dma_start3A_1402 = arith.constant 0 : i32
    %dma_start3A_1403 = tpu.memref_slice %arg7[%dma_start3A_1394, %dma_start3A_1402] : memref<2x16384xf32, #tpu.memory_space<vmem>> -> memref<1x16384xf32, #tpu.memory_space<vmem>>
    %dma_start3A_1404 = tpu.memref_squeeze %dma_start3A_1403 : memref<1x16384xf32, #tpu.memory_space<vmem>> -> memref<16384xf32, #tpu.memory_space<vmem>>
    %dma_start3A_1405 = arith.constant 2048 : i32
    %dma_start3A_1406 = tpu.memref_slice %dma_start3A_1404[%dma_start3A_1405] : memref<16384xf32, #tpu.memory_space<vmem>> -> memref<1024xf32, #tpu.memory_space<vmem>>
    tpu.enqueue_dma source(%dma_start3A_1406 : memref<1024xf32, #tpu.memory_space<vmem>>) target(%dma_start3A_1401 : memref<1024xf32, #tpu.memory_space<hbm>>) target_semaphore(%arg10 : memref<!tpu.dma_semaphore, #tpu.memory_space<semaphore_mem>>)
    %mul3A_1407 = arith.constant 4 : i32
    %mul3A_1408 = arith.muli %select_n3A_1335, %mul3A_1407 : i32
    %mul3A_1409 = arith.constant 128 : i32
    %mul3A_1410 = arith.muli %mul3A_1408, %mul3A_1409 : i32
    %add3A_1411 = arith.constant 384 : i32
    %add3A_1412 = arith.addi %mul3A_1410, %add3A_1411 : i32
    %add3A_1413 = arith.addi %add3A_1412, %rem3A_1337 : i32
    %mul3A_1414 = arith.constant 1024 : i32
    %mul3A_1415 = arith.muli %add3A_1413, %mul3A_1414 : i32
    %multiple_of3A_1416 = tpu.assume_multiple %mul3A_1415, 8 : i32
    %dma_start3A_1417 = arith.constant 0 : i32
    %dma_start3A_1418 = arith.constant 0 : i32
    %dma_start3A_1419 = tpu.memref_slice %arg7[%dma_start3A_1417, %dma_start3A_1418] : memref<2x16384xf32, #tpu.memory_space<vmem>> -> memref<1x16384xf32, #tpu.memory_space<vmem>>
    %dma_start3A_1420 = tpu.memref_squeeze %dma_start3A_1419 : memref<1x16384xf32, #tpu.memory_space<vmem>> -> memref<16384xf32, #tpu.memory_space<vmem>>
    %dma_start3A_1421 = arith.constant 3072 : i32
    %dma_start3A_1422 = tpu.memref_slice %dma_start3A_1420[%dma_start3A_1421] : memref<16384xf32, #tpu.memory_space<vmem>> -> memref<1024xf32, #tpu.memory_space<vmem>>
    %dma_start3A_1423 = tpu.memref_slice %arg4[%multiple_of3A_1416] : memref<26214400xf32, #tpu.memory_space<hbm>> -> memref<1024xf32, #tpu.memory_space<hbm>>
    %dma_start3A_1424 = tpu.memref_slice %arg4[%multiple_of3A_1416] : memref<26214400xf32, #tpu.memory_space<hbm>> -> memref<1024xf32, #tpu.memory_space<hbm>>
    %dma_start3A_1425 = arith.constant 0 : i32
    %dma_start3A_1426 = tpu.memref_slice %arg7[%dma_start3A_1417, %dma_start3A_1425] : memref<2x16384xf32, #tpu.memory_space<vmem>> -> memref<1x16384xf32, #tpu.memory_space<vmem>>
    %dma_start3A_1427 = tpu.memref_squeeze %dma_start3A_1426 : memref<1x16384xf32, #tpu.memory_space<vmem>> -> memref<16384xf32, #tpu.memory_space<vmem>>
    %dma_start3A_1428 = arith.constant 3072 : i32
    %dma_start3A_1429 = tpu.memref_slice %dma_start3A_1427[%dma_start3A_1428] : memref<16384xf32, #tpu.memory_space<vmem>> -> memref<1024xf32, #tpu.memory_space<vmem>>
    tpu.enqueue_dma source(%dma_start3A_1429 : memref<1024xf32, #tpu.memory_space<vmem>>) target(%dma_start3A_1424 : memref<1024xf32, #tpu.memory_space<hbm>>) target_semaphore(%arg10 : memref<!tpu.dma_semaphore, #tpu.memory_space<semaphore_mem>>)
    %mul3A_1430 = arith.constant 200 : i32
    %mul3A_1431 = arith.muli %add3A, %mul3A_1430 : i32
    %add3A_1432 = arith.constant 192 : i32
    %add3A_1433 = arith.addi %mul3A_1431, %add3A_1432 : i32
    %add3A_1434 = arith.constant 1 : i32
    %add3A_1435 = arith.addi %add3A_1433, %add3A_1434 : i32
    %jit3A_1436 = arith.constant 128 : i32
    %div3A_1437 = arith.divsi %add3A_1435, %jit3A_1436 : i32
    %sign3A_1438 = arith.constant 0 : i32
    %sign3A_1439 = arith.cmpi sgt, %add3A_1435, %sign3A_1438 : i32
    %sign3A_1440 = arith.extui %sign3A_1439 : i1 to i32
    %sign3A_1441 = arith.constant 0 : i32
    %sign3A_1442 = arith.cmpi slt, %add3A_1435, %sign3A_1441 : i32
    %sign3A_1443 = arith.extui %sign3A_1442 : i1 to i32
    %sign3A_1444 = arith.subi %sign3A_1440, %sign3A_1443 : i32
    %sign3A_1445 = arith.constant 0 : i32
    %sign3A_1446 = arith.cmpi sgt, %jit3A_1436, %sign3A_1445 : i32
    %sign3A_1447 = arith.extui %sign3A_1446 : i1 to i32
    %sign3A_1448 = arith.constant 0 : i32
    %sign3A_1449 = arith.cmpi slt, %jit3A_1436, %sign3A_1448 : i32
    %sign3A_1450 = arith.extui %sign3A_1449 : i1 to i32
    %sign3A_1451 = arith.subi %sign3A_1447, %sign3A_1450 : i32
    %ne3A_1452 = arith.cmpi ne, %sign3A_1444, %sign3A_1451 : i32
    %rem3A_1453 = arith.remsi %add3A_1435, %jit3A_1436 : i32
    %ne3A_1454 = arith.constant 0 : i32
    %ne3A_1455 = arith.cmpi ne, %rem3A_1453, %ne3A_1454 : i32
    %and3A_1456 = arith.andi %ne3A_1452, %ne3A_1455 : i1
    %sub3A_1457 = arith.constant 1 : i32
    %sub3A_1458 = arith.subi %div3A_1437, %sub3A_1457 : i32
    %select_n3A_1459 = arith.select %and3A_1456, %sub3A_1458, %div3A_1437 : i32
    %rem3A_1460 = arith.constant 128 : i32
    %rem3A_1461 = arith.remsi %add3A_1435, %rem3A_1460 : i32
    %mul3A_1462 = arith.constant 4 : i32
    %mul3A_1463 = arith.muli %select_n3A_1459, %mul3A_1462 : i32
    %mul3A_1464 = arith.constant 128 : i32
    %mul3A_1465 = arith.muli %mul3A_1463, %mul3A_1464 : i32
    %add3A_1466 = arith.constant 0 : i32
    %add3A_1467 = arith.addi %mul3A_1465, %add3A_1466 : i32
    %add3A_1468 = arith.addi %add3A_1467, %rem3A_1461 : i32
    %mul3A_1469 = arith.constant 1024 : i32
    %mul3A_1470 = arith.muli %add3A_1468, %mul3A_1469 : i32
    %multiple_of3A_1471 = tpu.assume_multiple %mul3A_1470, 8 : i32
    %dma_start3A_1472 = arith.constant 0 : i32
    %dma_start3A_1473 = arith.constant 0 : i32
    %dma_start3A_1474 = tpu.memref_slice %arg7[%dma_start3A_1472, %dma_start3A_1473] : memref<2x16384xf32, #tpu.memory_space<vmem>> -> memref<1x16384xf32, #tpu.memory_space<vmem>>
    %dma_start3A_1475 = tpu.memref_squeeze %dma_start3A_1474 : memref<1x16384xf32, #tpu.memory_space<vmem>> -> memref<16384xf32, #tpu.memory_space<vmem>>
    %dma_start3A_1476 = arith.constant 4096 : i32
    %dma_start3A_1477 = tpu.memref_slice %dma_start3A_1475[%dma_start3A_1476] : memref<16384xf32, #tpu.memory_space<vmem>> -> memref<1024xf32, #tpu.memory_space<vmem>>
    %dma_start3A_1478 = tpu.memref_slice %arg4[%multiple_of3A_1471] : memref<26214400xf32, #tpu.memory_space<hbm>> -> memref<1024xf32, #tpu.memory_space<hbm>>
    %dma_start3A_1479 = tpu.memref_slice %arg4[%multiple_of3A_1471] : memref<26214400xf32, #tpu.memory_space<hbm>> -> memref<1024xf32, #tpu.memory_space<hbm>>
    %dma_start3A_1480 = arith.constant 0 : i32
    %dma_start3A_1481 = tpu.memref_slice %arg7[%dma_start3A_1472, %dma_start3A_1480] : memref<2x16384xf32, #tpu.memory_space<vmem>> -> memref<1x16384xf32, #tpu.memory_space<vmem>>
    %dma_start3A_1482 = tpu.memref_squeeze %dma_start3A_1481 : memref<1x16384xf32, #tpu.memory_space<vmem>> -> memref<16384xf32, #tpu.memory_space<vmem>>
    %dma_start3A_1483 = arith.constant 4096 : i32
    %dma_start3A_1484 = tpu.memref_slice %dma_start3A_1482[%dma_start3A_1483] : memref<16384xf32, #tpu.memory_space<vmem>> -> memref<1024xf32, #tpu.memory_space<vmem>>
    tpu.enqueue_dma source(%dma_start3A_1484 : memref<1024xf32, #tpu.memory_space<vmem>>) target(%dma_start3A_1479 : memref<1024xf32, #tpu.memory_space<hbm>>) target_semaphore(%arg10 : memref<!tpu.dma_semaphore, #tpu.memory_space<semaphore_mem>>)
    %mul3A_1485 = arith.constant 4 : i32
    %mul3A_1486 = arith.muli %select_n3A_1459, %mul3A_1485 : i32
    %mul3A_1487 = arith.constant 128 : i32
    %mul3A_1488 = arith.muli %mul3A_1486, %mul3A_1487 : i32
    %add3A_1489 = arith.constant 128 : i32
    %add3A_1490 = arith.addi %mul3A_1488, %add3A_1489 : i32
    %add3A_1491 = arith.addi %add3A_1490, %rem3A_1461 : i32
    %mul3A_1492 = arith.constant 1024 : i32
    %mul3A_1493 = arith.muli %add3A_1491, %mul3A_1492 : i32
    %multiple_of3A_1494 = tpu.assume_multiple %mul3A_1493, 8 : i32
    %dma_start3A_1495 = arith.constant 0 : i32
    %dma_start3A_1496 = arith.constant 0 : i32
    %dma_start3A_1497 = tpu.memref_slice %arg7[%dma_start3A_1495, %dma_start3A_1496] : memref<2x16384xf32, #tpu.memory_space<vmem>> -> memref<1x16384xf32, #tpu.memory_space<vmem>>
    %dma_start3A_1498 = tpu.memref_squeeze %dma_start3A_1497 : memref<1x16384xf32, #tpu.memory_space<vmem>> -> memref<16384xf32, #tpu.memory_space<vmem>>
    %dma_start3A_1499 = arith.constant 5120 : i32
    %dma_start3A_1500 = tpu.memref_slice %dma_start3A_1498[%dma_start3A_1499] : memref<16384xf32, #tpu.memory_space<vmem>> -> memref<1024xf32, #tpu.memory_space<vmem>>
    %dma_start3A_1501 = tpu.memref_slice %arg4[%multiple_of3A_1494] : memref<26214400xf32, #tpu.memory_space<hbm>> -> memref<1024xf32, #tpu.memory_space<hbm>>
    %dma_start3A_1502 = tpu.memref_slice %arg4[%multiple_of3A_1494] : memref<26214400xf32, #tpu.memory_space<hbm>> -> memref<1024xf32, #tpu.memory_space<hbm>>
    %dma_start3A_1503 = arith.constant 0 : i32
    %dma_start3A_1504 = tpu.memref_slice %arg7[%dma_start3A_1495, %dma_start3A_1503] : memref<2x16384xf32, #tpu.memory_space<vmem>> -> memref<1x16384xf32, #tpu.memory_space<vmem>>
    %dma_start3A_1505 = tpu.memref_squeeze %dma_start3A_1504 : memref<1x16384xf32, #tpu.memory_space<vmem>> -> memref<16384xf32, #tpu.memory_space<vmem>>
    %dma_start3A_1506 = arith.constant 5120 : i32
    %dma_start3A_1507 = tpu.memref_slice %dma_start3A_1505[%dma_start3A_1506] : memref<16384xf32, #tpu.memory_space<vmem>> -> memref<1024xf32, #tpu.memory_space<vmem>>
    tpu.enqueue_dma source(%dma_start3A_1507 : memref<1024xf32, #tpu.memory_space<vmem>>) target(%dma_start3A_1502 : memref<1024xf32, #tpu.memory_space<hbm>>) target_semaphore(%arg10 : memref<!tpu.dma_semaphore, #tpu.memory_space<semaphore_mem>>)
    %mul3A_1508 = arith.constant 4 : i32
    %mul3A_1509 = arith.muli %select_n3A_1459, %mul3A_1508 : i32
    %mul3A_1510 = arith.constant 128 : i32
    %mul3A_1511 = arith.muli %mul3A_1509, %mul3A_1510 : i32
    %add3A_1512 = arith.constant 256 : i32
    %add3A_1513 = arith.addi %mul3A_1511, %add3A_1512 : i32
    %add3A_1514 = arith.addi %add3A_1513, %rem3A_1461 : i32
    %mul3A_1515 = arith.constant 1024 : i32
    %mul3A_1516 = arith.muli %add3A_1514, %mul3A_1515 : i32
    %multiple_of3A_1517 = tpu.assume_multiple %mul3A_1516, 8 : i32
    %dma_start3A_1518 = arith.constant 0 : i32
    %dma_start3A_1519 = arith.constant 0 : i32
    %dma_start3A_1520 = tpu.memref_slice %arg7[%dma_start3A_1518, %dma_start3A_1519] : memref<2x16384xf32, #tpu.memory_space<vmem>> -> memref<1x16384xf32, #tpu.memory_space<vmem>>
    %dma_start3A_1521 = tpu.memref_squeeze %dma_start3A_1520 : memref<1x16384xf32, #tpu.memory_space<vmem>> -> memref<16384xf32, #tpu.memory_space<vmem>>
    %dma_start3A_1522 = arith.constant 6144 : i32
    %dma_start3A_1523 = tpu.memref_slice %dma_start3A_1521[%dma_start3A_1522] : memref<16384xf32, #tpu.memory_space<vmem>> -> memref<1024xf32, #tpu.memory_space<vmem>>
    %dma_start3A_1524 = tpu.memref_slice %arg4[%multiple_of3A_1517] : memref<26214400xf32, #tpu.memory_space<hbm>> -> memref<1024xf32, #tpu.memory_space<hbm>>
    %dma_start3A_1525 = tpu.memref_slice %arg4[%multiple_of3A_1517] : memref<26214400xf32, #tpu.memory_space<hbm>> -> memref<1024xf32, #tpu.memory_space<hbm>>
    %dma_start3A_1526 = arith.constant 0 : i32
    %dma_start3A_1527 = tpu.memref_slice %arg7[%dma_start3A_1518, %dma_start3A_1526] : memref<2x16384xf32, #tpu.memory_space<vmem>> -> memref<1x16384xf32, #tpu.memory_space<vmem>>
    %dma_start3A_1528 = tpu.memref_squeeze %dma_start3A_1527 : memref<1x16384xf32, #tpu.memory_space<vmem>> -> memref<16384xf32, #tpu.memory_space<vmem>>
    %dma_start3A_1529 = arith.constant 6144 : i32
    %dma_start3A_1530 = tpu.memref_slice %dma_start3A_1528[%dma_start3A_1529] : memref<16384xf32, #tpu.memory_space<vmem>> -> memref<1024xf32, #tpu.memory_space<vmem>>
    tpu.enqueue_dma source(%dma_start3A_1530 : memref<1024xf32, #tpu.memory_space<vmem>>) target(%dma_start3A_1525 : memref<1024xf32, #tpu.memory_space<hbm>>) target_semaphore(%arg10 : memref<!tpu.dma_semaphore, #tpu.memory_space<semaphore_mem>>)
    %mul3A_1531 = arith.constant 4 : i32
    %mul3A_1532 = arith.muli %select_n3A_1459, %mul3A_1531 : i32
    %mul3A_1533 = arith.constant 128 : i32
    %mul3A_1534 = arith.muli %mul3A_1532, %mul3A_1533 : i32
    %add3A_1535 = arith.constant 384 : i32
    %add3A_1536 = arith.addi %mul3A_1534, %add3A_1535 : i32
    %add3A_1537 = arith.addi %add3A_1536, %rem3A_1461 : i32
    %mul3A_1538 = arith.constant 1024 : i32
    %mul3A_1539 = arith.muli %add3A_1537, %mul3A_1538 : i32
    %multiple_of3A_1540 = tpu.assume_multiple %mul3A_1539, 8 : i32
    %dma_start3A_1541 = arith.constant 0 : i32
    %dma_start3A_1542 = arith.constant 0 : i32
    %dma_start3A_1543 = tpu.memref_slice %arg7[%dma_start3A_1541, %dma_start3A_1542] : memref<2x16384xf32, #tpu.memory_space<vmem>> -> memref<1x16384xf32, #tpu.memory_space<vmem>>
    %dma_start3A_1544 = tpu.memref_squeeze %dma_start3A_1543 : memref<1x16384xf32, #tpu.memory_space<vmem>> -> memref<16384xf32, #tpu.memory_space<vmem>>
    %dma_start3A_1545 = arith.constant 7168 : i32
    %dma_start3A_1546 = tpu.memref_slice %dma_start3A_1544[%dma_start3A_1545] : memref<16384xf32, #tpu.memory_space<vmem>> -> memref<1024xf32, #tpu.memory_space<vmem>>
    %dma_start3A_1547 = tpu.memref_slice %arg4[%multiple_of3A_1540] : memref<26214400xf32, #tpu.memory_space<hbm>> -> memref<1024xf32, #tpu.memory_space<hbm>>
    %dma_start3A_1548 = tpu.memref_slice %arg4[%multiple_of3A_1540] : memref<26214400xf32, #tpu.memory_space<hbm>> -> memref<1024xf32, #tpu.memory_space<hbm>>
    %dma_start3A_1549 = arith.constant 0 : i32
    %dma_start3A_1550 = tpu.memref_slice %arg7[%dma_start3A_1541, %dma_start3A_1549] : memref<2x16384xf32, #tpu.memory_space<vmem>> -> memref<1x16384xf32, #tpu.memory_space<vmem>>
    %dma_start3A_1551 = tpu.memref_squeeze %dma_start3A_1550 : memref<1x16384xf32, #tpu.memory_space<vmem>> -> memref<16384xf32, #tpu.memory_space<vmem>>
    %dma_start3A_1552 = arith.constant 7168 : i32
    %dma_start3A_1553 = tpu.memref_slice %dma_start3A_1551[%dma_start3A_1552] : memref<16384xf32, #tpu.memory_space<vmem>> -> memref<1024xf32, #tpu.memory_space<vmem>>
    tpu.enqueue_dma source(%dma_start3A_1553 : memref<1024xf32, #tpu.memory_space<vmem>>) target(%dma_start3A_1548 : memref<1024xf32, #tpu.memory_space<hbm>>) target_semaphore(%arg10 : memref<!tpu.dma_semaphore, #tpu.memory_space<semaphore_mem>>)
    %mul3A_1554 = arith.constant 200 : i32
    %mul3A_1555 = arith.muli %add3A, %mul3A_1554 : i32
    %add3A_1556 = arith.constant 192 : i32
    %add3A_1557 = arith.addi %mul3A_1555, %add3A_1556 : i32
    %add3A_1558 = arith.constant 2 : i32
    %add3A_1559 = arith.addi %add3A_1557, %add3A_1558 : i32
    %jit3A_1560 = arith.constant 128 : i32
    %div3A_1561 = arith.divsi %add3A_1559, %jit3A_1560 : i32
    %sign3A_1562 = arith.constant 0 : i32
    %sign3A_1563 = arith.cmpi sgt, %add3A_1559, %sign3A_1562 : i32
    %sign3A_1564 = arith.extui %sign3A_1563 : i1 to i32
    %sign3A_1565 = arith.constant 0 : i32
    %sign3A_1566 = arith.cmpi slt, %add3A_1559, %sign3A_1565 : i32
    %sign3A_1567 = arith.extui %sign3A_1566 : i1 to i32
    %sign3A_1568 = arith.subi %sign3A_1564, %sign3A_1567 : i32
    %sign3A_1569 = arith.constant 0 : i32
    %sign3A_1570 = arith.cmpi sgt, %jit3A_1560, %sign3A_1569 : i32
    %sign3A_1571 = arith.extui %sign3A_1570 : i1 to i32
    %sign3A_1572 = arith.constant 0 : i32
    %sign3A_1573 = arith.cmpi slt, %jit3A_1560, %sign3A_1572 : i32
    %sign3A_1574 = arith.extui %sign3A_1573 : i1 to i32
    %sign3A_1575 = arith.subi %sign3A_1571, %sign3A_1574 : i32
    %ne3A_1576 = arith.cmpi ne, %sign3A_1568, %sign3A_1575 : i32
    %rem3A_1577 = arith.remsi %add3A_1559, %jit3A_1560 : i32
    %ne3A_1578 = arith.constant 0 : i32
    %ne3A_1579 = arith.cmpi ne, %rem3A_1577, %ne3A_1578 : i32
    %and3A_1580 = arith.andi %ne3A_1576, %ne3A_1579 : i1
    %sub3A_1581 = arith.constant 1 : i32
    %sub3A_1582 = arith.subi %div3A_1561, %sub3A_1581 : i32
    %select_n3A_1583 = arith.select %and3A_1580, %sub3A_1582, %div3A_1561 : i32
    %rem3A_1584 = arith.constant 128 : i32
    %rem3A_1585 = arith.remsi %add3A_1559, %rem3A_1584 : i32
    %mul3A_1586 = arith.constant 4 : i32
    %mul3A_1587 = arith.muli %select_n3A_1583, %mul3A_1586 : i32
    %mul3A_1588 = arith.constant 128 : i32
    %mul3A_1589 = arith.muli %mul3A_1587, %mul3A_1588 : i32
    %add3A_1590 = arith.constant 0 : i32
    %add3A_1591 = arith.addi %mul3A_1589, %add3A_1590 : i32
    %add3A_1592 = arith.addi %add3A_1591, %rem3A_1585 : i32
    %mul3A_1593 = arith.constant 1024 : i32
    %mul3A_1594 = arith.muli %add3A_1592, %mul3A_1593 : i32
    %multiple_of3A_1595 = tpu.assume_multiple %mul3A_1594, 8 : i32
    %dma_start3A_1596 = arith.constant 0 : i32
    %dma_start3A_1597 = arith.constant 0 : i32
    %dma_start3A_1598 = tpu.memref_slice %arg7[%dma_start3A_1596, %dma_start3A_1597] : memref<2x16384xf32, #tpu.memory_space<vmem>> -> memref<1x16384xf32, #tpu.memory_space<vmem>>
    %dma_start3A_1599 = tpu.memref_squeeze %dma_start3A_1598 : memref<1x16384xf32, #tpu.memory_space<vmem>> -> memref<16384xf32, #tpu.memory_space<vmem>>
    %dma_start3A_1600 = arith.constant 8192 : i32
    %dma_start3A_1601 = tpu.memref_slice %dma_start3A_1599[%dma_start3A_1600] : memref<16384xf32, #tpu.memory_space<vmem>> -> memref<1024xf32, #tpu.memory_space<vmem>>
    %dma_start3A_1602 = tpu.memref_slice %arg4[%multiple_of3A_1595] : memref<26214400xf32, #tpu.memory_space<hbm>> -> memref<1024xf32, #tpu.memory_space<hbm>>
    %dma_start3A_1603 = tpu.memref_slice %arg4[%multiple_of3A_1595] : memref<26214400xf32, #tpu.memory_space<hbm>> -> memref<1024xf32, #tpu.memory_space<hbm>>
    %dma_start3A_1604 = arith.constant 0 : i32
    %dma_start3A_1605 = tpu.memref_slice %arg7[%dma_start3A_1596, %dma_start3A_1604] : memref<2x16384xf32, #tpu.memory_space<vmem>> -> memref<1x16384xf32, #tpu.memory_space<vmem>>
    %dma_start3A_1606 = tpu.memref_squeeze %dma_start3A_1605 : memref<1x16384xf32, #tpu.memory_space<vmem>> -> memref<16384xf32, #tpu.memory_space<vmem>>
    %dma_start3A_1607 = arith.constant 8192 : i32
    %dma_start3A_1608 = tpu.memref_slice %dma_start3A_1606[%dma_start3A_1607] : memref<16384xf32, #tpu.memory_space<vmem>> -> memref<1024xf32, #tpu.memory_space<vmem>>
    tpu.enqueue_dma source(%dma_start3A_1608 : memref<1024xf32, #tpu.memory_space<vmem>>) target(%dma_start3A_1603 : memref<1024xf32, #tpu.memory_space<hbm>>) target_semaphore(%arg10 : memref<!tpu.dma_semaphore, #tpu.memory_space<semaphore_mem>>)
    %mul3A_1609 = arith.constant 4 : i32
    %mul3A_1610 = arith.muli %select_n3A_1583, %mul3A_1609 : i32
    %mul3A_1611 = arith.constant 128 : i32
    %mul3A_1612 = arith.muli %mul3A_1610, %mul3A_1611 : i32
    %add3A_1613 = arith.constant 128 : i32
    %add3A_1614 = arith.addi %mul3A_1612, %add3A_1613 : i32
    %add3A_1615 = arith.addi %add3A_1614, %rem3A_1585 : i32
    %mul3A_1616 = arith.constant 1024 : i32
    %mul3A_1617 = arith.muli %add3A_1615, %mul3A_1616 : i32
    %multiple_of3A_1618 = tpu.assume_multiple %mul3A_1617, 8 : i32
    %dma_start3A_1619 = arith.constant 0 : i32
    %dma_start3A_1620 = arith.constant 0 : i32
    %dma_start3A_1621 = tpu.memref_slice %arg7[%dma_start3A_1619, %dma_start3A_1620] : memref<2x16384xf32, #tpu.memory_space<vmem>> -> memref<1x16384xf32, #tpu.memory_space<vmem>>
    %dma_start3A_1622 = tpu.memref_squeeze %dma_start3A_1621 : memref<1x16384xf32, #tpu.memory_space<vmem>> -> memref<16384xf32, #tpu.memory_space<vmem>>
    %dma_start3A_1623 = arith.constant 9216 : i32
    %dma_start3A_1624 = tpu.memref_slice %dma_start3A_1622[%dma_start3A_1623] : memref<16384xf32, #tpu.memory_space<vmem>> -> memref<1024xf32, #tpu.memory_space<vmem>>
    %dma_start3A_1625 = tpu.memref_slice %arg4[%multiple_of3A_1618] : memref<26214400xf32, #tpu.memory_space<hbm>> -> memref<1024xf32, #tpu.memory_space<hbm>>
    %dma_start3A_1626 = tpu.memref_slice %arg4[%multiple_of3A_1618] : memref<26214400xf32, #tpu.memory_space<hbm>> -> memref<1024xf32, #tpu.memory_space<hbm>>
    %dma_start3A_1627 = arith.constant 0 : i32
    %dma_start3A_1628 = tpu.memref_slice %arg7[%dma_start3A_1619, %dma_start3A_1627] : memref<2x16384xf32, #tpu.memory_space<vmem>> -> memref<1x16384xf32, #tpu.memory_space<vmem>>
    %dma_start3A_1629 = tpu.memref_squeeze %dma_start3A_1628 : memref<1x16384xf32, #tpu.memory_space<vmem>> -> memref<16384xf32, #tpu.memory_space<vmem>>
    %dma_start3A_1630 = arith.constant 9216 : i32
    %dma_start3A_1631 = tpu.memref_slice %dma_start3A_1629[%dma_start3A_1630] : memref<16384xf32, #tpu.memory_space<vmem>> -> memref<1024xf32, #tpu.memory_space<vmem>>
    tpu.enqueue_dma source(%dma_start3A_1631 : memref<1024xf32, #tpu.memory_space<vmem>>) target(%dma_start3A_1626 : memref<1024xf32, #tpu.memory_space<hbm>>) target_semaphore(%arg10 : memref<!tpu.dma_semaphore, #tpu.memory_space<semaphore_mem>>)
    %mul3A_1632 = arith.constant 4 : i32
    %mul3A_1633 = arith.muli %select_n3A_1583, %mul3A_1632 : i32
    %mul3A_1634 = arith.constant 128 : i32
    %mul3A_1635 = arith.muli %mul3A_1633, %mul3A_1634 : i32
    %add3A_1636 = arith.constant 256 : i32
    %add3A_1637 = arith.addi %mul3A_1635, %add3A_1636 : i32
    %add3A_1638 = arith.addi %add3A_1637, %rem3A_1585 : i32
    %mul3A_1639 = arith.constant 1024 : i32
    %mul3A_1640 = arith.muli %add3A_1638, %mul3A_1639 : i32
    %multiple_of3A_1641 = tpu.assume_multiple %mul3A_1640, 8 : i32
    %dma_start3A_1642 = arith.constant 0 : i32
    %dma_start3A_1643 = arith.constant 0 : i32
    %dma_start3A_1644 = tpu.memref_slice %arg7[%dma_start3A_1642, %dma_start3A_1643] : memref<2x16384xf32, #tpu.memory_space<vmem>> -> memref<1x16384xf32, #tpu.memory_space<vmem>>
    %dma_start3A_1645 = tpu.memref_squeeze %dma_start3A_1644 : memref<1x16384xf32, #tpu.memory_space<vmem>> -> memref<16384xf32, #tpu.memory_space<vmem>>
    %dma_start3A_1646 = arith.constant 10240 : i32
    %dma_start3A_1647 = tpu.memref_slice %dma_start3A_1645[%dma_start3A_1646] : memref<16384xf32, #tpu.memory_space<vmem>> -> memref<1024xf32, #tpu.memory_space<vmem>>
    %dma_start3A_1648 = tpu.memref_slice %arg4[%multiple_of3A_1641] : memref<26214400xf32, #tpu.memory_space<hbm>> -> memref<1024xf32, #tpu.memory_space<hbm>>
    %dma_start3A_1649 = tpu.memref_slice %arg4[%multiple_of3A_1641] : memref<26214400xf32, #tpu.memory_space<hbm>> -> memref<1024xf32, #tpu.memory_space<hbm>>
    %dma_start3A_1650 = arith.constant 0 : i32
    %dma_start3A_1651 = tpu.memref_slice %arg7[%dma_start3A_1642, %dma_start3A_1650] : memref<2x16384xf32, #tpu.memory_space<vmem>> -> memref<1x16384xf32, #tpu.memory_space<vmem>>
    %dma_start3A_1652 = tpu.memref_squeeze %dma_start3A_1651 : memref<1x16384xf32, #tpu.memory_space<vmem>> -> memref<16384xf32, #tpu.memory_space<vmem>>
    %dma_start3A_1653 = arith.constant 10240 : i32
    %dma_start3A_1654 = tpu.memref_slice %dma_start3A_1652[%dma_start3A_1653] : memref<16384xf32, #tpu.memory_space<vmem>> -> memref<1024xf32, #tpu.memory_space<vmem>>
    tpu.enqueue_dma source(%dma_start3A_1654 : memref<1024xf32, #tpu.memory_space<vmem>>) target(%dma_start3A_1649 : memref<1024xf32, #tpu.memory_space<hbm>>) target_semaphore(%arg10 : memref<!tpu.dma_semaphore, #tpu.memory_space<semaphore_mem>>)
    %mul3A_1655 = arith.constant 4 : i32
    %mul3A_1656 = arith.muli %select_n3A_1583, %mul3A_1655 : i32
    %mul3A_1657 = arith.constant 128 : i32
    %mul3A_1658 = arith.muli %mul3A_1656, %mul3A_1657 : i32
    %add3A_1659 = arith.constant 384 : i32
    %add3A_1660 = arith.addi %mul3A_1658, %add3A_1659 : i32
    %add3A_1661 = arith.addi %add3A_1660, %rem3A_1585 : i32
    %mul3A_1662 = arith.constant 1024 : i32
    %mul3A_1663 = arith.muli %add3A_1661, %mul3A_1662 : i32
    %multiple_of3A_1664 = tpu.assume_multiple %mul3A_1663, 8 : i32
    %dma_start3A_1665 = arith.constant 0 : i32
    %dma_start3A_1666 = arith.constant 0 : i32
    %dma_start3A_1667 = tpu.memref_slice %arg7[%dma_start3A_1665, %dma_start3A_1666] : memref<2x16384xf32, #tpu.memory_space<vmem>> -> memref<1x16384xf32, #tpu.memory_space<vmem>>
    %dma_start3A_1668 = tpu.memref_squeeze %dma_start3A_1667 : memref<1x16384xf32, #tpu.memory_space<vmem>> -> memref<16384xf32, #tpu.memory_space<vmem>>
    %dma_start3A_1669 = arith.constant 11264 : i32
    %dma_start3A_1670 = tpu.memref_slice %dma_start3A_1668[%dma_start3A_1669] : memref<16384xf32, #tpu.memory_space<vmem>> -> memref<1024xf32, #tpu.memory_space<vmem>>
    %dma_start3A_1671 = tpu.memref_slice %arg4[%multiple_of3A_1664] : memref<26214400xf32, #tpu.memory_space<hbm>> -> memref<1024xf32, #tpu.memory_space<hbm>>
    %dma_start3A_1672 = tpu.memref_slice %arg4[%multiple_of3A_1664] : memref<26214400xf32, #tpu.memory_space<hbm>> -> memref<1024xf32, #tpu.memory_space<hbm>>
    %dma_start3A_1673 = arith.constant 0 : i32
    %dma_start3A_1674 = tpu.memref_slice %arg7[%dma_start3A_1665, %dma_start3A_1673] : memref<2x16384xf32, #tpu.memory_space<vmem>> -> memref<1x16384xf32, #tpu.memory_space<vmem>>
    %dma_start3A_1675 = tpu.memref_squeeze %dma_start3A_1674 : memref<1x16384xf32, #tpu.memory_space<vmem>> -> memref<16384xf32, #tpu.memory_space<vmem>>
    %dma_start3A_1676 = arith.constant 11264 : i32
    %dma_start3A_1677 = tpu.memref_slice %dma_start3A_1675[%dma_start3A_1676] : memref<16384xf32, #tpu.memory_space<vmem>> -> memref<1024xf32, #tpu.memory_space<vmem>>
    tpu.enqueue_dma source(%dma_start3A_1677 : memref<1024xf32, #tpu.memory_space<vmem>>) target(%dma_start3A_1672 : memref<1024xf32, #tpu.memory_space<hbm>>) target_semaphore(%arg10 : memref<!tpu.dma_semaphore, #tpu.memory_space<semaphore_mem>>)
    %mul3A_1678 = arith.constant 200 : i32
    %mul3A_1679 = arith.muli %add3A, %mul3A_1678 : i32
    %add3A_1680 = arith.constant 192 : i32
    %add3A_1681 = arith.addi %mul3A_1679, %add3A_1680 : i32
    %add3A_1682 = arith.constant 3 : i32
    %add3A_1683 = arith.addi %add3A_1681, %add3A_1682 : i32
    %jit3A_1684 = arith.constant 128 : i32
    %div3A_1685 = arith.divsi %add3A_1683, %jit3A_1684 : i32
    %sign3A_1686 = arith.constant 0 : i32
    %sign3A_1687 = arith.cmpi sgt, %add3A_1683, %sign3A_1686 : i32
    %sign3A_1688 = arith.extui %sign3A_1687 : i1 to i32
    %sign3A_1689 = arith.constant 0 : i32
    %sign3A_1690 = arith.cmpi slt, %add3A_1683, %sign3A_1689 : i32
    %sign3A_1691 = arith.extui %sign3A_1690 : i1 to i32
    %sign3A_1692 = arith.subi %sign3A_1688, %sign3A_1691 : i32
    %sign3A_1693 = arith.constant 0 : i32
    %sign3A_1694 = arith.cmpi sgt, %jit3A_1684, %sign3A_1693 : i32
    %sign3A_1695 = arith.extui %sign3A_1694 : i1 to i32
    %sign3A_1696 = arith.constant 0 : i32
    %sign3A_1697 = arith.cmpi slt, %jit3A_1684, %sign3A_1696 : i32
    %sign3A_1698 = arith.extui %sign3A_1697 : i1 to i32
    %sign3A_1699 = arith.subi %sign3A_1695, %sign3A_1698 : i32
    %ne3A_1700 = arith.cmpi ne, %sign3A_1692, %sign3A_1699 : i32
    %rem3A_1701 = arith.remsi %add3A_1683, %jit3A_1684 : i32
    %ne3A_1702 = arith.constant 0 : i32
    %ne3A_1703 = arith.cmpi ne, %rem3A_1701, %ne3A_1702 : i32
    %and3A_1704 = arith.andi %ne3A_1700, %ne3A_1703 : i1
    %sub3A_1705 = arith.constant 1 : i32
    %sub3A_1706 = arith.subi %div3A_1685, %sub3A_1705 : i32
    %select_n3A_1707 = arith.select %and3A_1704, %sub3A_1706, %div3A_1685 : i32
    %rem3A_1708 = arith.constant 128 : i32
    %rem3A_1709 = arith.remsi %add3A_1683, %rem3A_1708 : i32
    %mul3A_1710 = arith.constant 4 : i32
    %mul3A_1711 = arith.muli %select_n3A_1707, %mul3A_1710 : i32
    %mul3A_1712 = arith.constant 128 : i32
    %mul3A_1713 = arith.muli %mul3A_1711, %mul3A_1712 : i32
    %add3A_1714 = arith.constant 0 : i32
    %add3A_1715 = arith.addi %mul3A_1713, %add3A_1714 : i32
    %add3A_1716 = arith.addi %add3A_1715, %rem3A_1709 : i32
    %mul3A_1717 = arith.constant 1024 : i32
    %mul3A_1718 = arith.muli %add3A_1716, %mul3A_1717 : i32
    %multiple_of3A_1719 = tpu.assume_multiple %mul3A_1718, 8 : i32
    %dma_start3A_1720 = arith.constant 0 : i32
    %dma_start3A_1721 = arith.constant 0 : i32
    %dma_start3A_1722 = tpu.memref_slice %arg7[%dma_start3A_1720, %dma_start3A_1721] : memref<2x16384xf32, #tpu.memory_space<vmem>> -> memref<1x16384xf32, #tpu.memory_space<vmem>>
    %dma_start3A_1723 = tpu.memref_squeeze %dma_start3A_1722 : memref<1x16384xf32, #tpu.memory_space<vmem>> -> memref<16384xf32, #tpu.memory_space<vmem>>
    %dma_start3A_1724 = arith.constant 12288 : i32
    %dma_start3A_1725 = tpu.memref_slice %dma_start3A_1723[%dma_start3A_1724] : memref<16384xf32, #tpu.memory_space<vmem>> -> memref<1024xf32, #tpu.memory_space<vmem>>
    %dma_start3A_1726 = tpu.memref_slice %arg4[%multiple_of3A_1719] : memref<26214400xf32, #tpu.memory_space<hbm>> -> memref<1024xf32, #tpu.memory_space<hbm>>
    %dma_start3A_1727 = tpu.memref_slice %arg4[%multiple_of3A_1719] : memref<26214400xf32, #tpu.memory_space<hbm>> -> memref<1024xf32, #tpu.memory_space<hbm>>
    %dma_start3A_1728 = arith.constant 0 : i32
    %dma_start3A_1729 = tpu.memref_slice %arg7[%dma_start3A_1720, %dma_start3A_1728] : memref<2x16384xf32, #tpu.memory_space<vmem>> -> memref<1x16384xf32, #tpu.memory_space<vmem>>
    %dma_start3A_1730 = tpu.memref_squeeze %dma_start3A_1729 : memref<1x16384xf32, #tpu.memory_space<vmem>> -> memref<16384xf32, #tpu.memory_space<vmem>>
    %dma_start3A_1731 = arith.constant 12288 : i32
    %dma_start3A_1732 = tpu.memref_slice %dma_start3A_1730[%dma_start3A_1731] : memref<16384xf32, #tpu.memory_space<vmem>> -> memref<1024xf32, #tpu.memory_space<vmem>>
    tpu.enqueue_dma source(%dma_start3A_1732 : memref<1024xf32, #tpu.memory_space<vmem>>) target(%dma_start3A_1727 : memref<1024xf32, #tpu.memory_space<hbm>>) target_semaphore(%arg10 : memref<!tpu.dma_semaphore, #tpu.memory_space<semaphore_mem>>)
    %mul3A_1733 = arith.constant 4 : i32
    %mul3A_1734 = arith.muli %select_n3A_1707, %mul3A_1733 : i32
    %mul3A_1735 = arith.constant 128 : i32
    %mul3A_1736 = arith.muli %mul3A_1734, %mul3A_1735 : i32
    %add3A_1737 = arith.constant 128 : i32
    %add3A_1738 = arith.addi %mul3A_1736, %add3A_1737 : i32
    %add3A_1739 = arith.addi %add3A_1738, %rem3A_1709 : i32
    %mul3A_1740 = arith.constant 1024 : i32
    %mul3A_1741 = arith.muli %add3A_1739, %mul3A_1740 : i32
    %multiple_of3A_1742 = tpu.assume_multiple %mul3A_1741, 8 : i32
    %dma_start3A_1743 = arith.constant 0 : i32
    %dma_start3A_1744 = arith.constant 0 : i32
    %dma_start3A_1745 = tpu.memref_slice %arg7[%dma_start3A_1743, %dma_start3A_1744] : memref<2x16384xf32, #tpu.memory_space<vmem>> -> memref<1x16384xf32, #tpu.memory_space<vmem>>
    %dma_start3A_1746 = tpu.memref_squeeze %dma_start3A_1745 : memref<1x16384xf32, #tpu.memory_space<vmem>> -> memref<16384xf32, #tpu.memory_space<vmem>>
    %dma_start3A_1747 = arith.constant 13312 : i32
    %dma_start3A_1748 = tpu.memref_slice %dma_start3A_1746[%dma_start3A_1747] : memref<16384xf32, #tpu.memory_space<vmem>> -> memref<1024xf32, #tpu.memory_space<vmem>>
    %dma_start3A_1749 = tpu.memref_slice %arg4[%multiple_of3A_1742] : memref<26214400xf32, #tpu.memory_space<hbm>> -> memref<1024xf32, #tpu.memory_space<hbm>>
    %dma_start3A_1750 = tpu.memref_slice %arg4[%multiple_of3A_1742] : memref<26214400xf32, #tpu.memory_space<hbm>> -> memref<1024xf32, #tpu.memory_space<hbm>>
    %dma_start3A_1751 = arith.constant 0 : i32
    %dma_start3A_1752 = tpu.memref_slice %arg7[%dma_start3A_1743, %dma_start3A_1751] : memref<2x16384xf32, #tpu.memory_space<vmem>> -> memref<1x16384xf32, #tpu.memory_space<vmem>>
    %dma_start3A_1753 = tpu.memref_squeeze %dma_start3A_1752 : memref<1x16384xf32, #tpu.memory_space<vmem>> -> memref<16384xf32, #tpu.memory_space<vmem>>
    %dma_start3A_1754 = arith.constant 13312 : i32
    %dma_start3A_1755 = tpu.memref_slice %dma_start3A_1753[%dma_start3A_1754] : memref<16384xf32, #tpu.memory_space<vmem>> -> memref<1024xf32, #tpu.memory_space<vmem>>
    tpu.enqueue_dma source(%dma_start3A_1755 : memref<1024xf32, #tpu.memory_space<vmem>>) target(%dma_start3A_1750 : memref<1024xf32, #tpu.memory_space<hbm>>) target_semaphore(%arg10 : memref<!tpu.dma_semaphore, #tpu.memory_space<semaphore_mem>>)
    %mul3A_1756 = arith.constant 4 : i32
    %mul3A_1757 = arith.muli %select_n3A_1707, %mul3A_1756 : i32
    %mul3A_1758 = arith.constant 128 : i32
    %mul3A_1759 = arith.muli %mul3A_1757, %mul3A_1758 : i32
    %add3A_1760 = arith.constant 256 : i32
    %add3A_1761 = arith.addi %mul3A_1759, %add3A_1760 : i32
    %add3A_1762 = arith.addi %add3A_1761, %rem3A_1709 : i32
    %mul3A_1763 = arith.constant 1024 : i32
    %mul3A_1764 = arith.muli %add3A_1762, %mul3A_1763 : i32
    %multiple_of3A_1765 = tpu.assume_multiple %mul3A_1764, 8 : i32
    %dma_start3A_1766 = arith.constant 0 : i32
    %dma_start3A_1767 = arith.constant 0 : i32
    %dma_start3A_1768 = tpu.memref_slice %arg7[%dma_start3A_1766, %dma_start3A_1767] : memref<2x16384xf32, #tpu.memory_space<vmem>> -> memref<1x16384xf32, #tpu.memory_space<vmem>>
    %dma_start3A_1769 = tpu.memref_squeeze %dma_start3A_1768 : memref<1x16384xf32, #tpu.memory_space<vmem>> -> memref<16384xf32, #tpu.memory_space<vmem>>
    %dma_start3A_1770 = arith.constant 14336 : i32
    %dma_start3A_1771 = tpu.memref_slice %dma_start3A_1769[%dma_start3A_1770] : memref<16384xf32, #tpu.memory_space<vmem>> -> memref<1024xf32, #tpu.memory_space<vmem>>
    %dma_start3A_1772 = tpu.memref_slice %arg4[%multiple_of3A_1765] : memref<26214400xf32, #tpu.memory_space<hbm>> -> memref<1024xf32, #tpu.memory_space<hbm>>
    %dma_start3A_1773 = tpu.memref_slice %arg4[%multiple_of3A_1765] : memref<26214400xf32, #tpu.memory_space<hbm>> -> memref<1024xf32, #tpu.memory_space<hbm>>
    %dma_start3A_1774 = arith.constant 0 : i32
    %dma_start3A_1775 = tpu.memref_slice %arg7[%dma_start3A_1766, %dma_start3A_1774] : memref<2x16384xf32, #tpu.memory_space<vmem>> -> memref<1x16384xf32, #tpu.memory_space<vmem>>
    %dma_start3A_1776 = tpu.memref_squeeze %dma_start3A_1775 : memref<1x16384xf32, #tpu.memory_space<vmem>> -> memref<16384xf32, #tpu.memory_space<vmem>>
    %dma_start3A_1777 = arith.constant 14336 : i32
    %dma_start3A_1778 = tpu.memref_slice %dma_start3A_1776[%dma_start3A_1777] : memref<16384xf32, #tpu.memory_space<vmem>> -> memref<1024xf32, #tpu.memory_space<vmem>>
    tpu.enqueue_dma source(%dma_start3A_1778 : memref<1024xf32, #tpu.memory_space<vmem>>) target(%dma_start3A_1773 : memref<1024xf32, #tpu.memory_space<hbm>>) target_semaphore(%arg10 : memref<!tpu.dma_semaphore, #tpu.memory_space<semaphore_mem>>)
    %mul3A_1779 = arith.constant 4 : i32
    %mul3A_1780 = arith.muli %select_n3A_1707, %mul3A_1779 : i32
    %mul3A_1781 = arith.constant 128 : i32
    %mul3A_1782 = arith.muli %mul3A_1780, %mul3A_1781 : i32
    %add3A_1783 = arith.constant 384 : i32
    %add3A_1784 = arith.addi %mul3A_1782, %add3A_1783 : i32
    %add3A_1785 = arith.addi %add3A_1784, %rem3A_1709 : i32
    %mul3A_1786 = arith.constant 1024 : i32
    %mul3A_1787 = arith.muli %add3A_1785, %mul3A_1786 : i32
    %multiple_of3A_1788 = tpu.assume_multiple %mul3A_1787, 8 : i32
    %dma_start3A_1789 = arith.constant 0 : i32
    %dma_start3A_1790 = arith.constant 0 : i32
    %dma_start3A_1791 = tpu.memref_slice %arg7[%dma_start3A_1789, %dma_start3A_1790] : memref<2x16384xf32, #tpu.memory_space<vmem>> -> memref<1x16384xf32, #tpu.memory_space<vmem>>
    %dma_start3A_1792 = tpu.memref_squeeze %dma_start3A_1791 : memref<1x16384xf32, #tpu.memory_space<vmem>> -> memref<16384xf32, #tpu.memory_space<vmem>>
    %dma_start3A_1793 = arith.constant 15360 : i32
    %dma_start3A_1794 = tpu.memref_slice %dma_start3A_1792[%dma_start3A_1793] : memref<16384xf32, #tpu.memory_space<vmem>> -> memref<1024xf32, #tpu.memory_space<vmem>>
    %dma_start3A_1795 = tpu.memref_slice %arg4[%multiple_of3A_1788] : memref<26214400xf32, #tpu.memory_space<hbm>> -> memref<1024xf32, #tpu.memory_space<hbm>>
    %dma_start3A_1796 = tpu.memref_slice %arg4[%multiple_of3A_1788] : memref<26214400xf32, #tpu.memory_space<hbm>> -> memref<1024xf32, #tpu.memory_space<hbm>>
    %dma_start3A_1797 = arith.constant 0 : i32
    %dma_start3A_1798 = tpu.memref_slice %arg7[%dma_start3A_1789, %dma_start3A_1797] : memref<2x16384xf32, #tpu.memory_space<vmem>> -> memref<1x16384xf32, #tpu.memory_space<vmem>>
    %dma_start3A_1799 = tpu.memref_squeeze %dma_start3A_1798 : memref<1x16384xf32, #tpu.memory_space<vmem>> -> memref<16384xf32, #tpu.memory_space<vmem>>
    %dma_start3A_1800 = arith.constant 15360 : i32
    %dma_start3A_1801 = tpu.memref_slice %dma_start3A_1799[%dma_start3A_1800] : memref<16384xf32, #tpu.memory_space<vmem>> -> memref<1024xf32, #tpu.memory_space<vmem>>
    tpu.enqueue_dma source(%dma_start3A_1801 : memref<1024xf32, #tpu.memory_space<vmem>>) target(%dma_start3A_1796 : memref<1024xf32, #tpu.memory_space<hbm>>) target_semaphore(%arg10 : memref<!tpu.dma_semaphore, #tpu.memory_space<semaphore_mem>>)
    %dma_wait3A_1802 = arith.constant 1 : i32
    %dma_wait3A_1803 = arith.constant 0 : i32
    %dma_wait3A_1804 = arith.constant 0 : i32
    %dma_wait3A_1805 = tpu.memref_slice %arg6[%dma_wait3A_1802, %dma_wait3A_1803, %dma_wait3A_1804] : memref<2x512x32xf32, #tpu.memory_space<vmem>> -> memref<1x512x32xf32, #tpu.memory_space<vmem>>
    %dma_wait3A_1806 = tpu.memref_squeeze %dma_wait3A_1805 : memref<1x512x32xf32, #tpu.memory_space<vmem>> -> memref<512x32xf32, #tpu.memory_space<vmem>>
    %dma_wait3A_1807 = arith.constant 0 : i32
    %dma_wait3A_1808 = arith.constant 0 : i32
    %dma_wait3A_1809 = tpu.memref_slice %arg2[%dma_wait3A_1807, %dma_wait3A_1808] : memref<1000000x32xf32, #tpu.memory_space<hbm>> -> memref<512x32xf32, #tpu.memory_space<hbm>>
    %dma_wait3A_1810 = arith.constant 0 : i32
    %dma_wait3A_1811 = arith.constant 0 : i32
    %dma_wait3A_1812 = tpu.memref_slice %arg6[%dma_wait3A_1802, %dma_wait3A_1810, %dma_wait3A_1811] : memref<2x512x32xf32, #tpu.memory_space<vmem>> -> memref<1x512x32xf32, #tpu.memory_space<vmem>>
    %dma_wait3A_1813 = tpu.memref_squeeze %dma_wait3A_1812 : memref<1x512x32xf32, #tpu.memory_space<vmem>> -> memref<512x32xf32, #tpu.memory_space<vmem>>
    %dma_wait3A_1814 = arith.constant 0 : i32
    %dma_wait3A_1815 = arith.constant 0 : i32
    %dma_wait3A_1816 = tpu.memref_slice %arg2[%dma_wait3A_1814, %dma_wait3A_1815] : memref<1000000x32xf32, #tpu.memory_space<hbm>> -> memref<512x32xf32, #tpu.memory_space<hbm>>
    tpu.wait_dma2 semaphore(%arg9 : memref<!tpu.dma_semaphore, #tpu.memory_space<semaphore_mem>>) src(%dma_wait3A_1816 : memref<512x32xf32, #tpu.memory_space<hbm>>) dst(%dma_wait3A_1813 : memref<512x32xf32, #tpu.memory_space<vmem>>)
    %dma_wait3A_1817 = arith.constant 1 : i32
    %dma_wait3A_1818 = arith.constant 0 : i32
    %dma_wait3A_1819 = tpu.memref_slice %arg7[%dma_wait3A_1817, %dma_wait3A_1818] : memref<2x16384xf32, #tpu.memory_space<vmem>> -> memref<1x16384xf32, #tpu.memory_space<vmem>>
    %dma_wait3A_1820 = tpu.memref_squeeze %dma_wait3A_1819 : memref<1x16384xf32, #tpu.memory_space<vmem>> -> memref<16384xf32, #tpu.memory_space<vmem>>
    %dma_wait3A_1821 = arith.constant 0 : i32
    %dma_wait3A_1822 = tpu.memref_slice %arg4[%dma_wait3A_1821] : memref<26214400xf32, #tpu.memory_space<hbm>> -> memref<16384xf32, #tpu.memory_space<hbm>>
    %dma_wait3A_1823 = arith.constant 0 : i32
    %dma_wait3A_1824 = tpu.memref_slice %arg7[%dma_wait3A_1817, %dma_wait3A_1823] : memref<2x16384xf32, #tpu.memory_space<vmem>> -> memref<1x16384xf32, #tpu.memory_space<vmem>>
    %dma_wait3A_1825 = tpu.memref_squeeze %dma_wait3A_1824 : memref<1x16384xf32, #tpu.memory_space<vmem>> -> memref<16384xf32, #tpu.memory_space<vmem>>
    %dma_wait3A_1826 = arith.constant 0 : i32
    %dma_wait3A_1827 = tpu.memref_slice %arg4[%dma_wait3A_1826] : memref<26214400xf32, #tpu.memory_space<hbm>> -> memref<16384xf32, #tpu.memory_space<hbm>>
    tpu.wait_dma2 semaphore(%arg11 : memref<!tpu.dma_semaphore, #tpu.memory_space<semaphore_mem>>) src(%dma_wait3A_1827 : memref<16384xf32, #tpu.memory_space<hbm>>) dst(%dma_wait3A_1825 : memref<16384xf32, #tpu.memory_space<vmem>>)
    %mul3A_1828 = arith.constant 128 : i32
    %mul3A_1829 = vector.broadcast %mul3A_1828 : i32 to vector<16xi32>
    %mul3A_1830 = arith.muli %iota3A, %mul3A_1829 : vector<16xi32>
    %parallel_loop3A_1831 = arith.constant 0 : i32
    %parallel_loop3A_1832 = arith.constant 512 : i32
    %parallel_loop3A_1833 = arith.constant 1 : i32
    %parallel_loop3A_1834 = arith.constant 1 : i32
    scf.for %parallel_loop3A_2353 = %parallel_loop3A_1831 to %parallel_loop3A_1832 step %parallel_loop3A_1833  : i32 {
      %parallel_loop3A_2354 = arith.constant 128 : i32
      %parallel_loop3A_2355 = arith.divsi %parallel_loop3A_2353, %parallel_loop3A_2354 : i32
      %parallel_loop3A_2356 = arith.constant 0 : i32
      %parallel_loop3A_2357 = arith.cmpi sgt, %parallel_loop3A_2353, %parallel_loop3A_2356 : i32
      %parallel_loop3A_2358 = arith.extui %parallel_loop3A_2357 : i1 to i32
      %parallel_loop3A_2359 = arith.constant 0 : i32
      %parallel_loop3A_2360 = arith.cmpi slt, %parallel_loop3A_2353, %parallel_loop3A_2359 : i32
      %parallel_loop3A_2361 = arith.extui %parallel_loop3A_2360 : i1 to i32
      %parallel_loop3A_2362 = arith.subi %parallel_loop3A_2358, %parallel_loop3A_2361 : i32
      %parallel_loop3A_2363 = arith.constant 0 : i32
      %parallel_loop3A_2364 = arith.cmpi sgt, %parallel_loop3A_2354, %parallel_loop3A_2363 : i32
      %parallel_loop3A_2365 = arith.extui %parallel_loop3A_2364 : i1 to i32
      %parallel_loop3A_2366 = arith.constant 0 : i32
      %parallel_loop3A_2367 = arith.cmpi slt, %parallel_loop3A_2354, %parallel_loop3A_2366 : i32
      %parallel_loop3A_2368 = arith.extui %parallel_loop3A_2367 : i1 to i32
      %parallel_loop3A_2369 = arith.subi %parallel_loop3A_2365, %parallel_loop3A_2368 : i32
      %parallel_loop3A_2370 = arith.cmpi ne, %parallel_loop3A_2362, %parallel_loop3A_2369 : i32
      %parallel_loop3A_2371 = arith.remsi %parallel_loop3A_2353, %parallel_loop3A_2354 : i32
      %parallel_loop3A_2372 = arith.constant 0 : i32
      %parallel_loop3A_2373 = arith.cmpi ne, %parallel_loop3A_2371, %parallel_loop3A_2372 : i32
      %parallel_loop3A_2374 = arith.andi %parallel_loop3A_2370, %parallel_loop3A_2373 : i1
      %parallel_loop3A_2375 = arith.constant 1 : i32
      %parallel_loop3A_2376 = arith.subi %parallel_loop3A_2355, %parallel_loop3A_2375 : i32
      %parallel_loop3A_2377 = arith.select %parallel_loop3A_2374, %parallel_loop3A_2376, %parallel_loop3A_2355 : i32
      %parallel_loop3A_2378 = arith.constant 1 : i32
      %parallel_loop3A_2379 = arith.index_cast %parallel_loop3A_2378 : i32 to index
      %parallel_loop3A_2380 = arith.index_cast %parallel_loop3A_2353 : i32 to index
      %parallel_loop3A_2381 = arith.constant 0 : index
      %parallel_loop3A_2382 = tpu.vector_load %arg6[%parallel_loop3A_2379, %parallel_loop3A_2380, %parallel_loop3A_2381] {strides = array<i32>} : memref<2x512x32xf32, #tpu.memory_space<vmem>>, vector<16xf32>,
      %parallel_loop3A_2383 = arith.constant 1 : i32
      %parallel_loop3A_2384 = arith.index_cast %parallel_loop3A_2383 : i32 to index
      %parallel_loop3A_2385 = arith.index_cast %parallel_loop3A_2353 : i32 to index
      %parallel_loop3A_2386 = arith.constant 16 : index
      %parallel_loop3A_2387 = tpu.vector_load %arg6[%parallel_loop3A_2384, %parallel_loop3A_2385, %parallel_loop3A_2386] {strides = array<i32>} : memref<2x512x32xf32, #tpu.memory_space<vmem>>, vector<16xf32>,
      %parallel_loop3A_2388 = arith.constant 3968 : i32
      %parallel_loop3A_2389 = arith.muli %parallel_loop3A_2377, %parallel_loop3A_2388 : i32
      %parallel_loop3A_2390 = arith.addi %parallel_loop3A_2353, %parallel_loop3A_2389 : i32
      %parallel_loop3A_2391 = vector.broadcast %parallel_loop3A_2390 : i32 to vector<16xi32>
      %parallel_loop3A_2392 = arith.addi %mul3A_1830, %parallel_loop3A_2391 : vector<16xi32>
      %parallel_loop3A_2393 = arith.constant 0 : i32
      %parallel_loop3A_2394 = tpu.memref_slice %arg7[%parallel_loop3A_1834, %parallel_loop3A_2393] : memref<2x16384xf32, #tpu.memory_space<vmem>> -> memref<1x16384xf32, #tpu.memory_space<vmem>>
      %parallel_loop3A_2395 = tpu.memref_squeeze %parallel_loop3A_2394 : memref<1x16384xf32, #tpu.memory_space<vmem>> -> memref<16384xf32, #tpu.memory_space<vmem>>
      tpu.vector_store_idx %parallel_loop3A_2395[%parallel_loop3A_2392], %parallel_loop3A_2382 : memref<16384xf32, #tpu.memory_space<vmem>>[vector<16xi32>], vector<16xf32>,
      %parallel_loop3A_2396 = arith.constant 2048 : i32
      %parallel_loop3A_2397 = vector.broadcast %parallel_loop3A_2396 : i32 to vector<16xi32>
      %parallel_loop3A_2398 = arith.addi %parallel_loop3A_2392, %parallel_loop3A_2397 : vector<16xi32>
      %parallel_loop3A_2399 = arith.constant 0 : i32
      %parallel_loop3A_2400 = tpu.memref_slice %arg7[%parallel_loop3A_1834, %parallel_loop3A_2399] : memref<2x16384xf32, #tpu.memory_space<vmem>> -> memref<1x16384xf32, #tpu.memory_space<vmem>>
      %parallel_loop3A_2401 = tpu.memref_squeeze %parallel_loop3A_2400 : memref<1x16384xf32, #tpu.memory_space<vmem>> -> memref<16384xf32, #tpu.memory_space<vmem>>
      tpu.vector_store_idx %parallel_loop3A_2401[%parallel_loop3A_2398], %parallel_loop3A_2387 : memref<16384xf32, #tpu.memory_space<vmem>>[vector<16xi32>], vector<16xf32>,
    } {sc.loop_unroll_factor = 16 : i64, sc.parallel_access}
    %mul3A_1835 = arith.constant 200 : i32
    %mul3A_1836 = arith.muli %add3A, %mul3A_1835 : i32
    %add3A_1837 = arith.constant 196 : i32
    %add3A_1838 = arith.addi %mul3A_1836, %add3A_1837 : i32
    %add3A_1839 = arith.constant 0 : i32
    %add3A_1840 = arith.addi %add3A_1838, %add3A_1839 : i32
    %jit3A_1841 = arith.constant 128 : i32
    %div3A_1842 = arith.divsi %add3A_1840, %jit3A_1841 : i32
    %sign3A_1843 = arith.constant 0 : i32
    %sign3A_1844 = arith.cmpi sgt, %add3A_1840, %sign3A_1843 : i32
    %sign3A_1845 = arith.extui %sign3A_1844 : i1 to i32
    %sign3A_1846 = arith.constant 0 : i32
    %sign3A_1847 = arith.cmpi slt, %add3A_1840, %sign3A_1846 : i32
    %sign3A_1848 = arith.extui %sign3A_1847 : i1 to i32
    %sign3A_1849 = arith.subi %sign3A_1845, %sign3A_1848 : i32
    %sign3A_1850 = arith.constant 0 : i32
    %sign3A_1851 = arith.cmpi sgt, %jit3A_1841, %sign3A_1850 : i32
    %sign3A_1852 = arith.extui %sign3A_1851 : i1 to i32
    %sign3A_1853 = arith.constant 0 : i32
    %sign3A_1854 = arith.cmpi slt, %jit3A_1841, %sign3A_1853 : i32
    %sign3A_1855 = arith.extui %sign3A_1854 : i1 to i32
    %sign3A_1856 = arith.subi %sign3A_1852, %sign3A_1855 : i32
    %ne3A_1857 = arith.cmpi ne, %sign3A_1849, %sign3A_1856 : i32
    %rem3A_1858 = arith.remsi %add3A_1840, %jit3A_1841 : i32
    %ne3A_1859 = arith.constant 0 : i32
    %ne3A_1860 = arith.cmpi ne, %rem3A_1858, %ne3A_1859 : i32
    %and3A_1861 = arith.andi %ne3A_1857, %ne3A_1860 : i1
    %sub3A_1862 = arith.constant 1 : i32
    %sub3A_1863 = arith.subi %div3A_1842, %sub3A_1862 : i32
    %select_n3A_1864 = arith.select %and3A_1861, %sub3A_1863, %div3A_1842 : i32
    %rem3A_1865 = arith.constant 128 : i32
    %rem3A_1866 = arith.remsi %add3A_1840, %rem3A_1865 : i32
    %mul3A_1867 = arith.constant 4 : i32
    %mul3A_1868 = arith.muli %select_n3A_1864, %mul3A_1867 : i32
    %mul3A_1869 = arith.constant 128 : i32
    %mul3A_1870 = arith.muli %mul3A_1868, %mul3A_1869 : i32
    %add3A_1871 = arith.constant 0 : i32
    %add3A_1872 = arith.addi %mul3A_1870, %add3A_1871 : i32
    %add3A_1873 = arith.addi %add3A_1872, %rem3A_1866 : i32
    %mul3A_1874 = arith.constant 1024 : i32
    %mul3A_1875 = arith.muli %add3A_1873, %mul3A_1874 : i32
    %multiple_of3A_1876 = tpu.assume_multiple %mul3A_1875, 8 : i32
    %dma_start3A_1877 = arith.constant 1 : i32
    %dma_start3A_1878 = arith.constant 0 : i32
    %dma_start3A_1879 = tpu.memref_slice %arg7[%dma_start3A_1877, %dma_start3A_1878] : memref<2x16384xf32, #tpu.memory_space<vmem>> -> memref<1x16384xf32, #tpu.memory_space<vmem>>
    %dma_start3A_1880 = tpu.memref_squeeze %dma_start3A_1879 : memref<1x16384xf32, #tpu.memory_space<vmem>> -> memref<16384xf32, #tpu.memory_space<vmem>>
    %dma_start3A_1881 = arith.constant 0 : i32
    %dma_start3A_1882 = tpu.memref_slice %dma_start3A_1880[%dma_start3A_1881] : memref<16384xf32, #tpu.memory_space<vmem>> -> memref<1024xf32, #tpu.memory_space<vmem>>
    %dma_start3A_1883 = tpu.memref_slice %arg4[%multiple_of3A_1876] : memref<26214400xf32, #tpu.memory_space<hbm>> -> memref<1024xf32, #tpu.memory_space<hbm>>
    %dma_start3A_1884 = tpu.memref_slice %arg4[%multiple_of3A_1876] : memref<26214400xf32, #tpu.memory_space<hbm>> -> memref<1024xf32, #tpu.memory_space<hbm>>
    %dma_start3A_1885 = arith.constant 0 : i32
    %dma_start3A_1886 = tpu.memref_slice %arg7[%dma_start3A_1877, %dma_start3A_1885] : memref<2x16384xf32, #tpu.memory_space<vmem>> -> memref<1x16384xf32, #tpu.memory_space<vmem>>
    %dma_start3A_1887 = tpu.memref_squeeze %dma_start3A_1886 : memref<1x16384xf32, #tpu.memory_space<vmem>> -> memref<16384xf32, #tpu.memory_space<vmem>>
    %dma_start3A_1888 = arith.constant 0 : i32
    %dma_start3A_1889 = tpu.memref_slice %dma_start3A_1887[%dma_start3A_1888] : memref<16384xf32, #tpu.memory_space<vmem>> -> memref<1024xf32, #tpu.memory_space<vmem>>
    tpu.enqueue_dma source(%dma_start3A_1889 : memref<1024xf32, #tpu.memory_space<vmem>>) target(%dma_start3A_1884 : memref<1024xf32, #tpu.memory_space<hbm>>) target_semaphore(%arg11 : memref<!tpu.dma_semaphore, #tpu.memory_space<semaphore_mem>>)
    %mul3A_1890 = arith.constant 4 : i32
    %mul3A_1891 = arith.muli %select_n3A_1864, %mul3A_1890 : i32
    %mul3A_1892 = arith.constant 128 : i32
    %mul3A_1893 = arith.muli %mul3A_1891, %mul3A_1892 : i32
    %add3A_1894 = arith.constant 128 : i32
    %add3A_1895 = arith.addi %mul3A_1893, %add3A_1894 : i32
    %add3A_1896 = arith.addi %add3A_1895, %rem3A_1866 : i32
    %mul3A_1897 = arith.constant 1024 : i32
    %mul3A_1898 = arith.muli %add3A_1896, %mul3A_1897 : i32
    %multiple_of3A_1899 = tpu.assume_multiple %mul3A_1898, 8 : i32
    %dma_start3A_1900 = arith.constant 1 : i32
    %dma_start3A_1901 = arith.constant 0 : i32
    %dma_start3A_1902 = tpu.memref_slice %arg7[%dma_start3A_1900, %dma_start3A_1901] : memref<2x16384xf32, #tpu.memory_space<vmem>> -> memref<1x16384xf32, #tpu.memory_space<vmem>>
    %dma_start3A_1903 = tpu.memref_squeeze %dma_start3A_1902 : memref<1x16384xf32, #tpu.memory_space<vmem>> -> memref<16384xf32, #tpu.memory_space<vmem>>
    %dma_start3A_1904 = arith.constant 1024 : i32
    %dma_start3A_1905 = tpu.memref_slice %dma_start3A_1903[%dma_start3A_1904] : memref<16384xf32, #tpu.memory_space<vmem>> -> memref<1024xf32, #tpu.memory_space<vmem>>
    %dma_start3A_1906 = tpu.memref_slice %arg4[%multiple_of3A_1899] : memref<26214400xf32, #tpu.memory_space<hbm>> -> memref<1024xf32, #tpu.memory_space<hbm>>
    %dma_start3A_1907 = tpu.memref_slice %arg4[%multiple_of3A_1899] : memref<26214400xf32, #tpu.memory_space<hbm>> -> memref<1024xf32, #tpu.memory_space<hbm>>
    %dma_start3A_1908 = arith.constant 0 : i32
    %dma_start3A_1909 = tpu.memref_slice %arg7[%dma_start3A_1900, %dma_start3A_1908] : memref<2x16384xf32, #tpu.memory_space<vmem>> -> memref<1x16384xf32, #tpu.memory_space<vmem>>
    %dma_start3A_1910 = tpu.memref_squeeze %dma_start3A_1909 : memref<1x16384xf32, #tpu.memory_space<vmem>> -> memref<16384xf32, #tpu.memory_space<vmem>>
    %dma_start3A_1911 = arith.constant 1024 : i32
    %dma_start3A_1912 = tpu.memref_slice %dma_start3A_1910[%dma_start3A_1911] : memref<16384xf32, #tpu.memory_space<vmem>> -> memref<1024xf32, #tpu.memory_space<vmem>>
    tpu.enqueue_dma source(%dma_start3A_1912 : memref<1024xf32, #tpu.memory_space<vmem>>) target(%dma_start3A_1907 : memref<1024xf32, #tpu.memory_space<hbm>>) target_semaphore(%arg11 : memref<!tpu.dma_semaphore, #tpu.memory_space<semaphore_mem>>)
    %mul3A_1913 = arith.constant 4 : i32
    %mul3A_1914 = arith.muli %select_n3A_1864, %mul3A_1913 : i32
    %mul3A_1915 = arith.constant 128 : i32
    %mul3A_1916 = arith.muli %mul3A_1914, %mul3A_1915 : i32
    %add3A_1917 = arith.constant 256 : i32
    %add3A_1918 = arith.addi %mul3A_1916, %add3A_1917 : i32
    %add3A_1919 = arith.addi %add3A_1918, %rem3A_1866 : i32
    %mul3A_1920 = arith.constant 1024 : i32
    %mul3A_1921 = arith.muli %add3A_1919, %mul3A_1920 : i32
    %multiple_of3A_1922 = tpu.assume_multiple %mul3A_1921, 8 : i32
    %dma_start3A_1923 = arith.constant 1 : i32
    %dma_start3A_1924 = arith.constant 0 : i32
    %dma_start3A_1925 = tpu.memref_slice %arg7[%dma_start3A_1923, %dma_start3A_1924] : memref<2x16384xf32, #tpu.memory_space<vmem>> -> memref<1x16384xf32, #tpu.memory_space<vmem>>
    %dma_start3A_1926 = tpu.memref_squeeze %dma_start3A_1925 : memref<1x16384xf32, #tpu.memory_space<vmem>> -> memref<16384xf32, #tpu.memory_space<vmem>>
    %dma_start3A_1927 = arith.constant 2048 : i32
    %dma_start3A_1928 = tpu.memref_slice %dma_start3A_1926[%dma_start3A_1927] : memref<16384xf32, #tpu.memory_space<vmem>> -> memref<1024xf32, #tpu.memory_space<vmem>>
    %dma_start3A_1929 = tpu.memref_slice %arg4[%multiple_of3A_1922] : memref<26214400xf32, #tpu.memory_space<hbm>> -> memref<1024xf32, #tpu.memory_space<hbm>>
    %dma_start3A_1930 = tpu.memref_slice %arg4[%multiple_of3A_1922] : memref<26214400xf32, #tpu.memory_space<hbm>> -> memref<1024xf32, #tpu.memory_space<hbm>>
    %dma_start3A_1931 = arith.constant 0 : i32
    %dma_start3A_1932 = tpu.memref_slice %arg7[%dma_start3A_1923, %dma_start3A_1931] : memref<2x16384xf32, #tpu.memory_space<vmem>> -> memref<1x16384xf32, #tpu.memory_space<vmem>>
    %dma_start3A_1933 = tpu.memref_squeeze %dma_start3A_1932 : memref<1x16384xf32, #tpu.memory_space<vmem>> -> memref<16384xf32, #tpu.memory_space<vmem>>
    %dma_start3A_1934 = arith.constant 2048 : i32
    %dma_start3A_1935 = tpu.memref_slice %dma_start3A_1933[%dma_start3A_1934] : memref<16384xf32, #tpu.memory_space<vmem>> -> memref<1024xf32, #tpu.memory_space<vmem>>
    tpu.enqueue_dma source(%dma_start3A_1935 : memref<1024xf32, #tpu.memory_space<vmem>>) target(%dma_start3A_1930 : memref<1024xf32, #tpu.memory_space<hbm>>) target_semaphore(%arg11 : memref<!tpu.dma_semaphore, #tpu.memory_space<semaphore_mem>>)
    %mul3A_1936 = arith.constant 4 : i32
    %mul3A_1937 = arith.muli %select_n3A_1864, %mul3A_1936 : i32
    %mul3A_1938 = arith.constant 128 : i32
    %mul3A_1939 = arith.muli %mul3A_1937, %mul3A_1938 : i32
    %add3A_1940 = arith.constant 384 : i32
    %add3A_1941 = arith.addi %mul3A_1939, %add3A_1940 : i32
    %add3A_1942 = arith.addi %add3A_1941, %rem3A_1866 : i32
    %mul3A_1943 = arith.constant 1024 : i32
    %mul3A_1944 = arith.muli %add3A_1942, %mul3A_1943 : i32
    %multiple_of3A_1945 = tpu.assume_multiple %mul3A_1944, 8 : i32
    %dma_start3A_1946 = arith.constant 1 : i32
    %dma_start3A_1947 = arith.constant 0 : i32
    %dma_start3A_1948 = tpu.memref_slice %arg7[%dma_start3A_1946, %dma_start3A_1947] : memref<2x16384xf32, #tpu.memory_space<vmem>> -> memref<1x16384xf32, #tpu.memory_space<vmem>>
    %dma_start3A_1949 = tpu.memref_squeeze %dma_start3A_1948 : memref<1x16384xf32, #tpu.memory_space<vmem>> -> memref<16384xf32, #tpu.memory_space<vmem>>
    %dma_start3A_1950 = arith.constant 3072 : i32
    %dma_start3A_1951 = tpu.memref_slice %dma_start3A_1949[%dma_start3A_1950] : memref<16384xf32, #tpu.memory_space<vmem>> -> memref<1024xf32, #tpu.memory_space<vmem>>
    %dma_start3A_1952 = tpu.memref_slice %arg4[%multiple_of3A_1945] : memref<26214400xf32, #tpu.memory_space<hbm>> -> memref<1024xf32, #tpu.memory_space<hbm>>
    %dma_start3A_1953 = tpu.memref_slice %arg4[%multiple_of3A_1945] : memref<26214400xf32, #tpu.memory_space<hbm>> -> memref<1024xf32, #tpu.memory_space<hbm>>
    %dma_start3A_1954 = arith.constant 0 : i32
    %dma_start3A_1955 = tpu.memref_slice %arg7[%dma_start3A_1946, %dma_start3A_1954] : memref<2x16384xf32, #tpu.memory_space<vmem>> -> memref<1x16384xf32, #tpu.memory_space<vmem>>
    %dma_start3A_1956 = tpu.memref_squeeze %dma_start3A_1955 : memref<1x16384xf32, #tpu.memory_space<vmem>> -> memref<16384xf32, #tpu.memory_space<vmem>>
    %dma_start3A_1957 = arith.constant 3072 : i32
    %dma_start3A_1958 = tpu.memref_slice %dma_start3A_1956[%dma_start3A_1957] : memref<16384xf32, #tpu.memory_space<vmem>> -> memref<1024xf32, #tpu.memory_space<vmem>>
    tpu.enqueue_dma source(%dma_start3A_1958 : memref<1024xf32, #tpu.memory_space<vmem>>) target(%dma_start3A_1953 : memref<1024xf32, #tpu.memory_space<hbm>>) target_semaphore(%arg11 : memref<!tpu.dma_semaphore, #tpu.memory_space<semaphore_mem>>)
    %mul3A_1959 = arith.constant 200 : i32
    %mul3A_1960 = arith.muli %add3A, %mul3A_1959 : i32
    %add3A_1961 = arith.constant 196 : i32
    %add3A_1962 = arith.addi %mul3A_1960, %add3A_1961 : i32
    %add3A_1963 = arith.constant 1 : i32
    %add3A_1964 = arith.addi %add3A_1962, %add3A_1963 : i32
    %jit3A_1965 = arith.constant 128 : i32
    %div3A_1966 = arith.divsi %add3A_1964, %jit3A_1965 : i32
    %sign3A_1967 = arith.constant 0 : i32
    %sign3A_1968 = arith.cmpi sgt, %add3A_1964, %sign3A_1967 : i32
    %sign3A_1969 = arith.extui %sign3A_1968 : i1 to i32
    %sign3A_1970 = arith.constant 0 : i32
    %sign3A_1971 = arith.cmpi slt, %add3A_1964, %sign3A_1970 : i32
    %sign3A_1972 = arith.extui %sign3A_1971 : i1 to i32
    %sign3A_1973 = arith.subi %sign3A_1969, %sign3A_1972 : i32
    %sign3A_1974 = arith.constant 0 : i32
    %sign3A_1975 = arith.cmpi sgt, %jit3A_1965, %sign3A_1974 : i32
    %sign3A_1976 = arith.extui %sign3A_1975 : i1 to i32
    %sign3A_1977 = arith.constant 0 : i32
    %sign3A_1978 = arith.cmpi slt, %jit3A_1965, %sign3A_1977 : i32
    %sign3A_1979 = arith.extui %sign3A_1978 : i1 to i32
    %sign3A_1980 = arith.subi %sign3A_1976, %sign3A_1979 : i32
    %ne3A_1981 = arith.cmpi ne, %sign3A_1973, %sign3A_1980 : i32
    %rem3A_1982 = arith.remsi %add3A_1964, %jit3A_1965 : i32
    %ne3A_1983 = arith.constant 0 : i32
    %ne3A_1984 = arith.cmpi ne, %rem3A_1982, %ne3A_1983 : i32
    %and3A_1985 = arith.andi %ne3A_1981, %ne3A_1984 : i1
    %sub3A_1986 = arith.constant 1 : i32
    %sub3A_1987 = arith.subi %div3A_1966, %sub3A_1986 : i32
    %select_n3A_1988 = arith.select %and3A_1985, %sub3A_1987, %div3A_1966 : i32
    %rem3A_1989 = arith.constant 128 : i32
    %rem3A_1990 = arith.remsi %add3A_1964, %rem3A_1989 : i32
    %mul3A_1991 = arith.constant 4 : i32
    %mul3A_1992 = arith.muli %select_n3A_1988, %mul3A_1991 : i32
    %mul3A_1993 = arith.constant 128 : i32
    %mul3A_1994 = arith.muli %mul3A_1992, %mul3A_1993 : i32
    %add3A_1995 = arith.constant 0 : i32
    %add3A_1996 = arith.addi %mul3A_1994, %add3A_1995 : i32
    %add3A_1997 = arith.addi %add3A_1996, %rem3A_1990 : i32
    %mul3A_1998 = arith.constant 1024 : i32
    %mul3A_1999 = arith.muli %add3A_1997, %mul3A_1998 : i32
    %multiple_of3A_2000 = tpu.assume_multiple %mul3A_1999, 8 : i32
    %dma_start3A_2001 = arith.constant 1 : i32
    %dma_start3A_2002 = arith.constant 0 : i32
    %dma_start3A_2003 = tpu.memref_slice %arg7[%dma_start3A_2001, %dma_start3A_2002] : memref<2x16384xf32, #tpu.memory_space<vmem>> -> memref<1x16384xf32, #tpu.memory_space<vmem>>
    %dma_start3A_2004 = tpu.memref_squeeze %dma_start3A_2003 : memref<1x16384xf32, #tpu.memory_space<vmem>> -> memref<16384xf32, #tpu.memory_space<vmem>>
    %dma_start3A_2005 = arith.constant 4096 : i32
    %dma_start3A_2006 = tpu.memref_slice %dma_start3A_2004[%dma_start3A_2005] : memref<16384xf32, #tpu.memory_space<vmem>> -> memref<1024xf32, #tpu.memory_space<vmem>>
    %dma_start3A_2007 = tpu.memref_slice %arg4[%multiple_of3A_2000] : memref<26214400xf32, #tpu.memory_space<hbm>> -> memref<1024xf32, #tpu.memory_space<hbm>>
    %dma_start3A_2008 = tpu.memref_slice %arg4[%multiple_of3A_2000] : memref<26214400xf32, #tpu.memory_space<hbm>> -> memref<1024xf32, #tpu.memory_space<hbm>>
    %dma_start3A_2009 = arith.constant 0 : i32
    %dma_start3A_2010 = tpu.memref_slice %arg7[%dma_start3A_2001, %dma_start3A_2009] : memref<2x16384xf32, #tpu.memory_space<vmem>> -> memref<1x16384xf32, #tpu.memory_space<vmem>>
    %dma_start3A_2011 = tpu.memref_squeeze %dma_start3A_2010 : memref<1x16384xf32, #tpu.memory_space<vmem>> -> memref<16384xf32, #tpu.memory_space<vmem>>
    %dma_start3A_2012 = arith.constant 4096 : i32
    %dma_start3A_2013 = tpu.memref_slice %dma_start3A_2011[%dma_start3A_2012] : memref<16384xf32, #tpu.memory_space<vmem>> -> memref<1024xf32, #tpu.memory_space<vmem>>
    tpu.enqueue_dma source(%dma_start3A_2013 : memref<1024xf32, #tpu.memory_space<vmem>>) target(%dma_start3A_2008 : memref<1024xf32, #tpu.memory_space<hbm>>) target_semaphore(%arg11 : memref<!tpu.dma_semaphore, #tpu.memory_space<semaphore_mem>>)
    %mul3A_2014 = arith.constant 4 : i32
    %mul3A_2015 = arith.muli %select_n3A_1988, %mul3A_2014 : i32
    %mul3A_2016 = arith.constant 128 : i32
    %mul3A_2017 = arith.muli %mul3A_2015, %mul3A_2016 : i32
    %add3A_2018 = arith.constant 128 : i32
    %add3A_2019 = arith.addi %mul3A_2017, %add3A_2018 : i32
    %add3A_2020 = arith.addi %add3A_2019, %rem3A_1990 : i32
    %mul3A_2021 = arith.constant 1024 : i32
    %mul3A_2022 = arith.muli %add3A_2020, %mul3A_2021 : i32
    %multiple_of3A_2023 = tpu.assume_multiple %mul3A_2022, 8 : i32
    %dma_start3A_2024 = arith.constant 1 : i32
    %dma_start3A_2025 = arith.constant 0 : i32
    %dma_start3A_2026 = tpu.memref_slice %arg7[%dma_start3A_2024, %dma_start3A_2025] : memref<2x16384xf32, #tpu.memory_space<vmem>> -> memref<1x16384xf32, #tpu.memory_space<vmem>>
    %dma_start3A_2027 = tpu.memref_squeeze %dma_start3A_2026 : memref<1x16384xf32, #tpu.memory_space<vmem>> -> memref<16384xf32, #tpu.memory_space<vmem>>
    %dma_start3A_2028 = arith.constant 5120 : i32
    %dma_start3A_2029 = tpu.memref_slice %dma_start3A_2027[%dma_start3A_2028] : memref<16384xf32, #tpu.memory_space<vmem>> -> memref<1024xf32, #tpu.memory_space<vmem>>
    %dma_start3A_2030 = tpu.memref_slice %arg4[%multiple_of3A_2023] : memref<26214400xf32, #tpu.memory_space<hbm>> -> memref<1024xf32, #tpu.memory_space<hbm>>
    %dma_start3A_2031 = tpu.memref_slice %arg4[%multiple_of3A_2023] : memref<26214400xf32, #tpu.memory_space<hbm>> -> memref<1024xf32, #tpu.memory_space<hbm>>
    %dma_start3A_2032 = arith.constant 0 : i32
    %dma_start3A_2033 = tpu.memref_slice %arg7[%dma_start3A_2024, %dma_start3A_2032] : memref<2x16384xf32, #tpu.memory_space<vmem>> -> memref<1x16384xf32, #tpu.memory_space<vmem>>
    %dma_start3A_2034 = tpu.memref_squeeze %dma_start3A_2033 : memref<1x16384xf32, #tpu.memory_space<vmem>> -> memref<16384xf32, #tpu.memory_space<vmem>>
    %dma_start3A_2035 = arith.constant 5120 : i32
    %dma_start3A_2036 = tpu.memref_slice %dma_start3A_2034[%dma_start3A_2035] : memref<16384xf32, #tpu.memory_space<vmem>> -> memref<1024xf32, #tpu.memory_space<vmem>>
    tpu.enqueue_dma source(%dma_start3A_2036 : memref<1024xf32, #tpu.memory_space<vmem>>) target(%dma_start3A_2031 : memref<1024xf32, #tpu.memory_space<hbm>>) target_semaphore(%arg11 : memref<!tpu.dma_semaphore, #tpu.memory_space<semaphore_mem>>)
    %mul3A_2037 = arith.constant 4 : i32
    %mul3A_2038 = arith.muli %select_n3A_1988, %mul3A_2037 : i32
    %mul3A_2039 = arith.constant 128 : i32
    %mul3A_2040 = arith.muli %mul3A_2038, %mul3A_2039 : i32
    %add3A_2041 = arith.constant 256 : i32
    %add3A_2042 = arith.addi %mul3A_2040, %add3A_2041 : i32
    %add3A_2043 = arith.addi %add3A_2042, %rem3A_1990 : i32
    %mul3A_2044 = arith.constant 1024 : i32
    %mul3A_2045 = arith.muli %add3A_2043, %mul3A_2044 : i32
    %multiple_of3A_2046 = tpu.assume_multiple %mul3A_2045, 8 : i32
    %dma_start3A_2047 = arith.constant 1 : i32
    %dma_start3A_2048 = arith.constant 0 : i32
    %dma_start3A_2049 = tpu.memref_slice %arg7[%dma_start3A_2047, %dma_start3A_2048] : memref<2x16384xf32, #tpu.memory_space<vmem>> -> memref<1x16384xf32, #tpu.memory_space<vmem>>
    %dma_start3A_2050 = tpu.memref_squeeze %dma_start3A_2049 : memref<1x16384xf32, #tpu.memory_space<vmem>> -> memref<16384xf32, #tpu.memory_space<vmem>>
    %dma_start3A_2051 = arith.constant 6144 : i32
    %dma_start3A_2052 = tpu.memref_slice %dma_start3A_2050[%dma_start3A_2051] : memref<16384xf32, #tpu.memory_space<vmem>> -> memref<1024xf32, #tpu.memory_space<vmem>>
    %dma_start3A_2053 = tpu.memref_slice %arg4[%multiple_of3A_2046] : memref<26214400xf32, #tpu.memory_space<hbm>> -> memref<1024xf32, #tpu.memory_space<hbm>>
    %dma_start3A_2054 = tpu.memref_slice %arg4[%multiple_of3A_2046] : memref<26214400xf32, #tpu.memory_space<hbm>> -> memref<1024xf32, #tpu.memory_space<hbm>>
    %dma_start3A_2055 = arith.constant 0 : i32
    %dma_start3A_2056 = tpu.memref_slice %arg7[%dma_start3A_2047, %dma_start3A_2055] : memref<2x16384xf32, #tpu.memory_space<vmem>> -> memref<1x16384xf32, #tpu.memory_space<vmem>>
    %dma_start3A_2057 = tpu.memref_squeeze %dma_start3A_2056 : memref<1x16384xf32, #tpu.memory_space<vmem>> -> memref<16384xf32, #tpu.memory_space<vmem>>
    %dma_start3A_2058 = arith.constant 6144 : i32
    %dma_start3A_2059 = tpu.memref_slice %dma_start3A_2057[%dma_start3A_2058] : memref<16384xf32, #tpu.memory_space<vmem>> -> memref<1024xf32, #tpu.memory_space<vmem>>
    tpu.enqueue_dma source(%dma_start3A_2059 : memref<1024xf32, #tpu.memory_space<vmem>>) target(%dma_start3A_2054 : memref<1024xf32, #tpu.memory_space<hbm>>) target_semaphore(%arg11 : memref<!tpu.dma_semaphore, #tpu.memory_space<semaphore_mem>>)
    %mul3A_2060 = arith.constant 4 : i32
    %mul3A_2061 = arith.muli %select_n3A_1988, %mul3A_2060 : i32
    %mul3A_2062 = arith.constant 128 : i32
    %mul3A_2063 = arith.muli %mul3A_2061, %mul3A_2062 : i32
    %add3A_2064 = arith.constant 384 : i32
    %add3A_2065 = arith.addi %mul3A_2063, %add3A_2064 : i32
    %add3A_2066 = arith.addi %add3A_2065, %rem3A_1990 : i32
    %mul3A_2067 = arith.constant 1024 : i32
    %mul3A_2068 = arith.muli %add3A_2066, %mul3A_2067 : i32
    %multiple_of3A_2069 = tpu.assume_multiple %mul3A_2068, 8 : i32
    %dma_start3A_2070 = arith.constant 1 : i32
    %dma_start3A_2071 = arith.constant 0 : i32
    %dma_start3A_2072 = tpu.memref_slice %arg7[%dma_start3A_2070, %dma_start3A_2071] : memref<2x16384xf32, #tpu.memory_space<vmem>> -> memref<1x16384xf32, #tpu.memory_space<vmem>>
    %dma_start3A_2073 = tpu.memref_squeeze %dma_start3A_2072 : memref<1x16384xf32, #tpu.memory_space<vmem>> -> memref<16384xf32, #tpu.memory_space<vmem>>
    %dma_start3A_2074 = arith.constant 7168 : i32
    %dma_start3A_2075 = tpu.memref_slice %dma_start3A_2073[%dma_start3A_2074] : memref<16384xf32, #tpu.memory_space<vmem>> -> memref<1024xf32, #tpu.memory_space<vmem>>
    %dma_start3A_2076 = tpu.memref_slice %arg4[%multiple_of3A_2069] : memref<26214400xf32, #tpu.memory_space<hbm>> -> memref<1024xf32, #tpu.memory_space<hbm>>
    %dma_start3A_2077 = tpu.memref_slice %arg4[%multiple_of3A_2069] : memref<26214400xf32, #tpu.memory_space<hbm>> -> memref<1024xf32, #tpu.memory_space<hbm>>
    %dma_start3A_2078 = arith.constant 0 : i32
    %dma_start3A_2079 = tpu.memref_slice %arg7[%dma_start3A_2070, %dma_start3A_2078] : memref<2x16384xf32, #tpu.memory_space<vmem>> -> memref<1x16384xf32, #tpu.memory_space<vmem>>
    %dma_start3A_2080 = tpu.memref_squeeze %dma_start3A_2079 : memref<1x16384xf32, #tpu.memory_space<vmem>> -> memref<16384xf32, #tpu.memory_space<vmem>>
    %dma_start3A_2081 = arith.constant 7168 : i32
    %dma_start3A_2082 = tpu.memref_slice %dma_start3A_2080[%dma_start3A_2081] : memref<16384xf32, #tpu.memory_space<vmem>> -> memref<1024xf32, #tpu.memory_space<vmem>>
    tpu.enqueue_dma source(%dma_start3A_2082 : memref<1024xf32, #tpu.memory_space<vmem>>) target(%dma_start3A_2077 : memref<1024xf32, #tpu.memory_space<hbm>>) target_semaphore(%arg11 : memref<!tpu.dma_semaphore, #tpu.memory_space<semaphore_mem>>)
    %mul3A_2083 = arith.constant 200 : i32
    %mul3A_2084 = arith.muli %add3A, %mul3A_2083 : i32
    %add3A_2085 = arith.constant 196 : i32
    %add3A_2086 = arith.addi %mul3A_2084, %add3A_2085 : i32
    %add3A_2087 = arith.constant 2 : i32
    %add3A_2088 = arith.addi %add3A_2086, %add3A_2087 : i32
    %jit3A_2089 = arith.constant 128 : i32
    %div3A_2090 = arith.divsi %add3A_2088, %jit3A_2089 : i32
    %sign3A_2091 = arith.constant 0 : i32
    %sign3A_2092 = arith.cmpi sgt, %add3A_2088, %sign3A_2091 : i32
    %sign3A_2093 = arith.extui %sign3A_2092 : i1 to i32
    %sign3A_2094 = arith.constant 0 : i32
    %sign3A_2095 = arith.cmpi slt, %add3A_2088, %sign3A_2094 : i32
    %sign3A_2096 = arith.extui %sign3A_2095 : i1 to i32
    %sign3A_2097 = arith.subi %sign3A_2093, %sign3A_2096 : i32
    %sign3A_2098 = arith.constant 0 : i32
    %sign3A_2099 = arith.cmpi sgt, %jit3A_2089, %sign3A_2098 : i32
    %sign3A_2100 = arith.extui %sign3A_2099 : i1 to i32
    %sign3A_2101 = arith.constant 0 : i32
    %sign3A_2102 = arith.cmpi slt, %jit3A_2089, %sign3A_2101 : i32
    %sign3A_2103 = arith.extui %sign3A_2102 : i1 to i32
    %sign3A_2104 = arith.subi %sign3A_2100, %sign3A_2103 : i32
    %ne3A_2105 = arith.cmpi ne, %sign3A_2097, %sign3A_2104 : i32
    %rem3A_2106 = arith.remsi %add3A_2088, %jit3A_2089 : i32
    %ne3A_2107 = arith.constant 0 : i32
    %ne3A_2108 = arith.cmpi ne, %rem3A_2106, %ne3A_2107 : i32
    %and3A_2109 = arith.andi %ne3A_2105, %ne3A_2108 : i1
    %sub3A_2110 = arith.constant 1 : i32
    %sub3A_2111 = arith.subi %div3A_2090, %sub3A_2110 : i32
    %select_n3A_2112 = arith.select %and3A_2109, %sub3A_2111, %div3A_2090 : i32
    %rem3A_2113 = arith.constant 128 : i32
    %rem3A_2114 = arith.remsi %add3A_2088, %rem3A_2113 : i32
    %mul3A_2115 = arith.constant 4 : i32
    %mul3A_2116 = arith.muli %select_n3A_2112, %mul3A_2115 : i32
    %mul3A_2117 = arith.constant 128 : i32
    %mul3A_2118 = arith.muli %mul3A_2116, %mul3A_2117 : i32
    %add3A_2119 = arith.constant 0 : i32
    %add3A_2120 = arith.addi %mul3A_2118, %add3A_2119 : i32
    %add3A_2121 = arith.addi %add3A_2120, %rem3A_2114 : i32
    %mul3A_2122 = arith.constant 1024 : i32
    %mul3A_2123 = arith.muli %add3A_2121, %mul3A_2122 : i32
    %multiple_of3A_2124 = tpu.assume_multiple %mul3A_2123, 8 : i32
    %dma_start3A_2125 = arith.constant 1 : i32
    %dma_start3A_2126 = arith.constant 0 : i32
    %dma_start3A_2127 = tpu.memref_slice %arg7[%dma_start3A_2125, %dma_start3A_2126] : memref<2x16384xf32, #tpu.memory_space<vmem>> -> memref<1x16384xf32, #tpu.memory_space<vmem>>
    %dma_start3A_2128 = tpu.memref_squeeze %dma_start3A_2127 : memref<1x16384xf32, #tpu.memory_space<vmem>> -> memref<16384xf32, #tpu.memory_space<vmem>>
    %dma_start3A_2129 = arith.constant 8192 : i32
    %dma_start3A_2130 = tpu.memref_slice %dma_start3A_2128[%dma_start3A_2129] : memref<16384xf32, #tpu.memory_space<vmem>> -> memref<1024xf32, #tpu.memory_space<vmem>>
    %dma_start3A_2131 = tpu.memref_slice %arg4[%multiple_of3A_2124] : memref<26214400xf32, #tpu.memory_space<hbm>> -> memref<1024xf32, #tpu.memory_space<hbm>>
    %dma_start3A_2132 = tpu.memref_slice %arg4[%multiple_of3A_2124] : memref<26214400xf32, #tpu.memory_space<hbm>> -> memref<1024xf32, #tpu.memory_space<hbm>>
    %dma_start3A_2133 = arith.constant 0 : i32
    %dma_start3A_2134 = tpu.memref_slice %arg7[%dma_start3A_2125, %dma_start3A_2133] : memref<2x16384xf32, #tpu.memory_space<vmem>> -> memref<1x16384xf32, #tpu.memory_space<vmem>>
    %dma_start3A_2135 = tpu.memref_squeeze %dma_start3A_2134 : memref<1x16384xf32, #tpu.memory_space<vmem>> -> memref<16384xf32, #tpu.memory_space<vmem>>
    %dma_start3A_2136 = arith.constant 8192 : i32
    %dma_start3A_2137 = tpu.memref_slice %dma_start3A_2135[%dma_start3A_2136] : memref<16384xf32, #tpu.memory_space<vmem>> -> memref<1024xf32, #tpu.memory_space<vmem>>
    tpu.enqueue_dma source(%dma_start3A_2137 : memref<1024xf32, #tpu.memory_space<vmem>>) target(%dma_start3A_2132 : memref<1024xf32, #tpu.memory_space<hbm>>) target_semaphore(%arg11 : memref<!tpu.dma_semaphore, #tpu.memory_space<semaphore_mem>>)
    %mul3A_2138 = arith.constant 4 : i32
    %mul3A_2139 = arith.muli %select_n3A_2112, %mul3A_2138 : i32
    %mul3A_2140 = arith.constant 128 : i32
    %mul3A_2141 = arith.muli %mul3A_2139, %mul3A_2140 : i32
    %add3A_2142 = arith.constant 128 : i32
    %add3A_2143 = arith.addi %mul3A_2141, %add3A_2142 : i32
    %add3A_2144 = arith.addi %add3A_2143, %rem3A_2114 : i32
    %mul3A_2145 = arith.constant 1024 : i32
    %mul3A_2146 = arith.muli %add3A_2144, %mul3A_2145 : i32
    %multiple_of3A_2147 = tpu.assume_multiple %mul3A_2146, 8 : i32
    %dma_start3A_2148 = arith.constant 1 : i32
    %dma_start3A_2149 = arith.constant 0 : i32
    %dma_start3A_2150 = tpu.memref_slice %arg7[%dma_start3A_2148, %dma_start3A_2149] : memref<2x16384xf32, #tpu.memory_space<vmem>> -> memref<1x16384xf32, #tpu.memory_space<vmem>>
    %dma_start3A_2151 = tpu.memref_squeeze %dma_start3A_2150 : memref<1x16384xf32, #tpu.memory_space<vmem>> -> memref<16384xf32, #tpu.memory_space<vmem>>
    %dma_start3A_2152 = arith.constant 9216 : i32
    %dma_start3A_2153 = tpu.memref_slice %dma_start3A_2151[%dma_start3A_2152] : memref<16384xf32, #tpu.memory_space<vmem>> -> memref<1024xf32, #tpu.memory_space<vmem>>
    %dma_start3A_2154 = tpu.memref_slice %arg4[%multiple_of3A_2147] : memref<26214400xf32, #tpu.memory_space<hbm>> -> memref<1024xf32, #tpu.memory_space<hbm>>
    %dma_start3A_2155 = tpu.memref_slice %arg4[%multiple_of3A_2147] : memref<26214400xf32, #tpu.memory_space<hbm>> -> memref<1024xf32, #tpu.memory_space<hbm>>
    %dma_start3A_2156 = arith.constant 0 : i32
    %dma_start3A_2157 = tpu.memref_slice %arg7[%dma_start3A_2148, %dma_start3A_2156] : memref<2x16384xf32, #tpu.memory_space<vmem>> -> memref<1x16384xf32, #tpu.memory_space<vmem>>
    %dma_start3A_2158 = tpu.memref_squeeze %dma_start3A_2157 : memref<1x16384xf32, #tpu.memory_space<vmem>> -> memref<16384xf32, #tpu.memory_space<vmem>>
    %dma_start3A_2159 = arith.constant 9216 : i32
    %dma_start3A_2160 = tpu.memref_slice %dma_start3A_2158[%dma_start3A_2159] : memref<16384xf32, #tpu.memory_space<vmem>> -> memref<1024xf32, #tpu.memory_space<vmem>>
    tpu.enqueue_dma source(%dma_start3A_2160 : memref<1024xf32, #tpu.memory_space<vmem>>) target(%dma_start3A_2155 : memref<1024xf32, #tpu.memory_space<hbm>>) target_semaphore(%arg11 : memref<!tpu.dma_semaphore, #tpu.memory_space<semaphore_mem>>)
    %mul3A_2161 = arith.constant 4 : i32
    %mul3A_2162 = arith.muli %select_n3A_2112, %mul3A_2161 : i32
    %mul3A_2163 = arith.constant 128 : i32
    %mul3A_2164 = arith.muli %mul3A_2162, %mul3A_2163 : i32
    %add3A_2165 = arith.constant 256 : i32
    %add3A_2166 = arith.addi %mul3A_2164, %add3A_2165 : i32
    %add3A_2167 = arith.addi %add3A_2166, %rem3A_2114 : i32
    %mul3A_2168 = arith.constant 1024 : i32
    %mul3A_2169 = arith.muli %add3A_2167, %mul3A_2168 : i32
    %multiple_of3A_2170 = tpu.assume_multiple %mul3A_2169, 8 : i32
    %dma_start3A_2171 = arith.constant 1 : i32
    %dma_start3A_2172 = arith.constant 0 : i32
    %dma_start3A_2173 = tpu.memref_slice %arg7[%dma_start3A_2171, %dma_start3A_2172] : memref<2x16384xf32, #tpu.memory_space<vmem>> -> memref<1x16384xf32, #tpu.memory_space<vmem>>
    %dma_start3A_2174 = tpu.memref_squeeze %dma_start3A_2173 : memref<1x16384xf32, #tpu.memory_space<vmem>> -> memref<16384xf32, #tpu.memory_space<vmem>>
    %dma_start3A_2175 = arith.constant 10240 : i32
    %dma_start3A_2176 = tpu.memref_slice %dma_start3A_2174[%dma_start3A_2175] : memref<16384xf32, #tpu.memory_space<vmem>> -> memref<1024xf32, #tpu.memory_space<vmem>>
    %dma_start3A_2177 = tpu.memref_slice %arg4[%multiple_of3A_2170] : memref<26214400xf32, #tpu.memory_space<hbm>> -> memref<1024xf32, #tpu.memory_space<hbm>>
    %dma_start3A_2178 = tpu.memref_slice %arg4[%multiple_of3A_2170] : memref<26214400xf32, #tpu.memory_space<hbm>> -> memref<1024xf32, #tpu.memory_space<hbm>>
    %dma_start3A_2179 = arith.constant 0 : i32
    %dma_start3A_2180 = tpu.memref_slice %arg7[%dma_start3A_2171, %dma_start3A_2179] : memref<2x16384xf32, #tpu.memory_space<vmem>> -> memref<1x16384xf32, #tpu.memory_space<vmem>>
    %dma_start3A_2181 = tpu.memref_squeeze %dma_start3A_2180 : memref<1x16384xf32, #tpu.memory_space<vmem>> -> memref<16384xf32, #tpu.memory_space<vmem>>
    %dma_start3A_2182 = arith.constant 10240 : i32
    %dma_start3A_2183 = tpu.memref_slice %dma_start3A_2181[%dma_start3A_2182] : memref<16384xf32, #tpu.memory_space<vmem>> -> memref<1024xf32, #tpu.memory_space<vmem>>
    tpu.enqueue_dma source(%dma_start3A_2183 : memref<1024xf32, #tpu.memory_space<vmem>>) target(%dma_start3A_2178 : memref<1024xf32, #tpu.memory_space<hbm>>) target_semaphore(%arg11 : memref<!tpu.dma_semaphore, #tpu.memory_space<semaphore_mem>>)
    %mul3A_2184 = arith.constant 4 : i32
    %mul3A_2185 = arith.muli %select_n3A_2112, %mul3A_2184 : i32
    %mul3A_2186 = arith.constant 128 : i32
    %mul3A_2187 = arith.muli %mul3A_2185, %mul3A_2186 : i32
    %add3A_2188 = arith.constant 384 : i32
    %add3A_2189 = arith.addi %mul3A_2187, %add3A_2188 : i32
    %add3A_2190 = arith.addi %add3A_2189, %rem3A_2114 : i32
    %mul3A_2191 = arith.constant 1024 : i32
    %mul3A_2192 = arith.muli %add3A_2190, %mul3A_2191 : i32
    %multiple_of3A_2193 = tpu.assume_multiple %mul3A_2192, 8 : i32
    %dma_start3A_2194 = arith.constant 1 : i32
    %dma_start3A_2195 = arith.constant 0 : i32
    %dma_start3A_2196 = tpu.memref_slice %arg7[%dma_start3A_2194, %dma_start3A_2195] : memref<2x16384xf32, #tpu.memory_space<vmem>> -> memref<1x16384xf32, #tpu.memory_space<vmem>>
    %dma_start3A_2197 = tpu.memref_squeeze %dma_start3A_2196 : memref<1x16384xf32, #tpu.memory_space<vmem>> -> memref<16384xf32, #tpu.memory_space<vmem>>
    %dma_start3A_2198 = arith.constant 11264 : i32
    %dma_start3A_2199 = tpu.memref_slice %dma_start3A_2197[%dma_start3A_2198] : memref<16384xf32, #tpu.memory_space<vmem>> -> memref<1024xf32, #tpu.memory_space<vmem>>
    %dma_start3A_2200 = tpu.memref_slice %arg4[%multiple_of3A_2193] : memref<26214400xf32, #tpu.memory_space<hbm>> -> memref<1024xf32, #tpu.memory_space<hbm>>
    %dma_start3A_2201 = tpu.memref_slice %arg4[%multiple_of3A_2193] : memref<26214400xf32, #tpu.memory_space<hbm>> -> memref<1024xf32, #tpu.memory_space<hbm>>
    %dma_start3A_2202 = arith.constant 0 : i32
    %dma_start3A_2203 = tpu.memref_slice %arg7[%dma_start3A_2194, %dma_start3A_2202] : memref<2x16384xf32, #tpu.memory_space<vmem>> -> memref<1x16384xf32, #tpu.memory_space<vmem>>
    %dma_start3A_2204 = tpu.memref_squeeze %dma_start3A_2203 : memref<1x16384xf32, #tpu.memory_space<vmem>> -> memref<16384xf32, #tpu.memory_space<vmem>>
    %dma_start3A_2205 = arith.constant 11264 : i32
    %dma_start3A_2206 = tpu.memref_slice %dma_start3A_2204[%dma_start3A_2205] : memref<16384xf32, #tpu.memory_space<vmem>> -> memref<1024xf32, #tpu.memory_space<vmem>>
    tpu.enqueue_dma source(%dma_start3A_2206 : memref<1024xf32, #tpu.memory_space<vmem>>) target(%dma_start3A_2201 : memref<1024xf32, #tpu.memory_space<hbm>>) target_semaphore(%arg11 : memref<!tpu.dma_semaphore, #tpu.memory_space<semaphore_mem>>)
    %mul3A_2207 = arith.constant 200 : i32
    %mul3A_2208 = arith.muli %add3A, %mul3A_2207 : i32
    %add3A_2209 = arith.constant 196 : i32
    %add3A_2210 = arith.addi %mul3A_2208, %add3A_2209 : i32
    %add3A_2211 = arith.constant 3 : i32
    %add3A_2212 = arith.addi %add3A_2210, %add3A_2211 : i32
    %jit3A_2213 = arith.constant 128 : i32
    %div3A_2214 = arith.divsi %add3A_2212, %jit3A_2213 : i32
    %sign3A_2215 = arith.constant 0 : i32
    %sign3A_2216 = arith.cmpi sgt, %add3A_2212, %sign3A_2215 : i32
    %sign3A_2217 = arith.extui %sign3A_2216 : i1 to i32
    %sign3A_2218 = arith.constant 0 : i32
    %sign3A_2219 = arith.cmpi slt, %add3A_2212, %sign3A_2218 : i32
    %sign3A_2220 = arith.extui %sign3A_2219 : i1 to i32
    %sign3A_2221 = arith.subi %sign3A_2217, %sign3A_2220 : i32
    %sign3A_2222 = arith.constant 0 : i32
    %sign3A_2223 = arith.cmpi sgt, %jit3A_2213, %sign3A_2222 : i32
    %sign3A_2224 = arith.extui %sign3A_2223 : i1 to i32
    %sign3A_2225 = arith.constant 0 : i32
    %sign3A_2226 = arith.cmpi slt, %jit3A_2213, %sign3A_2225 : i32
    %sign3A_2227 = arith.extui %sign3A_2226 : i1 to i32
    %sign3A_2228 = arith.subi %sign3A_2224, %sign3A_2227 : i32
    %ne3A_2229 = arith.cmpi ne, %sign3A_2221, %sign3A_2228 : i32
    %rem3A_2230 = arith.remsi %add3A_2212, %jit3A_2213 : i32
    %ne3A_2231 = arith.constant 0 : i32
    %ne3A_2232 = arith.cmpi ne, %rem3A_2230, %ne3A_2231 : i32
    %and3A_2233 = arith.andi %ne3A_2229, %ne3A_2232 : i1
    %sub3A_2234 = arith.constant 1 : i32
    %sub3A_2235 = arith.subi %div3A_2214, %sub3A_2234 : i32
    %select_n3A_2236 = arith.select %and3A_2233, %sub3A_2235, %div3A_2214 : i32
    %rem3A_2237 = arith.constant 128 : i32
    %rem3A_2238 = arith.remsi %add3A_2212, %rem3A_2237 : i32
    %mul3A_2239 = arith.constant 4 : i32
    %mul3A_2240 = arith.muli %select_n3A_2236, %mul3A_2239 : i32
    %mul3A_2241 = arith.constant 128 : i32
    %mul3A_2242 = arith.muli %mul3A_2240, %mul3A_2241 : i32
    %add3A_2243 = arith.constant 0 : i32
    %add3A_2244 = arith.addi %mul3A_2242, %add3A_2243 : i32
    %add3A_2245 = arith.addi %add3A_2244, %rem3A_2238 : i32
    %mul3A_2246 = arith.constant 1024 : i32
    %mul3A_2247 = arith.muli %add3A_2245, %mul3A_2246 : i32
    %multiple_of3A_2248 = tpu.assume_multiple %mul3A_2247, 8 : i32
    %dma_start3A_2249 = arith.constant 1 : i32
    %dma_start3A_2250 = arith.constant 0 : i32
    %dma_start3A_2251 = tpu.memref_slice %arg7[%dma_start3A_2249, %dma_start3A_2250] : memref<2x16384xf32, #tpu.memory_space<vmem>> -> memref<1x16384xf32, #tpu.memory_space<vmem>>
    %dma_start3A_2252 = tpu.memref_squeeze %dma_start3A_2251 : memref<1x16384xf32, #tpu.memory_space<vmem>> -> memref<16384xf32, #tpu.memory_space<vmem>>
    %dma_start3A_2253 = arith.constant 12288 : i32
    %dma_start3A_2254 = tpu.memref_slice %dma_start3A_2252[%dma_start3A_2253] : memref<16384xf32, #tpu.memory_space<vmem>> -> memref<1024xf32, #tpu.memory_space<vmem>>
    %dma_start3A_2255 = tpu.memref_slice %arg4[%multiple_of3A_2248] : memref<26214400xf32, #tpu.memory_space<hbm>> -> memref<1024xf32, #tpu.memory_space<hbm>>
    %dma_start3A_2256 = tpu.memref_slice %arg4[%multiple_of3A_2248] : memref<26214400xf32, #tpu.memory_space<hbm>> -> memref<1024xf32, #tpu.memory_space<hbm>>
    %dma_start3A_2257 = arith.constant 0 : i32
    %dma_start3A_2258 = tpu.memref_slice %arg7[%dma_start3A_2249, %dma_start3A_2257] : memref<2x16384xf32, #tpu.memory_space<vmem>> -> memref<1x16384xf32, #tpu.memory_space<vmem>>
    %dma_start3A_2259 = tpu.memref_squeeze %dma_start3A_2258 : memref<1x16384xf32, #tpu.memory_space<vmem>> -> memref<16384xf32, #tpu.memory_space<vmem>>
    %dma_start3A_2260 = arith.constant 12288 : i32
    %dma_start3A_2261 = tpu.memref_slice %dma_start3A_2259[%dma_start3A_2260] : memref<16384xf32, #tpu.memory_space<vmem>> -> memref<1024xf32, #tpu.memory_space<vmem>>
    tpu.enqueue_dma source(%dma_start3A_2261 : memref<1024xf32, #tpu.memory_space<vmem>>) target(%dma_start3A_2256 : memref<1024xf32, #tpu.memory_space<hbm>>) target_semaphore(%arg11 : memref<!tpu.dma_semaphore, #tpu.memory_space<semaphore_mem>>)
    %mul3A_2262 = arith.constant 4 : i32
    %mul3A_2263 = arith.muli %select_n3A_2236, %mul3A_2262 : i32
    %mul3A_2264 = arith.constant 128 : i32
    %mul3A_2265 = arith.muli %mul3A_2263, %mul3A_2264 : i32
    %add3A_2266 = arith.constant 128 : i32
    %add3A_2267 = arith.addi %mul3A_2265, %add3A_2266 : i32
    %add3A_2268 = arith.addi %add3A_2267, %rem3A_2238 : i32
    %mul3A_2269 = arith.constant 1024 : i32
    %mul3A_2270 = arith.muli %add3A_2268, %mul3A_2269 : i32
    %multiple_of3A_2271 = tpu.assume_multiple %mul3A_2270, 8 : i32
    %dma_start3A_2272 = arith.constant 1 : i32
    %dma_start3A_2273 = arith.constant 0 : i32
    %dma_start3A_2274 = tpu.memref_slice %arg7[%dma_start3A_2272, %dma_start3A_2273] : memref<2x16384xf32, #tpu.memory_space<vmem>> -> memref<1x16384xf32, #tpu.memory_space<vmem>>
    %dma_start3A_2275 = tpu.memref_squeeze %dma_start3A_2274 : memref<1x16384xf32, #tpu.memory_space<vmem>> -> memref<16384xf32, #tpu.memory_space<vmem>>
    %dma_start3A_2276 = arith.constant 13312 : i32
    %dma_start3A_2277 = tpu.memref_slice %dma_start3A_2275[%dma_start3A_2276] : memref<16384xf32, #tpu.memory_space<vmem>> -> memref<1024xf32, #tpu.memory_space<vmem>>
    %dma_start3A_2278 = tpu.memref_slice %arg4[%multiple_of3A_2271] : memref<26214400xf32, #tpu.memory_space<hbm>> -> memref<1024xf32, #tpu.memory_space<hbm>>
    %dma_start3A_2279 = tpu.memref_slice %arg4[%multiple_of3A_2271] : memref<26214400xf32, #tpu.memory_space<hbm>> -> memref<1024xf32, #tpu.memory_space<hbm>>
    %dma_start3A_2280 = arith.constant 0 : i32
    %dma_start3A_2281 = tpu.memref_slice %arg7[%dma_start3A_2272, %dma_start3A_2280] : memref<2x16384xf32, #tpu.memory_space<vmem>> -> memref<1x16384xf32, #tpu.memory_space<vmem>>
    %dma_start3A_2282 = tpu.memref_squeeze %dma_start3A_2281 : memref<1x16384xf32, #tpu.memory_space<vmem>> -> memref<16384xf32, #tpu.memory_space<vmem>>
    %dma_start3A_2283 = arith.constant 13312 : i32
    %dma_start3A_2284 = tpu.memref_slice %dma_start3A_2282[%dma_start3A_2283] : memref<16384xf32, #tpu.memory_space<vmem>> -> memref<1024xf32, #tpu.memory_space<vmem>>
    tpu.enqueue_dma source(%dma_start3A_2284 : memref<1024xf32, #tpu.memory_space<vmem>>) target(%dma_start3A_2279 : memref<1024xf32, #tpu.memory_space<hbm>>) target_semaphore(%arg11 : memref<!tpu.dma_semaphore, #tpu.memory_space<semaphore_mem>>)
    %mul3A_2285 = arith.constant 4 : i32
    %mul3A_2286 = arith.muli %select_n3A_2236, %mul3A_2285 : i32
    %mul3A_2287 = arith.constant 128 : i32
    %mul3A_2288 = arith.muli %mul3A_2286, %mul3A_2287 : i32
    %add3A_2289 = arith.constant 256 : i32
    %add3A_2290 = arith.addi %mul3A_2288, %add3A_2289 : i32
    %add3A_2291 = arith.addi %add3A_2290, %rem3A_2238 : i32
    %mul3A_2292 = arith.constant 1024 : i32
    %mul3A_2293 = arith.muli %add3A_2291, %mul3A_2292 : i32
    %multiple_of3A_2294 = tpu.assume_multiple %mul3A_2293, 8 : i32
    %dma_start3A_2295 = arith.constant 1 : i32
    %dma_start3A_2296 = arith.constant 0 : i32
    %dma_start3A_2297 = tpu.memref_slice %arg7[%dma_start3A_2295, %dma_start3A_2296] : memref<2x16384xf32, #tpu.memory_space<vmem>> -> memref<1x16384xf32, #tpu.memory_space<vmem>>
    %dma_start3A_2298 = tpu.memref_squeeze %dma_start3A_2297 : memref<1x16384xf32, #tpu.memory_space<vmem>> -> memref<16384xf32, #tpu.memory_space<vmem>>
    %dma_start3A_2299 = arith.constant 14336 : i32
    %dma_start3A_2300 = tpu.memref_slice %dma_start3A_2298[%dma_start3A_2299] : memref<16384xf32, #tpu.memory_space<vmem>> -> memref<1024xf32, #tpu.memory_space<vmem>>
    %dma_start3A_2301 = tpu.memref_slice %arg4[%multiple_of3A_2294] : memref<26214400xf32, #tpu.memory_space<hbm>> -> memref<1024xf32, #tpu.memory_space<hbm>>
    %dma_start3A_2302 = tpu.memref_slice %arg4[%multiple_of3A_2294] : memref<26214400xf32, #tpu.memory_space<hbm>> -> memref<1024xf32, #tpu.memory_space<hbm>>
    %dma_start3A_2303 = arith.constant 0 : i32
    %dma_start3A_2304 = tpu.memref_slice %arg7[%dma_start3A_2295, %dma_start3A_2303] : memref<2x16384xf32, #tpu.memory_space<vmem>> -> memref<1x16384xf32, #tpu.memory_space<vmem>>
    %dma_start3A_2305 = tpu.memref_squeeze %dma_start3A_2304 : memref<1x16384xf32, #tpu.memory_space<vmem>> -> memref<16384xf32, #tpu.memory_space<vmem>>
    %dma_start3A_2306 = arith.constant 14336 : i32
    %dma_start3A_2307 = tpu.memref_slice %dma_start3A_2305[%dma_start3A_2306] : memref<16384xf32, #tpu.memory_space<vmem>> -> memref<1024xf32, #tpu.memory_space<vmem>>
    tpu.enqueue_dma source(%dma_start3A_2307 : memref<1024xf32, #tpu.memory_space<vmem>>) target(%dma_start3A_2302 : memref<1024xf32, #tpu.memory_space<hbm>>) target_semaphore(%arg11 : memref<!tpu.dma_semaphore, #tpu.memory_space<semaphore_mem>>)
    %mul3A_2308 = arith.constant 4 : i32
    %mul3A_2309 = arith.muli %select_n3A_2236, %mul3A_2308 : i32
    %mul3A_2310 = arith.constant 128 : i32
    %mul3A_2311 = arith.muli %mul3A_2309, %mul3A_2310 : i32
    %add3A_2312 = arith.constant 384 : i32
    %add3A_2313 = arith.addi %mul3A_2311, %add3A_2312 : i32
    %add3A_2314 = arith.addi %add3A_2313, %rem3A_2238 : i32
    %mul3A_2315 = arith.constant 1024 : i32
    %mul3A_2316 = arith.muli %add3A_2314, %mul3A_2315 : i32
    %multiple_of3A_2317 = tpu.assume_multiple %mul3A_2316, 8 : i32
    %dma_start3A_2318 = arith.constant 1 : i32
    %dma_start3A_2319 = arith.constant 0 : i32
    %dma_start3A_2320 = tpu.memref_slice %arg7[%dma_start3A_2318, %dma_start3A_2319] : memref<2x16384xf32, #tpu.memory_space<vmem>> -> memref<1x16384xf32, #tpu.memory_space<vmem>>
    %dma_start3A_2321 = tpu.memref_squeeze %dma_start3A_2320 : memref<1x16384xf32, #tpu.memory_space<vmem>> -> memref<16384xf32, #tpu.memory_space<vmem>>
    %dma_start3A_2322 = arith.constant 15360 : i32
    %dma_start3A_2323 = tpu.memref_slice %dma_start3A_2321[%dma_start3A_2322] : memref<16384xf32, #tpu.memory_space<vmem>> -> memref<1024xf32, #tpu.memory_space<vmem>>
    %dma_start3A_2324 = tpu.memref_slice %arg4[%multiple_of3A_2317] : memref<26214400xf32, #tpu.memory_space<hbm>> -> memref<1024xf32, #tpu.memory_space<hbm>>
    %dma_start3A_2325 = tpu.memref_slice %arg4[%multiple_of3A_2317] : memref<26214400xf32, #tpu.memory_space<hbm>> -> memref<1024xf32, #tpu.memory_space<hbm>>
    %dma_start3A_2326 = arith.constant 0 : i32
    %dma_start3A_2327 = tpu.memref_slice %arg7[%dma_start3A_2318, %dma_start3A_2326] : memref<2x16384xf32, #tpu.memory_space<vmem>> -> memref<1x16384xf32, #tpu.memory_space<vmem>>
    %dma_start3A_2328 = tpu.memref_squeeze %dma_start3A_2327 : memref<1x16384xf32, #tpu.memory_space<vmem>> -> memref<16384xf32, #tpu.memory_space<vmem>>
    %dma_start3A_2329 = arith.constant 15360 : i32
    %dma_start3A_2330 = tpu.memref_slice %dma_start3A_2328[%dma_start3A_2329] : memref<16384xf32, #tpu.memory_space<vmem>> -> memref<1024xf32, #tpu.memory_space<vmem>>
    tpu.enqueue_dma source(%dma_start3A_2330 : memref<1024xf32, #tpu.memory_space<vmem>>) target(%dma_start3A_2325 : memref<1024xf32, #tpu.memory_space<hbm>>) target_semaphore(%arg11 : memref<!tpu.dma_semaphore, #tpu.memory_space<semaphore_mem>>)
    %dma_wait3A_2331 = arith.constant 0 : i32
    %dma_wait3A_2332 = arith.constant 0 : i32
    %dma_wait3A_2333 = tpu.memref_slice %arg7[%dma_wait3A_2331, %dma_wait3A_2332] : memref<2x16384xf32, #tpu.memory_space<vmem>> -> memref<1x16384xf32, #tpu.memory_space<vmem>>
    %dma_wait3A_2334 = tpu.memref_squeeze %dma_wait3A_2333 : memref<1x16384xf32, #tpu.memory_space<vmem>> -> memref<16384xf32, #tpu.memory_space<vmem>>
    %dma_wait3A_2335 = arith.constant 0 : i32
    %dma_wait3A_2336 = tpu.memref_slice %arg4[%dma_wait3A_2335] : memref<26214400xf32, #tpu.memory_space<hbm>> -> memref<16384xf32, #tpu.memory_space<hbm>>
    %dma_wait3A_2337 = arith.constant 0 : i32
    %dma_wait3A_2338 = tpu.memref_slice %arg7[%dma_wait3A_2331, %dma_wait3A_2337] : memref<2x16384xf32, #tpu.memory_space<vmem>> -> memref<1x16384xf32, #tpu.memory_space<vmem>>
    %dma_wait3A_2339 = tpu.memref_squeeze %dma_wait3A_2338 : memref<1x16384xf32, #tpu.memory_space<vmem>> -> memref<16384xf32, #tpu.memory_space<vmem>>
    %dma_wait3A_2340 = arith.constant 0 : i32
    %dma_wait3A_2341 = tpu.memref_slice %arg4[%dma_wait3A_2340] : memref<26214400xf32, #tpu.memory_space<hbm>> -> memref<16384xf32, #tpu.memory_space<hbm>>
    tpu.wait_dma2 semaphore(%arg10 : memref<!tpu.dma_semaphore, #tpu.memory_space<semaphore_mem>>) src(%dma_wait3A_2341 : memref<16384xf32, #tpu.memory_space<hbm>>) dst(%dma_wait3A_2339 : memref<16384xf32, #tpu.memory_space<vmem>>)
    %dma_wait3A_2342 = arith.constant 1 : i32
    %dma_wait3A_2343 = arith.constant 0 : i32
    %dma_wait3A_2344 = tpu.memref_slice %arg7[%dma_wait3A_2342, %dma_wait3A_2343] : memref<2x16384xf32, #tpu.memory_space<vmem>> -> memref<1x16384xf32, #tpu.memory_space<vmem>>
    %dma_wait3A_2345 = tpu.memref_squeeze %dma_wait3A_2344 : memref<1x16384xf32, #tpu.memory_space<vmem>> -> memref<16384xf32, #tpu.memory_space<vmem>>
    %dma_wait3A_2346 = arith.constant 0 : i32
    %dma_wait3A_2347 = tpu.memref_slice %arg4[%dma_wait3A_2346] : memref<26214400xf32, #tpu.memory_space<hbm>> -> memref<16384xf32, #tpu.memory_space<hbm>>
    %dma_wait3A_2348 = arith.constant 0 : i32
    %dma_wait3A_2349 = tpu.memref_slice %arg7[%dma_wait3A_2342, %dma_wait3A_2348] : memref<2x16384xf32, #tpu.memory_space<vmem>> -> memref<1x16384xf32, #tpu.memory_space<vmem>>
    %dma_wait3A_2350 = tpu.memref_squeeze %dma_wait3A_2349 : memref<1x16384xf32, #tpu.memory_space<vmem>> -> memref<16384xf32, #tpu.memory_space<vmem>>
    %dma_wait3A_2351 = arith.constant 0 : i32
    %dma_wait3A_2352 = tpu.memref_slice %arg4[%dma_wait3A_2351] : memref<26214400xf32, #tpu.memory_space<hbm>> -> memref<16384xf32, #tpu.memory_space<hbm>>
    tpu.wait_dma2 semaphore(%arg11 : memref<!tpu.dma_semaphore, #tpu.memory_space<semaphore_mem>>) src(%dma_wait3A_2352 : memref<16384xf32, #tpu.memory_space<hbm>>) dst(%dma_wait3A_2350 : memref<16384xf32, #tpu.memory_space<vmem>>)
    return
  }
}

</mosaic_0001>

<sc_bundles>
// kernel: kernel.3.cloned.1.call-start
scs
__scs_entry_jumppad:
0x0: {  	(pc) =	sbr.rel $0x88, $3  }
0x1: {  	(tag) =	ssettag $0x0;
	lr =	simm.s32 $0x1  }
0x2: {  	[smem:$0x3F9F] =	sst lr;
	_ =	strace $0xD0000000  }
0x3: {  	_ = 	snop  }
0x4: {  	_ = 	snop  }
0x5: {  	_ = 	snop  }
0x6: {  	_ = 	snop  }
0x7: {  	_ = 	snop  }
__scs_overlays_trampoline_lowered:
0x8: {  	[smem:$0x3FAE] =	sst s0  }
0x9: {  	[smem:$0x3FAF] =	sst s1  }
0xa: {  	[smem:$0x3FB0] =	sst s2  }
0xb: {  	[smem:$0x3FB1] =	sst s3  }
0xc: {  	[smem:$0x3FB2] =	sst s4  }
0xd: {  	[smem:$0x3FB3] =	sst s5  }
0xe: {  	[smem:$0x3FB4] =	sst s6  }
0xf: {  	[smem:$0x3FB5] =	sst s7  }
0x10: {  	[smem:$0x3FB6] =	sst s8  }
0x11: {  	[smem:$0x3FB7] =	sst s9;
	s0 =	simm.s32 @!p0 $0x0  }
0x12: {  	s1 =	sld [smem:$0x3F9D];
	s0 =	simm.s32 @p0 $0x1  }
0x13: {  	[smem:$0x3FB8] =	sst s0;
	s0 =	simm.s32 @!p1 $0x0  }
0x14: {  	s2 =	sld [smem:$0x3F9C];
	s0 =	simm.s32 @p1 $0x1  }
0x15: {  	[smem:$0x3FB9] =	sst s0;
	s0 =	simm.s32 @!p2 $0x0  }
0x16: {  	s3 =	sld [smem:$0x3FDB];
	s0 =	simm.s32 @p2 $0x1  }
0x17: {  	s4 =	simm.s32 $0x1BF5;
	[smem:$0x3FBB] =	sst s0  }
0x18: {  	s0 =	sld [smem:$0x3F9E];
	_ =	swait.ge [sflag:s4], $0x0  }
0x19: {  	s7 =	sld [smem:$0x3F9F]  }
0x1a: {  	s8 =	sadd.s32 $0xFFFFE003, lr  }
0x1b: {  	s9 =	sadd.s32 $0xFFFFFEF7, lr;
	s5 =	simm.s32 $0xFFFFFFFF;
	p2 =	slt.u32 s8, $0xFFFFF086  }
0x1c: {  	p1 =	slt.u32 s9, $0xF7A;
	s5 =	simm.s32 @!p2 $0x0  }
0x1d: {  	s5 =	simm.s32 @p1 $0x1;
	p0 =	seq.s32 s7, s2  }
0x1e: {  	s7 =	smul.u32 @!p0 $0xF7A, s2;
	p2 =	seq.s32 @!p0 s5, $0x0  }
0x1f: {  	s9 =	smul.u32 $0xF7A, s1;
	s8 =	simm.s32 @!p0 $0x1BF5;
	p2 =	por !p2, p0  }
0x20: {  	[sflag:s8] =	ssyncset.s32 @!p0 $0xFFFFF086;
	s6 =	sadd.s32 @!p0 s3, s7;
	s7 =	simm.s32 @!p0 $0x108  }
0x21: {  	s3 =	sadd.s32 s3, s9;
	s6 =	sadd.s32 @!p0 $0x88, s6;
	s7 =	simm.s32 @p2 $0x1082  }
0x22: {  	[simem:s7], [sflag:s8] =	dma.local @!p0 [hbm:s6], $0xF7A  }
0x23: {  	s9 =	sor.u32 $0xD0000000, s2;
	s6 =	simm.s32 $0x108;
	_ =	swait.ge @!p0 [sflag:s8], $0x0  }
0x24: {  	s3 =	sadd.s32 $0x88, s3;
	s6 =	simm.s32 @!p1 $0x1082;
	[sflag:s4] =	ssyncset.s32 $0xFFFFF086  }
0x25: {  	[simem:s6], [sflag:s4] =	dma.local [hbm:s3], $0xF7A  }
0x26: {  	[smem:$0x3F9F] =	sst s1;
	(tag) =	ssettag s2;
	_ =	strace s9  }
0x27: {  	s1 =	sld [smem:$0x3FAF]  }
0x28: {  	s2 =	sld [smem:$0x3FB0]  }
0x29: {  	s4 =	sld [smem:$0x3FB2]  }
0x2a: {  	p0 =	seq.s32 s5, $0x0;
	s5 =	sld [smem:$0x3FB3]  }
0x2b: {  	s6 =	sld [smem:$0x3FB4]  }
0x2c: {  	s7 =	sld [smem:$0x3FB5]  }
0x2d: {  	s3 =	simm.s32 $0x108;
	s8 =	sld [smem:$0x3FB6]  }
0x2e: {  	s3 =	simm.s32 @!p0 $0x1082;
	s9 =	sld [smem:$0x3FB7]  }
0x2f: {  	lr =	sadd.s32 s0, s3;
	s0 =	sld [smem:$0x3FAE]  }
0x30: {  	s3 =	sld [smem:$0x3FB1]  }
0x31: {  	[smem:$0x3FBA] =	sst s10  }
0x32: {  	s10 =	sld [smem:$0x3FB8];
	_ =	sdelay $0x3  }
0x33: {  	p0 =	seq.s32 s10, $0x1;
	s10 =	sld [smem:$0x3FBA];
	_ =	sdelay $0x3  }
0x34: {  	[smem:$0x3FBA] =	sst s10  }
0x35: {  	s10 =	sld [smem:$0x3FB9];
	_ =	sdelay $0x3  }
0x36: {  	p1 =	seq.s32 s10, $0x1;
	s10 =	sld [smem:$0x3FBA];
	_ =	sdelay $0x3  }
0x37: {  	[smem:$0x3FBA] =	sst s10  }
0x38: {  	s10 =	sld [smem:$0x3FBB]  }
0x39: {  	_ = 	snop;
	(pc) =	sbr.ind lr, $3  }
0x3a: {  	_ = 	snop  }
0x3b: {  	_ = 	snop  }
0x3c: {  	p2 =	seq.s32 s10, $0x1;
	s10 =	sld [smem:$0x3FBA]  }
0x3d: {  	_ =	shalt  }
0x3e: {  	_ =	shalt  }
0x3f: {  	_ =	shalt  }
0x40: {  	_ =	shalt  }
0x41: {  	_ =	shalt  }
0x42: {  	_ =	shalt  }
0x43: {  	_ =	shalt  }
0x44: {  	_ =	shalt  }
0x45: {  	_ =	shalt  }
0x46: {  	_ =	shalt  }
0x47: {  	_ =	shalt  }
0x48: {  	_ =	shalt  }
0x49: {  	_ =	shalt  }
0x4a: {  	_ =	shalt  }
0x4b: {  	_ =	shalt  }
0x4c: {  	_ =	shalt  }
0x4d: {  	_ =	shalt  }
0x4e: {  	_ =	shalt  }
0x4f: {  	_ =	shalt  }
0x50: {  	_ =	shalt  }
0x51: {  	_ =	shalt  }
0x52: {  	_ =	shalt  }
0x53: {  	_ =	shalt  }
0x54: {  	_ =	shalt  }
0x55: {  	_ =	shalt  }
0x56: {  	_ =	shalt  }
0x57: {  	_ =	shalt  }
0x58: {  	_ =	shalt  }
0x59: {  	_ =	shalt  }
0x5a: {  	_ =	shalt  }
0x5b: {  	_ =	shalt  }
0x5c: {  	_ =	shalt  }
0x5d: {  	_ =	shalt  }
0x5e: {  	_ =	shalt  }
0x5f: {  	_ =	shalt  }
0x60: {  	_ =	shalt  }
0x61: {  	_ =	shalt  }
0x62: {  	_ =	shalt  }
0x63: {  	_ =	shalt  }
0x64: {  	_ =	shalt  }
0x65: {  	_ =	shalt  }
0x66: {  	_ =	shalt  }
0x67: {  	_ =	shalt  }
0x68: {  	_ =	shalt  }
0x69: {  	_ =	shalt  }
0x6a: {  	_ =	shalt  }
0x6b: {  	_ =	shalt  }
0x6c: {  	_ =	shalt  }
0x6d: {  	_ =	shalt  }
0x6e: {  	_ =	shalt  }
0x6f: {  	_ =	shalt  }
0x70: {  	_ =	shalt  }
0x71: {  	_ =	shalt  }
0x72: {  	_ =	shalt  }
0x73: {  	_ =	shalt  }
0x74: {  	_ =	shalt  }
0x75: {  	_ =	shalt  }
0x76: {  	_ =	shalt  }
0x77: {  	_ =	shalt  }
0x78: {  	_ =	shalt  }
0x79: {  	_ =	shalt  }
0x7a: {  	_ =	shalt  }
0x7b: {  	_ =	shalt  }
0x7c: {  	_ =	shalt  }
0x7d: {  	_ =	shalt  }
0x7e: {  	_ =	shalt  }
0x7f: {  	_ =	shalt  }
0x80: {  	_ =	shalt  }
0x81: {  	_ =	shalt  }
0x82: {  	_ =	shalt  }
0x83: {  	_ =	shalt  }
0x84: {  	_ =	shalt  }
0x85: {  	_ =	shalt  }
0x86: {  	_ =	shalt  }
0x87: {  	_ =	shalt  }
.Lfunc_end0:
.L_simem_size_0:
called_computation_lowered:
.L_overlay_start_0:
0x88: {  	s2 =	sld [smem:$0x3FD9]  }
0x89: {  	s3 =	sld [smem:$0x3FFE];
	_ =	sdelay $0x1  }
0x8a: {  	s1 =	srdreg.scid  }
0x8b: {  	s0 =	sand.u32 $0x1, s1  }
0x8c: {  	s17 =	sshll.u32 s0, $0xA;
	s2 =	sadd.s32 s3, s2  }
0x8d: {  	s2 =	sadd.s32 s2, s17  }
0x8e: {  	[smem:$0x3FC6] =	sst s2  }
0x8f: {  	_ = 	snop  }
0x90: {  	s2 =	sld [smem:$0x3FD0];
	(tm) =	ssettm $0x1  }
0x91: {  	s18 =	sld [smem:$0x3FFB];
	_ =	sdelay $0x3  }
0x92: {  	_ =	strace s18  }
0x93: {  	s3 =	sld [smem:$0x3FFC];
	_ =	sdelay $0x3  }
0x94: {  	_ =	strace s3  }
0x95: {  	s3 =	sld [smem:$0x3FFD];
	_ =	sdelay $0x3  }
0x96: {  	_ =	strace s3  }
0x97: {  	_ =	strace $0x8FFFFFFF  }
0x98: {  	s19 =	sld [smem:$0x3FDB];
	_ =	sdelay $0x1  }
0x99: {  	s4 =	simm.s32 $_scs_section_size  }
0x9a: {  	s5 =	simm.s32 $_size__tile_overlayer_lowered;
	s6 =	simm.s32 $_tile_overlayer_lowered  }
0x9b: {  	s22 =	simm.s32 $0x1BFF;
	s21 =	sshll.u32 s6, $0x1;
	s3 =	sadd.s32 s4, s19  }
0x9c: {  	s7 =	simm.s32 $0x0;
	s20 =	sshll.u32 s5, $0x1;
	s5 =	sadd.s32 s21, s3  }
0x9d: {  	[timem:s7], [sflag:s22] =	dma.local [hbm:s5], s20  }
0x9e: {  	_ =	swait.ge [sflag:s22], s20  }
0x9f: {  	s4 =	ssub.s32 $0x0, s20;
	[sflag:s22] =	ssyncset.done $0x0  }
0xa0: {  	[sflag:s22] =	ssyncadd.s32 s4;
	_ =	sdelay $0x1  }
0xa1: {  	s23 =	simm.s32 $0x1B8B  }
0xa2: {  	_ =	swait.ge [sflag:s23], $0x1  }
0xa3: {  	[sflag:s23] =	ssyncset.done $0x0  }
0xa4: {  	s25 =	simm.s32 $0x1B8E;
	s24 =	sld [smem:$0x3FFE];
	[sflag:s23] =	ssyncadd.s32 $0xFFFFFFFF  }
0xa5: {  	s26 =	simm.s32 $execute0_lowered;
	[smem:$0x3FD2] =	sst s25  }
0xa6: {  	s5 =	sshll.u32 s26, $0x1;
	_ =	strace $0x80000046;
	[dreg:$0x1] =	wrdreg $0xFFFFFFFF  }
0xa7: {  	s28 =	simm.s32 $_size_execute0_lowered;
	s3 =	sadd.s32 s3, s5;
	[dreg:$0x0] =	wrdreg $0x0  }
0xa8: {  	s5 =	sshll.u32 s28, $0x1;
	[dreg:$0x2] =	wrdreg s3  }
0xa9: {  	[dreg:$0x3] =	wrdreg s5  }
0xaa: {  	[dreg:$0x4] =	wrdreg $0xC0  }
0xab: {  	_ =	task [dreg:s7], $0x5FFFF  }
0xac: {  	[dreg:$0x1] =	wrdreg $0xFFFFFFFF  }
0xad: {  	[dreg:$0x0] =	wrdreg $0x60  }
0xae: {  	[dreg:$0x2] =	wrdreg s24  }
0xaf: {  	[dreg:$0x3] =	wrdreg s2  }
0xb0: {  	[dreg:$0x4] =	wrdreg $0x9  }
0xb1: {  	_ =	task.clear_ibuf [dreg:s7], $0x5FFFF;
	_ =	strace $0x90000046  }
0xb2: {  	s29 =	simm.s32 $0x9;
	_ =	strace $0x80000048  }
0xb3: {  	_ =	swait.ge [sflag:s29], $0x1  }
0xb4: {  	[sflag:s29] =	ssyncadd.s32 $0xFFFFFFFF  }
0xb5: {  	_ =	strace $0x90000048  }
0xb6: {  	_ =	sfence  }
0xb7: {  	s30 =	sld [smem:$0x0];
	_ =	sdelay $0x2  }
0xb8: {  	s31 =	sshll.u32 s1, $0xD;
	s1 =	sshrl.u32 s1, $0x2  }
0xb9: {  	s3 =	sand.u32 $0x4000, s31;
	s1 =	sadd.s32 s1, s30  }
0xba: {  	s0 =	sor.u32 s3, s0;
	s1 =	sshll.u32 s1, $0x11  }
0xbb: {  	s0 =	sor.u32 s1, s0  }
0xbc: {  	s0 =	sadd.s32 $0x8F2B, s0  }
0xbd: {  	[sflag:s0] =	ssyncadd.remote.s32 $0x1  }
0xbe: {  	_ =	sfence.sel $0xFFFF  }
0xbf: {  	[dreg:$0x0] =	wrdreg $0xFFFFFFFF;
	(pc) =	sbr.abs _section_cstart, $3  }
0xc0: {  	[dreg:$0x1] =	wrdreg $0xFFFFFFFF  }
0xc1: {  	_ =	task.clear_ibuf [dreg:s7], $0x2FFFF;
	_ =	strace $0x9FFFFFFF  }
0xc2: {  	(tm) =	ssettm $0x7FFFFFFF  }
0xc3: {  	_ =	shalt  }
tec
execute0_lowered:
.L_overlay_start_1:
0x0: {  	(tag) =	ssettag $0x1  }
0x1: {  	s1 =	srdreg.scid;
	s3 =	stileid.u32  }
0x2: {  	s1 =	sand.u32 $0x1, s1;
	s4 =	sshll.u32 s3, $0x1  }
0x3: {  	s6 =	sor.u32 s1, s4  }
0x4: {  	s0 =	rddreg [dreg:$0x0];
	s4 =	smul.u32 $0xC8, s6  }
0x5: {  	s2 =	rddreg [dreg:$0x1];
	s3 =	simm.s32 $0x0;
	s7 =	smul.u32 $0x320, s6  }
0x6: {  	[smem:$0x7FF] =	sst s3;
	s1 =	ssub.s32 $0x2, s1;
	s6 =	smul.u32 $0xC80, s6  }
0x7: {  	s5 =	sadd.s32 $0xF42A00, s0;
	_ =	strace $0x80000047;
	s8 =	sshrl.u32 s1, $0x1  }
0x8: {  	s9 =	sand.u32 $0x78, s4;
	s7 =	sand.u32 $0x7E00, s7;
	s6 =	sadd.s32 s6, s0  }
0x9: {  	s0 =	ssub.s32 s1, s8;
	s8 =	sadd.s32 $0x8000, s2;
	s14 =	sadd.s32 $0xC0, s4  }
0xa: {  	s16 =	sadd.s32 $0xC1, s4;
	s18 =	sadd.s32 $0xC2, s4;
	s21 =	sadd.s32 $0xC4, s4  }
0xb: {  	s23 =	sadd.s32 $0xC5, s4;
	s26 =	sadd.s32 $0xC6, s4;
	s30 =	sadd.s32 $0xC7, s4  }
0xc: {  	s11 =	sor.u32 s9, s7;
	s6 =	sadd.s32 $0x600, s6;
	s7 =	sadd.s32 $0x4000, s2  }
0xd: {  	s9 =	sadd.s32 $0xC000, s2;
	s15 =	sshll.u32 s14, $0x2;
	s1 =	sshll.u32 s11, $0x7  }
0xe: {  	s0 =	smax.u32 s0, $0x1;
	[dreg:$0x3] =	wrdreg s6;
	s12 =	sor.u32 $0x80, s1  }
0xf: {  	s17 =	sshll.u32 s16, $0x2;
	[smem:$0x7FD] =	sst s0;
	s10 =	sadd.s32 s2, s12  }
0x10: {  	s22 =	sshll.u32 s21, $0x2;
	s13 =	sadd.s32 s12, s7;
	[dreg:$0x4] =	wrdreg s10  }
0x11: {  	s24 =	sand.u32 $0x7D, s23;
	s11 =	sadd.s32 s12, s8;
	[dreg:$0x5] =	wrdreg s13  }
0x12: {  	s6 =	sadd.s32 s12, s9;
	s12 =	sshll.u32 s18, $0x2;
	[dreg:$0x6] =	wrdreg s11  }
0x13: {  	[dreg:$0x7] =	wrdreg s6;
	s10 =	sand.u32 $0x78, s14;
	s6 =	sand.u32 $0xFE00, s15  }
0x14: {  	s11 =	sand.u32 $0x79, s16;
	s12 =	sand.u32 $0xFE00, s12;
	s15 =	sadd.s32 $0xC3, s4  }
0x15: {  	s16 =	sshll.u32 s23, $0x2;
	s13 =	sor.u32 s10, s6;
	s6 =	sand.u32 $0xFE00, s17  }
0x16: {  	s10 =	sand.u32 $0x7A, s18;
	s19 =	sshll.u32 s15, $0x2;
	s20 =	sand.u32 $0x7B, s15  }
0x17: {  	s25 =	sand.u32 $0xFE00, s16;
	s17 =	sand.u32 $0x7E, s26;
	s18 =	sshll.u32 s30, $0x2  }
0x18: {  	s16 =	sand.u32 $0x7F, s30;
	s14 =	sor.u32 s11, s6;
	s10 =	sor.u32 s10, s12  }
0x19: {  	s6 =	sand.u32 $0xFE00, s19;
	s12 =	sand.u32 $0x7C, s21;
	s11 =	sshll.u32 s26, $0x2  }
0x1a: {  	s18 =	sand.u32 $0xFE00, s18;
	s19 =	sor.u32 $0x100, s1;
	s26 =	sor.u32 $0x200, s1  }
0x1b: {  	s15 =	sor.u32 s20, s6;
	s6 =	sand.u32 $0xFE00, s22;
	s31 =	sadd.s32 s2, s19  }
0x1c: {  	s11 =	sand.u32 $0xFE00, s11;
	s21 =	sadd.s32 s19, s8;
	[dreg:$0x8] =	wrdreg s31  }
0x1d: {  	s20 =	sor.u32 $0x180, s1;
	s22 =	sadd.s32 s19, s9;
	[dreg:$0xa] =	wrdreg s21  }
0x1e: {  	s30 =	sadd.s32 s2, s26;
	s17 =	sor.u32 s17, s11;
	[dreg:$0xb] =	wrdreg s22  }
0x1f: {  	s11 =	sor.u32 s16, s18;
	s18 =	sadd.s32 s19, s7;
	[dreg:$0x10] =	wrdreg s30  }
0x20: {  	s12 =	sor.u32 s12, s6;
	s23 =	sadd.s32 s2, s20;
	[dreg:$0x9] =	wrdreg s18  }
0x21: {  	s6 =	sor.u32 s24, s25;
	s24 =	sadd.s32 s20, s7;
	[dreg:$0xc] =	wrdreg s23  }
0x22: {  	s25 =	sadd.s32 s20, s8;
	[dreg:$0xd] =	wrdreg s24  }
0x23: {  	s16 =	sadd.s32 s20, s9;
	[dreg:$0xe] =	wrdreg s25  }
0x24: {  	s31 =	sadd.s32 s26, s7;
	[dreg:$0xf] =	wrdreg s16  }
0x25: {  	s19 =	sadd.s32 s26, s8;
	[dreg:$0x11] =	wrdreg s31  }
0x26: {  	s20 =	sadd.s32 s26, s9;
	s21 =	sor.u32 $0x280, s1;
	[dreg:$0x12] =	wrdreg s19  }
0x27: {  	[dreg:$0x13] =	wrdreg s20;
	s22 =	sadd.s32 s2, s21  }
0x28: {  	s23 =	sadd.s32 s21, s7;
	[dreg:$0x14] =	wrdreg s22  }
0x29: {  	s25 =	sadd.s32 s21, s8;
	[dreg:$0x15] =	wrdreg s23  }
0x2a: {  	s16 =	sadd.s32 s21, s9;
	[dreg:$0x16] =	wrdreg s25  }
0x2b: {  	s19 =	sadd.s32 s2, s1;
	[dreg:$0x17] =	wrdreg s16  }
0x2c: {  	s20 =	sadd.s32 s1, s7;
	[dreg:$0x1c] =	wrdreg s19  }
0x2d: {  	s24 =	sor.u32 $0x300, s1;
	s21 =	sadd.s32 s1, s8;
	[dreg:$0x1d] =	wrdreg s20  }
0x2e: {  	s26 =	sadd.s32 s2, s24;
	[dreg:$0x1e] =	wrdreg s21  }
0x2f: {  	s30 =	sadd.s32 s24, s7;
	[dreg:$0x18] =	wrdreg s26  }
0x30: {  	s31 =	sadd.s32 s24, s8;
	[dreg:$0x19] =	wrdreg s30  }
0x31: {  	s12 =	sshll.u32 s12, $0x7;
	s18 =	sadd.s32 s24, s9;
	[dreg:$0x1a] =	wrdreg s31  }
0x32: {  	s22 =	sadd.s32 s1, s9;
	s1 =	sor.u32 $0x380, s1;
	[dreg:$0x1b] =	wrdreg s18  }
0x33: {  	s16 =	sshll.u32 s14, $0x7;
	s14 =	sadd.s32 s12, s7;
	[dreg:$0x1f] =	wrdreg s22  }
0x34: {  	s23 =	sadd.s32 s2, s1;
	[smem:$0x7EE] =	sst s14  }
0x35: {  	s24 =	sadd.s32 s1, s7;
	[smem:$0x7D9] =	sst s23  }
0x36: {  	s25 =	sadd.s32 s1, s8;
	[smem:$0x7DA] =	sst s24  }
0x37: {  	s13 =	sshll.u32 s13, $0x7;
	s1 =	sadd.s32 s1, s9;
	[smem:$0x7DB] =	sst s25  }
0x38: {  	s26 =	sadd.s32 s2, s13;
	[smem:$0x7DC] =	sst s1  }
0x39: {  	s30 =	sadd.s32 s13, s7;
	[smem:$0x7DD] =	sst s26  }
0x3a: {  	s31 =	sadd.s32 s13, s8;
	[smem:$0x7DE] =	sst s30  }
0x3b: {  	s13 =	sadd.s32 s13, s9;
	[smem:$0x7DF] =	sst s31  }
0x3c: {  	s18 =	sadd.s32 s2, s16;
	[smem:$0x7E0] =	sst s13  }
0x3d: {  	s19 =	sadd.s32 s16, s7;
	[smem:$0x7E1] =	sst s18  }
0x3e: {  	s20 =	sadd.s32 s16, s8;
	[smem:$0x7E2] =	sst s19  }
0x3f: {  	s22 =	sshll.u32 s15, $0x7;
	s15 =	sadd.s32 s12, s8;
	[smem:$0x7E3] =	sst s20  }
0x40: {  	s21 =	sshll.u32 s10, $0x7;
	s1 =	sadd.s32 s16, s9;
	[smem:$0x7EF] =	sst s15  }
0x41: {  	s23 =	sadd.s32 s2, s21;
	[smem:$0x7E4] =	sst s1  }
0x42: {  	s24 =	sadd.s32 s21, s7;
	[smem:$0x7E5] =	sst s23  }
0x43: {  	s25 =	sadd.s32 s21, s8;
	[smem:$0x7E6] =	sst s24  }
0x44: {  	s26 =	sadd.s32 s2, s22;
	[smem:$0x7E7] =	sst s25  }
0x45: {  	s30 =	sadd.s32 s22, s7;
	[smem:$0x7E9] =	sst s26  }
0x46: {  	s31 =	sadd.s32 s22, s8;
	[smem:$0x7EA] =	sst s30  }
0x47: {  	s10 =	sadd.s32 s22, s9;
	[smem:$0x7EB] =	sst s31  }
0x48: {  	s17 =	sshll.u32 s17, $0x7;
	s13 =	sadd.s32 s2, s12;
	[smem:$0x7EC] =	sst s10  }
0x49: {  	s22 =	sadd.s32 s17, s7;
	[smem:$0x7ED] =	sst s13  }
0x4a: {  	s16 =	sshll.u32 s6, $0x7;
	s1 =	sadd.s32 s21, s9;
	[smem:$0x7F6] =	sst s22  }
0x4b: {  	s18 =	sadd.s32 s2, s16;
	[smem:$0x7E8] =	sst s1  }
0x4c: {  	s19 =	sadd.s32 s16, s7;
	[smem:$0x7F1] =	sst s18  }
0x4d: {  	s20 =	sadd.s32 s16, s8;
	[smem:$0x7F2] =	sst s19  }
0x4e: {  	s21 =	sadd.s32 s2, s17;
	[smem:$0x7F3] =	sst s20  }
0x4f: {  	s23 =	sadd.s32 s17, s8;
	[smem:$0x7F5] =	sst s21  }
0x50: {  	s24 =	sadd.s32 s17, s9;
	[smem:$0x7F7] =	sst s23  }
0x51: {  	s25 =	sshll.u32 s11, $0x7;
	s1 =	sadd.s32 s12, s9;
	[smem:$0x7F8] =	sst s24  }
0x52: {  	s29 =	simm.s32 $0x80;
	s26 =	sadd.s32 s2, s25;
	[smem:$0x7F0] =	sst s1  }
0x53: {  	s28 =	simm.s32 $0x4;
	s30 =	sadd.s32 s25, s7;
	[smem:$0x7F9] =	sst s26  }
0x54: {  	v0 =	vlaneseq.u32;
	s0 =	simm.s32 $0x12400;
	s31 =	sadd.s32 s25, s8;
	[smem:$0x7FA] =	sst s30  }
0x55: {  	v0 =	vmul.u32 $0x80, v0;
	s14 =	simm.s32 $0xE400;
	s1 =	sadd.s32 s16, s9;
	[smem:$0x7FB] =	sst s31  }
0x56: {  	s10 =	simm.s32 $0x0;
	[smem:$0x7F4] =	sst s1;
	s1 =	sadd.s32 s25, s9  }
0x57: {  	v1 =	vor.u32 $0x800, v0;
	s26 =	simm.s32 $0x3;
	[smem:$0x7FC] =	sst s1;
	s1 =	simm.s32 $0x2  }
.LBB2_1:
0x58: {  	[smem:$0x7D8] =	sst s10  }
0x59: {  	s6 =	rddreg [dreg:$0x3];
	s17 =	simm.s32 $0x5  }
0x5a: {  	[tilespmem:s3], [sflag:$0x5] =	stream.linear.gather [hbm4b:s6+s3], $0x6400, $0x38;
	[tilespmem:$0x16400] =	vst v63  }
0x5b: {  	_ =	swait.ge [sflag:s17], $0x6400  }
0x5c: {  	[sflag:s17] =	ssyncset.done $0x0  }
0x5d: {  	s18 =	simm.s32 $0x6400;
	[sflag:s17] =	ssyncadd.s32 $0xFFFF9C00  }
0x5e: {  	[tilespmem:s18], [sflag:$0x1] =	stream.indirect.gather [hbm4b:s5+s29], $0x20, s3, s29, $0xb8;
	[tilespmem:$0x16400] =	vst v63  }
0x5f: {  	s19 =	simm.s32 $0x7400  }
0x60: {  	[tilespmem:s19], [sflag:$0x1] =	stream.indirect.gather [hbm4b:s5+s29], $0x20, s29, s29, $0xb8;
	[tilespmem:$0x16400] =	vst v63  }
0x61: {  	s20 =	simm.s32 $0x100;
	s21 =	simm.s32 $0x8400  }
0x62: {  	[tilespmem:s21], [sflag:$0x1] =	stream.indirect.gather [hbm4b:s5+s29], $0x20, s20, s29, $0xb8;
	[tilespmem:$0x16400] =	vst v63  }
0x63: {  	s22 =	simm.s32 $0x180;
	s23 =	simm.s32 $0x9400  }
0x64: {  	[tilespmem:s23], [sflag:$0x1] =	stream.indirect.gather [hbm4b:s5+s29], $0x20, s22, s29, $0xb8;
	[tilespmem:$0x16400] =	vst v63  }
0x65: {  	s24 =	simm.s32 $0x200;
	s25 =	simm.s32 $0xA400  }
0x66: {  	[tilespmem:s25], [sflag:$0x2] =	stream.indirect.gather [hbm4b:s5+s29], $0x20, s24, s29, $0xb8;
	[tilespmem:$0x16400] =	vst v63  }
0x67: {  	s30 =	simm.s32 $0x280;
	s31 =	simm.s32 $0xB400  }
0x68: {  	[tilespmem:s31], [sflag:$0x2] =	stream.indirect.gather [hbm4b:s5+s29], $0x20, s30, s29, $0xb8;
	[tilespmem:$0x16400] =	vst v63  }
0x69: {  	s11 =	simm.s32 $0x300;
	s12 =	simm.s32 $0xC400  }
0x6a: {  	[tilespmem:s12], [sflag:$0x2] =	stream.indirect.gather [hbm4b:s5+s29], $0x20, s11, s29, $0xb8;
	[tilespmem:$0x16400] =	vst v63  }
0x6b: {  	s13 =	simm.s32 $0x380;
	s15 =	simm.s32 $0xD400;
	s16 =	simm.s32 $0x1  }
0x6c: {  	[tilespmem:s15], [sflag:$0x2] =	stream.indirect.gather [hbm4b:s5+s29], $0x20, s13, s29, $0xb8;
	[tilespmem:$0x16400] =	vst v63  }
0x6d: {  	_ =	swait.ge [sflag:s16], $0x4000  }
0x6e: {  	[sflag:s16] =	ssyncset.done $0x0  }
0x6f: {  	s17 =	simm.s32 $0x6500;
	[sflag:s16] =	ssyncadd.s32 $0xFFFFC000  }
0x70: {  	v13 =	vld [tilespmem:s17+$0x0]  }
0x71: {  	v2 =	vld [tilespmem:s17+$0x30]  }
0x72: {  	v5 =	vld [tilespmem:s17+$0xFFFFFFB0]  }
0x73: {  	v6 =	vld [tilespmem:s17+$0xFFFFFF10]  }
0x74: {  	v7 =	vld [tilespmem:s17+$0xFFFFFFF0]  }
0x75: {  	v8 =	vld [tilespmem:s17+$0xF0]  }
0x76: {  	s18 =	simm.s32 $0x0;
	v4 =	vld [tilespmem:s17+$0xFFFFFF00]  }
0x77: {  	s6 =	smul.u32 $0xF80, s18;
	v14 =	vld [tilespmem:s17+$0xFFFFFF30]  }
0x78: {  	v9 =	vld [tilespmem:s17+$0xD0]  }
0x79: {  	s6 =	sadd.s32 $0x0, s6;
	v11 =	vld [tilespmem:s17+$0xE0]  }
0x7a: {  	v10 =	vadd.s32 s6, v0;
	s11 =	sadd.s32 $0xF, s6;
	v16 =	vld [tilespmem:s17+$0xFFFFFFA0]  }
0x7b: {  	s19 =	sadd.s32 $0x5, s6;
	v15 =	vadd.s32 s11, v0;
	v3 =	vld [tilespmem:s17+$0xFFFFFF50]  }
0x7c: {  	v20 =	vadd.s32 s19, v0;
	v19 =	vld [tilespmem:s17+$0xB0]  }
0x7d: {  	v17 =	vadd.s32 s11, v1;
	v12 =	vld [tilespmem:s17+$0xFFFFFFD0]  }
0x7e: {  	v18 =	vadd.s32 s6, v1;
	s16 =	sadd.s32 $0x6, s6;
	v22 =	vld [tilespmem:s17+$0x70]  }
0x7f: {  	s12 =	sadd.s32 $0xD, s6;
	v31 =	vld [tilespmem:s17+$0xFFFFFFC0];
	v32 =	vadd.s32 s16, v0;
	[tilespmem:v10+s14+$0x0] =	vst.idx.msk $0xffff, v4  }
0x80: {  	s20 =	sadd.s32 $0xE, s6;
	v21 =	vadd.s32 s12, v0;
	v10 =	vld [tilespmem:s17+$0xA0];
	[tilespmem:v15+s14+$0x0] =	vst.idx.msk $0xffff, v11  }
0x81: {  	v11 =	vadd.s32 s20, v0;
	v15 =	vld [tilespmem:s17+$0xC0];
	[tilespmem:v20+s14+$0x0] =	vst.idx.msk $0xffff, v16  }
0x82: {  	v23 =	vadd.s32 s12, v1;
	s15 =	sadd.s32 $0x7, s6;
	v28 =	vld [tilespmem:s17+$0x60];
	[tilespmem:v17+s14+$0x0] =	vst.idx.msk $0xffff, v8  }
0x83: {  	v8 =	vadd.s32 s15, v0;
	[tilespmem:v18+s14+$0x0] =	vst.idx.msk $0xffff, v6;
	v6 =	vld [tilespmem:s17+$0xFFFFFFE0]  }
0x84: {  	v27 =	vld [tilespmem:s17+$0x20];
	v16 =	vadd.s32 s20, v1;
	[tilespmem:v32+s14+$0x0] =	vst.idx.msk $0xffff, v31  }
0x85: {  	v26 =	vld [tilespmem:s17+$0x40];
	v17 =	vadd.s32 s15, v1;
	[tilespmem:v21+s14+$0x0] =	vst.idx.msk $0xffff, v10  }
0x86: {  	s22 =	sadd.s32 $0x2, s6;
	v25 =	vld [tilespmem:s17+$0xFFFFFF80];
	v10 =	vadd.s32 s19, v1;
	[tilespmem:v11+s14+$0x0] =	vst.idx.msk $0xffff, v15  }
0x87: {  	s24 =	sadd.s32 $0x8, s6;
	v11 =	vadd.s32 s22, v0;
	v21 =	vld [tilespmem:s17+$0xFFFFFF40];
	[tilespmem:v23+s14+$0x0] =	vst.idx.msk $0xffff, v19  }
0x88: {  	s21 =	sadd.s32 $0xC, s6;
	v30 =	vadd.s32 s24, v0;
	v29 =	vld [tilespmem:s17+$0xFFFFFF60];
	[tilespmem:v8+s14+$0x0] =	vst.idx.msk $0xffff, v6  }
0x89: {  	s23 =	sadd.s32 $0x1, s6;
	v20 =	vld [tilespmem:s17+$0x80];
	v19 =	vadd.s32 s21, v0;
	[tilespmem:v16+s14+$0x0] =	vst.idx.msk $0xffff, v9  }
0x8a: {  	v18 =	vld [tilespmem:s17+$0xFFFFFF20];
	v6 =	vadd.s32 s23, v0;
	[tilespmem:v17+s14+$0x0] =	vst.idx.msk $0xffff, v7  }
0x8b: {  	v4 =	vld [tilespmem:s17+$0x90];
	v7 =	vadd.s32 s23, v1;
	[tilespmem:v10+s14+$0x0] =	vst.idx.msk $0xffff, v5  }
0x8c: {  	s25 =	sadd.s32 $0x3, s6;
	s30 =	sadd.s32 $0xB, s6;
	v24 =	vadd.s32 s16, v1;
	v8 =	vadd.s32 s22, v1;
	v23 =	vld [tilespmem:s17+$0xFFFFFF90];
	[tilespmem:v11+s14+$0x0] =	vst.idx.msk $0xffff, v21  }
0x8d: {  	s31 =	sadd.s32 $0x9, s6;
	v15 =	vadd.s32 s30, v1;
	v17 =	vadd.s32 s30, v0;
	s30 =	sadd.s32 $0x4, s6;
	s6 =	sadd.s32 $0xA, s6;
	v10 =	vld [tilespmem:s17+$0x10];
	v5 =	vadd.s32 s21, v1;
	[tilespmem:v30+s14+$0x0] =	vst.idx.msk $0xffff, v13  }
0x8e: {  	v16 =	vadd.s32 s25, v1;
	v11 =	vadd.s32 s25, v0;
	v21 =	vadd.s32 s6, v0;
	v30 =	vld [tilespmem:s17+$0xFFFFFF70];
	[tilespmem:v19+s14+$0x0] =	vst.idx.msk $0xffff, v20  }
0x8f: {  	v9 =	vadd.s32 s30, v1;
	v19 =	vld [tilespmem:s17+$0x50];
	[tilespmem:v6+s14+$0x0] =	vst.idx.msk $0xffff, v18;
	v6 =	vadd.s32 s30, v0;
	v20 =	vadd.s32 s31, v0  }
0x90: {  	s10 =	simm.s32 $0x6700;
	v18 =	vadd.s32 s31, v1;
	[tilespmem:v7+s14+$0x0] =	vst.idx.msk $0xffff, v14;
	v7 =	vadd.s32 s24, v1;
	v14 =	vadd.s32 s6, v1;
	s6 =	simm.s32 $0x10  }
.LBB2_2:
0x91: {  	s11 =	sshrl.u32 s6, $0x7  }
0x92: {  	v13 =	vld [tilespmem:s10+$0x0];
	p0 =	slt.u32 s6, $0x1F0;
	[tilespmem:v24+s14+$0x0] =	vst.idx.msk $0xffff, v12;
	s12 =	smov.u32 s6;
	s6 =	sadd.s32 $0x10, s6  }
0x93: {  	s11 =	smul.u32 $0xF80, s11;
	v12 =	vld [tilespmem:s10+$0x30];
	[tilespmem:v17+s14+$0x0] =	vst.idx.msk $0xffff, v28  }
0x94: {  	v31 =	vld [tilespmem:s10+$0xFFFFFFB0];
	[tilespmem:v11+s14+$0x0] =	vst.idx.msk $0xffff, v29  }
0x95: {  	v28 =	vld [tilespmem:s10+$0xFFFFFF10];
	s12 =	sadd.s32 s11, s12;
	[tilespmem:v15+s14+$0x0] =	vst.idx.msk $0xffff, v22  }
0x96: {  	s15 =	sadd.s32 $0x1, s12;
	v29 =	vld [tilespmem:s10+$0xFFFFFFF0];
	s11 =	sadd.s32 $0x7, s12;
	s16 =	sadd.s32 $0xD, s12;
	[tilespmem:v16+s14+$0x0] =	vst.idx.msk $0xffff, v30  }
0x97: {  	v16 =	vadd.s32 s12, v0;
	v22 =	vadd.s32 s12, v1;
	s30 =	sadd.s32 $0x2, s12;
	s31 =	sadd.s32 $0x6, s12;
	s17 =	sadd.s32 $0xB, s12;
	v30 =	vadd.s32 s15, v0;
	v32 =	vld [tilespmem:s10+$0xF0];
	[tilespmem:v20+s14+$0x0] =	vst.idx.msk $0xffff, v27  }
0x98: {  	s18 =	sadd.s32 $0x3, s12;
	s19 =	sadd.s32 $0xC, s12;
	v33 =	vadd.s32 s30, v0;
	v27 =	vadd.s32 s16, v0;
	v34 =	vadd.s32 s16, v1;
	s16 =	sadd.s32 $0xE, s12;
	v20 =	vld [tilespmem:s10+$0xFFFFFF00];
	[tilespmem:v21+s14+$0x0] =	vst.idx.msk $0xffff, v26  }
0x99: {  	s20 =	sadd.s32 $0x4, s12;
	s21 =	sadd.s32 $0xF, s12;
	v11 =	vadd.s32 s18, v0;
	v36 =	vadd.s32 s19, v0;
	v26 =	vadd.s32 s16, v0;
	v35 =	vld [tilespmem:s10+$0xFFFFFF30]  }
0x9a: {  	s22 =	sadd.s32 $0x5, s12;
	v37 =	vadd.s32 s19, v1;
	v39 =	vadd.s32 s21, v0;
	v21 =	vadd.s32 s20, v0;
	v38 =	vld [tilespmem:s10+$0xD0]  }
0x9b: {  	v40 =	vadd.s32 s22, v0;
	v42 =	vadd.s32 s21, v1;
	v41 =	vadd.s32 s16, v1;
	[tilespmem:v18+s14+$0x0] =	vst.idx.msk $0xffff, v2;
	v2 =	vmovc v12  }
0x9c: {  	v43 =	vadd.s32 s31, v0;
	v17 =	vadd.s32 s17, v0;
	v15 =	vadd.s32 s17, v1;
	v18 =	vld [tilespmem:s10+$0xE0];
	[tilespmem:v6+s14+$0x0] =	vst.idx.msk $0xffff, v25;
	v6 =	vmovc v21  }
0x9d: {  	v44 =	vadd.s32 s15, v1;
	s15 =	sadd.s32 $0x8, s12;
	v25 =	vadd.s32 s11, v0;
	[tilespmem:v16+s14+$0x0] =	vst.idx.msk $0xffff, v20;
	v16 =	vadd.s32 s18, v1  }
0x9e: {  	v24 =	vadd.s32 s31, v1;
	v46 =	vadd.s32 s15, v0;
	s16 =	sadd.s32 $0x9, s12;
	v45 =	vld [tilespmem:s10+$0xFFFFFFA0];
	[tilespmem:v14+s14+$0x0] =	vst.idx.msk $0xffff, v19  }
0x9f: {  	s12 =	sadd.s32 $0xA, s12;
	v20 =	vadd.s32 s16, v0;
	[tilespmem:v8+s14+$0x0] =	vst.idx.msk $0xffff, v3;
	v3 =	vld [tilespmem:s10+$0xFFFFFF50]  }
0xa0: {  	v21 =	vadd.s32 s12, v0;
	v19 =	vld [tilespmem:s10+$0xB0];
	[tilespmem:v9+s14+$0x0] =	vst.idx.msk $0xffff, v23  }
0xa1: {  	v8 =	vadd.s32 s30, v1;
	v23 =	vadd.s32 s11, v1;
	v12 =	vld [tilespmem:s10+$0xFFFFFFD0];
	[tilespmem:v5+s14+$0x0] =	vst.idx.msk $0xffff, v4;
	v5 =	vmov v37  }
0xa2: {  	v14 =	vadd.s32 s15, v1;
	v9 =	vadd.s32 s20, v1;
	v37 =	vld [tilespmem:s10+$0xA0];
	[tilespmem:v39+s14+$0x0] =	vst.idx.msk $0xffff, v18  }
0xa3: {  	v39 =	vadd.s32 s22, v1;
	v18 =	vadd.s32 s16, v1;
	v4 =	vld [tilespmem:s10+$0x90];
	[tilespmem:v7+s14+$0x0] =	vst.idx.msk $0xffff, v10;
	v7 =	vmov v14  }
0xa4: {  	v14 =	vadd.s32 s12, v1;
	v10 =	vld [tilespmem:s10+$0xC0];
	[tilespmem:v42+s14+$0x0] =	vst.idx.msk $0xffff, v32  }
0xa5: {  	[tilespmem:v22+s14+$0x0] =	vst.idx.msk $0xffff, v28;
	v32 =	vld [tilespmem:s10+$0xFFFFFFE0]  }
0xa6: {  	[tilespmem:v40+s14+$0x0] =	vst.idx.msk $0xffff, v45;
	v22 =	vld [tilespmem:s10+$0x70]  }
0xa7: {  	v40 =	vld [tilespmem:s10+$0xFFFFFF20];
	[tilespmem:v27+s14+$0x0] =	vst.idx.msk $0xffff, v37  }
0xa8: {  	v37 =	vld [tilespmem:s10+$0x80];
	[tilespmem:v34+s14+$0x0] =	vst.idx.msk $0xffff, v19  }
0xa9: {  	v28 =	vld [tilespmem:s10+$0x60];
	[tilespmem:v26+s14+$0x0] =	vst.idx.msk $0xffff, v10  }
0xaa: {  	v19 =	vld [tilespmem:s10+$0xFFFFFF40];
	[tilespmem:v25+s14+$0x0] =	vst.idx.msk $0xffff, v32  }
0xab: {  	v32 =	vld [tilespmem:s10+$0xFFFFFFC0];
	[tilespmem:v23+s14+$0x0] =	vst.idx.msk $0xffff, v29  }
0xac: {  	v27 =	vld [tilespmem:s10+$0x20];
	[tilespmem:v41+s14+$0x0] =	vst.idx.msk $0xffff, v38  }
0xad: {  	[tilespmem:v39+s14+$0x0] =	vst.idx.msk $0xffff, v31;
	v26 =	vld [tilespmem:s10+$0x40]  }
0xae: {  	v10 =	vld [tilespmem:s10+$0x10];
	[tilespmem:v36+s14+$0x0] =	vst.idx.msk $0xffff, v37  }
.Ltmp0:
0xaf: {  	[tilespmem:v33+s14+$0x0] =	vst.idx.msk $0xffff, v19;
	v19 =	vld [tilespmem:s10+$0x50];
	(pc) =	sbr.rel @p0 .LBB2_2-.Ltmp0, $4  }
0xb0: {  	[tilespmem:v30+s14+$0x0] =	vst.idx.msk $0xffff, v40;
	v25 =	vld [tilespmem:s10+$0xFFFFFF80]  }
0xb1: {  	[tilespmem:v44+s14+$0x0] =	vst.idx.msk $0xffff, v35;
	v29 =	vld [tilespmem:s10+$0xFFFFFF60]  }
0xb2: {  	v23 =	vld [tilespmem:s10+$0xFFFFFF90];
	[tilespmem:v46+s14+$0x0] =	vst.idx.msk $0xffff, v13  }
0xb3: {  	v30 =	vld [tilespmem:s10+$0xFFFFFF70];
	[tilespmem:v43+s14+$0x0] =	vst.idx.msk $0xffff, v32;
	s10 =	sadd.s32 $0x200, s10  }
0xb4: {  	_ =	sdelay $0x3  }
0xb5: {  	[tilespmem:v24+s14+$0x0] =	vst.idx.msk $0xffff, v12  }
0xb6: {  	[tilespmem:v17+s14+$0x0] =	vst.idx.msk $0xffff, v28  }
0xb7: {  	[tilespmem:v20+s14+$0x0] =	vst.idx.msk $0xffff, v27  }
0xb8: {  	[tilespmem:v21+s14+$0x0] =	vst.idx.msk $0xffff, v26  }
0xb9: {  	[tilespmem:v8+s14+$0x0] =	vst.idx.msk $0xffff, v3  }
0xba: {  	[tilespmem:v5+s14+$0x0] =	vst.idx.msk $0xffff, v4  }
0xbb: {  	[tilespmem:v7+s14+$0x0] =	vst.idx.msk $0xffff, v10  }
0xbc: {  	[tilespmem:v15+s14+$0x0] =	vst.idx.msk $0xffff, v22  }
0xbd: {  	[tilespmem:v18+s14+$0x0] =	vst.idx.msk $0xffff, v2  }
0xbe: {  	[tilespmem:v6+s14+$0x0] =	vst.idx.msk $0xffff, v25  }
0xbf: {  	[tilespmem:v14+s14+$0x0] =	vst.idx.msk $0xffff, v19  }
0xc0: {  	[tilespmem:v11+s14+$0x0] =	vst.idx.msk $0xffff, v29  }
0xc1: {  	[tilespmem:v9+s14+$0x0] =	vst.idx.msk $0xffff, v23  }
0xc2: {  	[tilespmem:v16+s14+$0x0] =	vst.idx.msk $0xffff, v30  }
0xc3: {  	s6 =	simm.s32 $0x0;
	s10 =	rddreg [dreg:$0x1c]  }
0xc4: {  	[hbm4b:s10+s6] =	stream.linear.scatter [tilespmem:s14], [sflag:$0x3], $0x400, $0x38;
	[tilespmem:$0x16400] =	vst v63  }
0xc5: {  	s11 =	simm.s32 $0xE800;
	s25 =	rddreg [dreg:$0x1d]  }
0xc6: {  	[hbm4b:s25+s6] =	stream.linear.scatter [tilespmem:s11], [sflag:$0x3], $0x400, $0x38;
	[tilespmem:$0x16400] =	vst v63  }
0xc7: {  	s31 =	simm.s32 $0xEC00;
	s30 =	rddreg [dreg:$0x1e]  }
0xc8: {  	[hbm4b:s30+s6] =	stream.linear.scatter [tilespmem:s31], [sflag:$0x3], $0x400, $0x38;
	[tilespmem:$0x16400] =	vst v63  }
0xc9: {  	s12 =	simm.s32 $0xF000;
	s11 =	rddreg [dreg:$0x1f]  }
0xca: {  	[hbm4b:s11+s6] =	stream.linear.scatter [tilespmem:s12], [sflag:$0x3], $0x400, $0x38;
	[tilespmem:$0x16400] =	vst v63  }
0xcb: {  	s15 =	simm.s32 $0xF400;
	s13 =	rddreg [dreg:$0x4]  }
0xcc: {  	[hbm4b:s13+s6] =	stream.linear.scatter [tilespmem:s15], [sflag:$0x3], $0x400, $0x38;
	[tilespmem:$0x16400] =	vst v63  }
0xcd: {  	s17 =	simm.s32 $0xF800;
	s16 =	rddreg [dreg:$0x5]  }
0xce: {  	[hbm4b:s16+s6] =	stream.linear.scatter [tilespmem:s17], [sflag:$0x3], $0x400, $0x38;
	[tilespmem:$0x16400] =	vst v63  }
0xcf: {  	s19 =	simm.s32 $0xFC00;
	s18 =	rddreg [dreg:$0x6]  }
0xd0: {  	[hbm4b:s18+s6] =	stream.linear.scatter [tilespmem:s19], [sflag:$0x3], $0x400, $0x38;
	[tilespmem:$0x16400] =	vst v63  }
0xd1: {  	s21 =	simm.s32 $0x10000;
	s20 =	rddreg [dreg:$0x7]  }
0xd2: {  	[hbm4b:s20+s6] =	stream.linear.scatter [tilespmem:s21], [sflag:$0x3], $0x400, $0x38;
	[tilespmem:$0x16400] =	vst v63  }
0xd3: {  	s23 =	simm.s32 $0x10400;
	s22 =	rddreg [dreg:$0x8]  }
0xd4: {  	[hbm4b:s22+s6] =	stream.linear.scatter [tilespmem:s23], [sflag:$0x3], $0x400, $0x38;
	[tilespmem:$0x16400] =	vst v63  }
0xd5: {  	s24 =	rddreg [dreg:$0x9];
	s25 =	simm.s32 $0x10800  }
0xd6: {  	[hbm4b:s24+s6] =	stream.linear.scatter [tilespmem:s25], [sflag:$0x3], $0x400, $0x38;
	[tilespmem:$0x16400] =	vst v63  }
0xd7: {  	s30 =	rddreg [dreg:$0xa];
	s31 =	simm.s32 $0x10C00  }
0xd8: {  	[hbm4b:s30+s6] =	stream.linear.scatter [tilespmem:s31], [sflag:$0x3], $0x400, $0x38;
	[tilespmem:$0x16400] =	vst v63  }
0xd9: {  	s11 =	rddreg [dreg:$0xb];
	s12 =	simm.s32 $0x11000  }
0xda: {  	[hbm4b:s11+s6] =	stream.linear.scatter [tilespmem:s12], [sflag:$0x3], $0x400, $0x38;
	[tilespmem:$0x16400] =	vst v63  }
0xdb: {  	s13 =	rddreg [dreg:$0xc];
	s15 =	simm.s32 $0x11400  }
0xdc: {  	[hbm4b:s13+s6] =	stream.linear.scatter [tilespmem:s15], [sflag:$0x3], $0x400, $0x38;
	[tilespmem:$0x16400] =	vst v63  }
0xdd: {  	s16 =	rddreg [dreg:$0xd];
	s17 =	simm.s32 $0x11800  }
0xde: {  	[hbm4b:s16+s6] =	stream.linear.scatter [tilespmem:s17], [sflag:$0x3], $0x400, $0x38;
	[tilespmem:$0x16400] =	vst v63  }
0xdf: {  	s18 =	rddreg [dreg:$0xe];
	s19 =	simm.s32 $0x11C00  }
0xe0: {  	[hbm4b:s18+s6] =	stream.linear.scatter [tilespmem:s19], [sflag:$0x3], $0x400, $0x38;
	[tilespmem:$0x16400] =	vst v63  }
0xe1: {  	s20 =	rddreg [dreg:$0xf];
	s21 =	simm.s32 $0x12000  }
0xe2: {  	[hbm4b:s20+s6] =	stream.linear.scatter [tilespmem:s21], [sflag:$0x3], $0x400, $0x38;
	[tilespmem:$0x16400] =	vst v63  }
0xe3: {  	s22 =	simm.s32 $0x6400;
	s23 =	simm.s32 $0x400  }
0xe4: {  	[tilespmem:s22], [sflag:$0x1] =	stream.indirect.gather [hbm4b:s5+s29], $0x20, s23, s29, $0xb8;
	[tilespmem:$0x16400] =	vst v63  }
0xe5: {  	s24 =	simm.s32 $0x7400;
	s25 =	simm.s32 $0x480  }
0xe6: {  	[tilespmem:s24], [sflag:$0x1] =	stream.indirect.gather [hbm4b:s5+s29], $0x20, s25, s29, $0xb8;
	[tilespmem:$0x16400] =	vst v63  }
0xe7: {  	s30 =	simm.s32 $0x8400;
	s31 =	simm.s32 $0x500  }
0xe8: {  	[tilespmem:s30], [sflag:$0x1] =	stream.indirect.gather [hbm4b:s5+s29], $0x20, s31, s29, $0xb8;
	[tilespmem:$0x16400] =	vst v63  }
0xe9: {  	s11 =	simm.s32 $0x9400;
	s12 =	simm.s32 $0x580  }
0xea: {  	[tilespmem:s11], [sflag:$0x1] =	stream.indirect.gather [hbm4b:s5+s29], $0x20, s12, s29, $0xb8;
	[tilespmem:$0x16400] =	vst v63  }
0xeb: {  	_ =	swait.ge [sflag:s1], $0x4000  }
0xec: {  	[sflag:s1] =	ssyncset.done $0x0  }
0xed: {  	s13 =	simm.s32 $0xA5F0;
	[sflag:s1] =	ssyncadd.s32 $0xFFFFC000  }
0xee: {  	v13 =	vld [tilespmem:s13+$0xFFFFFF10]  }
0xef: {  	v2 =	vld [tilespmem:s13+$0xFFFFFF40]  }
0xf0: {  	v5 =	vld [tilespmem:s13+$0xFFFFFEC0]  }
0xf1: {  	v6 =	vld [tilespmem:s13+$0xFFFFFE20]  }
0xf2: {  	v7 =	vld [tilespmem:s13+$0xFFFFFF00]  }
0xf3: {  	v8 =	vld [tilespmem:s13+$0x0]  }
0xf4: {  	s17 =	simm.s32 $0x0;
	v4 =	vld [tilespmem:s13+$0xFFFFFE10]  }
0xf5: {  	s6 =	smul.u32 $0xF80, s17;
	v14 =	vld [tilespmem:s13+$0xFFFFFE40]  }
0xf6: {  	v9 =	vld [tilespmem:s13+$0xFFFFFFE0]  }
0xf7: {  	s6 =	sadd.s32 $0x0, s6;
	v11 =	vld [tilespmem:s13+$0xFFFFFFF0]  }
0xf8: {  	v10 =	vadd.s32 s6, v0;
	s18 =	sadd.s32 $0xF, s6;
	v16 =	vld [tilespmem:s13+$0xFFFFFEB0]  }
0xf9: {  	s19 =	sadd.s32 $0x5, s6;
	v15 =	vadd.s32 s18, v0;
	v3 =	vld [tilespmem:s13+$0xFFFFFE60]  }
0xfa: {  	v20 =	vadd.s32 s19, v0;
	v19 =	vld [tilespmem:s13+$0xFFFFFFC0]  }
0xfb: {  	v17 =	vadd.s32 s18, v1;
	v12 =	vld [tilespmem:s13+$0xFFFFFEE0]  }
0xfc: {  	v18 =	vadd.s32 s6, v1;
	s16 =	sadd.s32 $0x6, s6;
	v22 =	vld [tilespmem:s13+$0xFFFFFF80]  }
0xfd: {  	v32 =	vadd.s32 s16, v0;
	s12 =	sadd.s32 $0xD, s6;
	v31 =	vld [tilespmem:s13+$0xFFFFFED0];
	[tilespmem:v10+s0+$0x0] =	vst.idx.msk $0xffff, v4  }
0xfe: {  	s20 =	sadd.s32 $0xE, s6;
	v21 =	vadd.s32 s12, v0;
	v10 =	vld [tilespmem:s13+$0xFFFFFFB0];
	[tilespmem:v15+s0+$0x0] =	vst.idx.msk $0xffff, v11  }
0xff: {  	v11 =	vadd.s32 s20, v0;
	v15 =	vld [tilespmem:s13+$0xFFFFFFD0];
	[tilespmem:v20+s0+$0x0] =	vst.idx.msk $0xffff, v16  }
0x100: {  	s15 =	sadd.s32 $0x7, s6;
	v23 =	vadd.s32 s12, v1;
	v28 =	vld [tilespmem:s13+$0xFFFFFF70];
	[tilespmem:v17+s0+$0x0] =	vst.idx.msk $0xffff, v8  }
0x101: {  	v8 =	vadd.s32 s15, v0;
	[tilespmem:v18+s0+$0x0] =	vst.idx.msk $0xffff, v6;
	v6 =	vld [tilespmem:s13+$0xFFFFFEF0]  }
0x102: {  	v27 =	vld [tilespmem:s13+$0xFFFFFF30];
	v16 =	vadd.s32 s20, v1;
	[tilespmem:v32+s0+$0x0] =	vst.idx.msk $0xffff, v31  }
0x103: {  	v26 =	vld [tilespmem:s13+$0xFFFFFF50];
	v17 =	vadd.s32 s15, v1;
	[tilespmem:v21+s0+$0x0] =	vst.idx.msk $0xffff, v10  }
0x104: {  	s22 =	sadd.s32 $0x2, s6;
	v25 =	vld [tilespmem:s13+$0xFFFFFE90];
	v10 =	vadd.s32 s19, v1;
	[tilespmem:v11+s0+$0x0] =	vst.idx.msk $0xffff, v15  }
0x105: {  	s24 =	sadd.s32 $0x8, s6;
	v11 =	vadd.s32 s22, v0;
	v21 =	vld [tilespmem:s13+$0xFFFFFE50];
	[tilespmem:v23+s0+$0x0] =	vst.idx.msk $0xffff, v19  }
0x106: {  	s21 =	sadd.s32 $0xC, s6;
	v30 =	vadd.s32 s24, v0;
	v29 =	vld [tilespmem:s13+$0xFFFFFE70];
	[tilespmem:v8+s0+$0x0] =	vst.idx.msk $0xffff, v6  }
0x107: {  	s23 =	sadd.s32 $0x1, s6;
	v20 =	vld [tilespmem:s13+$0xFFFFFF90];
	v19 =	vadd.s32 s21, v0;
	[tilespmem:v16+s0+$0x0] =	vst.idx.msk $0xffff, v9  }
0x108: {  	v18 =	vld [tilespmem:s13+$0xFFFFFE30];
	v6 =	vadd.s32 s23, v0;
	[tilespmem:v17+s0+$0x0] =	vst.idx.msk $0xffff, v7  }
0x109: {  	v4 =	vld [tilespmem:s13+$0xFFFFFFA0];
	v7 =	vadd.s32 s23, v1;
	[tilespmem:v10+s0+$0x0] =	vst.idx.msk $0xffff, v5  }
0x10a: {  	s17 =	sadd.s32 $0xB, s6;
	s25 =	sadd.s32 $0x3, s6;
	v24 =	vadd.s32 s16, v1;
	v8 =	vadd.s32 s22, v1;
	v23 =	vld [tilespmem:s13+$0xFFFFFEA0];
	[tilespmem:v11+s0+$0x0] =	vst.idx.msk $0xffff, v21  }
0x10b: {  	s30 =	sadd.s32 $0x4, s6;
	s31 =	sadd.s32 $0x9, s6;
	s6 =	sadd.s32 $0xA, s6;
	v15 =	vadd.s32 s17, v1;
	v17 =	vadd.s32 s17, v0;
	v10 =	vld [tilespmem:s13+$0xFFFFFF20];
	v5 =	vadd.s32 s21, v1;
	[tilespmem:v30+s0+$0x0] =	vst.idx.msk $0xffff, v13  }
0x10c: {  	v16 =	vadd.s32 s25, v1;
	v11 =	vadd.s32 s25, v0;
	v21 =	vadd.s32 s6, v0;
	v30 =	vld [tilespmem:s13+$0xFFFFFE80];
	[tilespmem:v19+s0+$0x0] =	vst.idx.msk $0xffff, v20  }
0x10d: {  	v9 =	vadd.s32 s30, v1;
	v19 =	vld [tilespmem:s13+$0xFFFFFF60];
	[tilespmem:v6+s0+$0x0] =	vst.idx.msk $0xffff, v18;
	v6 =	vadd.s32 s30, v0;
	v20 =	vadd.s32 s31, v0  }
0x10e: {  	s10 =	simm.s32 $0xA7F0;
	v18 =	vadd.s32 s31, v1;
	[tilespmem:v7+s0+$0x0] =	vst.idx.msk $0xffff, v14;
	v7 =	vadd.s32 s24, v1;
	v14 =	vadd.s32 s6, v1;
	s6 =	simm.s32 $0x10  }
.LBB2_4:
0x10f: {  	s11 =	sshrl.u32 s6, $0x7  }
0x110: {  	v13 =	vld [tilespmem:s10+$0xFFFFFF10];
	p0 =	slt.u32 s6, $0x1F0;
	[tilespmem:v24+s0+$0x0] =	vst.idx.msk $0xffff, v12;
	s12 =	smov.u32 s6;
	s6 =	sadd.s32 $0x10, s6  }
0x111: {  	s11 =	smul.u32 $0xF80, s11;
	v12 =	vld [tilespmem:s10+$0xFFFFFF40];
	[tilespmem:v17+s0+$0x0] =	vst.idx.msk $0xffff, v28  }
0x112: {  	v31 =	vld [tilespmem:s10+$0xFFFFFEC0];
	[tilespmem:v11+s0+$0x0] =	vst.idx.msk $0xffff, v29  }
0x113: {  	v28 =	vld [tilespmem:s10+$0xFFFFFE20];
	s12 =	sadd.s32 s11, s12;
	[tilespmem:v15+s0+$0x0] =	vst.idx.msk $0xffff, v22  }
0x114: {  	s15 =	sadd.s32 $0x1, s12;
	v29 =	vld [tilespmem:s10+$0xFFFFFF00];
	s11 =	sadd.s32 $0x7, s12;
	s16 =	sadd.s32 $0xD, s12;
	[tilespmem:v16+s0+$0x0] =	vst.idx.msk $0xffff, v30  }
0x115: {  	v16 =	vadd.s32 s12, v0;
	v22 =	vadd.s32 s12, v1;
	s17 =	sadd.s32 $0x2, s12;
	s18 =	sadd.s32 $0x6, s12;
	s19 =	sadd.s32 $0xB, s12;
	v30 =	vadd.s32 s15, v0;
	v32 =	vld [tilespmem:s10+$0x0];
	[tilespmem:v20+s0+$0x0] =	vst.idx.msk $0xffff, v27  }
0x116: {  	s20 =	sadd.s32 $0x3, s12;
	s21 =	sadd.s32 $0xC, s12;
	v33 =	vadd.s32 s17, v0;
	v27 =	vadd.s32 s16, v0;
	v34 =	vadd.s32 s16, v1;
	s16 =	sadd.s32 $0xE, s12;
	v20 =	vld [tilespmem:s10+$0xFFFFFE10];
	[tilespmem:v21+s0+$0x0] =	vst.idx.msk $0xffff, v26  }
0x117: {  	s22 =	sadd.s32 $0x4, s12;
	s30 =	sadd.s32 $0xF, s12;
	v11 =	vadd.s32 s20, v0;
	v36 =	vadd.s32 s21, v0;
	v26 =	vadd.s32 s16, v0;
	v35 =	vld [tilespmem:s10+$0xFFFFFE40]  }
0x118: {  	s31 =	sadd.s32 $0x5, s12;
	v37 =	vadd.s32 s21, v1;
	v39 =	vadd.s32 s30, v0;
	v21 =	vadd.s32 s22, v0;
	v38 =	vld [tilespmem:s10+$0xFFFFFFE0]  }
0x119: {  	v40 =	vadd.s32 s31, v0;
	v42 =	vadd.s32 s30, v1;
	v41 =	vadd.s32 s16, v1;
	[tilespmem:v18+s0+$0x0] =	vst.idx.msk $0xffff, v2;
	v2 =	vmovc v12  }
0x11a: {  	v43 =	vadd.s32 s18, v0;
	v17 =	vadd.s32 s19, v0;
	v15 =	vadd.s32 s19, v1;
	v18 =	vld [tilespmem:s10+$0xFFFFFFF0];
	[tilespmem:v6+s0+$0x0] =	vst.idx.msk $0xffff, v25;
	v6 =	vmovc v21  }
0x11b: {  	v44 =	vadd.s32 s15, v1;
	s15 =	sadd.s32 $0x8, s12;
	v25 =	vadd.s32 s11, v0;
	[tilespmem:v16+s0+$0x0] =	vst.idx.msk $0xffff, v20;
	v16 =	vadd.s32 s20, v1  }
0x11c: {  	v24 =	vadd.s32 s18, v1;
	v46 =	vadd.s32 s15, v0;
	s16 =	sadd.s32 $0x9, s12;
	v45 =	vld [tilespmem:s10+$0xFFFFFEB0];
	[tilespmem:v14+s0+$0x0] =	vst.idx.msk $0xffff, v19  }
0x11d: {  	s12 =	sadd.s32 $0xA, s12;
	v20 =	vadd.s32 s16, v0;
	[tilespmem:v8+s0+$0x0] =	vst.idx.msk $0xffff, v3;
	v3 =	vld [tilespmem:s10+$0xFFFFFE60]  }
0x11e: {  	v21 =	vadd.s32 s12, v0;
	v19 =	vld [tilespmem:s10+$0xFFFFFFC0];
	[tilespmem:v9+s0+$0x0] =	vst.idx.msk $0xffff, v23  }
0x11f: {  	v8 =	vadd.s32 s17, v1;
	v23 =	vadd.s32 s11, v1;
	v12 =	vld [tilespmem:s10+$0xFFFFFEE0];
	[tilespmem:v5+s0+$0x0] =	vst.idx.msk $0xffff, v4;
	v5 =	vmov v37  }
0x120: {  	v14 =	vadd.s32 s15, v1;
	v9 =	vadd.s32 s22, v1;
	v37 =	vld [tilespmem:s10+$0xFFFFFFB0];
	[tilespmem:v39+s0+$0x0] =	vst.idx.msk $0xffff, v18  }
0x121: {  	v39 =	vadd.s32 s31, v1;
	v18 =	vadd.s32 s16, v1;
	v4 =	vld [tilespmem:s10+$0xFFFFFFA0];
	[tilespmem:v7+s0+$0x0] =	vst.idx.msk $0xffff, v10;
	v7 =	vmov v14  }
0x122: {  	v14 =	vadd.s32 s12, v1;
	v10 =	vld [tilespmem:s10+$0xFFFFFFD0];
	[tilespmem:v42+s0+$0x0] =	vst.idx.msk $0xffff, v32  }
0x123: {  	[tilespmem:v22+s0+$0x0] =	vst.idx.msk $0xffff, v28;
	v32 =	vld [tilespmem:s10+$0xFFFFFEF0]  }
0x124: {  	[tilespmem:v40+s0+$0x0] =	vst.idx.msk $0xffff, v45;
	v22 =	vld [tilespmem:s10+$0xFFFFFF80]  }
0x125: {  	v40 =	vld [tilespmem:s10+$0xFFFFFE30];
	[tilespmem:v27+s0+$0x0] =	vst.idx.msk $0xffff, v37  }
0x126: {  	v37 =	vld [tilespmem:s10+$0xFFFFFF90];
	[tilespmem:v34+s0+$0x0] =	vst.idx.msk $0xffff, v19  }
0x127: {  	v28 =	vld [tilespmem:s10+$0xFFFFFF70];
	[tilespmem:v26+s0+$0x0] =	vst.idx.msk $0xffff, v10  }
0x128: {  	v19 =	vld [tilespmem:s10+$0xFFFFFE50];
	[tilespmem:v25+s0+$0x0] =	vst.idx.msk $0xffff, v32  }
0x129: {  	v32 =	vld [tilespmem:s10+$0xFFFFFED0];
	[tilespmem:v23+s0+$0x0] =	vst.idx.msk $0xffff, v29  }
0x12a: {  	v27 =	vld [tilespmem:s10+$0xFFFFFF30];
	[tilespmem:v41+s0+$0x0] =	vst.idx.msk $0xffff, v38  }
0x12b: {  	[tilespmem:v39+s0+$0x0] =	vst.idx.msk $0xffff, v31;
	v26 =	vld [tilespmem:s10+$0xFFFFFF50]  }
0x12c: {  	v10 =	vld [tilespmem:s10+$0xFFFFFF20];
	[tilespmem:v36+s0+$0x0] =	vst.idx.msk $0xffff, v37  }
.Ltmp1:
0x12d: {  	[tilespmem:v33+s0+$0x0] =	vst.idx.msk $0xffff, v19;
	v19 =	vld [tilespmem:s10+$0xFFFFFF60];
	(pc) =	sbr.rel @p0 .LBB2_4-.Ltmp1, $4  }
0x12e: {  	[tilespmem:v30+s0+$0x0] =	vst.idx.msk $0xffff, v40;
	v25 =	vld [tilespmem:s10+$0xFFFFFE90]  }
0x12f: {  	[tilespmem:v44+s0+$0x0] =	vst.idx.msk $0xffff, v35;
	v29 =	vld [tilespmem:s10+$0xFFFFFE70]  }
0x130: {  	v23 =	vld [tilespmem:s10+$0xFFFFFEA0];
	[tilespmem:v46+s0+$0x0] =	vst.idx.msk $0xffff, v13  }
0x131: {  	v30 =	vld [tilespmem:s10+$0xFFFFFE80];
	[tilespmem:v43+s0+$0x0] =	vst.idx.msk $0xffff, v32;
	s10 =	sadd.s32 $0x200, s10  }
0x132: {  	_ =	sdelay $0x3  }
0x133: {  	[tilespmem:v24+s0+$0x0] =	vst.idx.msk $0xffff, v12  }
0x134: {  	[tilespmem:v17+s0+$0x0] =	vst.idx.msk $0xffff, v28  }
0x135: {  	[tilespmem:v20+s0+$0x0] =	vst.idx.msk $0xffff, v27  }
0x136: {  	[tilespmem:v21+s0+$0x0] =	vst.idx.msk $0xffff, v26  }
0x137: {  	[tilespmem:v8+s0+$0x0] =	vst.idx.msk $0xffff, v3  }
0x138: {  	[tilespmem:v5+s0+$0x0] =	vst.idx.msk $0xffff, v4  }
0x139: {  	[tilespmem:v7+s0+$0x0] =	vst.idx.msk $0xffff, v10  }
0x13a: {  	[tilespmem:v15+s0+$0x0] =	vst.idx.msk $0xffff, v22  }
0x13b: {  	[tilespmem:v18+s0+$0x0] =	vst.idx.msk $0xffff, v2  }
0x13c: {  	[tilespmem:v6+s0+$0x0] =	vst.idx.msk $0xffff, v25  }
0x13d: {  	[tilespmem:v14+s0+$0x0] =	vst.idx.msk $0xffff, v19  }
0x13e: {  	[tilespmem:v11+s0+$0x0] =	vst.idx.msk $0xffff, v29  }
0x13f: {  	[tilespmem:v9+s0+$0x0] =	vst.idx.msk $0xffff, v23  }
0x140: {  	[tilespmem:v16+s0+$0x0] =	vst.idx.msk $0xffff, v30  }
0x141: {  	s6 =	rddreg [dreg:$0x10]  }
0x142: {  	s13 =	rddreg [dreg:$0x11]  }
0x143: {  	[hbm4b:s6+s3] =	stream.linear.scatter [tilespmem:s0], [sflag:$0x4], $0x400, $0x38;
	[tilespmem:$0x16400] =	vst v63  }
0x144: {  	s10 =	simm.s32 $0x12800;
	s15 =	rddreg [dreg:$0x12]  }
0x145: {  	[hbm4b:s13+s3] =	stream.linear.scatter [tilespmem:s10], [sflag:$0x4], $0x400, $0x38;
	[tilespmem:$0x16400] =	vst v63  }
0x146: {  	s16 =	simm.s32 $0x12C00;
	s17 =	rddreg [dreg:$0x13]  }
0x147: {  	[hbm4b:s15+s3] =	stream.linear.scatter [tilespmem:s16], [sflag:$0x4], $0x400, $0x38;
	[tilespmem:$0x16400] =	vst v63  }
0x148: {  	s18 =	simm.s32 $0x13000;
	s19 =	rddreg [dreg:$0x14]  }
0x149: {  	[hbm4b:s17+s3] =	stream.linear.scatter [tilespmem:s18], [sflag:$0x4], $0x400, $0x38;
	[tilespmem:$0x16400] =	vst v63  }
0x14a: {  	s20 =	simm.s32 $0x13400;
	s21 =	rddreg [dreg:$0x15]  }
0x14b: {  	[hbm4b:s19+s3] =	stream.linear.scatter [tilespmem:s20], [sflag:$0x4], $0x400, $0x38;
	[tilespmem:$0x16400] =	vst v63  }
0x14c: {  	s22 =	simm.s32 $0x13800;
	s23 =	rddreg [dreg:$0x16]  }
0x14d: {  	[hbm4b:s21+s3] =	stream.linear.scatter [tilespmem:s22], [sflag:$0x4], $0x400, $0x38;
	[tilespmem:$0x16400] =	vst v63  }
0x14e: {  	s24 =	simm.s32 $0x13C00;
	s25 =	rddreg [dreg:$0x17]  }
0x14f: {  	[hbm4b:s23+s3] =	stream.linear.scatter [tilespmem:s24], [sflag:$0x4], $0x400, $0x38;
	[tilespmem:$0x16400] =	vst v63  }
0x150: {  	s31 =	simm.s32 $0x14000;
	s12 =	rddreg [dreg:$0x19]  }
0x151: {  	[hbm4b:s25+s3] =	stream.linear.scatter [tilespmem:s31], [sflag:$0x4], $0x400, $0x38;
	[tilespmem:$0x16400] =	vst v63  }
0x152: {  	s11 =	simm.s32 $0x14400;
	s10 =	rddreg [dreg:$0x18]  }
0x153: {  	[hbm4b:s10+s3] =	stream.linear.scatter [tilespmem:s11], [sflag:$0x4], $0x400, $0x38;
	[tilespmem:$0x16400] =	vst v63  }
0x154: {  	s13 =	simm.s32 $0x14800;
	s15 =	rddreg [dreg:$0x1a]  }
0x155: {  	[hbm4b:s12+s3] =	stream.linear.scatter [tilespmem:s13], [sflag:$0x4], $0x400, $0x38;
	[tilespmem:$0x16400] =	vst v63  }
0x156: {  	s16 =	simm.s32 $0x14C00;
	s17 =	rddreg [dreg:$0x1b]  }
0x157: {  	[hbm4b:s15+s3] =	stream.linear.scatter [tilespmem:s16], [sflag:$0x4], $0x400, $0x38;
	[tilespmem:$0x16400] =	vst v63  }
0x158: {  	s18 =	simm.s32 $0x15000;
	s19 =	sld [smem:$0x7D9]  }
0x159: {  	[hbm4b:s17+s3] =	stream.linear.scatter [tilespmem:s18], [sflag:$0x4], $0x400, $0x38;
	[tilespmem:$0x16400] =	vst v63  }
0x15a: {  	s20 =	simm.s32 $0x15400;
	s21 =	sld [smem:$0x7DA]  }
0x15b: {  	[hbm4b:s19+s3] =	stream.linear.scatter [tilespmem:s20], [sflag:$0x4], $0x400, $0x38;
	[tilespmem:$0x16400] =	vst v63  }
0x15c: {  	s22 =	simm.s32 $0x15800;
	s23 =	sld [smem:$0x7DB]  }
0x15d: {  	[hbm4b:s21+s3] =	stream.linear.scatter [tilespmem:s22], [sflag:$0x4], $0x400, $0x38;
	[tilespmem:$0x16400] =	vst v63  }
0x15e: {  	s24 =	simm.s32 $0x15C00;
	s25 =	sld [smem:$0x7DC]  }
0x15f: {  	[hbm4b:s23+s3] =	stream.linear.scatter [tilespmem:s24], [sflag:$0x4], $0x400, $0x38;
	[tilespmem:$0x16400] =	vst v63  }
0x160: {  	s30 =	simm.s32 $0x1;
	s31 =	simm.s32 $0x16000  }
0x161: {  	[hbm4b:s25+s3] =	stream.linear.scatter [tilespmem:s31], [sflag:$0x4], $0x400, $0x38;
	[tilespmem:$0x16400] =	vst v63  }
.LBB2_6:
0x162: {  	s10 =	sshll.u32 s30, $0x3  }
0x163: {  	s31 =	sor.u32 $0x4, s10  }
0x164: {  	s6 =	sshll.u32 s31, $0x7  }
0x165: {  	s11 =	simm.s32 $0xA400;
	s16 =	sshll.u32 s30, $0xA;
	s6 =	sand.u32 $0x3FFFFE00, s6  }
0x166: {  	[tilespmem:s11], [sflag:$0x2] =	stream.indirect.gather [hbm4b:s5+s29], $0x20, s6, s29, $0xb8;
	[tilespmem:$0x16400] =	vst v63  }
0x167: {  	s6 =	sand.u32 $0x3FFFFC00, s16  }
0x168: {  	s12 =	simm.s32 $0xB400;
	s17 =	sor.u32 $0x280, s6  }
0x169: {  	[tilespmem:s12], [sflag:$0x2] =	stream.indirect.gather [hbm4b:s5+s29], $0x20, s17, s29, $0xb8;
	[tilespmem:$0x16400] =	vst v63  }
0x16a: {  	s19 =	simm.s32 $0xC400;
	s18 =	sor.u32 $0x300, s6  }
0x16b: {  	[tilespmem:s19], [sflag:$0x2] =	stream.indirect.gather [hbm4b:s5+s29], $0x20, s18, s29, $0xb8;
	[tilespmem:$0x16400] =	vst v63  }
0x16c: {  	s21 =	simm.s32 $0xD400;
	s22 =	simm.s32 $0x1;
	s20 =	sor.u32 $0x380, s6  }
0x16d: {  	[tilespmem:s21], [sflag:$0x2] =	stream.indirect.gather [hbm4b:s5+s29], $0x20, s20, s29, $0xb8;
	[tilespmem:$0x16400] =	vst v63  }
0x16e: {  	_ =	swait.ge [sflag:s22], $0x4000  }
0x16f: {  	[sflag:s22] =	ssyncset.done $0x0  }
0x170: {  	[sflag:s22] =	ssyncadd.s32 $0xFFFFC000  }
0x171: {  	_ =	swait.ge [sflag:s26], $0x4000  }
0x172: {  	[sflag:s26] =	ssyncset.done $0x0  }
0x173: {  	s12 =	simm.s32 $0x6500;
	[sflag:s26] =	ssyncadd.s32 $0xFFFFC000  }
0x174: {  	v13 =	vld [tilespmem:s12+$0x0]  }
0x175: {  	v2 =	vld [tilespmem:s12+$0x30]  }
0x176: {  	v5 =	vld [tilespmem:s12+$0xFFFFFFB0]  }
0x177: {  	v6 =	vld [tilespmem:s12+$0xFFFFFF10]  }
0x178: {  	v7 =	vld [tilespmem:s12+$0xFFFFFFF0]  }
0x179: {  	s23 =	simm.s32 $0x0;
	v8 =	vld [tilespmem:s12+$0xF0]  }
0x17a: {  	s11 =	smul.u32 $0xF80, s23;
	v4 =	vld [tilespmem:s12+$0xFFFFFF00]  }
0x17b: {  	v14 =	vld [tilespmem:s12+$0xFFFFFF30]  }
0x17c: {  	s11 =	sadd.s32 $0x0, s11;
	v9 =	vld [tilespmem:s12+$0xD0]  }
0x17d: {  	v10 =	vadd.s32 s11, v0;
	s15 =	sadd.s32 $0xF, s11;
	v11 =	vld [tilespmem:s12+$0xE0]  }
0x17e: {  	s24 =	sadd.s32 $0x5, s11;
	v15 =	vadd.s32 s15, v0;
	v16 =	vld [tilespmem:s12+$0xFFFFFFA0]  }
0x17f: {  	v20 =	vadd.s32 s24, v0;
	v3 =	vld [tilespmem:s12+$0xFFFFFF50]  }
0x180: {  	v17 =	vadd.s32 s15, v1;
	v19 =	vld [tilespmem:s12+$0xB0]  }
0x181: {  	v18 =	vadd.s32 s11, v1;
	s18 =	sadd.s32 $0x6, s11;
	v12 =	vld [tilespmem:s12+$0xFFFFFFD0]  }
0x182: {  	s16 =	sadd.s32 $0xD, s11;
	v32 =	vadd.s32 s18, v0;
	v31 =	vld [tilespmem:s12+$0xFFFFFFC0];
	[tilespmem:v10+s14+$0x0] =	vst.idx.msk $0xffff, v4  }
0x183: {  	s25 =	sadd.s32 $0xE, s11;
	v21 =	vadd.s32 s16, v0;
	v10 =	vld [tilespmem:s12+$0xA0];
	[tilespmem:v15+s14+$0x0] =	vst.idx.msk $0xffff, v11  }
0x184: {  	v11 =	vadd.s32 s25, v0;
	v15 =	vld [tilespmem:s12+$0xC0];
	[tilespmem:v20+s14+$0x0] =	vst.idx.msk $0xffff, v16  }
0x185: {  	s17 =	sadd.s32 $0x7, s11;
	v23 =	vadd.s32 s16, v1;
	v22 =	vld [tilespmem:s12+$0x70];
	[tilespmem:v17+s14+$0x0] =	vst.idx.msk $0xffff, v8  }
0x186: {  	v8 =	vadd.s32 s17, v0;
	[tilespmem:v18+s14+$0x0] =	vst.idx.msk $0xffff, v6;
	v6 =	vld [tilespmem:s12+$0xFFFFFFE0]  }
0x187: {  	v28 =	vld [tilespmem:s12+$0x60];
	v16 =	vadd.s32 s25, v1;
	[tilespmem:v32+s14+$0x0] =	vst.idx.msk $0xffff, v31  }
0x188: {  	v27 =	vld [tilespmem:s12+$0x20];
	v17 =	vadd.s32 s17, v1;
	[tilespmem:v21+s14+$0x0] =	vst.idx.msk $0xffff, v10  }
0x189: {  	s20 =	sadd.s32 $0x2, s11;
	v26 =	vld [tilespmem:s12+$0x40];
	v10 =	vadd.s32 s24, v1;
	[tilespmem:v11+s14+$0x0] =	vst.idx.msk $0xffff, v15  }
0x18a: {  	s22 =	sadd.s32 $0x8, s11;
	v11 =	vadd.s32 s20, v0;
	v21 =	vld [tilespmem:s12+$0xFFFFFF40];
	[tilespmem:v23+s14+$0x0] =	vst.idx.msk $0xffff, v19  }
0x18b: {  	s13 =	sadd.s32 $0xC, s11;
	v30 =	vadd.s32 s22, v0;
	v25 =	vld [tilespmem:s12+$0xFFFFFF80];
	[tilespmem:v8+s14+$0x0] =	vst.idx.msk $0xffff, v6  }
0x18c: {  	s21 =	sadd.s32 $0x1, s11;
	v18 =	vld [tilespmem:s12+$0x80];
	v19 =	vadd.s32 s13, v0;
	[tilespmem:v16+s14+$0x0] =	vst.idx.msk $0xffff, v9  }
0x18d: {  	v20 =	vld [tilespmem:s12+$0xFFFFFF20];
	v6 =	vadd.s32 s21, v0;
	[tilespmem:v17+s14+$0x0] =	vst.idx.msk $0xffff, v7  }
0x18e: {  	s19 =	sadd.s32 $0xB, s11;
	v24 =	vadd.s32 s18, v1;
	v29 =	vld [tilespmem:s12+$0xFFFFFF60];
	v23 =	vadd.s32 s21, v1;
	[tilespmem:v10+s14+$0x0] =	vst.idx.msk $0xffff, v5  }
0x18f: {  	v4 =	vld [tilespmem:s12+$0x90];
	v15 =	vadd.s32 s19, v1;
	s24 =	sadd.s32 $0x4, s11;
	v8 =	vadd.s32 s20, v1;
	[tilespmem:v11+s14+$0x0] =	vst.idx.msk $0xffff, v21  }
0x190: {  	s23 =	sadd.s32 $0x3, s11;
	v9 =	vadd.s32 s24, v1;
	v17 =	vadd.s32 s19, v0;
	v7 =	vadd.s32 s24, v0;
	v10 =	vld [tilespmem:s12+$0x10];
	[tilespmem:v30+s14+$0x0] =	vst.idx.msk $0xffff, v13  }
0x191: {  	s25 =	sadd.s32 $0x9, s11;
	s11 =	sadd.s32 $0xA, s11;
	v16 =	vadd.s32 s23, v1;
	v5 =	vadd.s32 s13, v1;
	v11 =	vadd.s32 s23, v0;
	v30 =	vld [tilespmem:s12+$0xFFFFFF70];
	[tilespmem:v19+s14+$0x0] =	vst.idx.msk $0xffff, v18  }
0x192: {  	v21 =	vadd.s32 s11, v0;
	v18 =	vld [tilespmem:s12+$0x50];
	[tilespmem:v6+s14+$0x0] =	vst.idx.msk $0xffff, v20;
	v6 =	vadd.s32 s22, v1  }
0x193: {  	v20 =	vadd.s32 s25, v0;
	v19 =	vadd.s32 s25, v1;
	[tilespmem:v23+s14+$0x0] =	vst.idx.msk $0xffff, v14;
	v23 =	vld [tilespmem:s12+$0xFFFFFF90];
	v14 =	vadd.s32 s11, v1;
	s11 =	simm.s32 $0x10;
	s12 =	simm.s32 $0x6700  }
.LBB2_7:
0x194: {  	s15 =	sshrl.u32 s11, $0x7  }
0x195: {  	v13 =	vld [tilespmem:s12+$0x0];
	p0 =	slt.u32 s11, $0x1F0;
	[tilespmem:v24+s14+$0x0] =	vst.idx.msk $0xffff, v12;
	s16 =	smov.u32 s11;
	s11 =	sadd.s32 $0x10, s11  }
0x196: {  	s15 =	smul.u32 $0xF80, s15;
	v12 =	vld [tilespmem:s12+$0x30];
	[tilespmem:v17+s14+$0x0] =	vst.idx.msk $0xffff, v28  }
0x197: {  	v31 =	vld [tilespmem:s12+$0xFFFFFFB0];
	[tilespmem:v11+s14+$0x0] =	vst.idx.msk $0xffff, v29  }
0x198: {  	v28 =	vld [tilespmem:s12+$0xFFFFFF10];
	s16 =	sadd.s32 s15, s16;
	[tilespmem:v15+s14+$0x0] =	vst.idx.msk $0xffff, v22  }
0x199: {  	s17 =	sadd.s32 $0x1, s16;
	v29 =	vld [tilespmem:s12+$0xFFFFFFF0];
	s15 =	sadd.s32 $0x7, s16;
	s18 =	sadd.s32 $0xD, s16;
	[tilespmem:v16+s14+$0x0] =	vst.idx.msk $0xffff, v30  }
0x19a: {  	v16 =	vadd.s32 s16, v0;
	v22 =	vadd.s32 s16, v1;
	s19 =	sadd.s32 $0x2, s16;
	s20 =	sadd.s32 $0x6, s16;
	s21 =	sadd.s32 $0xB, s16;
	v30 =	vadd.s32 s17, v0;
	v32 =	vld [tilespmem:s12+$0xF0];
	[tilespmem:v20+s14+$0x0] =	vst.idx.msk $0xffff, v27  }
0x19b: {  	s22 =	sadd.s32 $0x3, s16;
	s23 =	sadd.s32 $0xC, s16;
	v33 =	vadd.s32 s19, v0;
	v27 =	vadd.s32 s18, v0;
	v34 =	vadd.s32 s18, v1;
	s18 =	sadd.s32 $0xE, s16;
	v20 =	vld [tilespmem:s12+$0xFFFFFF00];
	[tilespmem:v21+s14+$0x0] =	vst.idx.msk $0xffff, v26  }
0x19c: {  	s24 =	sadd.s32 $0x4, s16;
	s25 =	sadd.s32 $0xF, s16;
	v11 =	vadd.s32 s22, v0;
	v36 =	vadd.s32 s23, v0;
	v26 =	vadd.s32 s18, v0;
	v35 =	vld [tilespmem:s12+$0xFFFFFF30]  }
0x19d: {  	s13 =	sadd.s32 $0x5, s16;
	v37 =	vadd.s32 s23, v1;
	v39 =	vadd.s32 s25, v0;
	v21 =	vadd.s32 s24, v0;
	v38 =	vld [tilespmem:s12+$0xD0]  }
0x19e: {  	v40 =	vadd.s32 s13, v0;
	v42 =	vadd.s32 s25, v1;
	v41 =	vadd.s32 s18, v1;
	[tilespmem:v19+s14+$0x0] =	vst.idx.msk $0xffff, v2;
	v2 =	vmovc v12  }
0x19f: {  	v43 =	vadd.s32 s20, v0;
	v17 =	vadd.s32 s21, v0;
	v15 =	vadd.s32 s21, v1;
	v19 =	vld [tilespmem:s12+$0xE0];
	[tilespmem:v7+s14+$0x0] =	vst.idx.msk $0xffff, v25;
	v7 =	vmovc v21  }
0x1a0: {  	v44 =	vadd.s32 s17, v1;
	s17 =	sadd.s32 $0x8, s16;
	v25 =	vadd.s32 s15, v0;
	[tilespmem:v16+s14+$0x0] =	vst.idx.msk $0xffff, v20;
	v16 =	vadd.s32 s22, v1  }
0x1a1: {  	v24 =	vadd.s32 s20, v1;
	v46 =	vadd.s32 s17, v0;
	s18 =	sadd.s32 $0x9, s16;
	v45 =	vld [tilespmem:s12+$0xFFFFFFA0];
	[tilespmem:v14+s14+$0x0] =	vst.idx.msk $0xffff, v18  }
0x1a2: {  	s16 =	sadd.s32 $0xA, s16;
	v20 =	vadd.s32 s18, v0;
	[tilespmem:v8+s14+$0x0] =	vst.idx.msk $0xffff, v3;
	v3 =	vld [tilespmem:s12+$0xFFFFFF50]  }
0x1a3: {  	v21 =	vadd.s32 s16, v0;
	v18 =	vld [tilespmem:s12+$0xB0];
	[tilespmem:v9+s14+$0x0] =	vst.idx.msk $0xffff, v23  }
0x1a4: {  	v8 =	vadd.s32 s19, v1;
	v23 =	vadd.s32 s15, v1;
	v12 =	vld [tilespmem:s12+$0xFFFFFFD0];
	[tilespmem:v5+s14+$0x0] =	vst.idx.msk $0xffff, v4;
	v5 =	vmov v37  }
0x1a5: {  	v14 =	vadd.s32 s17, v1;
	v9 =	vadd.s32 s24, v1;
	v37 =	vld [tilespmem:s12+$0xA0];
	[tilespmem:v39+s14+$0x0] =	vst.idx.msk $0xffff, v19  }
0x1a6: {  	v39 =	vadd.s32 s13, v1;
	v19 =	vadd.s32 s18, v1;
	v4 =	vld [tilespmem:s12+$0x90];
	[tilespmem:v6+s14+$0x0] =	vst.idx.msk $0xffff, v10;
	v6 =	vmov v14  }
0x1a7: {  	v14 =	vadd.s32 s16, v1;
	v10 =	vld [tilespmem:s12+$0xC0];
	[tilespmem:v42+s14+$0x0] =	vst.idx.msk $0xffff, v32  }
0x1a8: {  	[tilespmem:v22+s14+$0x0] =	vst.idx.msk $0xffff, v28;
	v32 =	vld [tilespmem:s12+$0xFFFFFFE0]  }
0x1a9: {  	[tilespmem:v40+s14+$0x0] =	vst.idx.msk $0xffff, v45;
	v22 =	vld [tilespmem:s12+$0x70]  }
0x1aa: {  	v40 =	vld [tilespmem:s12+$0xFFFFFF20];
	[tilespmem:v27+s14+$0x0] =	vst.idx.msk $0xffff, v37  }
0x1ab: {  	v37 =	vld [tilespmem:s12+$0x80];
	[tilespmem:v34+s14+$0x0] =	vst.idx.msk $0xffff, v18  }
0x1ac: {  	v28 =	vld [tilespmem:s12+$0x60];
	[tilespmem:v26+s14+$0x0] =	vst.idx.msk $0xffff, v10  }
0x1ad: {  	v18 =	vld [tilespmem:s12+$0xFFFFFF40];
	[tilespmem:v25+s14+$0x0] =	vst.idx.msk $0xffff, v32  }
0x1ae: {  	v32 =	vld [tilespmem:s12+$0xFFFFFFC0];
	[tilespmem:v23+s14+$0x0] =	vst.idx.msk $0xffff, v29  }
0x1af: {  	v27 =	vld [tilespmem:s12+$0x20];
	[tilespmem:v41+s14+$0x0] =	vst.idx.msk $0xffff, v38  }
0x1b0: {  	[tilespmem:v39+s14+$0x0] =	vst.idx.msk $0xffff, v31;
	v26 =	vld [tilespmem:s12+$0x40]  }
0x1b1: {  	v10 =	vld [tilespmem:s12+$0x10];
	[tilespmem:v36+s14+$0x0] =	vst.idx.msk $0xffff, v37  }
.Ltmp2:
0x1b2: {  	[tilespmem:v33+s14+$0x0] =	vst.idx.msk $0xffff, v18;
	v18 =	vld [tilespmem:s12+$0x50];
	(pc) =	sbr.rel @p0 .LBB2_7-.Ltmp2, $4  }
0x1b3: {  	[tilespmem:v30+s14+$0x0] =	vst.idx.msk $0xffff, v40;
	v25 =	vld [tilespmem:s12+$0xFFFFFF80]  }
0x1b4: {  	[tilespmem:v44+s14+$0x0] =	vst.idx.msk $0xffff, v35;
	v29 =	vld [tilespmem:s12+$0xFFFFFF60]  }
0x1b5: {  	v23 =	vld [tilespmem:s12+$0xFFFFFF90];
	[tilespmem:v46+s14+$0x0] =	vst.idx.msk $0xffff, v13  }
0x1b6: {  	v30 =	vld [tilespmem:s12+$0xFFFFFF70];
	[tilespmem:v43+s14+$0x0] =	vst.idx.msk $0xffff, v32;
	s12 =	sadd.s32 $0x200, s12  }
0x1b7: {  	_ =	sdelay $0x3  }
0x1b8: {  	[tilespmem:v24+s14+$0x0] =	vst.idx.msk $0xffff, v12  }
0x1b9: {  	[tilespmem:v17+s14+$0x0] =	vst.idx.msk $0xffff, v28  }
0x1ba: {  	[tilespmem:v20+s14+$0x0] =	vst.idx.msk $0xffff, v27  }
0x1bb: {  	[tilespmem:v21+s14+$0x0] =	vst.idx.msk $0xffff, v26  }
0x1bc: {  	[tilespmem:v8+s14+$0x0] =	vst.idx.msk $0xffff, v3  }
0x1bd: {  	[tilespmem:v5+s14+$0x0] =	vst.idx.msk $0xffff, v4  }
0x1be: {  	[tilespmem:v6+s14+$0x0] =	vst.idx.msk $0xffff, v10  }
0x1bf: {  	s10 =	sadd.s32 s4, s10;
	[tilespmem:v15+s14+$0x0] =	vst.idx.msk $0xffff, v22  }
0x1c0: {  	[tilespmem:v19+s14+$0x0] =	vst.idx.msk $0xffff, v2;
	s11 =	sshll.u32 s10, $0x2  }
0x1c1: {  	[tilespmem:v7+s14+$0x0] =	vst.idx.msk $0xffff, v25;
	s10 =	sand.u32 $0x78, s10;
	s11 =	sand.u32 $0x1FFFE00, s11  }
0x1c2: {  	[tilespmem:v14+s14+$0x0] =	vst.idx.msk $0xffff, v18;
	s10 =	sor.u32 s10, s11  }
0x1c3: {  	[tilespmem:v11+s14+$0x0] =	vst.idx.msk $0xffff, v29;
	s10 =	sshll.u32 s10, $0x7  }
0x1c4: {  	[tilespmem:v9+s14+$0x0] =	vst.idx.msk $0xffff, v23;
	s21 =	sand.u32 $0x1FFF3C00, s10  }
0x1c5: {  	s13 =	simm.s32 $0x0;
	[tilespmem:v16+s14+$0x0] =	vst.idx.msk $0xffff, v30;
	s12 =	sadd.s32 s2, s21  }
0x1c6: {  	[hbm4b:s12+s13] =	stream.linear.scatter [tilespmem:s14], [sflag:$0x3], $0x400, $0x38;
	[tilespmem:$0x16400] =	vst v63  }
0x1c7: {  	s15 =	simm.s32 $0xE800;
	s22 =	sadd.s32 s21, s7  }
0x1c8: {  	[hbm4b:s22+s13] =	stream.linear.scatter [tilespmem:s15], [sflag:$0x3], $0x400, $0x38;
	[tilespmem:$0x16400] =	vst v63  }
0x1c9: {  	s24 =	simm.s32 $0xEC00;
	s23 =	sadd.s32 s21, s8  }
0x1ca: {  	[hbm4b:s23+s13] =	stream.linear.scatter [tilespmem:s24], [sflag:$0x3], $0x400, $0x38;
	[tilespmem:$0x16400] =	vst v63  }
0x1cb: {  	s25 =	simm.s32 $0xF000;
	s11 =	sadd.s32 s21, s9;
	s15 =	sor.u32 $0x80, s10  }
0x1cc: {  	[hbm4b:s11+s13] =	stream.linear.scatter [tilespmem:s25], [sflag:$0x3], $0x400, $0x38;
	[tilespmem:$0x16400] =	vst v63  }
0x1cd: {  	s11 =	sand.u32 $0x1FFF3C80, s15  }
0x1ce: {  	s17 =	simm.s32 $0xF400;
	s16 =	sadd.s32 s2, s11  }
0x1cf: {  	[hbm4b:s16+s13] =	stream.linear.scatter [tilespmem:s17], [sflag:$0x3], $0x400, $0x38;
	[tilespmem:$0x16400] =	vst v63  }
0x1d0: {  	s19 =	simm.s32 $0xF800;
	s18 =	sadd.s32 s11, s7  }
0x1d1: {  	[hbm4b:s18+s13] =	stream.linear.scatter [tilespmem:s19], [sflag:$0x3], $0x400, $0x38;
	[tilespmem:$0x16400] =	vst v63  }
0x1d2: {  	s21 =	simm.s32 $0xFC00;
	s20 =	sadd.s32 s11, s8  }
0x1d3: {  	[hbm4b:s20+s13] =	stream.linear.scatter [tilespmem:s21], [sflag:$0x3], $0x400, $0x38;
	[tilespmem:$0x16400] =	vst v63  }
0x1d4: {  	s22 =	simm.s32 $0x10000;
	s23 =	sor.u32 $0x100, s10;
	s11 =	sadd.s32 s11, s9  }
0x1d5: {  	[hbm4b:s11+s13] =	stream.linear.scatter [tilespmem:s22], [sflag:$0x3], $0x400, $0x38;
	[tilespmem:$0x16400] =	vst v63  }
0x1d6: {  	s11 =	sand.u32 $0x1FFF3D00, s23  }
0x1d7: {  	s25 =	simm.s32 $0x10400;
	s24 =	sadd.s32 s2, s11  }
0x1d8: {  	[hbm4b:s24+s13] =	stream.linear.scatter [tilespmem:s25], [sflag:$0x3], $0x400, $0x38;
	[tilespmem:$0x16400] =	vst v63  }
0x1d9: {  	s16 =	simm.s32 $0x10800;
	s15 =	sadd.s32 s11, s7  }
0x1da: {  	[hbm4b:s15+s13] =	stream.linear.scatter [tilespmem:s16], [sflag:$0x3], $0x400, $0x38;
	[tilespmem:$0x16400] =	vst v63  }
0x1db: {  	s10 =	sor.u32 $0x180, s10;
	s18 =	simm.s32 $0x10C00;
	s17 =	sadd.s32 s11, s8  }
0x1dc: {  	[hbm4b:s17+s13] =	stream.linear.scatter [tilespmem:s18], [sflag:$0x3], $0x400, $0x38;
	[tilespmem:$0x16400] =	vst v63  }
0x1dd: {  	s10 =	sand.u32 $0x1FFF3D80, s10;
	s19 =	simm.s32 $0x11000;
	s11 =	sadd.s32 s11, s9  }
0x1de: {  	[hbm4b:s11+s13] =	stream.linear.scatter [tilespmem:s19], [sflag:$0x3], $0x400, $0x38;
	[tilespmem:$0x16400] =	vst v63  }
0x1df: {  	s20 =	sadd.s32 s2, s10;
	s21 =	simm.s32 $0x11400  }
0x1e0: {  	[hbm4b:s20+s13] =	stream.linear.scatter [tilespmem:s21], [sflag:$0x3], $0x400, $0x38;
	[tilespmem:$0x16400] =	vst v63  }
0x1e1: {  	s22 =	sadd.s32 s10, s7;
	s23 =	simm.s32 $0x11800  }
0x1e2: {  	[hbm4b:s22+s13] =	stream.linear.scatter [tilespmem:s23], [sflag:$0x3], $0x400, $0x38;
	[tilespmem:$0x16400] =	vst v63  }
0x1e3: {  	s24 =	sadd.s32 s10, s8;
	s25 =	simm.s32 $0x11C00  }
0x1e4: {  	[hbm4b:s24+s13] =	stream.linear.scatter [tilespmem:s25], [sflag:$0x3], $0x400, $0x38;
	[tilespmem:$0x16400] =	vst v63  }
0x1e5: {  	s12 =	simm.s32 $0x12000;
	s10 =	sadd.s32 s10, s9  }
0x1e6: {  	[hbm4b:s10+s13] =	stream.linear.scatter [tilespmem:s12], [sflag:$0x3], $0x400, $0x38;
	[tilespmem:$0x16400] =	vst v63  }
0x1e7: {  	s15 =	sadd.s32 $0x400, s6;
	s16 =	simm.s32 $0x6400  }
0x1e8: {  	[tilespmem:s16], [sflag:$0x1] =	stream.indirect.gather [hbm4b:s5+s29], $0x20, s15, s29, $0xb8;
	[tilespmem:$0x16400] =	vst v63  }
0x1e9: {  	s17 =	sadd.s32 $0x480, s6;
	s18 =	simm.s32 $0x7400  }
0x1ea: {  	[tilespmem:s18], [sflag:$0x1] =	stream.indirect.gather [hbm4b:s5+s29], $0x20, s17, s29, $0xb8;
	[tilespmem:$0x16400] =	vst v63  }
0x1eb: {  	s19 =	sadd.s32 $0x500, s6;
	s20 =	simm.s32 $0x8400  }
0x1ec: {  	[tilespmem:s20], [sflag:$0x1] =	stream.indirect.gather [hbm4b:s5+s29], $0x20, s19, s29, $0xb8;
	[tilespmem:$0x16400] =	vst v63  }
0x1ed: {  	s21 =	sadd.s32 $0x580, s6;
	s22 =	simm.s32 $0x9400  }
0x1ee: {  	[tilespmem:s22], [sflag:$0x1] =	stream.indirect.gather [hbm4b:s5+s29], $0x20, s21, s29, $0xb8;
	[tilespmem:$0x16400] =	vst v63  }
0x1ef: {  	_ =	swait.ge [sflag:s1], $0x4000  }
0x1f0: {  	[sflag:s1] =	ssyncset.done $0x0  }
0x1f1: {  	[sflag:s1] =	ssyncadd.s32 $0xFFFFC000  }
0x1f2: {  	_ =	swait.ge [sflag:s28], $0x4000  }
0x1f3: {  	[sflag:s28] =	ssyncset.done $0x0  }
0x1f4: {  	s10 =	simm.s32 $0xA5F0;
	[sflag:s28] =	ssyncadd.s32 $0xFFFFC000  }
0x1f5: {  	v13 =	vld [tilespmem:s10+$0xFFFFFF10]  }
0x1f6: {  	v2 =	vld [tilespmem:s10+$0xFFFFFF40]  }
0x1f7: {  	v5 =	vld [tilespmem:s10+$0xFFFFFEC0]  }
0x1f8: {  	v6 =	vld [tilespmem:s10+$0xFFFFFE20]  }
0x1f9: {  	v7 =	vld [tilespmem:s10+$0xFFFFFF00]  }
0x1fa: {  	s23 =	simm.s32 $0x0;
	v8 =	vld [tilespmem:s10+$0x0]  }
0x1fb: {  	s6 =	smul.u32 $0xF80, s23;
	v4 =	vld [tilespmem:s10+$0xFFFFFE10]  }
0x1fc: {  	v14 =	vld [tilespmem:s10+$0xFFFFFE40]  }
0x1fd: {  	s6 =	sadd.s32 $0x0, s6;
	v9 =	vld [tilespmem:s10+$0xFFFFFFE0]  }
0x1fe: {  	v10 =	vadd.s32 s6, v0;
	s24 =	sadd.s32 $0xF, s6;
	v11 =	vld [tilespmem:s10+$0xFFFFFFF0]  }
0x1ff: {  	s25 =	sadd.s32 $0x5, s6;
	v15 =	vadd.s32 s24, v0;
	v16 =	vld [tilespmem:s10+$0xFFFFFEB0]  }
0x200: {  	v20 =	vadd.s32 s25, v0;
	v3 =	vld [tilespmem:s10+$0xFFFFFE60]  }
0x201: {  	v17 =	vadd.s32 s24, v1;
	v19 =	vld [tilespmem:s10+$0xFFFFFFC0]  }
0x202: {  	v18 =	vadd.s32 s6, v1;
	s22 =	sadd.s32 $0x6, s6;
	v12 =	vld [tilespmem:s10+$0xFFFFFEE0]  }
0x203: {  	s15 =	sadd.s32 $0xD, s6;
	v32 =	vadd.s32 s22, v0;
	v31 =	vld [tilespmem:s10+$0xFFFFFED0];
	[tilespmem:v10+s0+$0x0] =	vst.idx.msk $0xffff, v4  }
0x204: {  	s16 =	sadd.s32 $0xE, s6;
	v21 =	vadd.s32 s15, v0;
	v10 =	vld [tilespmem:s10+$0xFFFFFFB0];
	[tilespmem:v15+s0+$0x0] =	vst.idx.msk $0xffff, v11  }
0x205: {  	v11 =	vadd.s32 s16, v0;
	v15 =	vld [tilespmem:s10+$0xFFFFFFD0];
	[tilespmem:v20+s0+$0x0] =	vst.idx.msk $0xffff, v16  }
0x206: {  	v23 =	vadd.s32 s15, v1;
	s17 =	sadd.s32 $0x7, s6;
	v22 =	vld [tilespmem:s10+$0xFFFFFF80];
	[tilespmem:v17+s0+$0x0] =	vst.idx.msk $0xffff, v8  }
0x207: {  	v8 =	vadd.s32 s17, v0;
	[tilespmem:v18+s0+$0x0] =	vst.idx.msk $0xffff, v6;
	v6 =	vld [tilespmem:s10+$0xFFFFFEF0]  }
0x208: {  	v28 =	vld [tilespmem:s10+$0xFFFFFF70];
	v16 =	vadd.s32 s16, v1;
	[tilespmem:v32+s0+$0x0] =	vst.idx.msk $0xffff, v31  }
0x209: {  	v27 =	vld [tilespmem:s10+$0xFFFFFF30];
	v17 =	vadd.s32 s17, v1;
	[tilespmem:v21+s0+$0x0] =	vst.idx.msk $0xffff, v10  }
0x20a: {  	s19 =	sadd.s32 $0x2, s6;
	v26 =	vld [tilespmem:s10+$0xFFFFFF50];
	v10 =	vadd.s32 s25, v1;
	[tilespmem:v11+s0+$0x0] =	vst.idx.msk $0xffff, v15  }
0x20b: {  	s21 =	sadd.s32 $0x8, s6;
	v11 =	vadd.s32 s19, v0;
	v21 =	vld [tilespmem:s10+$0xFFFFFE50];
	[tilespmem:v23+s0+$0x0] =	vst.idx.msk $0xffff, v19  }
0x20c: {  	s18 =	sadd.s32 $0xC, s6;
	v30 =	vadd.s32 s21, v0;
	v25 =	vld [tilespmem:s10+$0xFFFFFE90];
	[tilespmem:v8+s0+$0x0] =	vst.idx.msk $0xffff, v6  }
0x20d: {  	s20 =	sadd.s32 $0x1, s6;
	v18 =	vld [tilespmem:s10+$0xFFFFFF90];
	v19 =	vadd.s32 s18, v0;
	[tilespmem:v16+s0+$0x0] =	vst.idx.msk $0xffff, v9  }
0x20e: {  	v20 =	vld [tilespmem:s10+$0xFFFFFE30];
	v6 =	vadd.s32 s20, v0;
	[tilespmem:v17+s0+$0x0] =	vst.idx.msk $0xffff, v7  }
0x20f: {  	v24 =	vadd.s32 s22, v1;
	v29 =	vld [tilespmem:s10+$0xFFFFFE70];
	s16 =	sadd.s32 $0xB, s6;
	v23 =	vadd.s32 s20, v1;
	[tilespmem:v10+s0+$0x0] =	vst.idx.msk $0xffff, v5  }
0x210: {  	s24 =	sadd.s32 $0x4, s6;
	v4 =	vld [tilespmem:s10+$0xFFFFFFA0];
	v15 =	vadd.s32 s16, v1;
	v8 =	vadd.s32 s19, v1;
	[tilespmem:v11+s0+$0x0] =	vst.idx.msk $0xffff, v21  }
0x211: {  	s23 =	sadd.s32 $0x3, s6;
	v9 =	vadd.s32 s24, v1;
	v17 =	vadd.s32 s16, v0;
	v7 =	vadd.s32 s24, v0;
	v10 =	vld [tilespmem:s10+$0xFFFFFF20];
	[tilespmem:v30+s0+$0x0] =	vst.idx.msk $0xffff, v13  }
0x212: {  	s25 =	sadd.s32 $0x9, s6;
	s6 =	sadd.s32 $0xA, s6;
	v16 =	vadd.s32 s23, v1;
	v5 =	vadd.s32 s18, v1;
	v11 =	vadd.s32 s23, v0;
	v30 =	vld [tilespmem:s10+$0xFFFFFE80];
	[tilespmem:v19+s0+$0x0] =	vst.idx.msk $0xffff, v18  }
0x213: {  	v21 =	vadd.s32 s6, v0;
	v18 =	vld [tilespmem:s10+$0xFFFFFF60];
	[tilespmem:v6+s0+$0x0] =	vst.idx.msk $0xffff, v20;
	v6 =	vadd.s32 s21, v1  }
0x214: {  	v20 =	vadd.s32 s25, v0;
	v19 =	vadd.s32 s25, v1;
	[tilespmem:v23+s0+$0x0] =	vst.idx.msk $0xffff, v14;
	v23 =	vld [tilespmem:s10+$0xFFFFFEA0];
	v14 =	vadd.s32 s6, v1;
	s6 =	simm.s32 $0x10;
	s10 =	simm.s32 $0xA7F0  }
.LBB2_9:
0x215: {  	s11 =	sshrl.u32 s6, $0x7  }
0x216: {  	v13 =	vld [tilespmem:s10+$0xFFFFFF10];
	p0 =	slt.u32 s6, $0x1F0;
	[tilespmem:v24+s0+$0x0] =	vst.idx.msk $0xffff, v12;
	s12 =	smov.u32 s6;
	s6 =	sadd.s32 $0x10, s6  }
0x217: {  	s11 =	smul.u32 $0xF80, s11;
	v12 =	vld [tilespmem:s10+$0xFFFFFF40];
	[tilespmem:v17+s0+$0x0] =	vst.idx.msk $0xffff, v28  }
0x218: {  	v31 =	vld [tilespmem:s10+$0xFFFFFEC0];
	[tilespmem:v11+s0+$0x0] =	vst.idx.msk $0xffff, v29  }
0x219: {  	v28 =	vld [tilespmem:s10+$0xFFFFFE20];
	s12 =	sadd.s32 s11, s12;
	[tilespmem:v15+s0+$0x0] =	vst.idx.msk $0xffff, v22  }
0x21a: {  	s13 =	sadd.s32 $0x1, s12;
	v29 =	vld [tilespmem:s10+$0xFFFFFF00];
	s11 =	sadd.s32 $0x7, s12;
	s15 =	sadd.s32 $0xD, s12;
	[tilespmem:v16+s0+$0x0] =	vst.idx.msk $0xffff, v30  }
0x21b: {  	v16 =	vadd.s32 s12, v0;
	v22 =	vadd.s32 s12, v1;
	s16 =	sadd.s32 $0x2, s12;
	s17 =	sadd.s32 $0x6, s12;
	s18 =	sadd.s32 $0xB, s12;
	v30 =	vadd.s32 s13, v0;
	v32 =	vld [tilespmem:s10+$0x0];
	[tilespmem:v20+s0+$0x0] =	vst.idx.msk $0xffff, v27  }
0x21c: {  	s19 =	sadd.s32 $0x3, s12;
	s20 =	sadd.s32 $0xC, s12;
	v33 =	vadd.s32 s16, v0;
	v27 =	vadd.s32 s15, v0;
	v34 =	vadd.s32 s15, v1;
	s15 =	sadd.s32 $0xE, s12;
	v20 =	vld [tilespmem:s10+$0xFFFFFE10];
	[tilespmem:v21+s0+$0x0] =	vst.idx.msk $0xffff, v26  }
0x21d: {  	s21 =	sadd.s32 $0x4, s12;
	s22 =	sadd.s32 $0xF, s12;
	v11 =	vadd.s32 s19, v0;
	v36 =	vadd.s32 s20, v0;
	v26 =	vadd.s32 s15, v0;
	v35 =	vld [tilespmem:s10+$0xFFFFFE40]  }
0x21e: {  	s23 =	sadd.s32 $0x5, s12;
	v37 =	vadd.s32 s20, v1;
	v39 =	vadd.s32 s22, v0;
	v21 =	vadd.s32 s21, v0;
	v38 =	vld [tilespmem:s10+$0xFFFFFFE0]  }
0x21f: {  	v40 =	vadd.s32 s23, v0;
	v42 =	vadd.s32 s22, v1;
	v41 =	vadd.s32 s15, v1;
	[tilespmem:v19+s0+$0x0] =	vst.idx.msk $0xffff, v2;
	v2 =	vmovc v12  }
0x220: {  	v43 =	vadd.s32 s17, v0;
	v17 =	vadd.s32 s18, v0;
	v15 =	vadd.s32 s18, v1;
	v19 =	vld [tilespmem:s10+$0xFFFFFFF0];
	[tilespmem:v7+s0+$0x0] =	vst.idx.msk $0xffff, v25;
	v7 =	vmovc v21  }
0x221: {  	v44 =	vadd.s32 s13, v1;
	s13 =	sadd.s32 $0x8, s12;
	v25 =	vadd.s32 s11, v0;
	[tilespmem:v16+s0+$0x0] =	vst.idx.msk $0xffff, v20;
	v16 =	vadd.s32 s19, v1  }
0x222: {  	v24 =	vadd.s32 s17, v1;
	v46 =	vadd.s32 s13, v0;
	s15 =	sadd.s32 $0x9, s12;
	v45 =	vld [tilespmem:s10+$0xFFFFFEB0];
	[tilespmem:v14+s0+$0x0] =	vst.idx.msk $0xffff, v18  }
0x223: {  	s12 =	sadd.s32 $0xA, s12;
	v20 =	vadd.s32 s15, v0;
	[tilespmem:v8+s0+$0x0] =	vst.idx.msk $0xffff, v3;
	v3 =	vld [tilespmem:s10+$0xFFFFFE60]  }
0x224: {  	v21 =	vadd.s32 s12, v0;
	v18 =	vld [tilespmem:s10+$0xFFFFFFC0];
	[tilespmem:v9+s0+$0x0] =	vst.idx.msk $0xffff, v23  }
0x225: {  	v8 =	vadd.s32 s16, v1;
	v23 =	vadd.s32 s11, v1;
	v12 =	vld [tilespmem:s10+$0xFFFFFEE0];
	[tilespmem:v5+s0+$0x0] =	vst.idx.msk $0xffff, v4;
	v5 =	vmov v37  }
0x226: {  	v14 =	vadd.s32 s13, v1;
	v9 =	vadd.s32 s21, v1;
	v37 =	vld [tilespmem:s10+$0xFFFFFFB0];
	[tilespmem:v39+s0+$0x0] =	vst.idx.msk $0xffff, v19  }
0x227: {  	v39 =	vadd.s32 s23, v1;
	v19 =	vadd.s32 s15, v1;
	v4 =	vld [tilespmem:s10+$0xFFFFFFA0];
	[tilespmem:v6+s0+$0x0] =	vst.idx.msk $0xffff, v10;
	v6 =	vmov v14  }
0x228: {  	v14 =	vadd.s32 s12, v1;
	v10 =	vld [tilespmem:s10+$0xFFFFFFD0];
	[tilespmem:v42+s0+$0x0] =	vst.idx.msk $0xffff, v32  }
0x229: {  	[tilespmem:v22+s0+$0x0] =	vst.idx.msk $0xffff, v28;
	v32 =	vld [tilespmem:s10+$0xFFFFFEF0]  }
0x22a: {  	[tilespmem:v40+s0+$0x0] =	vst.idx.msk $0xffff, v45;
	v22 =	vld [tilespmem:s10+$0xFFFFFF80]  }
0x22b: {  	v40 =	vld [tilespmem:s10+$0xFFFFFE30];
	[tilespmem:v27+s0+$0x0] =	vst.idx.msk $0xffff, v37  }
0x22c: {  	v37 =	vld [tilespmem:s10+$0xFFFFFF90];
	[tilespmem:v34+s0+$0x0] =	vst.idx.msk $0xffff, v18  }
0x22d: {  	v28 =	vld [tilespmem:s10+$0xFFFFFF70];
	[tilespmem:v26+s0+$0x0] =	vst.idx.msk $0xffff, v10  }
0x22e: {  	v18 =	vld [tilespmem:s10+$0xFFFFFE50];
	[tilespmem:v25+s0+$0x0] =	vst.idx.msk $0xffff, v32  }
0x22f: {  	v32 =	vld [tilespmem:s10+$0xFFFFFED0];
	[tilespmem:v23+s0+$0x0] =	vst.idx.msk $0xffff, v29  }
0x230: {  	v27 =	vld [tilespmem:s10+$0xFFFFFF30];
	[tilespmem:v41+s0+$0x0] =	vst.idx.msk $0xffff, v38  }
0x231: {  	[tilespmem:v39+s0+$0x0] =	vst.idx.msk $0xffff, v31;
	v26 =	vld [tilespmem:s10+$0xFFFFFF50]  }
0x232: {  	v10 =	vld [tilespmem:s10+$0xFFFFFF20];
	[tilespmem:v36+s0+$0x0] =	vst.idx.msk $0xffff, v37  }
.Ltmp3:
0x233: {  	[tilespmem:v33+s0+$0x0] =	vst.idx.msk $0xffff, v18;
	v18 =	vld [tilespmem:s10+$0xFFFFFF60];
	(pc) =	sbr.rel @p0 .LBB2_9-.Ltmp3, $4  }
0x234: {  	[tilespmem:v30+s0+$0x0] =	vst.idx.msk $0xffff, v40;
	v25 =	vld [tilespmem:s10+$0xFFFFFE90]  }
0x235: {  	[tilespmem:v44+s0+$0x0] =	vst.idx.msk $0xffff, v35;
	v29 =	vld [tilespmem:s10+$0xFFFFFE70]  }
0x236: {  	v23 =	vld [tilespmem:s10+$0xFFFFFEA0];
	[tilespmem:v46+s0+$0x0] =	vst.idx.msk $0xffff, v13  }
0x237: {  	v30 =	vld [tilespmem:s10+$0xFFFFFE80];
	[tilespmem:v43+s0+$0x0] =	vst.idx.msk $0xffff, v32;
	s10 =	sadd.s32 $0x200, s10  }
0x238: {  	_ =	sdelay $0x3  }
0x239: {  	[tilespmem:v24+s0+$0x0] =	vst.idx.msk $0xffff, v12  }
0x23a: {  	[tilespmem:v17+s0+$0x0] =	vst.idx.msk $0xffff, v28  }
0x23b: {  	[tilespmem:v20+s0+$0x0] =	vst.idx.msk $0xffff, v27  }
0x23c: {  	[tilespmem:v21+s0+$0x0] =	vst.idx.msk $0xffff, v26  }
0x23d: {  	[tilespmem:v8+s0+$0x0] =	vst.idx.msk $0xffff, v3  }
0x23e: {  	[tilespmem:v5+s0+$0x0] =	vst.idx.msk $0xffff, v4  }
0x23f: {  	[tilespmem:v6+s0+$0x0] =	vst.idx.msk $0xffff, v10  }
0x240: {  	s6 =	sadd.s32 s4, s31;
	[tilespmem:v15+s0+$0x0] =	vst.idx.msk $0xffff, v22  }
0x241: {  	[tilespmem:v19+s0+$0x0] =	vst.idx.msk $0xffff, v2;
	s10 =	sshll.u32 s6, $0x2  }
0x242: {  	[tilespmem:v7+s0+$0x0] =	vst.idx.msk $0xffff, v25;
	s6 =	sand.u32 $0x7C, s6;
	s10 =	sand.u32 $0x1FFFE00, s10  }
0x243: {  	[tilespmem:v14+s0+$0x0] =	vst.idx.msk $0xffff, v18;
	s6 =	sor.u32 s6, s10  }
0x244: {  	[tilespmem:v11+s0+$0x0] =	vst.idx.msk $0xffff, v29;
	s6 =	sshll.u32 s6, $0x7  }
0x245: {  	[tilespmem:v9+s0+$0x0] =	vst.idx.msk $0xffff, v23;
	s13 =	sand.u32 $0x1FFF3E00, s6  }
0x246: {  	[tilespmem:v16+s0+$0x0] =	vst.idx.msk $0xffff, v30;
	s11 =	sadd.s32 s2, s13  }
0x247: {  	[hbm4b:s11+s3] =	stream.linear.scatter [tilespmem:s0], [sflag:$0x4], $0x400, $0x38;
	[tilespmem:$0x16400] =	vst v63  }
0x248: {  	s12 =	simm.s32 $0x12800;
	s15 =	sadd.s32 s13, s7  }
0x249: {  	[hbm4b:s15+s3] =	stream.linear.scatter [tilespmem:s12], [sflag:$0x4], $0x400, $0x38;
	[tilespmem:$0x16400] =	vst v63  }
0x24a: {  	s17 =	simm.s32 $0x12C00;
	s16 =	sadd.s32 s13, s8  }
0x24b: {  	[hbm4b:s16+s3] =	stream.linear.scatter [tilespmem:s17], [sflag:$0x4], $0x400, $0x38;
	[tilespmem:$0x16400] =	vst v63  }
0x24c: {  	s18 =	simm.s32 $0x13000;
	s19 =	sor.u32 $0x80, s6;
	s10 =	sadd.s32 s13, s9  }
0x24d: {  	[hbm4b:s10+s3] =	stream.linear.scatter [tilespmem:s18], [sflag:$0x4], $0x400, $0x38;
	[tilespmem:$0x16400] =	vst v63  }
0x24e: {  	s10 =	sand.u32 $0x1FFF3E80, s19  }
0x24f: {  	s21 =	simm.s32 $0x13400;
	s20 =	sadd.s32 s2, s10  }
0x250: {  	[hbm4b:s20+s3] =	stream.linear.scatter [tilespmem:s21], [sflag:$0x4], $0x400, $0x38;
	[tilespmem:$0x16400] =	vst v63  }
0x251: {  	s23 =	simm.s32 $0x13800;
	s22 =	sadd.s32 s10, s7  }
0x252: {  	[hbm4b:s22+s3] =	stream.linear.scatter [tilespmem:s23], [sflag:$0x4], $0x400, $0x38;
	[tilespmem:$0x16400] =	vst v63  }
0x253: {  	s25 =	simm.s32 $0x13C00;
	s24 =	sadd.s32 s10, s8  }
0x254: {  	[hbm4b:s24+s3] =	stream.linear.scatter [tilespmem:s25], [sflag:$0x4], $0x400, $0x38;
	[tilespmem:$0x16400] =	vst v63  }
0x255: {  	s31 =	simm.s32 $0x14000;
	s11 =	sor.u32 $0x100, s6;
	s10 =	sadd.s32 s10, s9  }
0x256: {  	[hbm4b:s10+s3] =	stream.linear.scatter [tilespmem:s31], [sflag:$0x4], $0x400, $0x38;
	[tilespmem:$0x16400] =	vst v63  }
0x257: {  	s10 =	sand.u32 $0x1FFF3F00, s11  }
0x258: {  	s13 =	simm.s32 $0x14400;
	s12 =	sadd.s32 s2, s10  }
0x259: {  	[hbm4b:s12+s3] =	stream.linear.scatter [tilespmem:s13], [sflag:$0x4], $0x400, $0x38;
	[tilespmem:$0x16400] =	vst v63  }
0x25a: {  	s16 =	simm.s32 $0x14800;
	s15 =	sadd.s32 s10, s7  }
0x25b: {  	[hbm4b:s15+s3] =	stream.linear.scatter [tilespmem:s16], [sflag:$0x4], $0x400, $0x38;
	[tilespmem:$0x16400] =	vst v63  }
0x25c: {  	s6 =	sor.u32 $0x180, s6;
	s18 =	simm.s32 $0x14C00;
	s17 =	sadd.s32 s10, s8  }
0x25d: {  	[hbm4b:s17+s3] =	stream.linear.scatter [tilespmem:s18], [sflag:$0x4], $0x400, $0x38;
	[tilespmem:$0x16400] =	vst v63  }
0x25e: {  	s6 =	sand.u32 $0x1FFF3F80, s6;
	s19 =	simm.s32 $0x15000;
	s10 =	sadd.s32 s10, s9  }
0x25f: {  	[hbm4b:s10+s3] =	stream.linear.scatter [tilespmem:s19], [sflag:$0x4], $0x400, $0x38;
	[tilespmem:$0x16400] =	vst v63  }
0x260: {  	s30 =	sadd.s32 $0x1, s30;
	s20 =	sadd.s32 s2, s6;
	s21 =	simm.s32 $0x15400  }
0x261: {  	[hbm4b:s20+s3] =	stream.linear.scatter [tilespmem:s21], [sflag:$0x4], $0x400, $0x38;
	[tilespmem:$0x16400] =	vst v63  }
0x262: {  	p0 =	sne.s32 s30, $0x18;
	s22 =	sadd.s32 s6, s7;
	s23 =	simm.s32 $0x15800  }
0x263: {  	[hbm4b:s22+s3] =	stream.linear.scatter [tilespmem:s23], [sflag:$0x4], $0x400, $0x38;
	[tilespmem:$0x16400] =	vst v63  }
.Ltmp4:
0x264: {  	_ = 	snop;
	(pc) =	sbr.rel @p0 .LBB2_6-.Ltmp4, $4  }
0x265: {  	s24 =	sadd.s32 s6, s8;
	s25 =	simm.s32 $0x15C00  }
0x266: {  	[hbm4b:s24+s3] =	stream.linear.scatter [tilespmem:s25], [sflag:$0x4], $0x400, $0x38;
	[tilespmem:$0x16400] =	vst v63  }
0x267: {  	s6 =	sadd.s32 s6, s9;
	s31 =	simm.s32 $0x16000  }
0x268: {  	[hbm4b:s6+s3] =	stream.linear.scatter [tilespmem:s31], [sflag:$0x4], $0x400, $0x38;
	[tilespmem:$0x16400] =	vst v63  }
0x269: {  	s6 =	simm.s32 $0xA400;
	s10 =	simm.s32 $0x6200  }
0x26a: {  	[tilespmem:s6], [sflag:$0x2] =	stream.indirect.gather [hbm4b:s5+s29], $0x20, s10, s29, $0xb8;
	[tilespmem:$0x16400] =	vst v63  }
0x26b: {  	s30 =	simm.s32 $0xB400;
	s31 =	simm.s32 $0x6280  }
0x26c: {  	[tilespmem:s30], [sflag:$0x2] =	stream.indirect.gather [hbm4b:s5+s29], $0x20, s31, s29, $0xb8;
	[tilespmem:$0x16400] =	vst v63  }
0x26d: {  	s11 =	simm.s32 $0xC400;
	s12 =	simm.s32 $0x6300  }
0x26e: {  	[tilespmem:s11], [sflag:$0x2] =	stream.indirect.gather [hbm4b:s5+s29], $0x20, s12, s29, $0xb8;
	[tilespmem:$0x16400] =	vst v63  }
0x26f: {  	s13 =	simm.s32 $0xD400;
	s15 =	simm.s32 $0x6380;
	s16 =	simm.s32 $0x1  }
0x270: {  	[tilespmem:s13], [sflag:$0x2] =	stream.indirect.gather [hbm4b:s5+s29], $0x20, s15, s29, $0xb8;
	[tilespmem:$0x16400] =	vst v63  }
0x271: {  	_ =	swait.ge [sflag:s16], $0x4000  }
0x272: {  	[sflag:s16] =	ssyncset.done $0x0  }
0x273: {  	[sflag:s16] =	ssyncadd.s32 $0xFFFFC000  }
0x274: {  	_ =	swait.ge [sflag:s26], $0x4000  }
0x275: {  	[sflag:s26] =	ssyncset.done $0x0  }
0x276: {  	s17 =	simm.s32 $0x6500;
	[sflag:s26] =	ssyncadd.s32 $0xFFFFC000  }
0x277: {  	v13 =	vld [tilespmem:s17+$0x0]  }
0x278: {  	v2 =	vld [tilespmem:s17+$0x30]  }
0x279: {  	v5 =	vld [tilespmem:s17+$0xFFFFFFB0]  }
0x27a: {  	v6 =	vld [tilespmem:s17+$0xFFFFFF10]  }
0x27b: {  	v7 =	vld [tilespmem:s17+$0xFFFFFFF0]  }
0x27c: {  	v8 =	vld [tilespmem:s17+$0xF0]  }
0x27d: {  	s18 =	simm.s32 $0x0;
	v4 =	vld [tilespmem:s17+$0xFFFFFF00]  }
0x27e: {  	s6 =	smul.u32 $0xF80, s18;
	v14 =	vld [tilespmem:s17+$0xFFFFFF30]  }
0x27f: {  	v9 =	vld [tilespmem:s17+$0xD0]  }
0x280: {  	s6 =	sadd.s32 $0x0, s6;
	v11 =	vld [tilespmem:s17+$0xE0]  }
0x281: {  	v10 =	vadd.s32 s6, v0;
	s11 =	sadd.s32 $0xF, s6;
	v16 =	vld [tilespmem:s17+$0xFFFFFFA0]  }
0x282: {  	s19 =	sadd.s32 $0x5, s6;
	v15 =	vadd.s32 s11, v0;
	v3 =	vld [tilespmem:s17+$0xFFFFFF50]  }
0x283: {  	v20 =	vadd.s32 s19, v0;
	v19 =	vld [tilespmem:s17+$0xB0]  }
0x284: {  	v17 =	vadd.s32 s11, v1;
	v12 =	vld [tilespmem:s17+$0xFFFFFFD0]  }
0x285: {  	v18 =	vadd.s32 s6, v1;
	s15 =	sadd.s32 $0x6, s6;
	v22 =	vld [tilespmem:s17+$0x70]  }
0x286: {  	s12 =	sadd.s32 $0xD, s6;
	v32 =	vadd.s32 s15, v0;
	v31 =	vld [tilespmem:s17+$0xFFFFFFC0];
	[tilespmem:v10+s14+$0x0] =	vst.idx.msk $0xffff, v4  }
0x287: {  	s20 =	sadd.s32 $0xE, s6;
	v21 =	vadd.s32 s12, v0;
	v10 =	vld [tilespmem:s17+$0xA0];
	[tilespmem:v15+s14+$0x0] =	vst.idx.msk $0xffff, v11  }
0x288: {  	v11 =	vadd.s32 s20, v0;
	v15 =	vld [tilespmem:s17+$0xC0];
	[tilespmem:v20+s14+$0x0] =	vst.idx.msk $0xffff, v16  }
0x289: {  	v23 =	vadd.s32 s12, v1;
	s13 =	sadd.s32 $0x7, s6;
	v28 =	vld [tilespmem:s17+$0x60];
	[tilespmem:v17+s14+$0x0] =	vst.idx.msk $0xffff, v8  }
0x28a: {  	v8 =	vadd.s32 s13, v0;
	[tilespmem:v18+s14+$0x0] =	vst.idx.msk $0xffff, v6;
	v6 =	vld [tilespmem:s17+$0xFFFFFFE0]  }
0x28b: {  	v27 =	vld [tilespmem:s17+$0x20];
	v16 =	vadd.s32 s20, v1;
	[tilespmem:v32+s14+$0x0] =	vst.idx.msk $0xffff, v31  }
0x28c: {  	v26 =	vld [tilespmem:s17+$0x40];
	v17 =	vadd.s32 s13, v1;
	[tilespmem:v21+s14+$0x0] =	vst.idx.msk $0xffff, v10  }
0x28d: {  	s22 =	sadd.s32 $0x2, s6;
	v25 =	vld [tilespmem:s17+$0xFFFFFF80];
	v10 =	vadd.s32 s19, v1;
	[tilespmem:v11+s14+$0x0] =	vst.idx.msk $0xffff, v15  }
0x28e: {  	s24 =	sadd.s32 $0x8, s6;
	v11 =	vadd.s32 s22, v0;
	v21 =	vld [tilespmem:s17+$0xFFFFFF40];
	[tilespmem:v23+s14+$0x0] =	vst.idx.msk $0xffff, v19  }
0x28f: {  	s21 =	sadd.s32 $0xC, s6;
	v30 =	vadd.s32 s24, v0;
	v29 =	vld [tilespmem:s17+$0xFFFFFF60];
	[tilespmem:v8+s14+$0x0] =	vst.idx.msk $0xffff, v6  }
0x290: {  	s23 =	sadd.s32 $0x1, s6;
	v20 =	vld [tilespmem:s17+$0x80];
	v19 =	vadd.s32 s21, v0;
	[tilespmem:v16+s14+$0x0] =	vst.idx.msk $0xffff, v9  }
0x291: {  	v18 =	vld [tilespmem:s17+$0xFFFFFF20];
	v6 =	vadd.s32 s23, v0;
	[tilespmem:v17+s14+$0x0] =	vst.idx.msk $0xffff, v7  }
0x292: {  	v4 =	vld [tilespmem:s17+$0x90];
	v7 =	vadd.s32 s23, v1;
	[tilespmem:v10+s14+$0x0] =	vst.idx.msk $0xffff, v5  }
0x293: {  	s25 =	sadd.s32 $0x3, s6;
	v24 =	vadd.s32 s15, v1;
	s16 =	sadd.s32 $0xB, s6;
	v8 =	vadd.s32 s22, v1;
	v23 =	vld [tilespmem:s17+$0xFFFFFF90];
	[tilespmem:v11+s14+$0x0] =	vst.idx.msk $0xffff, v21  }
0x294: {  	s30 =	sadd.s32 $0x4, s6;
	s31 =	sadd.s32 $0x9, s6;
	s6 =	sadd.s32 $0xA, s6;
	v15 =	vadd.s32 s16, v1;
	v17 =	vadd.s32 s16, v0;
	v10 =	vld [tilespmem:s17+$0x10];
	v5 =	vadd.s32 s21, v1;
	[tilespmem:v30+s14+$0x0] =	vst.idx.msk $0xffff, v13  }
0x295: {  	v16 =	vadd.s32 s25, v1;
	v11 =	vadd.s32 s25, v0;
	v21 =	vadd.s32 s6, v0;
	v30 =	vld [tilespmem:s17+$0xFFFFFF70];
	[tilespmem:v19+s14+$0x0] =	vst.idx.msk $0xffff, v20  }
0x296: {  	v9 =	vadd.s32 s30, v1;
	v19 =	vld [tilespmem:s17+$0x50];
	[tilespmem:v6+s14+$0x0] =	vst.idx.msk $0xffff, v18;
	v6 =	vadd.s32 s30, v0;
	v20 =	vadd.s32 s31, v0  }
0x297: {  	s10 =	simm.s32 $0x6700;
	v18 =	vadd.s32 s31, v1;
	[tilespmem:v7+s14+$0x0] =	vst.idx.msk $0xffff, v14;
	v7 =	vadd.s32 s24, v1;
	v14 =	vadd.s32 s6, v1;
	s6 =	simm.s32 $0x10  }
.LBB2_12:
0x298: {  	s11 =	sshrl.u32 s6, $0x7  }
0x299: {  	v13 =	vld [tilespmem:s10+$0x0];
	p0 =	slt.u32 s6, $0x1F0;
	[tilespmem:v24+s14+$0x0] =	vst.idx.msk $0xffff, v12;
	s12 =	smov.u32 s6;
	s6 =	sadd.s32 $0x10, s6  }
0x29a: {  	s11 =	smul.u32 $0xF80, s11;
	v12 =	vld [tilespmem:s10+$0x30];
	[tilespmem:v17+s14+$0x0] =	vst.idx.msk $0xffff, v28  }
0x29b: {  	v31 =	vld [tilespmem:s10+$0xFFFFFFB0];
	[tilespmem:v11+s14+$0x0] =	vst.idx.msk $0xffff, v29  }
0x29c: {  	v28 =	vld [tilespmem:s10+$0xFFFFFF10];
	s12 =	sadd.s32 s11, s12;
	[tilespmem:v15+s14+$0x0] =	vst.idx.msk $0xffff, v22  }
0x29d: {  	s13 =	sadd.s32 $0x1, s12;
	v29 =	vld [tilespmem:s10+$0xFFFFFFF0];
	s11 =	sadd.s32 $0x7, s12;
	s15 =	sadd.s32 $0xD, s12;
	[tilespmem:v16+s14+$0x0] =	vst.idx.msk $0xffff, v30  }
0x29e: {  	v16 =	vadd.s32 s12, v0;
	v22 =	vadd.s32 s12, v1;
	s16 =	sadd.s32 $0x2, s12;
	s17 =	sadd.s32 $0x6, s12;
	s18 =	sadd.s32 $0xB, s12;
	v30 =	vadd.s32 s13, v0;
	v32 =	vld [tilespmem:s10+$0xF0];
	[tilespmem:v20+s14+$0x0] =	vst.idx.msk $0xffff, v27  }
0x29f: {  	s19 =	sadd.s32 $0x3, s12;
	s20 =	sadd.s32 $0xC, s12;
	v33 =	vadd.s32 s16, v0;
	v27 =	vadd.s32 s15, v0;
	v34 =	vadd.s32 s15, v1;
	s15 =	sadd.s32 $0xE, s12;
	v20 =	vld [tilespmem:s10+$0xFFFFFF00];
	[tilespmem:v21+s14+$0x0] =	vst.idx.msk $0xffff, v26  }
0x2a0: {  	s21 =	sadd.s32 $0x4, s12;
	s22 =	sadd.s32 $0xF, s12;
	v11 =	vadd.s32 s19, v0;
	v36 =	vadd.s32 s20, v0;
	v26 =	vadd.s32 s15, v0;
	v35 =	vld [tilespmem:s10+$0xFFFFFF30]  }
0x2a1: {  	s23 =	sadd.s32 $0x5, s12;
	v37 =	vadd.s32 s20, v1;
	v39 =	vadd.s32 s22, v0;
	v21 =	vadd.s32 s21, v0;
	v38 =	vld [tilespmem:s10+$0xD0]  }
0x2a2: {  	v40 =	vadd.s32 s23, v0;
	v42 =	vadd.s32 s22, v1;
	v41 =	vadd.s32 s15, v1;
	[tilespmem:v18+s14+$0x0] =	vst.idx.msk $0xffff, v2;
	v2 =	vmovc v12  }
0x2a3: {  	v43 =	vadd.s32 s17, v0;
	v17 =	vadd.s32 s18, v0;
	v15 =	vadd.s32 s18, v1;
	v18 =	vld [tilespmem:s10+$0xE0];
	[tilespmem:v6+s14+$0x0] =	vst.idx.msk $0xffff, v25;
	v6 =	vmovc v21  }
0x2a4: {  	v44 =	vadd.s32 s13, v1;
	s13 =	sadd.s32 $0x8, s12;
	v25 =	vadd.s32 s11, v0;
	[tilespmem:v16+s14+$0x0] =	vst.idx.msk $0xffff, v20;
	v16 =	vadd.s32 s19, v1  }
0x2a5: {  	v24 =	vadd.s32 s17, v1;
	v46 =	vadd.s32 s13, v0;
	s15 =	sadd.s32 $0x9, s12;
	v45 =	vld [tilespmem:s10+$0xFFFFFFA0];
	[tilespmem:v14+s14+$0x0] =	vst.idx.msk $0xffff, v19  }
0x2a6: {  	s12 =	sadd.s32 $0xA, s12;
	v20 =	vadd.s32 s15, v0;
	[tilespmem:v8+s14+$0x0] =	vst.idx.msk $0xffff, v3;
	v3 =	vld [tilespmem:s10+$0xFFFFFF50]  }
0x2a7: {  	v21 =	vadd.s32 s12, v0;
	v19 =	vld [tilespmem:s10+$0xB0];
	[tilespmem:v9+s14+$0x0] =	vst.idx.msk $0xffff, v23  }
0x2a8: {  	v8 =	vadd.s32 s16, v1;
	v23 =	vadd.s32 s11, v1;
	v12 =	vld [tilespmem:s10+$0xFFFFFFD0];
	[tilespmem:v5+s14+$0x0] =	vst.idx.msk $0xffff, v4;
	v5 =	vmov v37  }
0x2a9: {  	v14 =	vadd.s32 s13, v1;
	v9 =	vadd.s32 s21, v1;
	v37 =	vld [tilespmem:s10+$0xA0];
	[tilespmem:v39+s14+$0x0] =	vst.idx.msk $0xffff, v18  }
0x2aa: {  	v39 =	vadd.s32 s23, v1;
	v18 =	vadd.s32 s15, v1;
	v4 =	vld [tilespmem:s10+$0x90];
	[tilespmem:v7+s14+$0x0] =	vst.idx.msk $0xffff, v10;
	v7 =	vmov v14  }
0x2ab: {  	v14 =	vadd.s32 s12, v1;
	v10 =	vld [tilespmem:s10+$0xC0];
	[tilespmem:v42+s14+$0x0] =	vst.idx.msk $0xffff, v32  }
0x2ac: {  	[tilespmem:v22+s14+$0x0] =	vst.idx.msk $0xffff, v28;
	v32 =	vld [tilespmem:s10+$0xFFFFFFE0]  }
0x2ad: {  	[tilespmem:v40+s14+$0x0] =	vst.idx.msk $0xffff, v45;
	v22 =	vld [tilespmem:s10+$0x70]  }
0x2ae: {  	v40 =	vld [tilespmem:s10+$0xFFFFFF20];
	[tilespmem:v27+s14+$0x0] =	vst.idx.msk $0xffff, v37  }
0x2af: {  	v37 =	vld [tilespmem:s10+$0x80];
	[tilespmem:v34+s14+$0x0] =	vst.idx.msk $0xffff, v19  }
0x2b0: {  	v28 =	vld [tilespmem:s10+$0x60];
	[tilespmem:v26+s14+$0x0] =	vst.idx.msk $0xffff, v10  }
0x2b1: {  	v19 =	vld [tilespmem:s10+$0xFFFFFF40];
	[tilespmem:v25+s14+$0x0] =	vst.idx.msk $0xffff, v32  }
0x2b2: {  	v32 =	vld [tilespmem:s10+$0xFFFFFFC0];
	[tilespmem:v23+s14+$0x0] =	vst.idx.msk $0xffff, v29  }
0x2b3: {  	v27 =	vld [tilespmem:s10+$0x20];
	[tilespmem:v41+s14+$0x0] =	vst.idx.msk $0xffff, v38  }
0x2b4: {  	[tilespmem:v39+s14+$0x0] =	vst.idx.msk $0xffff, v31;
	v26 =	vld [tilespmem:s10+$0x40]  }
0x2b5: {  	v10 =	vld [tilespmem:s10+$0x10];
	[tilespmem:v36+s14+$0x0] =	vst.idx.msk $0xffff, v37  }
.Ltmp5:
0x2b6: {  	[tilespmem:v33+s14+$0x0] =	vst.idx.msk $0xffff, v19;
	v19 =	vld [tilespmem:s10+$0x50];
	(pc) =	sbr.rel @p0 .LBB2_12-.Ltmp5, $4  }
0x2b7: {  	[tilespmem:v30+s14+$0x0] =	vst.idx.msk $0xffff, v40;
	v25 =	vld [tilespmem:s10+$0xFFFFFF80]  }
0x2b8: {  	[tilespmem:v44+s14+$0x0] =	vst.idx.msk $0xffff, v35;
	v29 =	vld [tilespmem:s10+$0xFFFFFF60]  }
0x2b9: {  	v23 =	vld [tilespmem:s10+$0xFFFFFF90];
	[tilespmem:v46+s14+$0x0] =	vst.idx.msk $0xffff, v13  }
0x2ba: {  	v30 =	vld [tilespmem:s10+$0xFFFFFF70];
	[tilespmem:v43+s14+$0x0] =	vst.idx.msk $0xffff, v32;
	s10 =	sadd.s32 $0x200, s10  }
0x2bb: {  	_ =	sdelay $0x3  }
0x2bc: {  	[tilespmem:v24+s14+$0x0] =	vst.idx.msk $0xffff, v12  }
0x2bd: {  	[tilespmem:v17+s14+$0x0] =	vst.idx.msk $0xffff, v28  }
0x2be: {  	[tilespmem:v20+s14+$0x0] =	vst.idx.msk $0xffff, v27  }
0x2bf: {  	[tilespmem:v21+s14+$0x0] =	vst.idx.msk $0xffff, v26  }
0x2c0: {  	[tilespmem:v8+s14+$0x0] =	vst.idx.msk $0xffff, v3  }
0x2c1: {  	[tilespmem:v5+s14+$0x0] =	vst.idx.msk $0xffff, v4  }
0x2c2: {  	[tilespmem:v7+s14+$0x0] =	vst.idx.msk $0xffff, v10  }
0x2c3: {  	[tilespmem:v15+s14+$0x0] =	vst.idx.msk $0xffff, v22  }
0x2c4: {  	[tilespmem:v18+s14+$0x0] =	vst.idx.msk $0xffff, v2  }
0x2c5: {  	[tilespmem:v6+s14+$0x0] =	vst.idx.msk $0xffff, v25  }
0x2c6: {  	[tilespmem:v14+s14+$0x0] =	vst.idx.msk $0xffff, v19  }
0x2c7: {  	[tilespmem:v11+s14+$0x0] =	vst.idx.msk $0xffff, v29  }
0x2c8: {  	[tilespmem:v9+s14+$0x0] =	vst.idx.msk $0xffff, v23  }
0x2c9: {  	[tilespmem:v16+s14+$0x0] =	vst.idx.msk $0xffff, v30  }
0x2ca: {  	s10 =	sld [smem:$0x7DD];
	_ =	sdelay $0x1  }
0x2cb: {  	s6 =	simm.s32 $0x0;
	s19 =	sld [smem:$0x7DE]  }
0x2cc: {  	[hbm4b:s10+s6] =	stream.linear.scatter [tilespmem:s14], [sflag:$0x3], $0x400, $0x38;
	[tilespmem:$0x16400] =	vst v63  }
0x2cd: {  	s11 =	simm.s32 $0xE800;
	s20 =	sld [smem:$0x7DF]  }
0x2ce: {  	[hbm4b:s19+s6] =	stream.linear.scatter [tilespmem:s11], [sflag:$0x3], $0x400, $0x38;
	[tilespmem:$0x16400] =	vst v63  }
0x2cf: {  	s21 =	simm.s32 $0xEC00;
	s22 =	sld [smem:$0x7E0]  }
0x2d0: {  	[hbm4b:s20+s6] =	stream.linear.scatter [tilespmem:s21], [sflag:$0x3], $0x400, $0x38;
	[tilespmem:$0x16400] =	vst v63  }
0x2d1: {  	s23 =	simm.s32 $0xF000;
	s24 =	sld [smem:$0x7E1]  }
0x2d2: {  	[hbm4b:s22+s6] =	stream.linear.scatter [tilespmem:s23], [sflag:$0x3], $0x400, $0x38;
	[tilespmem:$0x16400] =	vst v63  }
0x2d3: {  	s25 =	simm.s32 $0xF400;
	s30 =	sld [smem:$0x7E2]  }
0x2d4: {  	[hbm4b:s24+s6] =	stream.linear.scatter [tilespmem:s25], [sflag:$0x3], $0x400, $0x38;
	[tilespmem:$0x16400] =	vst v63  }
0x2d5: {  	s31 =	simm.s32 $0xF800;
	s11 =	sld [smem:$0x7E3]  }
0x2d6: {  	[hbm4b:s30+s6] =	stream.linear.scatter [tilespmem:s31], [sflag:$0x3], $0x400, $0x38;
	[tilespmem:$0x16400] =	vst v63  }
0x2d7: {  	s12 =	simm.s32 $0xFC00;
	s13 =	sld [smem:$0x7E4]  }
0x2d8: {  	[hbm4b:s11+s6] =	stream.linear.scatter [tilespmem:s12], [sflag:$0x3], $0x400, $0x38;
	[tilespmem:$0x16400] =	vst v63  }
0x2d9: {  	s15 =	simm.s32 $0x10000;
	s16 =	sld [smem:$0x7E5]  }
0x2da: {  	[hbm4b:s13+s6] =	stream.linear.scatter [tilespmem:s15], [sflag:$0x3], $0x400, $0x38;
	[tilespmem:$0x16400] =	vst v63  }
0x2db: {  	s17 =	simm.s32 $0x10400;
	s18 =	sld [smem:$0x7E6]  }
0x2dc: {  	[hbm4b:s16+s6] =	stream.linear.scatter [tilespmem:s17], [sflag:$0x3], $0x400, $0x38;
	[tilespmem:$0x16400] =	vst v63  }
0x2dd: {  	s19 =	simm.s32 $0x10800;
	s20 =	sld [smem:$0x7E7]  }
0x2de: {  	[hbm4b:s18+s6] =	stream.linear.scatter [tilespmem:s19], [sflag:$0x3], $0x400, $0x38;
	[tilespmem:$0x16400] =	vst v63  }
0x2df: {  	s21 =	simm.s32 $0x10C00;
	s22 =	sld [smem:$0x7E8]  }
0x2e0: {  	[hbm4b:s20+s6] =	stream.linear.scatter [tilespmem:s21], [sflag:$0x3], $0x400, $0x38;
	[tilespmem:$0x16400] =	vst v63  }
0x2e1: {  	s23 =	simm.s32 $0x11000;
	s24 =	sld [smem:$0x7E9]  }
0x2e2: {  	[hbm4b:s22+s6] =	stream.linear.scatter [tilespmem:s23], [sflag:$0x3], $0x400, $0x38;
	[tilespmem:$0x16400] =	vst v63  }
0x2e3: {  	s25 =	simm.s32 $0x11400;
	s30 =	sld [smem:$0x7EA]  }
0x2e4: {  	[hbm4b:s24+s6] =	stream.linear.scatter [tilespmem:s25], [sflag:$0x3], $0x400, $0x38;
	[tilespmem:$0x16400] =	vst v63  }
0x2e5: {  	s31 =	simm.s32 $0x11800;
	s12 =	sld [smem:$0x7EB]  }
0x2e6: {  	[hbm4b:s30+s6] =	stream.linear.scatter [tilespmem:s31], [sflag:$0x3], $0x400, $0x38;
	[tilespmem:$0x16400] =	vst v63  }
0x2e7: {  	s13 =	simm.s32 $0x11C00;
	s15 =	sld [smem:$0x7EC]  }
0x2e8: {  	[hbm4b:s12+s6] =	stream.linear.scatter [tilespmem:s13], [sflag:$0x3], $0x400, $0x38;
	[tilespmem:$0x16400] =	vst v63  }
0x2e9: {  	s16 =	simm.s32 $0x12000  }
0x2ea: {  	[hbm4b:s15+s6] =	stream.linear.scatter [tilespmem:s16], [sflag:$0x3], $0x400, $0x38;
	[tilespmem:$0x16400] =	vst v63  }
0x2eb: {  	_ =	swait.ge [sflag:s1], $0x4000  }
0x2ec: {  	[sflag:s1] =	ssyncset.done $0x0  }
0x2ed: {  	[sflag:s1] =	ssyncadd.s32 $0xFFFFC000  }
0x2ee: {  	_ =	swait.ge [sflag:s28], $0x4000  }
0x2ef: {  	[sflag:s28] =	ssyncset.done $0x0  }
0x2f0: {  	s10 =	simm.s32 $0xA5F0;
	[sflag:s28] =	ssyncadd.s32 $0xFFFFC000  }
0x2f1: {  	v13 =	vld [tilespmem:s10+$0xFFFFFF10]  }
0x2f2: {  	v2 =	vld [tilespmem:s10+$0xFFFFFF40]  }
0x2f3: {  	v5 =	vld [tilespmem:s10+$0xFFFFFEC0]  }
0x2f4: {  	v6 =	vld [tilespmem:s10+$0xFFFFFE20]  }
0x2f5: {  	v7 =	vld [tilespmem:s10+$0xFFFFFF00]  }
0x2f6: {  	v8 =	vld [tilespmem:s10+$0x0]  }
0x2f7: {  	s17 =	simm.s32 $0x0;
	v4 =	vld [tilespmem:s10+$0xFFFFFE10]  }
0x2f8: {  	s6 =	smul.u32 $0xF80, s17;
	v14 =	vld [tilespmem:s10+$0xFFFFFE40]  }
0x2f9: {  	v9 =	vld [tilespmem:s10+$0xFFFFFFE0]  }
0x2fa: {  	s6 =	sadd.s32 $0x0, s6;
	v11 =	vld [tilespmem:s10+$0xFFFFFFF0]  }
0x2fb: {  	v10 =	vadd.s32 s6, v0;
	s18 =	sadd.s32 $0xF, s6;
	v16 =	vld [tilespmem:s10+$0xFFFFFEB0]  }
0x2fc: {  	s19 =	sadd.s32 $0x5, s6;
	v15 =	vadd.s32 s18, v0;
	v3 =	vld [tilespmem:s10+$0xFFFFFE60]  }
0x2fd: {  	v20 =	vadd.s32 s19, v0;
	v19 =	vld [tilespmem:s10+$0xFFFFFFC0]  }
0x2fe: {  	v17 =	vadd.s32 s18, v1;
	v12 =	vld [tilespmem:s10+$0xFFFFFEE0]  }
0x2ff: {  	v18 =	vadd.s32 s6, v1;
	s15 =	sadd.s32 $0x6, s6;
	v22 =	vld [tilespmem:s10+$0xFFFFFF80]  }
0x300: {  	s12 =	sadd.s32 $0xD, s6;
	v32 =	vadd.s32 s15, v0;
	v31 =	vld [tilespmem:s10+$0xFFFFFED0];
	[tilespmem:v10+s0+$0x0] =	vst.idx.msk $0xffff, v4  }
0x301: {  	s20 =	sadd.s32 $0xE, s6;
	v21 =	vadd.s32 s12, v0;
	v10 =	vld [tilespmem:s10+$0xFFFFFFB0];
	[tilespmem:v15+s0+$0x0] =	vst.idx.msk $0xffff, v11  }
0x302: {  	v11 =	vadd.s32 s20, v0;
	v15 =	vld [tilespmem:s10+$0xFFFFFFD0];
	[tilespmem:v20+s0+$0x0] =	vst.idx.msk $0xffff, v16  }
0x303: {  	s13 =	sadd.s32 $0x7, s6;
	v23 =	vadd.s32 s12, v1;
	v28 =	vld [tilespmem:s10+$0xFFFFFF70];
	[tilespmem:v17+s0+$0x0] =	vst.idx.msk $0xffff, v8  }
0x304: {  	v8 =	vadd.s32 s13, v0;
	[tilespmem:v18+s0+$0x0] =	vst.idx.msk $0xffff, v6;
	v6 =	vld [tilespmem:s10+$0xFFFFFEF0]  }
0x305: {  	v27 =	vld [tilespmem:s10+$0xFFFFFF30];
	v16 =	vadd.s32 s20, v1;
	[tilespmem:v32+s0+$0x0] =	vst.idx.msk $0xffff, v31  }
0x306: {  	v26 =	vld [tilespmem:s10+$0xFFFFFF50];
	v17 =	vadd.s32 s13, v1;
	[tilespmem:v21+s0+$0x0] =	vst.idx.msk $0xffff, v10  }
0x307: {  	s22 =	sadd.s32 $0x2, s6;
	v25 =	vld [tilespmem:s10+$0xFFFFFE90];
	v10 =	vadd.s32 s19, v1;
	[tilespmem:v11+s0+$0x0] =	vst.idx.msk $0xffff, v15  }
0x308: {  	s24 =	sadd.s32 $0x8, s6;
	v11 =	vadd.s32 s22, v0;
	v21 =	vld [tilespmem:s10+$0xFFFFFE50];
	[tilespmem:v23+s0+$0x0] =	vst.idx.msk $0xffff, v19  }
0x309: {  	s21 =	sadd.s32 $0xC, s6;
	v30 =	vadd.s32 s24, v0;
	v29 =	vld [tilespmem:s10+$0xFFFFFE70];
	[tilespmem:v8+s0+$0x0] =	vst.idx.msk $0xffff, v6  }
0x30a: {  	s23 =	sadd.s32 $0x1, s6;
	v20 =	vld [tilespmem:s10+$0xFFFFFF90];
	v19 =	vadd.s32 s21, v0;
	[tilespmem:v16+s0+$0x0] =	vst.idx.msk $0xffff, v9  }
0x30b: {  	v18 =	vld [tilespmem:s10+$0xFFFFFE30];
	v6 =	vadd.s32 s23, v0;
	[tilespmem:v17+s0+$0x0] =	vst.idx.msk $0xffff, v7  }
0x30c: {  	v4 =	vld [tilespmem:s10+$0xFFFFFFA0];
	v7 =	vadd.s32 s23, v1;
	[tilespmem:v10+s0+$0x0] =	vst.idx.msk $0xffff, v5  }
0x30d: {  	s16 =	sadd.s32 $0xB, s6;
	s25 =	sadd.s32 $0x3, s6;
	v24 =	vadd.s32 s15, v1;
	v8 =	vadd.s32 s22, v1;
	v23 =	vld [tilespmem:s10+$0xFFFFFEA0];
	[tilespmem:v11+s0+$0x0] =	vst.idx.msk $0xffff, v21  }
0x30e: {  	s30 =	sadd.s32 $0x4, s6;
	s31 =	sadd.s32 $0x9, s6;
	s6 =	sadd.s32 $0xA, s6;
	v15 =	vadd.s32 s16, v1;
	v17 =	vadd.s32 s16, v0;
	v10 =	vld [tilespmem:s10+$0xFFFFFF20];
	v5 =	vadd.s32 s21, v1;
	[tilespmem:v30+s0+$0x0] =	vst.idx.msk $0xffff, v13  }
0x30f: {  	v16 =	vadd.s32 s25, v1;
	v11 =	vadd.s32 s25, v0;
	v21 =	vadd.s32 s6, v0;
	v30 =	vld [tilespmem:s10+$0xFFFFFE80];
	[tilespmem:v19+s0+$0x0] =	vst.idx.msk $0xffff, v20  }
0x310: {  	v9 =	vadd.s32 s30, v1;
	v19 =	vld [tilespmem:s10+$0xFFFFFF60];
	[tilespmem:v6+s0+$0x0] =	vst.idx.msk $0xffff, v18;
	v6 =	vadd.s32 s30, v0;
	v20 =	vadd.s32 s31, v0  }
0x311: {  	v18 =	vadd.s32 s31, v1;
	s10 =	simm.s32 $0xA7F0;
	[tilespmem:v7+s0+$0x0] =	vst.idx.msk $0xffff, v14;
	v7 =	vadd.s32 s24, v1;
	v14 =	vadd.s32 s6, v1;
	s6 =	simm.s32 $0x10  }
.LBB2_14:
0x312: {  	s11 =	sshrl.u32 s6, $0x7  }
0x313: {  	v13 =	vld [tilespmem:s10+$0xFFFFFF10];
	p0 =	slt.u32 s6, $0x1F0;
	[tilespmem:v24+s0+$0x0] =	vst.idx.msk $0xffff, v12;
	s12 =	smov.u32 s6;
	s6 =	sadd.s32 $0x10, s6  }
0x314: {  	s11 =	smul.u32 $0xF80, s11;
	v12 =	vld [tilespmem:s10+$0xFFFFFF40];
	[tilespmem:v17+s0+$0x0] =	vst.idx.msk $0xffff, v28  }
0x315: {  	v31 =	vld [tilespmem:s10+$0xFFFFFEC0];
	[tilespmem:v11+s0+$0x0] =	vst.idx.msk $0xffff, v29  }
0x316: {  	v28 =	vld [tilespmem:s10+$0xFFFFFE20];
	s12 =	sadd.s32 s11, s12;
	[tilespmem:v15+s0+$0x0] =	vst.idx.msk $0xffff, v22  }
0x317: {  	s13 =	sadd.s32 $0x1, s12;
	v29 =	vld [tilespmem:s10+$0xFFFFFF00];
	s11 =	sadd.s32 $0x7, s12;
	s15 =	sadd.s32 $0xD, s12;
	[tilespmem:v16+s0+$0x0] =	vst.idx.msk $0xffff, v30  }
0x318: {  	v16 =	vadd.s32 s12, v0;
	v22 =	vadd.s32 s12, v1;
	s16 =	sadd.s32 $0x2, s12;
	s17 =	sadd.s32 $0x6, s12;
	s18 =	sadd.s32 $0xB, s12;
	v30 =	vadd.s32 s13, v0;
	v32 =	vld [tilespmem:s10+$0x0];
	[tilespmem:v20+s0+$0x0] =	vst.idx.msk $0xffff, v27  }
0x319: {  	s19 =	sadd.s32 $0x3, s12;
	s20 =	sadd.s32 $0xC, s12;
	v33 =	vadd.s32 s16, v0;
	v27 =	vadd.s32 s15, v0;
	v34 =	vadd.s32 s15, v1;
	s15 =	sadd.s32 $0xE, s12;
	v20 =	vld [tilespmem:s10+$0xFFFFFE10];
	[tilespmem:v21+s0+$0x0] =	vst.idx.msk $0xffff, v26  }
0x31a: {  	s21 =	sadd.s32 $0x4, s12;
	s22 =	sadd.s32 $0xF, s12;
	v11 =	vadd.s32 s19, v0;
	v36 =	vadd.s32 s20, v0;
	v26 =	vadd.s32 s15, v0;
	v35 =	vld [tilespmem:s10+$0xFFFFFE40]  }
0x31b: {  	s23 =	sadd.s32 $0x5, s12;
	v37 =	vadd.s32 s20, v1;
	v39 =	vadd.s32 s22, v0;
	v21 =	vadd.s32 s21, v0;
	v38 =	vld [tilespmem:s10+$0xFFFFFFE0]  }
0x31c: {  	v40 =	vadd.s32 s23, v0;
	v42 =	vadd.s32 s22, v1;
	v41 =	vadd.s32 s15, v1;
	[tilespmem:v18+s0+$0x0] =	vst.idx.msk $0xffff, v2;
	v2 =	vmovc v12  }
0x31d: {  	v43 =	vadd.s32 s17, v0;
	v17 =	vadd.s32 s18, v0;
	v15 =	vadd.s32 s18, v1;
	v18 =	vld [tilespmem:s10+$0xFFFFFFF0];
	[tilespmem:v6+s0+$0x0] =	vst.idx.msk $0xffff, v25;
	v6 =	vmovc v21  }
0x31e: {  	v44 =	vadd.s32 s13, v1;
	s13 =	sadd.s32 $0x8, s12;
	v25 =	vadd.s32 s11, v0;
	[tilespmem:v16+s0+$0x0] =	vst.idx.msk $0xffff, v20;
	v16 =	vadd.s32 s19, v1  }
0x31f: {  	v24 =	vadd.s32 s17, v1;
	v46 =	vadd.s32 s13, v0;
	s15 =	sadd.s32 $0x9, s12;
	v45 =	vld [tilespmem:s10+$0xFFFFFEB0];
	[tilespmem:v14+s0+$0x0] =	vst.idx.msk $0xffff, v19  }
0x320: {  	s12 =	sadd.s32 $0xA, s12;
	v20 =	vadd.s32 s15, v0;
	[tilespmem:v8+s0+$0x0] =	vst.idx.msk $0xffff, v3;
	v3 =	vld [tilespmem:s10+$0xFFFFFE60]  }
0x321: {  	v21 =	vadd.s32 s12, v0;
	v19 =	vld [tilespmem:s10+$0xFFFFFFC0];
	[tilespmem:v9+s0+$0x0] =	vst.idx.msk $0xffff, v23  }
0x322: {  	v8 =	vadd.s32 s16, v1;
	v23 =	vadd.s32 s11, v1;
	v12 =	vld [tilespmem:s10+$0xFFFFFEE0];
	[tilespmem:v5+s0+$0x0] =	vst.idx.msk $0xffff, v4;
	v5 =	vmov v37  }
0x323: {  	v14 =	vadd.s32 s13, v1;
	v9 =	vadd.s32 s21, v1;
	v37 =	vld [tilespmem:s10+$0xFFFFFFB0];
	[tilespmem:v39+s0+$0x0] =	vst.idx.msk $0xffff, v18  }
0x324: {  	v39 =	vadd.s32 s23, v1;
	v18 =	vadd.s32 s15, v1;
	v4 =	vld [tilespmem:s10+$0xFFFFFFA0];
	[tilespmem:v7+s0+$0x0] =	vst.idx.msk $0xffff, v10;
	v7 =	vmov v14  }
0x325: {  	v14 =	vadd.s32 s12, v1;
	v10 =	vld [tilespmem:s10+$0xFFFFFFD0];
	[tilespmem:v42+s0+$0x0] =	vst.idx.msk $0xffff, v32  }
0x326: {  	[tilespmem:v22+s0+$0x0] =	vst.idx.msk $0xffff, v28;
	v32 =	vld [tilespmem:s10+$0xFFFFFEF0]  }
0x327: {  	[tilespmem:v40+s0+$0x0] =	vst.idx.msk $0xffff, v45;
	v22 =	vld [tilespmem:s10+$0xFFFFFF80]  }
0x328: {  	v40 =	vld [tilespmem:s10+$0xFFFFFE30];
	[tilespmem:v27+s0+$0x0] =	vst.idx.msk $0xffff, v37  }
0x329: {  	v37 =	vld [tilespmem:s10+$0xFFFFFF90];
	[tilespmem:v34+s0+$0x0] =	vst.idx.msk $0xffff, v19  }
0x32a: {  	v28 =	vld [tilespmem:s10+$0xFFFFFF70];
	[tilespmem:v26+s0+$0x0] =	vst.idx.msk $0xffff, v10  }
0x32b: {  	v19 =	vld [tilespmem:s10+$0xFFFFFE50];
	[tilespmem:v25+s0+$0x0] =	vst.idx.msk $0xffff, v32  }
0x32c: {  	v32 =	vld [tilespmem:s10+$0xFFFFFED0];
	[tilespmem:v23+s0+$0x0] =	vst.idx.msk $0xffff, v29  }
0x32d: {  	v27 =	vld [tilespmem:s10+$0xFFFFFF30];
	[tilespmem:v41+s0+$0x0] =	vst.idx.msk $0xffff, v38  }
0x32e: {  	[tilespmem:v39+s0+$0x0] =	vst.idx.msk $0xffff, v31;
	v26 =	vld [tilespmem:s10+$0xFFFFFF50]  }
0x32f: {  	v10 =	vld [tilespmem:s10+$0xFFFFFF20];
	[tilespmem:v36+s0+$0x0] =	vst.idx.msk $0xffff, v37  }
.Ltmp6:
0x330: {  	[tilespmem:v33+s0+$0x0] =	vst.idx.msk $0xffff, v19;
	v19 =	vld [tilespmem:s10+$0xFFFFFF60];
	(pc) =	sbr.rel @p0 .LBB2_14-.Ltmp6, $4  }
0x331: {  	[tilespmem:v30+s0+$0x0] =	vst.idx.msk $0xffff, v40;
	v25 =	vld [tilespmem:s10+$0xFFFFFE90]  }
0x332: {  	[tilespmem:v44+s0+$0x0] =	vst.idx.msk $0xffff, v35;
	v29 =	vld [tilespmem:s10+$0xFFFFFE70]  }
0x333: {  	v23 =	vld [tilespmem:s10+$0xFFFFFEA0];
	[tilespmem:v46+s0+$0x0] =	vst.idx.msk $0xffff, v13  }
0x334: {  	v30 =	vld [tilespmem:s10+$0xFFFFFE80];
	[tilespmem:v43+s0+$0x0] =	vst.idx.msk $0xffff, v32;
	s10 =	sadd.s32 $0x200, s10  }
0x335: {  	_ =	sdelay $0x3  }
0x336: {  	[tilespmem:v24+s0+$0x0] =	vst.idx.msk $0xffff, v12  }
0x337: {  	[tilespmem:v17+s0+$0x0] =	vst.idx.msk $0xffff, v28  }
0x338: {  	[tilespmem:v20+s0+$0x0] =	vst.idx.msk $0xffff, v27  }
0x339: {  	[tilespmem:v21+s0+$0x0] =	vst.idx.msk $0xffff, v26  }
0x33a: {  	[tilespmem:v8+s0+$0x0] =	vst.idx.msk $0xffff, v3  }
0x33b: {  	[tilespmem:v5+s0+$0x0] =	vst.idx.msk $0xffff, v4  }
0x33c: {  	[tilespmem:v7+s0+$0x0] =	vst.idx.msk $0xffff, v10  }
0x33d: {  	[tilespmem:v15+s0+$0x0] =	vst.idx.msk $0xffff, v22  }
0x33e: {  	[tilespmem:v18+s0+$0x0] =	vst.idx.msk $0xffff, v2  }
0x33f: {  	[tilespmem:v6+s0+$0x0] =	vst.idx.msk $0xffff, v25  }
0x340: {  	[tilespmem:v14+s0+$0x0] =	vst.idx.msk $0xffff, v19  }
0x341: {  	[tilespmem:v11+s0+$0x0] =	vst.idx.msk $0xffff, v29  }
0x342: {  	[tilespmem:v9+s0+$0x0] =	vst.idx.msk $0xffff, v23  }
0x343: {  	[tilespmem:v16+s0+$0x0] =	vst.idx.msk $0xffff, v30  }
0x344: {  	s6 =	sld [smem:$0x7ED];
	_ =	sdelay $0x1  }
0x345: {  	s12 =	sld [smem:$0x7EE]  }
0x346: {  	[hbm4b:s6+s3] =	stream.linear.scatter [tilespmem:s0], [sflag:$0x4], $0x400, $0x38;
	[tilespmem:$0x16400] =	vst v63  }
0x347: {  	s10 =	simm.s32 $0x12800;
	s13 =	sld [smem:$0x7EF]  }
0x348: {  	[hbm4b:s12+s3] =	stream.linear.scatter [tilespmem:s10], [sflag:$0x4], $0x400, $0x38;
	[tilespmem:$0x16400] =	vst v63  }
0x349: {  	s15 =	simm.s32 $0x12C00;
	s16 =	sld [smem:$0x7F0]  }
0x34a: {  	[hbm4b:s13+s3] =	stream.linear.scatter [tilespmem:s15], [sflag:$0x4], $0x400, $0x38;
	[tilespmem:$0x16400] =	vst v63  }
0x34b: {  	s17 =	simm.s32 $0x13000;
	s18 =	sld [smem:$0x7F1]  }
0x34c: {  	[hbm4b:s16+s3] =	stream.linear.scatter [tilespmem:s17], [sflag:$0x4], $0x400, $0x38;
	[tilespmem:$0x16400] =	vst v63  }
0x34d: {  	s19 =	simm.s32 $0x13400;
	s20 =	sld [smem:$0x7F2]  }
0x34e: {  	[hbm4b:s18+s3] =	stream.linear.scatter [tilespmem:s19], [sflag:$0x4], $0x400, $0x38;
	[tilespmem:$0x16400] =	vst v63  }
0x34f: {  	s21 =	simm.s32 $0x13800;
	s22 =	sld [smem:$0x7F3]  }
0x350: {  	[hbm4b:s20+s3] =	stream.linear.scatter [tilespmem:s21], [sflag:$0x4], $0x400, $0x38;
	[tilespmem:$0x16400] =	vst v63  }
0x351: {  	s23 =	simm.s32 $0x13C00;
	s24 =	sld [smem:$0x7F4]  }
0x352: {  	[hbm4b:s22+s3] =	stream.linear.scatter [tilespmem:s23], [sflag:$0x4], $0x400, $0x38;
	[tilespmem:$0x16400] =	vst v63  }
0x353: {  	s25 =	simm.s32 $0x14000;
	s30 =	sld [smem:$0x7F5]  }
0x354: {  	[hbm4b:s24+s3] =	stream.linear.scatter [tilespmem:s25], [sflag:$0x4], $0x400, $0x38;
	[tilespmem:$0x16400] =	vst v63  }
0x355: {  	s31 =	simm.s32 $0x14400;
	s11 =	sld [smem:$0x7F6]  }
0x356: {  	[hbm4b:s30+s3] =	stream.linear.scatter [tilespmem:s31], [sflag:$0x4], $0x400, $0x38;
	[tilespmem:$0x16400] =	vst v63  }
0x357: {  	s12 =	simm.s32 $0x14800;
	s13 =	sld [smem:$0x7F7]  }
0x358: {  	[hbm4b:s11+s3] =	stream.linear.scatter [tilespmem:s12], [sflag:$0x4], $0x400, $0x38;
	[tilespmem:$0x16400] =	vst v63  }
0x359: {  	s15 =	simm.s32 $0x14C00;
	s16 =	sld [smem:$0x7F8]  }
0x35a: {  	[hbm4b:s13+s3] =	stream.linear.scatter [tilespmem:s15], [sflag:$0x4], $0x400, $0x38;
	[tilespmem:$0x16400] =	vst v63  }
0x35b: {  	s17 =	simm.s32 $0x15000;
	s18 =	sld [smem:$0x7F9]  }
0x35c: {  	[hbm4b:s16+s3] =	stream.linear.scatter [tilespmem:s17], [sflag:$0x4], $0x400, $0x38;
	[tilespmem:$0x16400] =	vst v63  }
0x35d: {  	s19 =	simm.s32 $0x15400;
	s20 =	sld [smem:$0x7FA]  }
0x35e: {  	[hbm4b:s18+s3] =	stream.linear.scatter [tilespmem:s19], [sflag:$0x4], $0x400, $0x38;
	[tilespmem:$0x16400] =	vst v63  }
0x35f: {  	s21 =	simm.s32 $0x15800;
	s22 =	sld [smem:$0x7FB]  }
0x360: {  	[hbm4b:s20+s3] =	stream.linear.scatter [tilespmem:s21], [sflag:$0x4], $0x400, $0x38;
	[tilespmem:$0x16400] =	vst v63  }
0x361: {  	s23 =	simm.s32 $0x15C00;
	s24 =	sld [smem:$0x7FC]  }
0x362: {  	[hbm4b:s22+s3] =	stream.linear.scatter [tilespmem:s23], [sflag:$0x4], $0x400, $0x38;
	[tilespmem:$0x16400] =	vst v63  }
0x363: {  	s25 =	simm.s32 $0x16000  }
0x364: {  	[hbm4b:s24+s3] =	stream.linear.scatter [tilespmem:s25], [sflag:$0x4], $0x400, $0x38;
	[tilespmem:$0x16400] =	vst v63  }
0x365: {  	_ =	swait.ge [sflag:s26], $0x4000  }
0x366: {  	[sflag:s26] =	ssyncset.done $0x0  }
0x367: {  	[sflag:s26] =	ssyncadd.s32 $0xFFFFC000  }
0x368: {  	_ =	swait.ge [sflag:s28], $0x4000  }
0x369: {  	s30 =	sld [smem:$0x7D8]  }
0x36a: {  	s31 =	sld [smem:$0x7FD];
	_ =	sdelay $0x1  }
0x36b: {  	s10 =	sadd.s32 $0x1, s30  }
0x36c: {  	p0 =	sne.s32 s10, s31  }
.Ltmp7:
0x36d: {  	_ = 	snop;
	(pc) =	sbr.rel @p0 .LBB2_1-.Ltmp7, $3  }
0x36e: {  	_ =	sdelay $0x1  }
0x36f: {  	[sflag:s28] =	ssyncset.done $0x0  }
0x370: {  	[sflag:s28] =	ssyncadd.s32 $0xFFFFC000  }
0x371: {  	_ =	sfence.sel $0x180000  }
0x372: {  	[bflag:$0x0] =	sbarrier.arrive $0xFFFF  }
0x373: {  	_ =	strace $0x90000047  }
0x374: {  	s0 =	stileid.u32;
	[bflag:$0x2] =	sbarrier.arrive $0xFFFF  }
0x375: {  	p0 =	sne.s32 s0, $0x0;
	s0 =	rddreg [dreg:$0x2]  }
0x376: {  	s0 =	sadd.s32 @!p0 $0x100000, s0  }
0x377: {  	[sflag:s0] =	ssyncadd.tile.s32 @!p0 $0x1;
	_ =	shalt  }
.Lfunc_end2:
_tile_overlayer_lowered:
.L_overlay_start_2:
0x378: {  	(tag) =	ssettag $0x2  }
0x379: {  	s0 =	rddreg [dreg:$0x0];
	s2 =	stileid.u32  }
0x37a: {  	s1 =	rddreg [dreg:$0x1];
	p0 =	sne.s32 s2, $0x0  }
0x37b: {  	s3 =	rddreg [dreg:$0x2];
	[bflag:$0x3] =	sbarrier.arrive $0xFFFF;
	s2 =	simm.s32 @!p0 $0x1C05  }
0x37c: {  	[timem:s3], [sflag:s2] =	dma.local @!p0 [hbm:s0], s1  }
0x37d: {  	s0 =	simm.s32 @!p0 $0x5  }
0x37e: {  	_ =	swait.ge @!p0 [sflag:s0], s1  }
0x37f: {  	s1 =	ssub.s32 @!p0 $0x0, s1;
	[sflag:s0] =	ssyncset.done @!p0 $0x0  }
0x380: {  	[sflag:s0] =	ssyncadd.s32 @!p0 s1  }
0x381: {  	[bflag:$0x3] =	sbarrier.arrive $0xFFFF  }
0x382: {  	_ =	shalt  }

</sc_bundles>
